<compile_context>
chip_gen: v7x
topology: tpu7x:2x2x1
jax: 0.10.2.dev20260603
libtpu: 0.0.44.dev20260713+nightly
codegen_flags: <defaults>
</compile_context>

<pallas_src>
import functools

import jax
import jax.numpy as jnp
from jax import lax
from jax.experimental import pallas as pl
from jax.experimental.pallas import tpu as pltpu
from jax.experimental.pallas import tpu_sc as plsc

N = 10000
D = 256
E = 160000
HALF = 128
NC = 2
NS = 16
NW = NC * NS

ND = 10240
NDS = ND // NS
EPW = E // NW
CH = 128
DFULL = EPW // CH
DTAIL = EPW - DFULL * CH

EPS = E // NS
NFULL = EPS // CH
TAIL = EPS - NFULL * CH
RPT = 624
RREM = N - NS * RPT

RB = 1000
NB = N // RB

@functools.cache
def _mesh():
    return plsc.VectorSubcoreMesh(core_axis_name="c", subcore_axis_name="s",
                                  num_cores=NC, num_subcores=NS)


_DCH = 2 * DFULL
_DSL = 2 * ND // NS


def _deg_body(dst2, out, deg_sh, idx0, idx1, idxtA, idxtB, ones_v, zero_v,
              semi0, semi1):
    c = lax.axis_index("c")
    s = lax.axis_index("s")
    w = s * NC + c
    wE = w * EPW

    def fill_ones(i, _):
        ones_v[pl.ds(i * 16, 16)] = jnp.full((16,), 1.0, jnp.float32)
        return 0

    lax.fori_loop(0, CH // 16, fill_ones, 0)

    def fill_zero(i, _):
        zero_v[pl.ds(i * 16, 16)] = jnp.zeros((16,), jnp.float32)
        return 0

    lax.fori_loop(0, _DSL // 16, fill_zero, 0)

    def cbase(t):
        return jnp.where(t < DFULL, wE + t * CH, E + wE + (t - DFULL) * CH)

    def start_idx(t, buf, sem):
        pltpu.async_copy(dst2.at[pl.ds(cbase(t), CH)], buf, sem)

    def wait_idx(t, buf, sem):
        pltpu.make_async_copy(dst2.at[pl.ds(cbase(t), CH)], buf, sem).wait()

    start_idx(0, idx0, semi0)
    pltpu.sync_copy(zero_v, deg_sh.at[pl.ds(s * _DSL, _DSL)])
    plsc.subcore_barrier()

    def body(u, _):
        t0 = 2 * u
        start_idx(t0 + 1, idx1, semi1)
        wait_idx(t0, idx0, semi0)
        pltpu.sync_copy(ones_v, deg_sh.at[idx0], add=True)

        @pl.when(u < _DCH // 2 - 1)
        def _():
            start_idx(t0 + 2, idx0, semi0)

        wait_idx(t0 + 1, idx1, semi1)
        pltpu.sync_copy(ones_v, deg_sh.at[idx1], add=True)
        return 0

    lax.fori_loop(0, _DCH // 2, body, 0)

    pltpu.sync_copy(dst2.at[pl.ds(wE + DFULL * CH, DTAIL)], idxtA)
    pltpu.sync_copy(dst2.at[pl.ds(E + wE + DFULL * CH, DTAIL)], idxtB)
    pltpu.sync_copy(ones_v.at[pl.ds(0, DTAIL)], deg_sh.at[idxtA], add=True)
    pltpu.sync_copy(ones_v.at[pl.ds(0, DTAIL)], deg_sh.at[idxtB], add=True)

    plsc.subcore_barrier()
    pltpu.sync_copy(deg_sh.at[pl.ds(s * _DSL, _DSL)],
                    out.at[pl.ds(c * 2 * ND + s * _DSL, _DSL)])


_NBUF = 3
_URND = NFULL // _NBUF


def _scatter_body(g2, srcx, dst, out, acc_sh, sidx, didx, rows, sidxt,
                  didxt, semg, sems):
    c = lax.axis_index("c")
    s = lax.axis_index("s")
    r0 = s * RPT
    base0 = s * EPS
    cE = c * E

    def load_idx(b, j):
        pltpu.sync_copy(srcx.at[pl.ds(cE + b, CH)], sidx[j])
        pltpu.sync_copy(dst.at[pl.ds(b, CH)], didx[j])

    def start_gather(j):
        pltpu.async_copy(g2.at[sidx[j]], rows[j], semg[j])

    def wait_gather(j):
        pltpu.make_async_copy(g2.at[sidx[j]], rows[j], semg[j]).wait()

    def start_scatter(j):
        pltpu.async_copy(rows[j], acc_sh.at[didx[j]], sems[j], add=True)

    def wait_scatter(j):
        pltpu.make_async_copy(rows[j], acc_sh.at[didx[j]], sems[j]).wait()

    for j in range(_NBUF - 1):
        load_idx(base0 + j * CH, j)
        start_gather(j)

    pltpu.sync_copy(g2.at[pl.ds(c * N + r0, RPT)], acc_sh.at[pl.ds(r0, RPT)])

    @pl.when(s == NS - 1)
    def _():
        pltpu.sync_copy(g2.at[pl.ds(c * N + NS * RPT, RREM)],
                        acc_sh.at[pl.ds(NS * RPT, RREM)])

    plsc.subcore_barrier()

    def body(u, _):
        for j in range(_NBUF):
            t_is_0 = (u == 0) & (j == 0)
            last_ok = jnp.logical_or(u < _URND - 1, j == 0)
            wait_gather(j)
            start_scatter(j)
            b2 = (j + _NBUF - 1) % _NBUF

            @pl.when(jnp.logical_not(t_is_0))
            def _():
                wait_scatter(b2)

            @pl.when(last_ok)
            def _():
                load_idx(base0 + (_NBUF * u + j + _NBUF - 1) * CH, b2)
                start_gather(b2)
        return 0

    lax.fori_loop(0, _URND, body, 0)
    wait_scatter((NFULL - 1) % _NBUF)

    bt = base0 + NFULL * CH
    pltpu.sync_copy(srcx.at[pl.ds(cE + bt, TAIL)], sidxt)
    pltpu.sync_copy(dst.at[pl.ds(bt, TAIL)], didxt)
    pltpu.async_copy(g2.at[sidxt], rows[0].at[pl.ds(0, TAIL)], semg[0]).wait()
    pltpu.sync_copy(rows[0].at[pl.ds(0, TAIL)], acc_sh.at[didxt], add=True)

    plsc.subcore_barrier()
    pltpu.sync_copy(acc_sh.at[pl.ds(r0, RPT)], out.at[pl.ds(c * N + r0, RPT)])

    @pl.when(s == NS - 1)
    def _():
        pltpu.sync_copy(acc_sh.at[pl.ds(NS * RPT, RREM)],
                        out.at[pl.ds(c * N + NS * RPT, RREM)])


@functools.cache
def _deg_kernel_fn():
    return pl.kernel(
        _deg_body,
        out_type=jax.ShapeDtypeStruct((NC * 2 * ND,), jnp.float32),
        mesh=_mesh(),
        scratch_types=[
            pltpu.VMEM_SHARED((2 * ND,), jnp.float32),
            pltpu.VMEM((CH,), jnp.int32),
            pltpu.VMEM((CH,), jnp.int32),
            pltpu.VMEM((DTAIL,), jnp.int32),
            pltpu.VMEM((DTAIL,), jnp.int32),
            pltpu.VMEM((CH,), jnp.float32),
            pltpu.VMEM((_DSL,), jnp.float32),
            pltpu.SemaphoreType.DMA,
            pltpu.SemaphoreType.DMA,
        ],
    )


def _deg_kernel(dst2):
    return _deg_kernel_fn()(dst2)


def _scatter_kernel(g2, srcx, dst):
    return _scatter_kernel_fn()(g2, srcx, dst)


@functools.cache
def _scatter_kernel_fn():
    return pl.kernel(
        _scatter_body,
        out_type=jax.ShapeDtypeStruct((2 * N, HALF), jnp.float32),
        mesh=_mesh(),
        scratch_types=[
            pltpu.VMEM_SHARED((N, HALF), jnp.float32),
            [pltpu.VMEM((CH,), jnp.int32)] * _NBUF,
            [pltpu.VMEM((CH,), jnp.int32)] * _NBUF,
            [pltpu.VMEM((CH, HALF), jnp.float32)] * _NBUF,
            pltpu.VMEM((TAIL,), jnp.int32),
            pltpu.VMEM((TAIL,), jnp.int32),
            [pltpu.SemaphoreType.DMA] * _NBUF,
            [pltpu.SemaphoreType.DMA] * _NBUF,
        ],
    )




def _mm_raw_body(x_ref, w_ref, o_ref):
    o_ref[...] = jnp.dot(x_ref[...], w_ref[...],
                         preferred_element_type=jnp.float32)


def _mm_raw(xg, W):
    return pl.pallas_call(
        _mm_raw_body,
        grid=(NB,),
        in_specs=[
            pl.BlockSpec((RB, D), lambda i: (i, 0)),
            pl.BlockSpec((D, D), lambda i: (0, 0)),
        ],
        out_specs=pl.BlockSpec((RB, D), lambda i: (i, 0)),
        out_shape=jax.ShapeDtypeStruct((N, D), jnp.float32),
    )(xg, W)


def _scale_split_body(h_ref, dv_ref, o_ref):
    h = h_ref[...] * dv_ref[...]
    o_ref[0, :, :] = h[:, 0:HALF]
    o_ref[1, :, :] = h[:, HALF:D]


def _scale_split(h, dv):
    return pl.pallas_call(
        _scale_split_body,
        grid=(NB,),
        in_specs=[
            pl.BlockSpec((RB, D), lambda i: (i, 0)),
            pl.BlockSpec((RB, 1), lambda i: (i, 0)),
        ],
        out_specs=pl.BlockSpec((2, RB, HALF), lambda i: (0, i, 0)),
        out_shape=jax.ShapeDtypeStruct((2, N, HALF), jnp.float32),
    )(h, dv)


def _combine_mm_body(alo_ref, ahi_ref, dv_ref, b_ref, w_ref, o_ref):
    dv = dv_ref[...]
    acc = jnp.concatenate([alo_ref[...], ahi_ref[...]], axis=1)
    h = jnp.maximum(dv * acc + b_ref[...], 0.0)
    o = jnp.dot(h, w_ref[...], preferred_element_type=jnp.float32) * dv
    o_ref[0, :, :] = o[:, 0:HALF]
    o_ref[1, :, :] = o[:, HALF:D]


def _combine_mm(acc, dv, b, W):
    return pl.pallas_call(
        _combine_mm_body,
        grid=(NB,),
        in_specs=[
            pl.BlockSpec((RB, HALF), lambda i: (i, 0)),
            pl.BlockSpec((RB, HALF), lambda i: (NB + i, 0)),
            pl.BlockSpec((RB, 1), lambda i: (i, 0)),
            pl.BlockSpec((1, D), lambda i: (0, 0)),
            pl.BlockSpec((D, D), lambda i: (0, 0)),
        ],
        out_specs=pl.BlockSpec((2, RB, HALF), lambda i: (0, i, 0)),
        out_shape=jax.ShapeDtypeStruct((2, N, HALF), jnp.float32),
    )(acc, acc, dv, b, W)


def _finalA_body(alo_ref, ahi_ref, dv_ref, b_ref, z_ref, cs_ref):
    dv = dv_ref[...]
    acc = jnp.concatenate([alo_ref[...], ahi_ref[...]], axis=1)
    z = dv * acc + b_ref[...]
    z_ref[...] = z

    @pl.when(pl.program_id(0) == 0)
    def _():
        cs_ref[...] = jnp.zeros_like(cs_ref)

    cs_ref[...] += jnp.sum(z, axis=0, keepdims=True)


def _finalA(acc, dv, b):
    return pl.pallas_call(
        _finalA_body,
        grid=(NB,),
        in_specs=[
            pl.BlockSpec((RB, HALF), lambda i: (i, 0)),
            pl.BlockSpec((RB, HALF), lambda i: (NB + i, 0)),
            pl.BlockSpec((RB, 1), lambda i: (i, 0)),
            pl.BlockSpec((1, D), lambda i: (0, 0)),
        ],
        out_specs=[
            pl.BlockSpec((RB, D), lambda i: (i, 0)),
            pl.BlockSpec((1, D), lambda i: (0, 0)),
        ],
        out_shape=[
            jax.ShapeDtypeStruct((N, D), jnp.float32),
            jax.ShapeDtypeStruct((1, D), jnp.float32),
        ],
    )(acc, acc, dv, b)


def _finalB_body(alo_ref, ahi_ref, dv_ref, b_ref, cs_ref, z_ref, n_ref):
    dv = dv_ref[...]
    acc = jnp.concatenate([alo_ref[...], ahi_ref[...]], axis=1)
    z = dv * acc + b_ref[...]
    z_ref[...] = z
    sm = cs_ref[...] * (1.0 / N)
    dn = (((1,), (1,)), ((), ()))
    p = lax.dot_general(z, sm, dn, preferred_element_type=jnp.float32)
    n_ref[...] = 1.0 / (1.0 + jnp.exp(-p))


def _finalB(acc, dv, b, colsum):
    return pl.pallas_call(
        _finalB_body,
        grid=(NB,),
        in_specs=[
            pl.BlockSpec((RB, HALF), lambda i: (i, 0)),
            pl.BlockSpec((RB, HALF), lambda i: (NB + i, 0)),
            pl.BlockSpec((RB, 1), lambda i: (i, 0)),
            pl.BlockSpec((1, D), lambda i: (0, 0)),
            pl.BlockSpec((1, D), lambda i: (0, 0)),
        ],
        out_specs=[
            pl.BlockSpec((RB, D), lambda i: (i, 0)),
            pl.BlockSpec((RB, 1), lambda i: (i, 0)),
        ],
        out_shape=[
            jax.ShapeDtypeStruct((N, D), jnp.float32),
            jax.ShapeDtypeStruct((N, 1), jnp.float32),
        ],
    )(acc, acc, dv, b, colsum)


def _score1_body(z_ref, cs_ref, p_ref):
    sm = cs_ref[...] * (1.0 / N)
    dn = (((1,), (1,)), ((), ()))
    p = lax.dot_general(z_ref[...], sm, dn, preferred_element_type=jnp.float32)
    p_ref[...] = 1.0 / (1.0 + jnp.exp(-p))


def _score1(z, colsum):
    return pl.pallas_call(
        _score1_body,
        grid=(NB,),
        in_specs=[
            pl.BlockSpec((RB, D), lambda i: (i, 0)),
            pl.BlockSpec((1, D), lambda i: (0, 0)),
        ],
        out_specs=pl.BlockSpec((RB, 1), lambda i: (i, 0)),
        out_shape=jax.ShapeDtypeStruct((N, 1), jnp.float32),
    )(z, colsum)


def kernel(x, edge_index, batch, x_corrupted, edge_index_corrupted,
           batch_corrupted, W1, b1, W2, b2):
    src, dst = edge_index[0], edge_index[1]
    src_c, dst_c = edge_index_corrupted[0], edge_index_corrupted[1]

    dst2 = jnp.concatenate([dst, dst_c + ND])
    degp = _deg_kernel(dst2)
    dvA = lax.rsqrt(degp[0:N] + degp[2 * ND:2 * ND + N] + 1.0)[:, None]
    dvB = lax.rsqrt(degp[ND:ND + N] + degp[3 * ND:3 * ND + N] + 1.0)[:, None]

    b1r = b1.reshape(1, D)
    b2r = b2.reshape(1, D)

    srcxA = jnp.concatenate([src, src + N])
    srcxB = jnp.concatenate([src_c, src_c + N])

    hA1 = _mm_raw(x, W1)
    hB1 = _mm_raw(x_corrupted, W1)
    gA1 = _scale_split(hA1, dvA).reshape(2 * N, HALF)
    accA1 = _scatter_kernel(gA1, srcxA, dst)
    gB1 = _scale_split(hB1, dvB).reshape(2 * N, HALF)
    accB1 = _scatter_kernel(gB1, srcxB, dst_c)
    gA2 = _combine_mm(accA1, dvA, b1r, W2).reshape(2 * N, HALF)
    accA2 = _scatter_kernel(gA2, srcxA, dst)
    gB2 = _combine_mm(accB1, dvB, b1r, W2).reshape(2 * N, HALF)
    accB2 = _scatter_kernel(gB2, srcxB, dst_c)
    z, colsum = _finalA(accA2, dvA, b2r)
    pos = _score1(z, colsum)
    z_c, neg = _finalB(accB2, dvB, b2r, colsum)
    return pos[:, 0], neg[:, 0], z

# --- scband reference (transcript-rebuilt; emitter-appended) ---
"""Pipeline reference for scband-dgi-12463995093418 (READ-ONLY COPY).

The authoritative reference and input builder live on the scoring server;
editing this copy changes nothing except your own understanding.
"""

import jax, jax.numpy as jnp
import numpy as np

N = 10000
E = 160000
D = 256
H = 256


def _glorot(key, shape):
    fan_in, fan_out = shape[0], shape[1]
    limit = np.sqrt(6.0 / (fan_in + fan_out))
    return jax.random.uniform(key, shape, dtype=jnp.float32, minval=-limit, maxval=limit)


def setup_inputs(seed: int = 0) -> dict:
    key = jax.random.key(seed)
    ks = jax.random.split(key, 8)
    x = jax.random.normal(ks[0], (N, D), dtype=jnp.float32)
    edge_index = jax.random.randint(ks[1], (2, E), 0, N, dtype=jnp.int32)
    batch = jnp.zeros((N,), dtype=jnp.int32)
    x_corrupted = jax.random.normal(ks[2], (N, D), dtype=jnp.float32)
    edge_index_corrupted = jax.random.randint(ks[3], (2, E), 0, N, dtype=jnp.int32)
    batch_corrupted = jnp.zeros((N,), dtype=jnp.int32)
    W1 = _glorot(ks[4], (D, H))
    b1 = jnp.zeros((H,), dtype=jnp.float32)
    W2 = _glorot(ks[5], (H, H))
    b2 = jnp.zeros((H,), dtype=jnp.float32)
    return {
        "x": x, "edge_index": edge_index, "batch": batch,
        "x_corrupted": x_corrupted, "edge_index_corrupted": edge_index_corrupted,
        "batch_corrupted": batch_corrupted,
        "W1": W1, "b1": b1, "W2": W2, "b2": b2,
    }


def _gcn_conv(x, edge_index, W, b, n_nodes):
    # PyG GCNConv: add self-loops, symmetric normalization D^-1/2 A D^-1/2
    loop = jnp.arange(n_nodes, dtype=edge_index.dtype)
    src = jnp.concatenate([edge_index[0], loop])
    dst = jnp.concatenate([edge_index[1], loop])
    deg = jnp.zeros((n_nodes,), dtype=jnp.float32).at[dst].add(1.0)
    dinv = jax.lax.rsqrt(deg)
    norm = dinv[src] * dinv[dst]
    h = x @ W
    msg = h[src] * norm[:, None]
    out = jnp.zeros((n_nodes, h.shape[1]), dtype=h.dtype).at[dst].add(msg)
    return out + b


def _encoder(x, edge_index, W1, b1, W2, b2, n_nodes):
    h = _gcn_conv(x, edge_index, W1, b1, n_nodes)
    h = jax.nn.relu(h)
    z = _gcn_conv(h, edge_index, W2, b2, n_nodes)
    return z


def _readout(z, batch, num_graphs=1):
    s = jax.ops.segment_sum(z, batch, num_segments=num_graphs)
    cnt = jax.ops.segment_sum(jnp.ones((z.shape[0],), dtype=z.dtype), batch, num_segments=num_graphs)
    return s / jnp.maximum(cnt, 1.0)[:, None]


def _discriminator(z, summary):
    return jax.nn.sigmoid(jnp.sum(z * summary, axis=1))


def reference(x, edge_index, batch, x_corrupted, edge_index_corrupted, batch_corrupted, W1, b1, W2, b2):
    n = x.shape[0]
    z = _encoder(x, edge_index, W1, b1, W2, b2, n)
    summary = _readout(z, batch, 1)
    z_c = _encoder(x_corrupted, edge_index_corrupted, W1, b1, W2, b2, n)
    summary_c = _readout(z_c, batch_corrupted, 1)  # computed as in original forward
    positive_score = _discriminator(z, summary)
    negative_score = _discriminator(z_c, summary)
    return (positive_score, negative_score, z)

if __name__ == "__main__":
    import jax
    _d = setup_inputs()
    print(jax.jit(kernel)(*tuple(_d.values())))

</pallas_src>

<mosaic_0001>
#map = affine_map<(d0, d1) -> (0)>
module attributes {stable_mosaic.version = 14 : i64} {
  func.func @_deg_body(%arg0: i32, %arg1: i32, %arg2: memref<320000xi32, #tpu.memory_space<hbm>>, %arg3: memref<40960xf32, #tpu.memory_space<hbm>>, %arg4: memref<20480xf32, #tpu.memory_space<vmem_shared>>, %arg5: memref<128xi32, #tpu.memory_space<vmem>>, %arg6: memref<128xi32, #tpu.memory_space<vmem>>, %arg7: memref<8xi32, #tpu.memory_space<vmem>>, %arg8: memref<8xi32, #tpu.memory_space<vmem>>, %arg9: memref<128xf32, #tpu.memory_space<vmem>>, %arg10: memref<1280xf32, #tpu.memory_space<vmem>>, %arg11: memref<!tpu.dma_semaphore, #tpu.memory_space<semaphore_mem>>, %arg12: memref<!tpu.dma_semaphore, #tpu.memory_space<semaphore_mem>>) attributes {dimension_semantics = [#tpu.dimension_semantics<core_parallel>, #tpu.dimension_semantics<subcore_parallel>], iteration_bounds = array<i64: 2, 16>, scalar_prefetch = 0 : i64, scratch_operands = 9 : i64, tpu.core_type = #tpu.core_type<sc_vector_subcore>, window_params = [{transform_indices = #map}, {transform_indices = #map}]} {
    %mul3A = arith.constant 2 : i32
    %mul3A_0 = arith.muli %arg1, %mul3A : i32
    %add3A = arith.addi %mul3A_0, %arg0 : i32
    %mul3A_1 = arith.constant 5000 : i32
    %mul3A_2 = arith.muli %add3A, %mul3A_1 : i32
    %scan3A = arith.constant 0 : i32
    %scan3A_3 = arith.constant 0 : i32
    %scan3A_4 = arith.constant 8 : i32
    %scan3A_5 = arith.addi %scan3A_3, %scan3A_4 : i32
    %scan3A_6 = arith.constant 1 : i32
    %scan3A_7 = scf.for %scan3A_48 = %scan3A_3 to %scan3A_5 step %scan3A_6 iter_args(%scan3A_49 = %scan3A) -> (i32)  : i32 {
      %broadcast_in_dim3A = arith.constant 1.000000e+00 : f32
      %broadcast_in_dim3A_50 = vector.broadcast %broadcast_in_dim3A : f32 to vector<16xf32>
      %mul3A_51 = arith.constant 16 : i32
      %mul3A_52 = arith.muli %scan3A_48, %mul3A_51 : i32
      %swap3A = arith.index_cast %mul3A_52 : i32 to index
      %swap3A_53 = tpu.vector_load %arg9[%swap3A] {strides = array<i32>} : memref<128xf32, #tpu.memory_space<vmem>>, vector<16xf32>,
      %swap3A_54 = vector.shape_cast %swap3A_53 : vector<16xf32> to vector<16xf32>
      %swap3A_55 = vector.shape_cast %broadcast_in_dim3A_50 : vector<16xf32> to vector<16xf32>
      tpu.vector_store %arg9[%swap3A], %swap3A_55 {strides = array<i32>} : memref<128xf32, #tpu.memory_space<vmem>>, vector<16xf32>,
      %scan3A_56 = arith.constant 0 : i32
      scf.yield %scan3A_56 : i32
    }
    %scan3A_8 = arith.constant 8 : i32
    %scan3A_9 = arith.constant 0 : i32
    %scan3A_10 = arith.constant 0 : i32
    %scan3A_11 = arith.constant 80 : i32
    %scan3A_12 = arith.addi %scan3A_10, %scan3A_11 : i32
    %scan3A_13 = arith.constant 1 : i32
    %scan3A_14 = scf.for %scan3A_48 = %scan3A_10 to %scan3A_12 step %scan3A_13 iter_args(%scan3A_49 = %scan3A_9) -> (i32)  : i32 {
      %broadcast_in_dim3A = arith.constant 0.000000e+00 : f32
      %broadcast_in_dim3A_50 = vector.broadcast %broadcast_in_dim3A : f32 to vector<16xf32>
      %mul3A_51 = arith.constant 16 : i32
      %mul3A_52 = arith.muli %scan3A_48, %mul3A_51 : i32
      %swap3A = arith.index_cast %mul3A_52 : i32 to index
      %swap3A_53 = tpu.vector_load %arg10[%swap3A] {strides = array<i32>} : memref<1280xf32, #tpu.memory_space<vmem>>, vector<16xf32>,
      %swap3A_54 = vector.shape_cast %swap3A_53 : vector<16xf32> to vector<16xf32>
      %swap3A_55 = vector.shape_cast %broadcast_in_dim3A_50 : vector<16xf32> to vector<16xf32>
      tpu.vector_store %arg10[%swap3A], %swap3A_55 {strides = array<i32>} : memref<1280xf32, #tpu.memory_space<vmem>>, vector<16xf32>,
      %scan3A_56 = arith.constant 0 : i32
      scf.yield %scan3A_56 : i32
    }
    %scan3A_15 = arith.constant 80 : i32
    %add3A_16 = arith.constant 0 : i32
    %add3A_17 = arith.addi %mul3A_2, %add3A_16 : i32
    %add3A_18 = arith.constant 160000 : i32
    %add3A_19 = arith.addi %add3A_18, %mul3A_2 : i32
    %add3A_20 = arith.constant -4992 : i32
    %add3A_21 = arith.addi %add3A_19, %add3A_20 : i32
    %jit3A = arith.constant true
    %select_n3A = arith.select %jit3A, %add3A_17, %add3A_21 : i32
    %dma_start3A = tpu.memref_slice %arg2[%select_n3A] : memref<320000xi32, #tpu.memory_space<hbm>> -> memref<128xi32, #tpu.memory_space<hbm>>
    %dma_start3A_22 = tpu.memref_slice %arg2[%select_n3A] : memref<320000xi32, #tpu.memory_space<hbm>> -> memref<128xi32, #tpu.memory_space<hbm>>
    tpu.enqueue_dma source(%dma_start3A_22 : memref<128xi32, #tpu.memory_space<hbm>>) target(%arg5 : memref<128xi32, #tpu.memory_space<vmem>>) target_semaphore(%arg11 : memref<!tpu.dma_semaphore, #tpu.memory_space<semaphore_mem>>)
    %mul3A_23 = arith.constant 1280 : i32
    %mul3A_24 = arith.muli %arg1, %mul3A_23 : i32
    "tpu.region"() ({
      %run_scoped3A = tpu.sem_alloc : memref<!tpu.dma_semaphore, #tpu.memory_space<semaphore_mem>>
      %dma_start3A_48 = tpu.memref_slice %arg4[%mul3A_24] : memref<20480xf32, #tpu.memory_space<vmem_shared>> -> memref<1280xf32, #tpu.memory_space<vmem_shared>>
      %dma_start3A_49 = tpu.memref_slice %arg4[%mul3A_24] : memref<20480xf32, #tpu.memory_space<vmem_shared>> -> memref<1280xf32, #tpu.memory_space<vmem_shared>>
      tpu.enqueue_dma source(%arg10 : memref<1280xf32, #tpu.memory_space<vmem>>) target(%dma_start3A_49 : memref<1280xf32, #tpu.memory_space<vmem_shared>>) target_semaphore(%run_scoped3A : memref<!tpu.dma_semaphore, #tpu.memory_space<semaphore_mem>>)
      %dma_wait3A = tpu.memref_slice %arg4[%mul3A_24] : memref<20480xf32, #tpu.memory_space<vmem_shared>> -> memref<1280xf32, #tpu.memory_space<vmem_shared>>
      %dma_wait3A_50 = tpu.memref_slice %arg4[%mul3A_24] : memref<20480xf32, #tpu.memory_space<vmem_shared>> -> memref<1280xf32, #tpu.memory_space<vmem_shared>>
      tpu.wait_dma2 semaphore(%run_scoped3A : memref<!tpu.dma_semaphore, #tpu.memory_space<semaphore_mem>>) src(%arg10 : memref<1280xf32, #tpu.memory_space<vmem>>) dst(%dma_wait3A_50 : memref<1280xf32, #tpu.memory_space<vmem_shared>>)
      tpu.yield
    }) : () -> ()
    %barrier3A = arith.constant 0 : index
    tpu.barrier barrier_id(%barrier3A)
    %scan3A_25 = arith.constant 0 : i32
    %scan3A_26 = arith.constant 0 : i32
    %scan3A_27 = arith.constant 39 : i32
    %scan3A_28 = arith.addi %scan3A_26, %scan3A_27 : i32
    %scan3A_29 = arith.constant 1 : i32
    %scan3A_30 = scf.for %scan3A_48 = %scan3A_26 to %scan3A_28 step %scan3A_29 iter_args(%scan3A_49 = %scan3A_25) -> (i32)  : i32 {
      %mul3A_50 = arith.constant 2 : i32
      %mul3A_51 = arith.muli %mul3A_50, %scan3A_48 : i32
      %add3A_52 = arith.constant 1 : i32
      %add3A_53 = arith.addi %mul3A_51, %add3A_52 : i32
      %lt3A = arith.constant 39 : i32
      %lt3A_54 = arith.cmpi slt, %add3A_53, %lt3A : i32
      %mul3A_55 = arith.constant 128 : i32
      %mul3A_56 = arith.muli %add3A_53, %mul3A_55 : i32
      %add3A_57 = arith.addi %mul3A_2, %mul3A_56 : i32
      %add3A_58 = arith.constant 160000 : i32
      %add3A_59 = arith.addi %add3A_58, %mul3A_2 : i32
      %sub3A = arith.constant 39 : i32
      %sub3A_60 = arith.subi %add3A_53, %sub3A : i32
      %mul3A_61 = arith.constant 128 : i32
      %mul3A_62 = arith.muli %sub3A_60, %mul3A_61 : i32
      %add3A_63 = arith.addi %add3A_59, %mul3A_62 : i32
      %select_n3A_64 = arith.select %lt3A_54, %add3A_57, %add3A_63 : i32
      %dma_start3A_65 = tpu.memref_slice %arg2[%select_n3A_64] : memref<320000xi32, #tpu.memory_space<hbm>> -> memref<128xi32, #tpu.memory_space<hbm>>
      %dma_start3A_66 = tpu.memref_slice %arg2[%select_n3A_64] : memref<320000xi32, #tpu.memory_space<hbm>> -> memref<128xi32, #tpu.memory_space<hbm>>
      tpu.enqueue_dma source(%dma_start3A_66 : memref<128xi32, #tpu.memory_space<hbm>>) target(%arg6 : memref<128xi32, #tpu.memory_space<vmem>>) target_semaphore(%arg12 : memref<!tpu.dma_semaphore, #tpu.memory_space<semaphore_mem>>)
      %lt3A_67 = arith.constant 39 : i32
      %lt3A_68 = arith.cmpi slt, %mul3A_51, %lt3A_67 : i32
      %mul3A_69 = arith.constant 128 : i32
      %mul3A_70 = arith.muli %mul3A_51, %mul3A_69 : i32
      %add3A_71 = arith.addi %mul3A_2, %mul3A_70 : i32
      %add3A_72 = arith.constant 160000 : i32
      %add3A_73 = arith.addi %add3A_72, %mul3A_2 : i32
      %sub3A_74 = arith.constant 39 : i32
      %sub3A_75 = arith.subi %mul3A_51, %sub3A_74 : i32
      %mul3A_76 = arith.constant 128 : i32
      %mul3A_77 = arith.muli %sub3A_75, %mul3A_76 : i32
      %add3A_78 = arith.addi %add3A_73, %mul3A_77 : i32
      %select_n3A_79 = arith.select %lt3A_68, %add3A_71, %add3A_78 : i32
      %dma_wait3A = tpu.memref_slice %arg2[%select_n3A_79] : memref<320000xi32, #tpu.memory_space<hbm>> -> memref<128xi32, #tpu.memory_space<hbm>>
      %dma_wait3A_80 = tpu.memref_slice %arg2[%select_n3A_79] : memref<320000xi32, #tpu.memory_space<hbm>> -> memref<128xi32, #tpu.memory_space<hbm>>
      tpu.wait_dma2 semaphore(%arg11 : memref<!tpu.dma_semaphore, #tpu.memory_space<semaphore_mem>>) src(%dma_wait3A_80 : memref<128xi32, #tpu.memory_space<hbm>>) dst(%arg5 : memref<128xi32, #tpu.memory_space<vmem>>)
      "tpu.region"() ({
        %run_scoped3A = tpu.sem_alloc : memref<!tpu.dma_semaphore, #tpu.memory_space<semaphore_mem>>
        %dma_start3A_102 = arith.constant 0 : i32
        %dma_start3A_103 = tpu.memref_slice %arg4[%dma_start3A_102] : memref<20480xf32, #tpu.memory_space<vmem_shared>> -> memref<20480xf32, #tpu.memory_space<vmem_shared>>
        tpu.enqueue_indirect_dma source(%arg9 : memref<128xf32, #tpu.memory_space<vmem>>) target(%dma_start3A_103 : memref<20480xf32, #tpu.memory_space<vmem_shared>>) offsets(%arg5 : memref<128xi32, #tpu.memory_space<vmem>>) semaphore(%run_scoped3A : memref<!tpu.dma_semaphore, #tpu.memory_space<semaphore_mem>>) {add = true}
        %dma_wait3A_104 = arith.constant 0 : i32
        %dma_wait3A_105 = tpu.memref_slice %arg4[%dma_wait3A_104] : memref<20480xf32, #tpu.memory_space<vmem_shared>> -> memref<20480xf32, #tpu.memory_space<vmem_shared>>
        tpu.wait_indirect_dma semaphore(%run_scoped3A : memref<!tpu.dma_semaphore, #tpu.memory_space<semaphore_mem>>) src(%arg9 : memref<128xf32, #tpu.memory_space<vmem>>) dst(%dma_wait3A_105 : memref<20480xf32, #tpu.memory_space<vmem_shared>>)
        tpu.yield
      }) : () -> ()
      %lt3A_81 = arith.constant 38 : i32
      %lt3A_82 = arith.cmpi slt, %scan3A_48, %lt3A_81 : i32
      %convert_element_type3A = arith.extui %lt3A_82 : i1 to i32
      %cond3A = arith.constant 0 : i32
      %cond3A_83 = arith.cmpi ne, %convert_element_type3A, %cond3A : i32
      scf.if %cond3A_83 {
        %add3A_102 = arith.constant 2 : i32
        %add3A_103 = arith.addi %mul3A_51, %add3A_102 : i32
        %lt3A_104 = arith.constant 39 : i32
        %lt3A_105 = arith.cmpi slt, %add3A_103, %lt3A_104 : i32
        %mul3A_106 = arith.constant 128 : i32
        %mul3A_107 = arith.muli %add3A_103, %mul3A_106 : i32
        %add3A_108 = arith.addi %mul3A_2, %mul3A_107 : i32
        %add3A_109 = arith.constant 160000 : i32
        %add3A_110 = arith.addi %add3A_109, %mul3A_2 : i32
        %sub3A_111 = arith.constant 39 : i32
        %sub3A_112 = arith.subi %add3A_103, %sub3A_111 : i32
        %mul3A_113 = arith.constant 128 : i32
        %mul3A_114 = arith.muli %sub3A_112, %mul3A_113 : i32
        %add3A_115 = arith.addi %add3A_110, %mul3A_114 : i32
        %select_n3A_116 = arith.select %lt3A_105, %add3A_108, %add3A_115 : i32
        %dma_start3A_117 = tpu.memref_slice %arg2[%select_n3A_116] : memref<320000xi32, #tpu.memory_space<hbm>> -> memref<128xi32, #tpu.memory_space<hbm>>
        %dma_start3A_118 = tpu.memref_slice %arg2[%select_n3A_116] : memref<320000xi32, #tpu.memory_space<hbm>> -> memref<128xi32, #tpu.memory_space<hbm>>
        tpu.enqueue_dma source(%dma_start3A_118 : memref<128xi32, #tpu.memory_space<hbm>>) target(%arg5 : memref<128xi32, #tpu.memory_space<vmem>>) target_semaphore(%arg11 : memref<!tpu.dma_semaphore, #tpu.memory_space<semaphore_mem>>)
      } else {
      }
      %add3A_84 = arith.constant 1 : i32
      %add3A_85 = arith.addi %mul3A_51, %add3A_84 : i32
      %lt3A_86 = arith.constant 39 : i32
      %lt3A_87 = arith.cmpi slt, %add3A_85, %lt3A_86 : i32
      %mul3A_88 = arith.constant 128 : i32
      %mul3A_89 = arith.muli %add3A_85, %mul3A_88 : i32
      %add3A_90 = arith.addi %mul3A_2, %mul3A_89 : i32
      %add3A_91 = arith.constant 160000 : i32
      %add3A_92 = arith.addi %add3A_91, %mul3A_2 : i32
      %sub3A_93 = arith.constant 39 : i32
      %sub3A_94 = arith.subi %add3A_85, %sub3A_93 : i32
      %mul3A_95 = arith.constant 128 : i32
      %mul3A_96 = arith.muli %sub3A_94, %mul3A_95 : i32
      %add3A_97 = arith.addi %add3A_92, %mul3A_96 : i32
      %select_n3A_98 = arith.select %lt3A_87, %add3A_90, %add3A_97 : i32
      %dma_wait3A_99 = tpu.memref_slice %arg2[%select_n3A_98] : memref<320000xi32, #tpu.memory_space<hbm>> -> memref<128xi32, #tpu.memory_space<hbm>>
      %dma_wait3A_100 = tpu.memref_slice %arg2[%select_n3A_98] : memref<320000xi32, #tpu.memory_space<hbm>> -> memref<128xi32, #tpu.memory_space<hbm>>
      tpu.wait_dma2 semaphore(%arg12 : memref<!tpu.dma_semaphore, #tpu.memory_space<semaphore_mem>>) src(%dma_wait3A_100 : memref<128xi32, #tpu.memory_space<hbm>>) dst(%arg6 : memref<128xi32, #tpu.memory_space<vmem>>)
      "tpu.region"() ({
        %run_scoped3A = tpu.sem_alloc : memref<!tpu.dma_semaphore, #tpu.memory_space<semaphore_mem>>
        %dma_start3A_102 = arith.constant 0 : i32
        %dma_start3A_103 = tpu.memref_slice %arg4[%dma_start3A_102] : memref<20480xf32, #tpu.memory_space<vmem_shared>> -> memref<20480xf32, #tpu.memory_space<vmem_shared>>
        tpu.enqueue_indirect_dma source(%arg9 : memref<128xf32, #tpu.memory_space<vmem>>) target(%dma_start3A_103 : memref<20480xf32, #tpu.memory_space<vmem_shared>>) offsets(%arg6 : memref<128xi32, #tpu.memory_space<vmem>>) semaphore(%run_scoped3A : memref<!tpu.dma_semaphore, #tpu.memory_space<semaphore_mem>>) {add = true}
        %dma_wait3A_104 = arith.constant 0 : i32
        %dma_wait3A_105 = tpu.memref_slice %arg4[%dma_wait3A_104] : memref<20480xf32, #tpu.memory_space<vmem_shared>> -> memref<20480xf32, #tpu.memory_space<vmem_shared>>
        tpu.wait_indirect_dma semaphore(%run_scoped3A : memref<!tpu.dma_semaphore, #tpu.memory_space<semaphore_mem>>) src(%arg9 : memref<128xf32, #tpu.memory_space<vmem>>) dst(%dma_wait3A_105 : memref<20480xf32, #tpu.memory_space<vmem_shared>>)
        tpu.yield
      }) : () -> ()
      %scan3A_101 = arith.constant 0 : i32
      scf.yield %scan3A_101 : i32
    }
    %scan3A_31 = arith.constant 39 : i32
    %add3A_32 = arith.constant 4992 : i32
    %add3A_33 = arith.addi %mul3A_2, %add3A_32 : i32
    "tpu.region"() ({
      %run_scoped3A = tpu.sem_alloc : memref<!tpu.dma_semaphore, #tpu.memory_space<semaphore_mem>>
      %dma_start3A_48 = tpu.memref_slice %arg2[%add3A_33] : memref<320000xi32, #tpu.memory_space<hbm>> -> memref<8xi32, #tpu.memory_space<hbm>>
      %dma_start3A_49 = tpu.memref_slice %arg2[%add3A_33] : memref<320000xi32, #tpu.memory_space<hbm>> -> memref<8xi32, #tpu.memory_space<hbm>>
      tpu.enqueue_dma source(%dma_start3A_49 : memref<8xi32, #tpu.memory_space<hbm>>) target(%arg7 : memref<8xi32, #tpu.memory_space<vmem>>) target_semaphore(%run_scoped3A : memref<!tpu.dma_semaphore, #tpu.memory_space<semaphore_mem>>)
      %dma_wait3A = tpu.memref_slice %arg2[%add3A_33] : memref<320000xi32, #tpu.memory_space<hbm>> -> memref<8xi32, #tpu.memory_space<hbm>>
      %dma_wait3A_50 = tpu.memref_slice %arg2[%add3A_33] : memref<320000xi32, #tpu.memory_space<hbm>> -> memref<8xi32, #tpu.memory_space<hbm>>
      tpu.wait_dma2 semaphore(%run_scoped3A : memref<!tpu.dma_semaphore, #tpu.memory_space<semaphore_mem>>) src(%dma_wait3A_50 : memref<8xi32, #tpu.memory_space<hbm>>) dst(%arg7 : memref<8xi32, #tpu.memory_space<vmem>>)
      tpu.yield
    }) : () -> ()
    %add3A_34 = arith.constant 160000 : i32
    %add3A_35 = arith.addi %add3A_34, %mul3A_2 : i32
    %add3A_36 = arith.constant 4992 : i32
    %add3A_37 = arith.addi %add3A_35, %add3A_36 : i32
    "tpu.region"() ({
      %run_scoped3A = tpu.sem_alloc : memref<!tpu.dma_semaphore, #tpu.memory_space<semaphore_mem>>
      %dma_start3A_48 = tpu.memref_slice %arg2[%add3A_37] : memref<320000xi32, #tpu.memory_space<hbm>> -> memref<8xi32, #tpu.memory_space<hbm>>
      %dma_start3A_49 = tpu.memref_slice %arg2[%add3A_37] : memref<320000xi32, #tpu.memory_space<hbm>> -> memref<8xi32, #tpu.memory_space<hbm>>
      tpu.enqueue_dma source(%dma_start3A_49 : memref<8xi32, #tpu.memory_space<hbm>>) target(%arg8 : memref<8xi32, #tpu.memory_space<vmem>>) target_semaphore(%run_scoped3A : memref<!tpu.dma_semaphore, #tpu.memory_space<semaphore_mem>>)
      %dma_wait3A = tpu.memref_slice %arg2[%add3A_37] : memref<320000xi32, #tpu.memory_space<hbm>> -> memref<8xi32, #tpu.memory_space<hbm>>
      %dma_wait3A_50 = tpu.memref_slice %arg2[%add3A_37] : memref<320000xi32, #tpu.memory_space<hbm>> -> memref<8xi32, #tpu.memory_space<hbm>>
      tpu.wait_dma2 semaphore(%run_scoped3A : memref<!tpu.dma_semaphore, #tpu.memory_space<semaphore_mem>>) src(%dma_wait3A_50 : memref<8xi32, #tpu.memory_space<hbm>>) dst(%arg8 : memref<8xi32, #tpu.memory_space<vmem>>)
      tpu.yield
    }) : () -> ()
    "tpu.region"() ({
      %run_scoped3A = tpu.sem_alloc : memref<!tpu.dma_semaphore, #tpu.memory_space<semaphore_mem>>
      %dma_start3A_48 = arith.constant 0 : i32
      %dma_start3A_49 = tpu.memref_slice %arg9[%dma_start3A_48] : memref<128xf32, #tpu.memory_space<vmem>> -> memref<8xf32, #tpu.memory_space<vmem>>
      %dma_start3A_50 = arith.constant 0 : i32
      %dma_start3A_51 = tpu.memref_slice %arg4[%dma_start3A_50] : memref<20480xf32, #tpu.memory_space<vmem_shared>> -> memref<20480xf32, #tpu.memory_space<vmem_shared>>
      tpu.enqueue_indirect_dma source(%dma_start3A_49 : memref<8xf32, #tpu.memory_space<vmem>>) target(%dma_start3A_51 : memref<20480xf32, #tpu.memory_space<vmem_shared>>) offsets(%arg7 : memref<8xi32, #tpu.memory_space<vmem>>) semaphore(%run_scoped3A : memref<!tpu.dma_semaphore, #tpu.memory_space<semaphore_mem>>) {add = true}
      %dma_wait3A = arith.constant 0 : i32
      %dma_wait3A_52 = tpu.memref_slice %arg9[%dma_wait3A] : memref<128xf32, #tpu.memory_space<vmem>> -> memref<8xf32, #tpu.memory_space<vmem>>
      %dma_wait3A_53 = arith.constant 0 : i32
      %dma_wait3A_54 = tpu.memref_slice %arg4[%dma_wait3A_53] : memref<20480xf32, #tpu.memory_space<vmem_shared>> -> memref<20480xf32, #tpu.memory_space<vmem_shared>>
      tpu.wait_indirect_dma semaphore(%run_scoped3A : memref<!tpu.dma_semaphore, #tpu.memory_space<semaphore_mem>>) src(%dma_wait3A_52 : memref<8xf32, #tpu.memory_space<vmem>>) dst(%dma_wait3A_54 : memref<20480xf32, #tpu.memory_space<vmem_shared>>)
      tpu.yield
    }) : () -> ()
    "tpu.region"() ({
      %run_scoped3A = tpu.sem_alloc : memref<!tpu.dma_semaphore, #tpu.memory_space<semaphore_mem>>
      %dma_start3A_48 = arith.constant 0 : i32
      %dma_start3A_49 = tpu.memref_slice %arg9[%dma_start3A_48] : memref<128xf32, #tpu.memory_space<vmem>> -> memref<8xf32, #tpu.memory_space<vmem>>
      %dma_start3A_50 = arith.constant 0 : i32
      %dma_start3A_51 = tpu.memref_slice %arg4[%dma_start3A_50] : memref<20480xf32, #tpu.memory_space<vmem_shared>> -> memref<20480xf32, #tpu.memory_space<vmem_shared>>
      tpu.enqueue_indirect_dma source(%dma_start3A_49 : memref<8xf32, #tpu.memory_space<vmem>>) target(%dma_start3A_51 : memref<20480xf32, #tpu.memory_space<vmem_shared>>) offsets(%arg8 : memref<8xi32, #tpu.memory_space<vmem>>) semaphore(%run_scoped3A : memref<!tpu.dma_semaphore, #tpu.memory_space<semaphore_mem>>) {add = true}
      %dma_wait3A = arith.constant 0 : i32
      %dma_wait3A_52 = tpu.memref_slice %arg9[%dma_wait3A] : memref<128xf32, #tpu.memory_space<vmem>> -> memref<8xf32, #tpu.memory_space<vmem>>
      %dma_wait3A_53 = arith.constant 0 : i32
      %dma_wait3A_54 = tpu.memref_slice %arg4[%dma_wait3A_53] : memref<20480xf32, #tpu.memory_space<vmem_shared>> -> memref<20480xf32, #tpu.memory_space<vmem_shared>>
      tpu.wait_indirect_dma semaphore(%run_scoped3A : memref<!tpu.dma_semaphore, #tpu.memory_space<semaphore_mem>>) src(%dma_wait3A_52 : memref<8xf32, #tpu.memory_space<vmem>>) dst(%dma_wait3A_54 : memref<20480xf32, #tpu.memory_space<vmem_shared>>)
      tpu.yield
    }) : () -> ()
    %barrier3A_38 = arith.constant 0 : index
    tpu.barrier barrier_id(%barrier3A_38)
    %mul3A_39 = arith.constant 1280 : i32
    %mul3A_40 = arith.muli %arg1, %mul3A_39 : i32
    %mul3A_41 = arith.constant 2 : i32
    %mul3A_42 = arith.muli %arg0, %mul3A_41 : i32
    %mul3A_43 = arith.constant 10240 : i32
    %mul3A_44 = arith.muli %mul3A_42, %mul3A_43 : i32
    %mul3A_45 = arith.constant 1280 : i32
    %mul3A_46 = arith.muli %arg1, %mul3A_45 : i32
    %add3A_47 = arith.addi %mul3A_44, %mul3A_46 : i32
    "tpu.region"() ({
      %run_scoped3A = tpu.sem_alloc : memref<!tpu.dma_semaphore, #tpu.memory_space<semaphore_mem>>
      %dma_start3A_48 = tpu.memref_slice %arg3[%add3A_47] : memref<40960xf32, #tpu.memory_space<hbm>> -> memref<1280xf32, #tpu.memory_space<hbm>>
      %dma_start3A_49 = tpu.memref_slice %arg4[%mul3A_40] : memref<20480xf32, #tpu.memory_space<vmem_shared>> -> memref<1280xf32, #tpu.memory_space<vmem_shared>>
      tpu.enqueue_dma source(%dma_start3A_49 : memref<1280xf32, #tpu.memory_space<vmem_shared>>) target(%dma_start3A_48 : memref<1280xf32, #tpu.memory_space<hbm>>) target_semaphore(%run_scoped3A : memref<!tpu.dma_semaphore, #tpu.memory_space<semaphore_mem>>)
      %dma_wait3A = tpu.memref_slice %arg3[%add3A_47] : memref<40960xf32, #tpu.memory_space<hbm>> -> memref<1280xf32, #tpu.memory_space<hbm>>
      %dma_wait3A_50 = tpu.memref_slice %arg4[%mul3A_40] : memref<20480xf32, #tpu.memory_space<vmem_shared>> -> memref<1280xf32, #tpu.memory_space<vmem_shared>>
      tpu.wait_dma2 semaphore(%run_scoped3A : memref<!tpu.dma_semaphore, #tpu.memory_space<semaphore_mem>>) src(%dma_wait3A_50 : memref<1280xf32, #tpu.memory_space<vmem_shared>>) dst(%dma_wait3A : memref<1280xf32, #tpu.memory_space<hbm>>)
      tpu.yield
    }) : () -> ()
    return
  }
}

#map = affine_map<(d0, d1) -> (0, 0)>
#map1 = affine_map<(d0, d1) -> (0)>
module attributes {stable_mosaic.version = 14 : i64} {
  func.func @_scatter_body(%arg0: i32, %arg1: i32, %arg2: memref<20000x128xf32, #tpu.memory_space<hbm>>, %arg3: memref<320000xi32, #tpu.memory_space<hbm>>, %arg4: memref<160000xi32, #tpu.memory_space<hbm>>, %arg5: memref<20000x128xf32, #tpu.memory_space<hbm>>, %arg6: memref<10000x128xf32, #tpu.memory_space<vmem_shared>>, %arg7: memref<128xi32, #tpu.memory_space<vmem>>, %arg8: memref<128xi32, #tpu.memory_space<vmem>>, %arg9: memref<128xi32, #tpu.memory_space<vmem>>, %arg10: memref<128xi32, #tpu.memory_space<vmem>>, %arg11: memref<128xi32, #tpu.memory_space<vmem>>, %arg12: memref<128xi32, #tpu.memory_space<vmem>>, %arg13: memref<128x128xf32, #tpu.memory_space<vmem>>, %arg14: memref<128x128xf32, #tpu.memory_space<vmem>>, %arg15: memref<128x128xf32, #tpu.memory_space<vmem>>, %arg16: memref<16xi32, #tpu.memory_space<vmem>>, %arg17: memref<16xi32, #tpu.memory_space<vmem>>, %arg18: memref<!tpu.dma_semaphore, #tpu.memory_space<semaphore_mem>>, %arg19: memref<!tpu.dma_semaphore, #tpu.memory_space<semaphore_mem>>, %arg20: memref<!tpu.dma_semaphore, #tpu.memory_space<semaphore_mem>>, %arg21: memref<!tpu.dma_semaphore, #tpu.memory_space<semaphore_mem>>, %arg22: memref<!tpu.dma_semaphore, #tpu.memory_space<semaphore_mem>>, %arg23: memref<!tpu.dma_semaphore, #tpu.memory_space<semaphore_mem>>) attributes {dimension_semantics = [#tpu.dimension_semantics<core_parallel>, #tpu.dimension_semantics<subcore_parallel>], iteration_bounds = array<i64: 2, 16>, scalar_prefetch = 0 : i64, scratch_operands = 18 : i64, tpu.core_type = #tpu.core_type<sc_vector_subcore>, window_params = [{transform_indices = #map}, {transform_indices = #map1}, {transform_indices = #map1}, {transform_indices = #map}]} {
    %mul3A = arith.constant 624 : i32
    %mul3A_0 = arith.muli %arg1, %mul3A : i32
    %mul3A_1 = arith.constant 10000 : i32
    %mul3A_2 = arith.muli %arg1, %mul3A_1 : i32
    %mul3A_3 = arith.constant 160000 : i32
    %mul3A_4 = arith.muli %arg0, %mul3A_3 : i32
    %add3A = arith.constant 0 : i32
    %add3A_5 = arith.addi %mul3A_2, %add3A : i32
    %add3A_6 = arith.addi %mul3A_4, %add3A_5 : i32
    "tpu.region"() ({
      %run_scoped3A = tpu.sem_alloc : memref<!tpu.dma_semaphore, #tpu.memory_space<semaphore_mem>>
      %dma_start3A_52 = tpu.memref_slice %arg3[%add3A_6] : memref<320000xi32, #tpu.memory_space<hbm>> -> memref<128xi32, #tpu.memory_space<hbm>>
      %dma_start3A_53 = tpu.memref_slice %arg3[%add3A_6] : memref<320000xi32, #tpu.memory_space<hbm>> -> memref<128xi32, #tpu.memory_space<hbm>>
      tpu.enqueue_dma source(%dma_start3A_53 : memref<128xi32, #tpu.memory_space<hbm>>) target(%arg7 : memref<128xi32, #tpu.memory_space<vmem>>) target_semaphore(%run_scoped3A : memref<!tpu.dma_semaphore, #tpu.memory_space<semaphore_mem>>)
      %dma_wait3A_54 = tpu.memref_slice %arg3[%add3A_6] : memref<320000xi32, #tpu.memory_space<hbm>> -> memref<128xi32, #tpu.memory_space<hbm>>
      %dma_wait3A_55 = tpu.memref_slice %arg3[%add3A_6] : memref<320000xi32, #tpu.memory_space<hbm>> -> memref<128xi32, #tpu.memory_space<hbm>>
      tpu.wait_dma2 semaphore(%run_scoped3A : memref<!tpu.dma_semaphore, #tpu.memory_space<semaphore_mem>>) src(%dma_wait3A_55 : memref<128xi32, #tpu.memory_space<hbm>>) dst(%arg7 : memref<128xi32, #tpu.memory_space<vmem>>)
      tpu.yield
    }) : () -> ()
    "tpu.region"() ({
      %run_scoped3A = tpu.sem_alloc : memref<!tpu.dma_semaphore, #tpu.memory_space<semaphore_mem>>
      %dma_start3A_52 = tpu.memref_slice %arg4[%add3A_5] : memref<160000xi32, #tpu.memory_space<hbm>> -> memref<128xi32, #tpu.memory_space<hbm>>
      %dma_start3A_53 = tpu.memref_slice %arg4[%add3A_5] : memref<160000xi32, #tpu.memory_space<hbm>> -> memref<128xi32, #tpu.memory_space<hbm>>
      tpu.enqueue_dma source(%dma_start3A_53 : memref<128xi32, #tpu.memory_space<hbm>>) target(%arg10 : memref<128xi32, #tpu.memory_space<vmem>>) target_semaphore(%run_scoped3A : memref<!tpu.dma_semaphore, #tpu.memory_space<semaphore_mem>>)
      %dma_wait3A_54 = tpu.memref_slice %arg4[%add3A_5] : memref<160000xi32, #tpu.memory_space<hbm>> -> memref<128xi32, #tpu.memory_space<hbm>>
      %dma_wait3A_55 = tpu.memref_slice %arg4[%add3A_5] : memref<160000xi32, #tpu.memory_space<hbm>> -> memref<128xi32, #tpu.memory_space<hbm>>
      tpu.wait_dma2 semaphore(%run_scoped3A : memref<!tpu.dma_semaphore, #tpu.memory_space<semaphore_mem>>) src(%dma_wait3A_55 : memref<128xi32, #tpu.memory_space<hbm>>) dst(%arg10 : memref<128xi32, #tpu.memory_space<vmem>>)
      tpu.yield
    }) : () -> ()
    %dma_start3A = arith.constant 0 : i32
    %dma_start3A_7 = arith.constant 0 : i32
    %dma_start3A_8 = tpu.memref_slice %arg2[%dma_start3A, %dma_start3A_7] : memref<20000x128xf32, #tpu.memory_space<hbm>> -> memref<20000x128xf32, #tpu.memory_space<hbm>>
    tpu.enqueue_indirect_dma source(%dma_start3A_8 : memref<20000x128xf32, #tpu.memory_space<hbm>>) target(%arg13 : memref<128x128xf32, #tpu.memory_space<vmem>>) offsets(%arg7 : memref<128xi32, #tpu.memory_space<vmem>>) semaphore(%arg18 : memref<!tpu.dma_semaphore, #tpu.memory_space<semaphore_mem>>)
    %add3A_9 = arith.constant 128 : i32
    %add3A_10 = arith.addi %mul3A_2, %add3A_9 : i32
    %add3A_11 = arith.addi %mul3A_4, %add3A_10 : i32
    "tpu.region"() ({
      %run_scoped3A = tpu.sem_alloc : memref<!tpu.dma_semaphore, #tpu.memory_space<semaphore_mem>>
      %dma_start3A_52 = tpu.memref_slice %arg3[%add3A_11] : memref<320000xi32, #tpu.memory_space<hbm>> -> memref<128xi32, #tpu.memory_space<hbm>>
      %dma_start3A_53 = tpu.memref_slice %arg3[%add3A_11] : memref<320000xi32, #tpu.memory_space<hbm>> -> memref<128xi32, #tpu.memory_space<hbm>>
      tpu.enqueue_dma source(%dma_start3A_53 : memref<128xi32, #tpu.memory_space<hbm>>) target(%arg8 : memref<128xi32, #tpu.memory_space<vmem>>) target_semaphore(%run_scoped3A : memref<!tpu.dma_semaphore, #tpu.memory_space<semaphore_mem>>)
      %dma_wait3A_54 = tpu.memref_slice %arg3[%add3A_11] : memref<320000xi32, #tpu.memory_space<hbm>> -> memref<128xi32, #tpu.memory_space<hbm>>
      %dma_wait3A_55 = tpu.memref_slice %arg3[%add3A_11] : memref<320000xi32, #tpu.memory_space<hbm>> -> memref<128xi32, #tpu.memory_space<hbm>>
      tpu.wait_dma2 semaphore(%run_scoped3A : memref<!tpu.dma_semaphore, #tpu.memory_space<semaphore_mem>>) src(%dma_wait3A_55 : memref<128xi32, #tpu.memory_space<hbm>>) dst(%arg8 : memref<128xi32, #tpu.memory_space<vmem>>)
      tpu.yield
    }) : () -> ()
    "tpu.region"() ({
      %run_scoped3A = tpu.sem_alloc : memref<!tpu.dma_semaphore, #tpu.memory_space<semaphore_mem>>
      %dma_start3A_52 = tpu.memref_slice %arg4[%add3A_10] : memref<160000xi32, #tpu.memory_space<hbm>> -> memref<128xi32, #tpu.memory_space<hbm>>
      %dma_start3A_53 = tpu.memref_slice %arg4[%add3A_10] : memref<160000xi32, #tpu.memory_space<hbm>> -> memref<128xi32, #tpu.memory_space<hbm>>
      tpu.enqueue_dma source(%dma_start3A_53 : memref<128xi32, #tpu.memory_space<hbm>>) target(%arg11 : memref<128xi32, #tpu.memory_space<vmem>>) target_semaphore(%run_scoped3A : memref<!tpu.dma_semaphore, #tpu.memory_space<semaphore_mem>>)
      %dma_wait3A_54 = tpu.memref_slice %arg4[%add3A_10] : memref<160000xi32, #tpu.memory_space<hbm>> -> memref<128xi32, #tpu.memory_space<hbm>>
      %dma_wait3A_55 = tpu.memref_slice %arg4[%add3A_10] : memref<160000xi32, #tpu.memory_space<hbm>> -> memref<128xi32, #tpu.memory_space<hbm>>
      tpu.wait_dma2 semaphore(%run_scoped3A : memref<!tpu.dma_semaphore, #tpu.memory_space<semaphore_mem>>) src(%dma_wait3A_55 : memref<128xi32, #tpu.memory_space<hbm>>) dst(%arg11 : memref<128xi32, #tpu.memory_space<vmem>>)
      tpu.yield
    }) : () -> ()
    %dma_start3A_12 = arith.constant 0 : i32
    %dma_start3A_13 = arith.constant 0 : i32
    %dma_start3A_14 = tpu.memref_slice %arg2[%dma_start3A_12, %dma_start3A_13] : memref<20000x128xf32, #tpu.memory_space<hbm>> -> memref<20000x128xf32, #tpu.memory_space<hbm>>
    tpu.enqueue_indirect_dma source(%dma_start3A_14 : memref<20000x128xf32, #tpu.memory_space<hbm>>) target(%arg14 : memref<128x128xf32, #tpu.memory_space<vmem>>) offsets(%arg8 : memref<128xi32, #tpu.memory_space<vmem>>) semaphore(%arg19 : memref<!tpu.dma_semaphore, #tpu.memory_space<semaphore_mem>>)
    %mul3A_15 = arith.constant 10000 : i32
    %mul3A_16 = arith.muli %arg0, %mul3A_15 : i32
    %add3A_17 = arith.addi %mul3A_16, %mul3A_0 : i32
    "tpu.region"() ({
      %run_scoped3A = tpu.sem_alloc : memref<!tpu.dma_semaphore, #tpu.memory_space<semaphore_mem>>
      %dma_start3A_52 = arith.constant 0 : i32
      %dma_start3A_53 = tpu.memref_slice %arg6[%mul3A_0, %dma_start3A_52] : memref<10000x128xf32, #tpu.memory_space<vmem_shared>> -> memref<624x128xf32, #tpu.memory_space<vmem_shared>>
      %dma_start3A_54 = arith.constant 0 : i32
      %dma_start3A_55 = tpu.memref_slice %arg2[%add3A_17, %dma_start3A_54] : memref<20000x128xf32, #tpu.memory_space<hbm>> -> memref<624x128xf32, #tpu.memory_space<hbm>>
      tpu.enqueue_dma source(%dma_start3A_55 : memref<624x128xf32, #tpu.memory_space<hbm>>) target(%dma_start3A_53 : memref<624x128xf32, #tpu.memory_space<vmem_shared>>) target_semaphore(%run_scoped3A : memref<!tpu.dma_semaphore, #tpu.memory_space<semaphore_mem>>)
      %dma_wait3A_56 = arith.constant 0 : i32
      %dma_wait3A_57 = tpu.memref_slice %arg6[%mul3A_0, %dma_wait3A_56] : memref<10000x128xf32, #tpu.memory_space<vmem_shared>> -> memref<624x128xf32, #tpu.memory_space<vmem_shared>>
      %dma_wait3A_58 = arith.constant 0 : i32
      %dma_wait3A_59 = tpu.memref_slice %arg2[%add3A_17, %dma_wait3A_58] : memref<20000x128xf32, #tpu.memory_space<hbm>> -> memref<624x128xf32, #tpu.memory_space<hbm>>
      tpu.wait_dma2 semaphore(%run_scoped3A : memref<!tpu.dma_semaphore, #tpu.memory_space<semaphore_mem>>) src(%dma_wait3A_59 : memref<624x128xf32, #tpu.memory_space<hbm>>) dst(%dma_wait3A_57 : memref<624x128xf32, #tpu.memory_space<vmem_shared>>)
      tpu.yield
    }) : () -> ()
    %eq3A = arith.constant 15 : i32
    %eq3A_18 = arith.cmpi eq, %arg1, %eq3A : i32
    %convert_element_type3A = arith.extui %eq3A_18 : i1 to i32
    %cond3A = arith.constant 0 : i32
    %cond3A_19 = arith.cmpi ne, %convert_element_type3A, %cond3A : i32
    scf.if %cond3A_19 {
      %mul3A_52 = arith.constant 10000 : i32
      %mul3A_53 = arith.muli %arg0, %mul3A_52 : i32
      %add3A_54 = arith.constant 9984 : i32
      %add3A_55 = arith.addi %mul3A_53, %add3A_54 : i32
      "tpu.region"() ({
        %run_scoped3A = tpu.sem_alloc : memref<!tpu.dma_semaphore, #tpu.memory_space<semaphore_mem>>
        %dma_start3A_56 = arith.constant 9984 : i32
        %dma_start3A_57 = arith.constant 0 : i32
        %dma_start3A_58 = tpu.memref_slice %arg6[%dma_start3A_56, %dma_start3A_57] : memref<10000x128xf32, #tpu.memory_space<vmem_shared>> -> memref<16x128xf32, #tpu.memory_space<vmem_shared>>
        %dma_start3A_59 = arith.constant 0 : i32
        %dma_start3A_60 = tpu.memref_slice %arg2[%add3A_55, %dma_start3A_59] : memref<20000x128xf32, #tpu.memory_space<hbm>> -> memref<16x128xf32, #tpu.memory_space<hbm>>
        tpu.enqueue_dma source(%dma_start3A_60 : memref<16x128xf32, #tpu.memory_space<hbm>>) target(%dma_start3A_58 : memref<16x128xf32, #tpu.memory_space<vmem_shared>>) target_semaphore(%run_scoped3A : memref<!tpu.dma_semaphore, #tpu.memory_space<semaphore_mem>>)
        %dma_wait3A_61 = arith.constant 9984 : i32
        %dma_wait3A_62 = arith.constant 0 : i32
        %dma_wait3A_63 = tpu.memref_slice %arg6[%dma_wait3A_61, %dma_wait3A_62] : memref<10000x128xf32, #tpu.memory_space<vmem_shared>> -> memref<16x128xf32, #tpu.memory_space<vmem_shared>>
        %dma_wait3A_64 = arith.constant 0 : i32
        %dma_wait3A_65 = tpu.memref_slice %arg2[%add3A_55, %dma_wait3A_64] : memref<20000x128xf32, #tpu.memory_space<hbm>> -> memref<16x128xf32, #tpu.memory_space<hbm>>
        tpu.wait_dma2 semaphore(%run_scoped3A : memref<!tpu.dma_semaphore, #tpu.memory_space<semaphore_mem>>) src(%dma_wait3A_65 : memref<16x128xf32, #tpu.memory_space<hbm>>) dst(%dma_wait3A_63 : memref<16x128xf32, #tpu.memory_space<vmem_shared>>)
        tpu.yield
      }) : () -> ()
    } else {
    }
    %barrier3A = arith.constant 0 : index
    tpu.barrier barrier_id(%barrier3A)
    %scan3A = arith.constant 0 : i32
    %scan3A_20 = arith.constant 0 : i32
    %scan3A_21 = arith.constant 26 : i32
    %scan3A_22 = arith.addi %scan3A_20, %scan3A_21 : i32
    %scan3A_23 = arith.constant 1 : i32
    %scan3A_24 = scf.for %scan3A_52 = %scan3A_20 to %scan3A_22 step %scan3A_23 iter_args(%scan3A_53 = %scan3A) -> (i32)  : i32 {
      %eq3A_54 = arith.constant 0 : i32
      %eq3A_55 = arith.cmpi eq, %scan3A_52, %eq3A_54 : i32
      %and3A = arith.constant true
      %and3A_56 = arith.andi %eq3A_55, %and3A : i1
      %lt3A = arith.constant 25 : i32
      %lt3A_57 = arith.cmpi slt, %scan3A_52, %lt3A : i32
      %or3A = arith.constant true
      %or3A_58 = arith.ori %lt3A_57, %or3A : i1
      %dma_wait3A_59 = arith.constant 0 : i32
      %dma_wait3A_60 = arith.constant 0 : i32
      %dma_wait3A_61 = tpu.memref_slice %arg2[%dma_wait3A_59, %dma_wait3A_60] : memref<20000x128xf32, #tpu.memory_space<hbm>> -> memref<20000x128xf32, #tpu.memory_space<hbm>>
      tpu.wait_indirect_dma semaphore(%arg18 : memref<!tpu.dma_semaphore, #tpu.memory_space<semaphore_mem>>) src(%dma_wait3A_61 : memref<20000x128xf32, #tpu.memory_space<hbm>>) dst(%arg13 : memref<128x128xf32, #tpu.memory_space<vmem>>)
      %dma_start3A_62 = arith.constant 0 : i32
      %dma_start3A_63 = arith.constant 0 : i32
      %dma_start3A_64 = tpu.memref_slice %arg6[%dma_start3A_62, %dma_start3A_63] : memref<10000x128xf32, #tpu.memory_space<vmem_shared>> -> memref<10000x128xf32, #tpu.memory_space<vmem_shared>>
      tpu.enqueue_indirect_dma source(%arg13 : memref<128x128xf32, #tpu.memory_space<vmem>>) target(%dma_start3A_64 : memref<10000x128xf32, #tpu.memory_space<vmem_shared>>) offsets(%arg10 : memref<128xi32, #tpu.memory_space<vmem>>) semaphore(%arg21 : memref<!tpu.dma_semaphore, #tpu.memory_space<semaphore_mem>>) {add = true}
      %not3A = arith.constant true
      %not3A_65 = arith.xori %and3A_56, %not3A : i1
      %convert_element_type3A_66 = arith.extui %not3A_65 : i1 to i32
      %cond3A_67 = arith.constant 0 : i32
      %cond3A_68 = arith.cmpi ne, %convert_element_type3A_66, %cond3A_67 : i32
      scf.if %cond3A_68 {
        %dma_wait3A_117 = arith.constant 0 : i32
        %dma_wait3A_118 = arith.constant 0 : i32
        %dma_wait3A_119 = tpu.memref_slice %arg6[%dma_wait3A_117, %dma_wait3A_118] : memref<10000x128xf32, #tpu.memory_space<vmem_shared>> -> memref<10000x128xf32, #tpu.memory_space<vmem_shared>>
        tpu.wait_indirect_dma semaphore(%arg23 : memref<!tpu.dma_semaphore, #tpu.memory_space<semaphore_mem>>) src(%arg15 : memref<128x128xf32, #tpu.memory_space<vmem>>) dst(%dma_wait3A_119 : memref<10000x128xf32, #tpu.memory_space<vmem_shared>>)
      } else {
      }
      %convert_element_type3A_69 = arith.extui %or3A_58 : i1 to i32
      %cond3A_70 = arith.constant 0 : i32
      %cond3A_71 = arith.cmpi ne, %convert_element_type3A_69, %cond3A_70 : i32
      scf.if %cond3A_71 {
        %mul3A_117 = arith.constant 3 : i32
        %mul3A_118 = arith.muli %mul3A_117, %scan3A_52 : i32
        %add3A_119 = arith.constant 0 : i32
        %add3A_120 = arith.addi %mul3A_118, %add3A_119 : i32
        %add3A_121 = arith.constant 3 : i32
        %add3A_122 = arith.addi %add3A_120, %add3A_121 : i32
        %sub3A = arith.constant 1 : i32
        %sub3A_123 = arith.subi %add3A_122, %sub3A : i32
        %mul3A_124 = arith.constant 128 : i32
        %mul3A_125 = arith.muli %sub3A_123, %mul3A_124 : i32
        %add3A_126 = arith.addi %mul3A_2, %mul3A_125 : i32
        %add3A_127 = arith.addi %mul3A_4, %add3A_126 : i32
        "tpu.region"() ({
          %run_scoped3A = tpu.sem_alloc : memref<!tpu.dma_semaphore, #tpu.memory_space<semaphore_mem>>
          %dma_start3A_131 = tpu.memref_slice %arg3[%add3A_127] : memref<320000xi32, #tpu.memory_space<hbm>> -> memref<128xi32, #tpu.memory_space<hbm>>
          %dma_start3A_132 = tpu.memref_slice %arg3[%add3A_127] : memref<320000xi32, #tpu.memory_space<hbm>> -> memref<128xi32, #tpu.memory_space<hbm>>
          tpu.enqueue_dma source(%dma_start3A_132 : memref<128xi32, #tpu.memory_space<hbm>>) target(%arg9 : memref<128xi32, #tpu.memory_space<vmem>>) target_semaphore(%run_scoped3A : memref<!tpu.dma_semaphore, #tpu.memory_space<semaphore_mem>>)
          %dma_wait3A_133 = tpu.memref_slice %arg3[%add3A_127] : memref<320000xi32, #tpu.memory_space<hbm>> -> memref<128xi32, #tpu.memory_space<hbm>>
          %dma_wait3A_134 = tpu.memref_slice %arg3[%add3A_127] : memref<320000xi32, #tpu.memory_space<hbm>> -> memref<128xi32, #tpu.memory_space<hbm>>
          tpu.wait_dma2 semaphore(%run_scoped3A : memref<!tpu.dma_semaphore, #tpu.memory_space<semaphore_mem>>) src(%dma_wait3A_134 : memref<128xi32, #tpu.memory_space<hbm>>) dst(%arg9 : memref<128xi32, #tpu.memory_space<vmem>>)
          tpu.yield
        }) : () -> ()
        "tpu.region"() ({
          %run_scoped3A = tpu.sem_alloc : memref<!tpu.dma_semaphore, #tpu.memory_space<semaphore_mem>>
          %dma_start3A_131 = tpu.memref_slice %arg4[%add3A_126] : memref<160000xi32, #tpu.memory_space<hbm>> -> memref<128xi32, #tpu.memory_space<hbm>>
          %dma_start3A_132 = tpu.memref_slice %arg4[%add3A_126] : memref<160000xi32, #tpu.memory_space<hbm>> -> memref<128xi32, #tpu.memory_space<hbm>>
          tpu.enqueue_dma source(%dma_start3A_132 : memref<128xi32, #tpu.memory_space<hbm>>) target(%arg12 : memref<128xi32, #tpu.memory_space<vmem>>) target_semaphore(%run_scoped3A : memref<!tpu.dma_semaphore, #tpu.memory_space<semaphore_mem>>)
          %dma_wait3A_133 = tpu.memref_slice %arg4[%add3A_126] : memref<160000xi32, #tpu.memory_space<hbm>> -> memref<128xi32, #tpu.memory_space<hbm>>
          %dma_wait3A_134 = tpu.memref_slice %arg4[%add3A_126] : memref<160000xi32, #tpu.memory_space<hbm>> -> memref<128xi32, #tpu.memory_space<hbm>>
          tpu.wait_dma2 semaphore(%run_scoped3A : memref<!tpu.dma_semaphore, #tpu.memory_space<semaphore_mem>>) src(%dma_wait3A_134 : memref<128xi32, #tpu.memory_space<hbm>>) dst(%arg12 : memref<128xi32, #tpu.memory_space<vmem>>)
          tpu.yield
        }) : () -> ()
        %dma_start3A_128 = arith.constant 0 : i32
        %dma_start3A_129 = arith.constant 0 : i32
        %dma_start3A_130 = tpu.memref_slice %arg2[%dma_start3A_128, %dma_start3A_129] : memref<20000x128xf32, #tpu.memory_space<hbm>> -> memref<20000x128xf32, #tpu.memory_space<hbm>>
        tpu.enqueue_indirect_dma source(%dma_start3A_130 : memref<20000x128xf32, #tpu.memory_space<hbm>>) target(%arg15 : memref<128x128xf32, #tpu.memory_space<vmem>>) offsets(%arg9 : memref<128xi32, #tpu.memory_space<vmem>>) semaphore(%arg20 : memref<!tpu.dma_semaphore, #tpu.memory_space<semaphore_mem>>)
      } else {
      }
      %eq3A_72 = arith.constant 0 : i32
      %eq3A_73 = arith.cmpi eq, %scan3A_52, %eq3A_72 : i32
      %and3A_74 = arith.constant false
      %and3A_75 = arith.andi %eq3A_73, %and3A_74 : i1
      %lt3A_76 = arith.constant 25 : i32
      %lt3A_77 = arith.cmpi slt, %scan3A_52, %lt3A_76 : i32
      %or3A_78 = arith.constant false
      %or3A_79 = arith.ori %lt3A_77, %or3A_78 : i1
      %dma_wait3A_80 = arith.constant 0 : i32
      %dma_wait3A_81 = arith.constant 0 : i32
      %dma_wait3A_82 = tpu.memref_slice %arg2[%dma_wait3A_80, %dma_wait3A_81] : memref<20000x128xf32, #tpu.memory_space<hbm>> -> memref<20000x128xf32, #tpu.memory_space<hbm>>
      tpu.wait_indirect_dma semaphore(%arg19 : memref<!tpu.dma_semaphore, #tpu.memory_space<semaphore_mem>>) src(%dma_wait3A_82 : memref<20000x128xf32, #tpu.memory_space<hbm>>) dst(%arg14 : memref<128x128xf32, #tpu.memory_space<vmem>>)
      %dma_start3A_83 = arith.constant 0 : i32
      %dma_start3A_84 = arith.constant 0 : i32
      %dma_start3A_85 = tpu.memref_slice %arg6[%dma_start3A_83, %dma_start3A_84] : memref<10000x128xf32, #tpu.memory_space<vmem_shared>> -> memref<10000x128xf32, #tpu.memory_space<vmem_shared>>
      tpu.enqueue_indirect_dma source(%arg14 : memref<128x128xf32, #tpu.memory_space<vmem>>) target(%dma_start3A_85 : memref<10000x128xf32, #tpu.memory_space<vmem_shared>>) offsets(%arg11 : memref<128xi32, #tpu.memory_space<vmem>>) semaphore(%arg22 : memref<!tpu.dma_semaphore, #tpu.memory_space<semaphore_mem>>) {add = true}
      %not3A_86 = arith.constant true
      %not3A_87 = arith.xori %and3A_75, %not3A_86 : i1
      %convert_element_type3A_88 = arith.extui %not3A_87 : i1 to i32
      %cond3A_89 = arith.constant 0 : i32
      %cond3A_90 = arith.cmpi ne, %convert_element_type3A_88, %cond3A_89 : i32
      scf.if %cond3A_90 {
        %dma_wait3A_117 = arith.constant 0 : i32
        %dma_wait3A_118 = arith.constant 0 : i32
        %dma_wait3A_119 = tpu.memref_slice %arg6[%dma_wait3A_117, %dma_wait3A_118] : memref<10000x128xf32, #tpu.memory_space<vmem_shared>> -> memref<10000x128xf32, #tpu.memory_space<vmem_shared>>
        tpu.wait_indirect_dma semaphore(%arg21 : memref<!tpu.dma_semaphore, #tpu.memory_space<semaphore_mem>>) src(%arg13 : memref<128x128xf32, #tpu.memory_space<vmem>>) dst(%dma_wait3A_119 : memref<10000x128xf32, #tpu.memory_space<vmem_shared>>)
      } else {
      }
      %convert_element_type3A_91 = arith.extui %or3A_79 : i1 to i32
      %cond3A_92 = arith.constant 0 : i32
      %cond3A_93 = arith.cmpi ne, %convert_element_type3A_91, %cond3A_92 : i32
      scf.if %cond3A_93 {
        %mul3A_117 = arith.constant 3 : i32
        %mul3A_118 = arith.muli %mul3A_117, %scan3A_52 : i32
        %add3A_119 = arith.constant 1 : i32
        %add3A_120 = arith.addi %mul3A_118, %add3A_119 : i32
        %add3A_121 = arith.constant 3 : i32
        %add3A_122 = arith.addi %add3A_120, %add3A_121 : i32
        %sub3A = arith.constant 1 : i32
        %sub3A_123 = arith.subi %add3A_122, %sub3A : i32
        %mul3A_124 = arith.constant 128 : i32
        %mul3A_125 = arith.muli %sub3A_123, %mul3A_124 : i32
        %add3A_126 = arith.addi %mul3A_2, %mul3A_125 : i32
        %add3A_127 = arith.addi %mul3A_4, %add3A_126 : i32
        "tpu.region"() ({
          %run_scoped3A = tpu.sem_alloc : memref<!tpu.dma_semaphore, #tpu.memory_space<semaphore_mem>>
          %dma_start3A_131 = tpu.memref_slice %arg3[%add3A_127] : memref<320000xi32, #tpu.memory_space<hbm>> -> memref<128xi32, #tpu.memory_space<hbm>>
          %dma_start3A_132 = tpu.memref_slice %arg3[%add3A_127] : memref<320000xi32, #tpu.memory_space<hbm>> -> memref<128xi32, #tpu.memory_space<hbm>>
          tpu.enqueue_dma source(%dma_start3A_132 : memref<128xi32, #tpu.memory_space<hbm>>) target(%arg7 : memref<128xi32, #tpu.memory_space<vmem>>) target_semaphore(%run_scoped3A : memref<!tpu.dma_semaphore, #tpu.memory_space<semaphore_mem>>)
          %dma_wait3A_133 = tpu.memref_slice %arg3[%add3A_127] : memref<320000xi32, #tpu.memory_space<hbm>> -> memref<128xi32, #tpu.memory_space<hbm>>
          %dma_wait3A_134 = tpu.memref_slice %arg3[%add3A_127] : memref<320000xi32, #tpu.memory_space<hbm>> -> memref<128xi32, #tpu.memory_space<hbm>>
          tpu.wait_dma2 semaphore(%run_scoped3A : memref<!tpu.dma_semaphore, #tpu.memory_space<semaphore_mem>>) src(%dma_wait3A_134 : memref<128xi32, #tpu.memory_space<hbm>>) dst(%arg7 : memref<128xi32, #tpu.memory_space<vmem>>)
          tpu.yield
        }) : () -> ()
        "tpu.region"() ({
          %run_scoped3A = tpu.sem_alloc : memref<!tpu.dma_semaphore, #tpu.memory_space<semaphore_mem>>
          %dma_start3A_131 = tpu.memref_slice %arg4[%add3A_126] : memref<160000xi32, #tpu.memory_space<hbm>> -> memref<128xi32, #tpu.memory_space<hbm>>
          %dma_start3A_132 = tpu.memref_slice %arg4[%add3A_126] : memref<160000xi32, #tpu.memory_space<hbm>> -> memref<128xi32, #tpu.memory_space<hbm>>
          tpu.enqueue_dma source(%dma_start3A_132 : memref<128xi32, #tpu.memory_space<hbm>>) target(%arg10 : memref<128xi32, #tpu.memory_space<vmem>>) target_semaphore(%run_scoped3A : memref<!tpu.dma_semaphore, #tpu.memory_space<semaphore_mem>>)
          %dma_wait3A_133 = tpu.memref_slice %arg4[%add3A_126] : memref<160000xi32, #tpu.memory_space<hbm>> -> memref<128xi32, #tpu.memory_space<hbm>>
          %dma_wait3A_134 = tpu.memref_slice %arg4[%add3A_126] : memref<160000xi32, #tpu.memory_space<hbm>> -> memref<128xi32, #tpu.memory_space<hbm>>
          tpu.wait_dma2 semaphore(%run_scoped3A : memref<!tpu.dma_semaphore, #tpu.memory_space<semaphore_mem>>) src(%dma_wait3A_134 : memref<128xi32, #tpu.memory_space<hbm>>) dst(%arg10 : memref<128xi32, #tpu.memory_space<vmem>>)
          tpu.yield
        }) : () -> ()
        %dma_start3A_128 = arith.constant 0 : i32
        %dma_start3A_129 = arith.constant 0 : i32
        %dma_start3A_130 = tpu.memref_slice %arg2[%dma_start3A_128, %dma_start3A_129] : memref<20000x128xf32, #tpu.memory_space<hbm>> -> memref<20000x128xf32, #tpu.memory_space<hbm>>
        tpu.enqueue_indirect_dma source(%dma_start3A_130 : memref<20000x128xf32, #tpu.memory_space<hbm>>) target(%arg13 : memref<128x128xf32, #tpu.memory_space<vmem>>) offsets(%arg7 : memref<128xi32, #tpu.memory_space<vmem>>) semaphore(%arg18 : memref<!tpu.dma_semaphore, #tpu.memory_space<semaphore_mem>>)
      } else {
      }
      %eq3A_94 = arith.constant 0 : i32
      %eq3A_95 = arith.cmpi eq, %scan3A_52, %eq3A_94 : i32
      %and3A_96 = arith.constant false
      %and3A_97 = arith.andi %eq3A_95, %and3A_96 : i1
      %lt3A_98 = arith.constant 25 : i32
      %lt3A_99 = arith.cmpi slt, %scan3A_52, %lt3A_98 : i32
      %or3A_100 = arith.constant false
      %or3A_101 = arith.ori %lt3A_99, %or3A_100 : i1
      %dma_wait3A_102 = arith.constant 0 : i32
      %dma_wait3A_103 = arith.constant 0 : i32
      %dma_wait3A_104 = tpu.memref_slice %arg2[%dma_wait3A_102, %dma_wait3A_103] : memref<20000x128xf32, #tpu.memory_space<hbm>> -> memref<20000x128xf32, #tpu.memory_space<hbm>>
      tpu.wait_indirect_dma semaphore(%arg20 : memref<!tpu.dma_semaphore, #tpu.memory_space<semaphore_mem>>) src(%dma_wait3A_104 : memref<20000x128xf32, #tpu.memory_space<hbm>>) dst(%arg15 : memref<128x128xf32, #tpu.memory_space<vmem>>)
      %dma_start3A_105 = arith.constant 0 : i32
      %dma_start3A_106 = arith.constant 0 : i32
      %dma_start3A_107 = tpu.memref_slice %arg6[%dma_start3A_105, %dma_start3A_106] : memref<10000x128xf32, #tpu.memory_space<vmem_shared>> -> memref<10000x128xf32, #tpu.memory_space<vmem_shared>>
      tpu.enqueue_indirect_dma source(%arg15 : memref<128x128xf32, #tpu.memory_space<vmem>>) target(%dma_start3A_107 : memref<10000x128xf32, #tpu.memory_space<vmem_shared>>) offsets(%arg12 : memref<128xi32, #tpu.memory_space<vmem>>) semaphore(%arg23 : memref<!tpu.dma_semaphore, #tpu.memory_space<semaphore_mem>>) {add = true}
      %not3A_108 = arith.constant true
      %not3A_109 = arith.xori %and3A_97, %not3A_108 : i1
      %convert_element_type3A_110 = arith.extui %not3A_109 : i1 to i32
      %cond3A_111 = arith.constant 0 : i32
      %cond3A_112 = arith.cmpi ne, %convert_element_type3A_110, %cond3A_111 : i32
      scf.if %cond3A_112 {
        %dma_wait3A_117 = arith.constant 0 : i32
        %dma_wait3A_118 = arith.constant 0 : i32
        %dma_wait3A_119 = tpu.memref_slice %arg6[%dma_wait3A_117, %dma_wait3A_118] : memref<10000x128xf32, #tpu.memory_space<vmem_shared>> -> memref<10000x128xf32, #tpu.memory_space<vmem_shared>>
        tpu.wait_indirect_dma semaphore(%arg22 : memref<!tpu.dma_semaphore, #tpu.memory_space<semaphore_mem>>) src(%arg14 : memref<128x128xf32, #tpu.memory_space<vmem>>) dst(%dma_wait3A_119 : memref<10000x128xf32, #tpu.memory_space<vmem_shared>>)
      } else {
      }
      %convert_element_type3A_113 = arith.extui %or3A_101 : i1 to i32
      %cond3A_114 = arith.constant 0 : i32
      %cond3A_115 = arith.cmpi ne, %convert_element_type3A_113, %cond3A_114 : i32
      scf.if %cond3A_115 {
        %mul3A_117 = arith.constant 3 : i32
        %mul3A_118 = arith.muli %mul3A_117, %scan3A_52 : i32
        %add3A_119 = arith.constant 2 : i32
        %add3A_120 = arith.addi %mul3A_118, %add3A_119 : i32
        %add3A_121 = arith.constant 3 : i32
        %add3A_122 = arith.addi %add3A_120, %add3A_121 : i32
        %sub3A = arith.constant 1 : i32
        %sub3A_123 = arith.subi %add3A_122, %sub3A : i32
        %mul3A_124 = arith.constant 128 : i32
        %mul3A_125 = arith.muli %sub3A_123, %mul3A_124 : i32
        %add3A_126 = arith.addi %mul3A_2, %mul3A_125 : i32
        %add3A_127 = arith.addi %mul3A_4, %add3A_126 : i32
        "tpu.region"() ({
          %run_scoped3A = tpu.sem_alloc : memref<!tpu.dma_semaphore, #tpu.memory_space<semaphore_mem>>
          %dma_start3A_131 = tpu.memref_slice %arg3[%add3A_127] : memref<320000xi32, #tpu.memory_space<hbm>> -> memref<128xi32, #tpu.memory_space<hbm>>
          %dma_start3A_132 = tpu.memref_slice %arg3[%add3A_127] : memref<320000xi32, #tpu.memory_space<hbm>> -> memref<128xi32, #tpu.memory_space<hbm>>
          tpu.enqueue_dma source(%dma_start3A_132 : memref<128xi32, #tpu.memory_space<hbm>>) target(%arg8 : memref<128xi32, #tpu.memory_space<vmem>>) target_semaphore(%run_scoped3A : memref<!tpu.dma_semaphore, #tpu.memory_space<semaphore_mem>>)
          %dma_wait3A_133 = tpu.memref_slice %arg3[%add3A_127] : memref<320000xi32, #tpu.memory_space<hbm>> -> memref<128xi32, #tpu.memory_space<hbm>>
          %dma_wait3A_134 = tpu.memref_slice %arg3[%add3A_127] : memref<320000xi32, #tpu.memory_space<hbm>> -> memref<128xi32, #tpu.memory_space<hbm>>
          tpu.wait_dma2 semaphore(%run_scoped3A : memref<!tpu.dma_semaphore, #tpu.memory_space<semaphore_mem>>) src(%dma_wait3A_134 : memref<128xi32, #tpu.memory_space<hbm>>) dst(%arg8 : memref<128xi32, #tpu.memory_space<vmem>>)
          tpu.yield
        }) : () -> ()
        "tpu.region"() ({
          %run_scoped3A = tpu.sem_alloc : memref<!tpu.dma_semaphore, #tpu.memory_space<semaphore_mem>>
          %dma_start3A_131 = tpu.memref_slice %arg4[%add3A_126] : memref<160000xi32, #tpu.memory_space<hbm>> -> memref<128xi32, #tpu.memory_space<hbm>>
          %dma_start3A_132 = tpu.memref_slice %arg4[%add3A_126] : memref<160000xi32, #tpu.memory_space<hbm>> -> memref<128xi32, #tpu.memory_space<hbm>>
          tpu.enqueue_dma source(%dma_start3A_132 : memref<128xi32, #tpu.memory_space<hbm>>) target(%arg11 : memref<128xi32, #tpu.memory_space<vmem>>) target_semaphore(%run_scoped3A : memref<!tpu.dma_semaphore, #tpu.memory_space<semaphore_mem>>)
          %dma_wait3A_133 = tpu.memref_slice %arg4[%add3A_126] : memref<160000xi32, #tpu.memory_space<hbm>> -> memref<128xi32, #tpu.memory_space<hbm>>
          %dma_wait3A_134 = tpu.memref_slice %arg4[%add3A_126] : memref<160000xi32, #tpu.memory_space<hbm>> -> memref<128xi32, #tpu.memory_space<hbm>>
          tpu.wait_dma2 semaphore(%run_scoped3A : memref<!tpu.dma_semaphore, #tpu.memory_space<semaphore_mem>>) src(%dma_wait3A_134 : memref<128xi32, #tpu.memory_space<hbm>>) dst(%arg11 : memref<128xi32, #tpu.memory_space<vmem>>)
          tpu.yield
        }) : () -> ()
        %dma_start3A_128 = arith.constant 0 : i32
        %dma_start3A_129 = arith.constant 0 : i32
        %dma_start3A_130 = tpu.memref_slice %arg2[%dma_start3A_128, %dma_start3A_129] : memref<20000x128xf32, #tpu.memory_space<hbm>> -> memref<20000x128xf32, #tpu.memory_space<hbm>>
        tpu.enqueue_indirect_dma source(%dma_start3A_130 : memref<20000x128xf32, #tpu.memory_space<hbm>>) target(%arg14 : memref<128x128xf32, #tpu.memory_space<vmem>>) offsets(%arg8 : memref<128xi32, #tpu.memory_space<vmem>>) semaphore(%arg19 : memref<!tpu.dma_semaphore, #tpu.memory_space<semaphore_mem>>)
      } else {
      }
      %scan3A_116 = arith.constant 0 : i32
      scf.yield %scan3A_116 : i32
    }
    %scan3A_25 = arith.constant 26 : i32
    %dma_wait3A = arith.constant 0 : i32
    %dma_wait3A_26 = arith.constant 0 : i32
    %dma_wait3A_27 = tpu.memref_slice %arg6[%dma_wait3A, %dma_wait3A_26] : memref<10000x128xf32, #tpu.memory_space<vmem_shared>> -> memref<10000x128xf32, #tpu.memory_space<vmem_shared>>
    tpu.wait_indirect_dma semaphore(%arg23 : memref<!tpu.dma_semaphore, #tpu.memory_space<semaphore_mem>>) src(%arg15 : memref<128x128xf32, #tpu.memory_space<vmem>>) dst(%dma_wait3A_27 : memref<10000x128xf32, #tpu.memory_space<vmem_shared>>)
    %add3A_28 = arith.constant 9984 : i32
    %add3A_29 = arith.addi %mul3A_2, %add3A_28 : i32
    %add3A_30 = arith.addi %mul3A_4, %add3A_29 : i32
    "tpu.region"() ({
      %run_scoped3A = tpu.sem_alloc : memref<!tpu.dma_semaphore, #tpu.memory_space<semaphore_mem>>
      %dma_start3A_52 = tpu.memref_slice %arg3[%add3A_30] : memref<320000xi32, #tpu.memory_space<hbm>> -> memref<16xi32, #tpu.memory_space<hbm>>
      %dma_start3A_53 = tpu.memref_slice %arg3[%add3A_30] : memref<320000xi32, #tpu.memory_space<hbm>> -> memref<16xi32, #tpu.memory_space<hbm>>
      tpu.enqueue_dma source(%dma_start3A_53 : memref<16xi32, #tpu.memory_space<hbm>>) target(%arg16 : memref<16xi32, #tpu.memory_space<vmem>>) target_semaphore(%run_scoped3A : memref<!tpu.dma_semaphore, #tpu.memory_space<semaphore_mem>>)
      %dma_wait3A_54 = tpu.memref_slice %arg3[%add3A_30] : memref<320000xi32, #tpu.memory_space<hbm>> -> memref<16xi32, #tpu.memory_space<hbm>>
      %dma_wait3A_55 = tpu.memref_slice %arg3[%add3A_30] : memref<320000xi32, #tpu.memory_space<hbm>> -> memref<16xi32, #tpu.memory_space<hbm>>
      tpu.wait_dma2 semaphore(%run_scoped3A : memref<!tpu.dma_semaphore, #tpu.memory_space<semaphore_mem>>) src(%dma_wait3A_55 : memref<16xi32, #tpu.memory_space<hbm>>) dst(%arg16 : memref<16xi32, #tpu.memory_space<vmem>>)
      tpu.yield
    }) : () -> ()
    "tpu.region"() ({
      %run_scoped3A = tpu.sem_alloc : memref<!tpu.dma_semaphore, #tpu.memory_space<semaphore_mem>>
      %dma_start3A_52 = tpu.memref_slice %arg4[%add3A_29] : memref<160000xi32, #tpu.memory_space<hbm>> -> memref<16xi32, #tpu.memory_space<hbm>>
      %dma_start3A_53 = tpu.memref_slice %arg4[%add3A_29] : memref<160000xi32, #tpu.memory_space<hbm>> -> memref<16xi32, #tpu.memory_space<hbm>>
      tpu.enqueue_dma source(%dma_start3A_53 : memref<16xi32, #tpu.memory_space<hbm>>) target(%arg17 : memref<16xi32, #tpu.memory_space<vmem>>) target_semaphore(%run_scoped3A : memref<!tpu.dma_semaphore, #tpu.memory_space<semaphore_mem>>)
      %dma_wait3A_54 = tpu.memref_slice %arg4[%add3A_29] : memref<160000xi32, #tpu.memory_space<hbm>> -> memref<16xi32, #tpu.memory_space<hbm>>
      %dma_wait3A_55 = tpu.memref_slice %arg4[%add3A_29] : memref<160000xi32, #tpu.memory_space<hbm>> -> memref<16xi32, #tpu.memory_space<hbm>>
      tpu.wait_dma2 semaphore(%run_scoped3A : memref<!tpu.dma_semaphore, #tpu.memory_space<semaphore_mem>>) src(%dma_wait3A_55 : memref<16xi32, #tpu.memory_space<hbm>>) dst(%arg17 : memref<16xi32, #tpu.memory_space<vmem>>)
      tpu.yield
    }) : () -> ()
    %dma_start3A_31 = arith.constant 0 : i32
    %dma_start3A_32 = arith.constant 0 : i32
    %dma_start3A_33 = tpu.memref_slice %arg13[%dma_start3A_31, %dma_start3A_32] : memref<128x128xf32, #tpu.memory_space<vmem>> -> memref<16x128xf32, #tpu.memory_space<vmem>>
    %dma_start3A_34 = arith.constant 0 : i32
    %dma_start3A_35 = arith.constant 0 : i32
    %dma_start3A_36 = tpu.memref_slice %arg2[%dma_start3A_34, %dma_start3A_35] : memref<20000x128xf32, #tpu.memory_space<hbm>> -> memref<20000x128xf32, #tpu.memory_space<hbm>>
    tpu.enqueue_indirect_dma source(%dma_start3A_36 : memref<20000x128xf32, #tpu.memory_space<hbm>>) target(%dma_start3A_33 : memref<16x128xf32, #tpu.memory_space<vmem>>) offsets(%arg16 : memref<16xi32, #tpu.memory_space<vmem>>) semaphore(%arg18 : memref<!tpu.dma_semaphore, #tpu.memory_space<semaphore_mem>>)
    %dma_wait3A_37 = arith.constant 0 : i32
    %dma_wait3A_38 = arith.constant 0 : i32
    %dma_wait3A_39 = tpu.memref_slice %arg13[%dma_wait3A_37, %dma_wait3A_38] : memref<128x128xf32, #tpu.memory_space<vmem>> -> memref<16x128xf32, #tpu.memory_space<vmem>>
    %dma_wait3A_40 = arith.constant 0 : i32
    %dma_wait3A_41 = arith.constant 0 : i32
    %dma_wait3A_42 = tpu.memref_slice %arg2[%dma_wait3A_40, %dma_wait3A_41] : memref<20000x128xf32, #tpu.memory_space<hbm>> -> memref<20000x128xf32, #tpu.memory_space<hbm>>
    tpu.wait_indirect_dma semaphore(%arg18 : memref<!tpu.dma_semaphore, #tpu.memory_space<semaphore_mem>>) src(%dma_wait3A_42 : memref<20000x128xf32, #tpu.memory_space<hbm>>) dst(%dma_wait3A_39 : memref<16x128xf32, #tpu.memory_space<vmem>>)
    "tpu.region"() ({
      %run_scoped3A = tpu.sem_alloc : memref<!tpu.dma_semaphore, #tpu.memory_space<semaphore_mem>>
      %dma_start3A_52 = arith.constant 0 : i32
      %dma_start3A_53 = arith.constant 0 : i32
      %dma_start3A_54 = tpu.memref_slice %arg13[%dma_start3A_52, %dma_start3A_53] : memref<128x128xf32, #tpu.memory_space<vmem>> -> memref<16x128xf32, #tpu.memory_space<vmem>>
      %dma_start3A_55 = arith.constant 0 : i32
      %dma_start3A_56 = arith.constant 0 : i32
      %dma_start3A_57 = tpu.memref_slice %arg6[%dma_start3A_55, %dma_start3A_56] : memref<10000x128xf32, #tpu.memory_space<vmem_shared>> -> memref<10000x128xf32, #tpu.memory_space<vmem_shared>>
      tpu.enqueue_indirect_dma source(%dma_start3A_54 : memref<16x128xf32, #tpu.memory_space<vmem>>) target(%dma_start3A_57 : memref<10000x128xf32, #tpu.memory_space<vmem_shared>>) offsets(%arg17 : memref<16xi32, #tpu.memory_space<vmem>>) semaphore(%run_scoped3A : memref<!tpu.dma_semaphore, #tpu.memory_space<semaphore_mem>>) {add = true}
      %dma_wait3A_58 = arith.constant 0 : i32
      %dma_wait3A_59 = arith.constant 0 : i32
      %dma_wait3A_60 = tpu.memref_slice %arg13[%dma_wait3A_58, %dma_wait3A_59] : memref<128x128xf32, #tpu.memory_space<vmem>> -> memref<16x128xf32, #tpu.memory_space<vmem>>
      %dma_wait3A_61 = arith.constant 0 : i32
      %dma_wait3A_62 = arith.constant 0 : i32
      %dma_wait3A_63 = tpu.memref_slice %arg6[%dma_wait3A_61, %dma_wait3A_62] : memref<10000x128xf32, #tpu.memory_space<vmem_shared>> -> memref<10000x128xf32, #tpu.memory_space<vmem_shared>>
      tpu.wait_indirect_dma semaphore(%run_scoped3A : memref<!tpu.dma_semaphore, #tpu.memory_space<semaphore_mem>>) src(%dma_wait3A_60 : memref<16x128xf32, #tpu.memory_space<vmem>>) dst(%dma_wait3A_63 : memref<10000x128xf32, #tpu.memory_space<vmem_shared>>)
      tpu.yield
    }) : () -> ()
    %barrier3A_43 = arith.constant 0 : index
    tpu.barrier barrier_id(%barrier3A_43)
    %mul3A_44 = arith.constant 10000 : i32
    %mul3A_45 = arith.muli %arg0, %mul3A_44 : i32
    %add3A_46 = arith.addi %mul3A_45, %mul3A_0 : i32
    "tpu.region"() ({
      %run_scoped3A = tpu.sem_alloc : memref<!tpu.dma_semaphore, #tpu.memory_space<semaphore_mem>>
      %dma_start3A_52 = arith.constant 0 : i32
      %dma_start3A_53 = tpu.memref_slice %arg5[%add3A_46, %dma_start3A_52] : memref<20000x128xf32, #tpu.memory_space<hbm>> -> memref<624x128xf32, #tpu.memory_space<hbm>>
      %dma_start3A_54 = arith.constant 0 : i32
      %dma_start3A_55 = tpu.memref_slice %arg6[%mul3A_0, %dma_start3A_54] : memref<10000x128xf32, #tpu.memory_space<vmem_shared>> -> memref<624x128xf32, #tpu.memory_space<vmem_shared>>
      tpu.enqueue_dma source(%dma_start3A_55 : memref<624x128xf32, #tpu.memory_space<vmem_shared>>) target(%dma_start3A_53 : memref<624x128xf32, #tpu.memory_space<hbm>>) target_semaphore(%run_scoped3A : memref<!tpu.dma_semaphore, #tpu.memory_space<semaphore_mem>>)
      %dma_wait3A_56 = arith.constant 0 : i32
      %dma_wait3A_57 = tpu.memref_slice %arg5[%add3A_46, %dma_wait3A_56] : memref<20000x128xf32, #tpu.memory_space<hbm>> -> memref<624x128xf32, #tpu.memory_space<hbm>>
      %dma_wait3A_58 = arith.constant 0 : i32
      %dma_wait3A_59 = tpu.memref_slice %arg6[%mul3A_0, %dma_wait3A_58] : memref<10000x128xf32, #tpu.memory_space<vmem_shared>> -> memref<624x128xf32, #tpu.memory_space<vmem_shared>>
      tpu.wait_dma2 semaphore(%run_scoped3A : memref<!tpu.dma_semaphore, #tpu.memory_space<semaphore_mem>>) src(%dma_wait3A_59 : memref<624x128xf32, #tpu.memory_space<vmem_shared>>) dst(%dma_wait3A_57 : memref<624x128xf32, #tpu.memory_space<hbm>>)
      tpu.yield
    }) : () -> ()
    %eq3A_47 = arith.constant 15 : i32
    %eq3A_48 = arith.cmpi eq, %arg1, %eq3A_47 : i32
    %convert_element_type3A_49 = arith.extui %eq3A_48 : i1 to i32
    %cond3A_50 = arith.constant 0 : i32
    %cond3A_51 = arith.cmpi ne, %convert_element_type3A_49, %cond3A_50 : i32
    scf.if %cond3A_51 {
      %mul3A_52 = arith.constant 10000 : i32
      %mul3A_53 = arith.muli %arg0, %mul3A_52 : i32
      %add3A_54 = arith.constant 9984 : i32
      %add3A_55 = arith.addi %mul3A_53, %add3A_54 : i32
      "tpu.region"() ({
        %run_scoped3A = tpu.sem_alloc : memref<!tpu.dma_semaphore, #tpu.memory_space<semaphore_mem>>
        %dma_start3A_56 = arith.constant 0 : i32
        %dma_start3A_57 = tpu.memref_slice %arg5[%add3A_55, %dma_start3A_56] : memref<20000x128xf32, #tpu.memory_space<hbm>> -> memref<16x128xf32, #tpu.memory_space<hbm>>
        %dma_start3A_58 = arith.constant 9984 : i32
        %dma_start3A_59 = arith.constant 0 : i32
        %dma_start3A_60 = tpu.memref_slice %arg6[%dma_start3A_58, %dma_start3A_59] : memref<10000x128xf32, #tpu.memory_space<vmem_shared>> -> memref<16x128xf32, #tpu.memory_space<vmem_shared>>
        tpu.enqueue_dma source(%dma_start3A_60 : memref<16x128xf32, #tpu.memory_space<vmem_shared>>) target(%dma_start3A_57 : memref<16x128xf32, #tpu.memory_space<hbm>>) target_semaphore(%run_scoped3A : memref<!tpu.dma_semaphore, #tpu.memory_space<semaphore_mem>>)
        %dma_wait3A_61 = arith.constant 0 : i32
        %dma_wait3A_62 = tpu.memref_slice %arg5[%add3A_55, %dma_wait3A_61] : memref<20000x128xf32, #tpu.memory_space<hbm>> -> memref<16x128xf32, #tpu.memory_space<hbm>>
        %dma_wait3A_63 = arith.constant 9984 : i32
        %dma_wait3A_64 = arith.constant 0 : i32
        %dma_wait3A_65 = tpu.memref_slice %arg6[%dma_wait3A_63, %dma_wait3A_64] : memref<10000x128xf32, #tpu.memory_space<vmem_shared>> -> memref<16x128xf32, #tpu.memory_space<vmem_shared>>
        tpu.wait_dma2 semaphore(%run_scoped3A : memref<!tpu.dma_semaphore, #tpu.memory_space<semaphore_mem>>) src(%dma_wait3A_65 : memref<16x128xf32, #tpu.memory_space<vmem_shared>>) dst(%dma_wait3A_62 : memref<16x128xf32, #tpu.memory_space<hbm>>)
        tpu.yield
      }) : () -> ()
    } else {
    }
    return
  }
}

#map = affine_map<(d0, d1) -> (0, 0)>
#map1 = affine_map<(d0, d1) -> (0)>
module attributes {stable_mosaic.version = 14 : i64} {
  func.func @_scatter_body(%arg0: i32, %arg1: i32, %arg2: memref<20000x128xf32, #tpu.memory_space<hbm>>, %arg3: memref<320000xi32, #tpu.memory_space<hbm>>, %arg4: memref<160000xi32, #tpu.memory_space<hbm>>, %arg5: memref<20000x128xf32, #tpu.memory_space<hbm>>, %arg6: memref<10000x128xf32, #tpu.memory_space<vmem_shared>>, %arg7: memref<128xi32, #tpu.memory_space<vmem>>, %arg8: memref<128xi32, #tpu.memory_space<vmem>>, %arg9: memref<128xi32, #tpu.memory_space<vmem>>, %arg10: memref<128xi32, #tpu.memory_space<vmem>>, %arg11: memref<128xi32, #tpu.memory_space<vmem>>, %arg12: memref<128xi32, #tpu.memory_space<vmem>>, %arg13: memref<128x128xf32, #tpu.memory_space<vmem>>, %arg14: memref<128x128xf32, #tpu.memory_space<vmem>>, %arg15: memref<128x128xf32, #tpu.memory_space<vmem>>, %arg16: memref<16xi32, #tpu.memory_space<vmem>>, %arg17: memref<16xi32, #tpu.memory_space<vmem>>, %arg18: memref<!tpu.dma_semaphore, #tpu.memory_space<semaphore_mem>>, %arg19: memref<!tpu.dma_semaphore, #tpu.memory_space<semaphore_mem>>, %arg20: memref<!tpu.dma_semaphore, #tpu.memory_space<semaphore_mem>>, %arg21: memref<!tpu.dma_semaphore, #tpu.memory_space<semaphore_mem>>, %arg22: memref<!tpu.dma_semaphore, #tpu.memory_space<semaphore_mem>>, %arg23: memref<!tpu.dma_semaphore, #tpu.memory_space<semaphore_mem>>) attributes {dimension_semantics = [#tpu.dimension_semantics<core_parallel>, #tpu.dimension_semantics<subcore_parallel>], iteration_bounds = array<i64: 2, 16>, scalar_prefetch = 0 : i64, scratch_operands = 18 : i64, tpu.core_type = #tpu.core_type<sc_vector_subcore>, window_params = [{transform_indices = #map}, {transform_indices = #map1}, {transform_indices = #map1}, {transform_indices = #map}]} {
    %mul3A = arith.constant 624 : i32
    %mul3A_0 = arith.muli %arg1, %mul3A : i32
    %mul3A_1 = arith.constant 10000 : i32
    %mul3A_2 = arith.muli %arg1, %mul3A_1 : i32
    %mul3A_3 = arith.constant 160000 : i32
    %mul3A_4 = arith.muli %arg0, %mul3A_3 : i32
    %add3A = arith.constant 0 : i32
    %add3A_5 = arith.addi %mul3A_2, %add3A : i32
    %add3A_6 = arith.addi %mul3A_4, %add3A_5 : i32
    "tpu.region"() ({
      %run_scoped3A = tpu.sem_alloc : memref<!tpu.dma_semaphore, #tpu.memory_space<semaphore_mem>>
      %dma_start3A_52 = tpu.memref_slice %arg3[%add3A_6] : memref<320000xi32, #tpu.memory_space<hbm>> -> memref<128xi32, #tpu.memory_space<hbm>>
      %dma_start3A_53 = tpu.memref_slice %arg3[%add3A_6] : memref<320000xi32, #tpu.memory_space<hbm>> -> memref<128xi32, #tpu.memory_space<hbm>>
      tpu.enqueue_dma source(%dma_start3A_53 : memref<128xi32, #tpu.memory_space<hbm>>) target(%arg7 : memref<128xi32, #tpu.memory_space<vmem>>) target_semaphore(%run_scoped3A : memref<!tpu.dma_semaphore, #tpu.memory_space<semaphore_mem>>)
      %dma_wait3A_54 = tpu.memref_slice %arg3[%add3A_6] : memref<320000xi32, #tpu.memory_space<hbm>> -> memref<128xi32, #tpu.memory_space<hbm>>
      %dma_wait3A_55 = tpu.memref_slice %arg3[%add3A_6] : memref<320000xi32, #tpu.memory_space<hbm>> -> memref<128xi32, #tpu.memory_space<hbm>>
      tpu.wait_dma2 semaphore(%run_scoped3A : memref<!tpu.dma_semaphore, #tpu.memory_space<semaphore_mem>>) src(%dma_wait3A_55 : memref<128xi32, #tpu.memory_space<hbm>>) dst(%arg7 : memref<128xi32, #tpu.memory_space<vmem>>)
      tpu.yield
    }) : () -> ()
    "tpu.region"() ({
      %run_scoped3A = tpu.sem_alloc : memref<!tpu.dma_semaphore, #tpu.memory_space<semaphore_mem>>
      %dma_start3A_52 = tpu.memref_slice %arg4[%add3A_5] : memref<160000xi32, #tpu.memory_space<hbm>> -> memref<128xi32, #tpu.memory_space<hbm>>
      %dma_start3A_53 = tpu.memref_slice %arg4[%add3A_5] : memref<160000xi32, #tpu.memory_space<hbm>> -> memref<128xi32, #tpu.memory_space<hbm>>
      tpu.enqueue_dma source(%dma_start3A_53 : memref<128xi32, #tpu.memory_space<hbm>>) target(%arg10 : memref<128xi32, #tpu.memory_space<vmem>>) target_semaphore(%run_scoped3A : memref<!tpu.dma_semaphore, #tpu.memory_space<semaphore_mem>>)
      %dma_wait3A_54 = tpu.memref_slice %arg4[%add3A_5] : memref<160000xi32, #tpu.memory_space<hbm>> -> memref<128xi32, #tpu.memory_space<hbm>>
      %dma_wait3A_55 = tpu.memref_slice %arg4[%add3A_5] : memref<160000xi32, #tpu.memory_space<hbm>> -> memref<128xi32, #tpu.memory_space<hbm>>
      tpu.wait_dma2 semaphore(%run_scoped3A : memref<!tpu.dma_semaphore, #tpu.memory_space<semaphore_mem>>) src(%dma_wait3A_55 : memref<128xi32, #tpu.memory_space<hbm>>) dst(%arg10 : memref<128xi32, #tpu.memory_space<vmem>>)
      tpu.yield
    }) : () -> ()
    %dma_start3A = arith.constant 0 : i32
    %dma_start3A_7 = arith.constant 0 : i32
    %dma_start3A_8 = tpu.memref_slice %arg2[%dma_start3A, %dma_start3A_7] : memref<20000x128xf32, #tpu.memory_space<hbm>> -> memref<20000x128xf32, #tpu.memory_space<hbm>>
    tpu.enqueue_indirect_dma source(%dma_start3A_8 : memref<20000x128xf32, #tpu.memory_space<hbm>>) target(%arg13 : memref<128x128xf32, #tpu.memory_space<vmem>>) offsets(%arg7 : memref<128xi32, #tpu.memory_space<vmem>>) semaphore(%arg18 : memref<!tpu.dma_semaphore, #tpu.memory_space<semaphore_mem>>)
    %add3A_9 = arith.constant 128 : i32
    %add3A_10 = arith.addi %mul3A_2, %add3A_9 : i32
    %add3A_11 = arith.addi %mul3A_4, %add3A_10 : i32
    "tpu.region"() ({
      %run_scoped3A = tpu.sem_alloc : memref<!tpu.dma_semaphore, #tpu.memory_space<semaphore_mem>>
      %dma_start3A_52 = tpu.memref_slice %arg3[%add3A_11] : memref<320000xi32, #tpu.memory_space<hbm>> -> memref<128xi32, #tpu.memory_space<hbm>>
      %dma_start3A_53 = tpu.memref_slice %arg3[%add3A_11] : memref<320000xi32, #tpu.memory_space<hbm>> -> memref<128xi32, #tpu.memory_space<hbm>>
      tpu.enqueue_dma source(%dma_start3A_53 : memref<128xi32, #tpu.memory_space<hbm>>) target(%arg8 : memref<128xi32, #tpu.memory_space<vmem>>) target_semaphore(%run_scoped3A : memref<!tpu.dma_semaphore, #tpu.memory_space<semaphore_mem>>)
      %dma_wait3A_54 = tpu.memref_slice %arg3[%add3A_11] : memref<320000xi32, #tpu.memory_space<hbm>> -> memref<128xi32, #tpu.memory_space<hbm>>
      %dma_wait3A_55 = tpu.memref_slice %arg3[%add3A_11] : memref<320000xi32, #tpu.memory_space<hbm>> -> memref<128xi32, #tpu.memory_space<hbm>>
      tpu.wait_dma2 semaphore(%run_scoped3A : memref<!tpu.dma_semaphore, #tpu.memory_space<semaphore_mem>>) src(%dma_wait3A_55 : memref<128xi32, #tpu.memory_space<hbm>>) dst(%arg8 : memref<128xi32, #tpu.memory_space<vmem>>)
      tpu.yield
    }) : () -> ()
    "tpu.region"() ({
      %run_scoped3A = tpu.sem_alloc : memref<!tpu.dma_semaphore, #tpu.memory_space<semaphore_mem>>
      %dma_start3A_52 = tpu.memref_slice %arg4[%add3A_10] : memref<160000xi32, #tpu.memory_space<hbm>> -> memref<128xi32, #tpu.memory_space<hbm>>
      %dma_start3A_53 = tpu.memref_slice %arg4[%add3A_10] : memref<160000xi32, #tpu.memory_space<hbm>> -> memref<128xi32, #tpu.memory_space<hbm>>
      tpu.enqueue_dma source(%dma_start3A_53 : memref<128xi32, #tpu.memory_space<hbm>>) target(%arg11 : memref<128xi32, #tpu.memory_space<vmem>>) target_semaphore(%run_scoped3A : memref<!tpu.dma_semaphore, #tpu.memory_space<semaphore_mem>>)
      %dma_wait3A_54 = tpu.memref_slice %arg4[%add3A_10] : memref<160000xi32, #tpu.memory_space<hbm>> -> memref<128xi32, #tpu.memory_space<hbm>>
      %dma_wait3A_55 = tpu.memref_slice %arg4[%add3A_10] : memref<160000xi32, #tpu.memory_space<hbm>> -> memref<128xi32, #tpu.memory_space<hbm>>
      tpu.wait_dma2 semaphore(%run_scoped3A : memref<!tpu.dma_semaphore, #tpu.memory_space<semaphore_mem>>) src(%dma_wait3A_55 : memref<128xi32, #tpu.memory_space<hbm>>) dst(%arg11 : memref<128xi32, #tpu.memory_space<vmem>>)
      tpu.yield
    }) : () -> ()
    %dma_start3A_12 = arith.constant 0 : i32
    %dma_start3A_13 = arith.constant 0 : i32
    %dma_start3A_14 = tpu.memref_slice %arg2[%dma_start3A_12, %dma_start3A_13] : memref<20000x128xf32, #tpu.memory_space<hbm>> -> memref<20000x128xf32, #tpu.memory_space<hbm>>
    tpu.enqueue_indirect_dma source(%dma_start3A_14 : memref<20000x128xf32, #tpu.memory_space<hbm>>) target(%arg14 : memref<128x128xf32, #tpu.memory_space<vmem>>) offsets(%arg8 : memref<128xi32, #tpu.memory_space<vmem>>) semaphore(%arg19 : memref<!tpu.dma_semaphore, #tpu.memory_space<semaphore_mem>>)
    %mul3A_15 = arith.constant 10000 : i32
    %mul3A_16 = arith.muli %arg0, %mul3A_15 : i32
    %add3A_17 = arith.addi %mul3A_16, %mul3A_0 : i32
    "tpu.region"() ({
      %run_scoped3A = tpu.sem_alloc : memref<!tpu.dma_semaphore, #tpu.memory_space<semaphore_mem>>
      %dma_start3A_52 = arith.constant 0 : i32
      %dma_start3A_53 = tpu.memref_slice %arg6[%mul3A_0, %dma_start3A_52] : memref<10000x128xf32, #tpu.memory_space<vmem_shared>> -> memref<624x128xf32, #tpu.memory_space<vmem_shared>>
      %dma_start3A_54 = arith.constant 0 : i32
      %dma_start3A_55 = tpu.memref_slice %arg2[%add3A_17, %dma_start3A_54] : memref<20000x128xf32, #tpu.memory_space<hbm>> -> memref<624x128xf32, #tpu.memory_space<hbm>>
      tpu.enqueue_dma source(%dma_start3A_55 : memref<624x128xf32, #tpu.memory_space<hbm>>) target(%dma_start3A_53 : memref<624x128xf32, #tpu.memory_space<vmem_shared>>) target_semaphore(%run_scoped3A : memref<!tpu.dma_semaphore, #tpu.memory_space<semaphore_mem>>)
      %dma_wait3A_56 = arith.constant 0 : i32
      %dma_wait3A_57 = tpu.memref_slice %arg6[%mul3A_0, %dma_wait3A_56] : memref<10000x128xf32, #tpu.memory_space<vmem_shared>> -> memref<624x128xf32, #tpu.memory_space<vmem_shared>>
      %dma_wait3A_58 = arith.constant 0 : i32
      %dma_wait3A_59 = tpu.memref_slice %arg2[%add3A_17, %dma_wait3A_58] : memref<20000x128xf32, #tpu.memory_space<hbm>> -> memref<624x128xf32, #tpu.memory_space<hbm>>
      tpu.wait_dma2 semaphore(%run_scoped3A : memref<!tpu.dma_semaphore, #tpu.memory_space<semaphore_mem>>) src(%dma_wait3A_59 : memref<624x128xf32, #tpu.memory_space<hbm>>) dst(%dma_wait3A_57 : memref<624x128xf32, #tpu.memory_space<vmem_shared>>)
      tpu.yield
    }) : () -> ()
    %eq3A = arith.constant 15 : i32
    %eq3A_18 = arith.cmpi eq, %arg1, %eq3A : i32
    %convert_element_type3A = arith.extui %eq3A_18 : i1 to i32
    %cond3A = arith.constant 0 : i32
    %cond3A_19 = arith.cmpi ne, %convert_element_type3A, %cond3A : i32
    scf.if %cond3A_19 {
      %mul3A_52 = arith.constant 10000 : i32
      %mul3A_53 = arith.muli %arg0, %mul3A_52 : i32
      %add3A_54 = arith.constant 9984 : i32
      %add3A_55 = arith.addi %mul3A_53, %add3A_54 : i32
      "tpu.region"() ({
        %run_scoped3A = tpu.sem_alloc : memref<!tpu.dma_semaphore, #tpu.memory_space<semaphore_mem>>
        %dma_start3A_56 = arith.constant 9984 : i32
        %dma_start3A_57 = arith.constant 0 : i32
        %dma_start3A_58 = tpu.memref_slice %arg6[%dma_start3A_56, %dma_start3A_57] : memref<10000x128xf32, #tpu.memory_space<vmem_shared>> -> memref<16x128xf32, #tpu.memory_space<vmem_shared>>
        %dma_start3A_59 = arith.constant 0 : i32
        %dma_start3A_60 = tpu.memref_slice %arg2[%add3A_55, %dma_start3A_59] : memref<20000x128xf32, #tpu.memory_space<hbm>> -> memref<16x128xf32, #tpu.memory_space<hbm>>
        tpu.enqueue_dma source(%dma_start3A_60 : memref<16x128xf32, #tpu.memory_space<hbm>>) target(%dma_start3A_58 : memref<16x128xf32, #tpu.memory_space<vmem_shared>>) target_semaphore(%run_scoped3A : memref<!tpu.dma_semaphore, #tpu.memory_space<semaphore_mem>>)
        %dma_wait3A_61 = arith.constant 9984 : i32
        %dma_wait3A_62 = arith.constant 0 : i32
        %dma_wait3A_63 = tpu.memref_slice %arg6[%dma_wait3A_61, %dma_wait3A_62] : memref<10000x128xf32, #tpu.memory_space<vmem_shared>> -> memref<16x128xf32, #tpu.memory_space<vmem_shared>>
        %dma_wait3A_64 = arith.constant 0 : i32
        %dma_wait3A_65 = tpu.memref_slice %arg2[%add3A_55, %dma_wait3A_64] : memref<20000x128xf32, #tpu.memory_space<hbm>> -> memref<16x128xf32, #tpu.memory_space<hbm>>
        tpu.wait_dma2 semaphore(%run_scoped3A : memref<!tpu.dma_semaphore, #tpu.memory_space<semaphore_mem>>) src(%dma_wait3A_65 : memref<16x128xf32, #tpu.memory_space<hbm>>) dst(%dma_wait3A_63 : memref<16x128xf32, #tpu.memory_space<vmem_shared>>)
        tpu.yield
      }) : () -> ()
    } else {
    }
    %barrier3A = arith.constant 0 : index
    tpu.barrier barrier_id(%barrier3A)
    %scan3A = arith.constant 0 : i32
    %scan3A_20 = arith.constant 0 : i32
    %scan3A_21 = arith.constant 26 : i32
    %scan3A_22 = arith.addi %scan3A_20, %scan3A_21 : i32
    %scan3A_23 = arith.constant 1 : i32
    %scan3A_24 = scf.for %scan3A_52 = %scan3A_20 to %scan3A_22 step %scan3A_23 iter_args(%scan3A_53 = %scan3A) -> (i32)  : i32 {
      %eq3A_54 = arith.constant 0 : i32
      %eq3A_55 = arith.cmpi eq, %scan3A_52, %eq3A_54 : i32
      %and3A = arith.constant true
      %and3A_56 = arith.andi %eq3A_55, %and3A : i1
      %lt3A = arith.constant 25 : i32
      %lt3A_57 = arith.cmpi slt, %scan3A_52, %lt3A : i32
      %or3A = arith.constant true
      %or3A_58 = arith.ori %lt3A_57, %or3A : i1
      %dma_wait3A_59 = arith.constant 0 : i32
      %dma_wait3A_60 = arith.constant 0 : i32
      %dma_wait3A_61 = tpu.memref_slice %arg2[%dma_wait3A_59, %dma_wait3A_60] : memref<20000x128xf32, #tpu.memory_space<hbm>> -> memref<20000x128xf32, #tpu.memory_space<hbm>>
      tpu.wait_indirect_dma semaphore(%arg18 : memref<!tpu.dma_semaphore, #tpu.memory_space<semaphore_mem>>) src(%dma_wait3A_61 : memref<20000x128xf32, #tpu.memory_space<hbm>>) dst(%arg13 : memref<128x128xf32, #tpu.memory_space<vmem>>)
      %dma_start3A_62 = arith.constant 0 : i32
      %dma_start3A_63 = arith.constant 0 : i32
      %dma_start3A_64 = tpu.memref_slice %arg6[%dma_start3A_62, %dma_start3A_63] : memref<10000x128xf32, #tpu.memory_space<vmem_shared>> -> memref<10000x128xf32, #tpu.memory_space<vmem_shared>>
      tpu.enqueue_indirect_dma source(%arg13 : memref<128x128xf32, #tpu.memory_space<vmem>>) target(%dma_start3A_64 : memref<10000x128xf32, #tpu.memory_space<vmem_shared>>) offsets(%arg10 : memref<128xi32, #tpu.memory_space<vmem>>) semaphore(%arg21 : memref<!tpu.dma_semaphore, #tpu.memory_space<semaphore_mem>>) {add = true}
      %not3A = arith.constant true
      %not3A_65 = arith.xori %and3A_56, %not3A : i1
      %convert_element_type3A_66 = arith.extui %not3A_65 : i1 to i32
      %cond3A_67 = arith.constant 0 : i32
      %cond3A_68 = arith.cmpi ne, %convert_element_type3A_66, %cond3A_67 : i32
      scf.if %cond3A_68 {
        %dma_wait3A_117 = arith.constant 0 : i32
        %dma_wait3A_118 = arith.constant 0 : i32
        %dma_wait3A_119 = tpu.memref_slice %arg6[%dma_wait3A_117, %dma_wait3A_118] : memref<10000x128xf32, #tpu.memory_space<vmem_shared>> -> memref<10000x128xf32, #tpu.memory_space<vmem_shared>>
        tpu.wait_indirect_dma semaphore(%arg23 : memref<!tpu.dma_semaphore, #tpu.memory_space<semaphore_mem>>) src(%arg15 : memref<128x128xf32, #tpu.memory_space<vmem>>) dst(%dma_wait3A_119 : memref<10000x128xf32, #tpu.memory_space<vmem_shared>>)
      } else {
      }
      %convert_element_type3A_69 = arith.extui %or3A_58 : i1 to i32
      %cond3A_70 = arith.constant 0 : i32
      %cond3A_71 = arith.cmpi ne, %convert_element_type3A_69, %cond3A_70 : i32
      scf.if %cond3A_71 {
        %mul3A_117 = arith.constant 3 : i32
        %mul3A_118 = arith.muli %mul3A_117, %scan3A_52 : i32
        %add3A_119 = arith.constant 0 : i32
        %add3A_120 = arith.addi %mul3A_118, %add3A_119 : i32
        %add3A_121 = arith.constant 3 : i32
        %add3A_122 = arith.addi %add3A_120, %add3A_121 : i32
        %sub3A = arith.constant 1 : i32
        %sub3A_123 = arith.subi %add3A_122, %sub3A : i32
        %mul3A_124 = arith.constant 128 : i32
        %mul3A_125 = arith.muli %sub3A_123, %mul3A_124 : i32
        %add3A_126 = arith.addi %mul3A_2, %mul3A_125 : i32
        %add3A_127 = arith.addi %mul3A_4, %add3A_126 : i32
        "tpu.region"() ({
          %run_scoped3A = tpu.sem_alloc : memref<!tpu.dma_semaphore, #tpu.memory_space<semaphore_mem>>
          %dma_start3A_131 = tpu.memref_slice %arg3[%add3A_127] : memref<320000xi32, #tpu.memory_space<hbm>> -> memref<128xi32, #tpu.memory_space<hbm>>
          %dma_start3A_132 = tpu.memref_slice %arg3[%add3A_127] : memref<320000xi32, #tpu.memory_space<hbm>> -> memref<128xi32, #tpu.memory_space<hbm>>
          tpu.enqueue_dma source(%dma_start3A_132 : memref<128xi32, #tpu.memory_space<hbm>>) target(%arg9 : memref<128xi32, #tpu.memory_space<vmem>>) target_semaphore(%run_scoped3A : memref<!tpu.dma_semaphore, #tpu.memory_space<semaphore_mem>>)
          %dma_wait3A_133 = tpu.memref_slice %arg3[%add3A_127] : memref<320000xi32, #tpu.memory_space<hbm>> -> memref<128xi32, #tpu.memory_space<hbm>>
          %dma_wait3A_134 = tpu.memref_slice %arg3[%add3A_127] : memref<320000xi32, #tpu.memory_space<hbm>> -> memref<128xi32, #tpu.memory_space<hbm>>
          tpu.wait_dma2 semaphore(%run_scoped3A : memref<!tpu.dma_semaphore, #tpu.memory_space<semaphore_mem>>) src(%dma_wait3A_134 : memref<128xi32, #tpu.memory_space<hbm>>) dst(%arg9 : memref<128xi32, #tpu.memory_space<vmem>>)
          tpu.yield
        }) : () -> ()
        "tpu.region"() ({
          %run_scoped3A = tpu.sem_alloc : memref<!tpu.dma_semaphore, #tpu.memory_space<semaphore_mem>>
          %dma_start3A_131 = tpu.memref_slice %arg4[%add3A_126] : memref<160000xi32, #tpu.memory_space<hbm>> -> memref<128xi32, #tpu.memory_space<hbm>>
          %dma_start3A_132 = tpu.memref_slice %arg4[%add3A_126] : memref<160000xi32, #tpu.memory_space<hbm>> -> memref<128xi32, #tpu.memory_space<hbm>>
          tpu.enqueue_dma source(%dma_start3A_132 : memref<128xi32, #tpu.memory_space<hbm>>) target(%arg12 : memref<128xi32, #tpu.memory_space<vmem>>) target_semaphore(%run_scoped3A : memref<!tpu.dma_semaphore, #tpu.memory_space<semaphore_mem>>)
          %dma_wait3A_133 = tpu.memref_slice %arg4[%add3A_126] : memref<160000xi32, #tpu.memory_space<hbm>> -> memref<128xi32, #tpu.memory_space<hbm>>
          %dma_wait3A_134 = tpu.memref_slice %arg4[%add3A_126] : memref<160000xi32, #tpu.memory_space<hbm>> -> memref<128xi32, #tpu.memory_space<hbm>>
          tpu.wait_dma2 semaphore(%run_scoped3A : memref<!tpu.dma_semaphore, #tpu.memory_space<semaphore_mem>>) src(%dma_wait3A_134 : memref<128xi32, #tpu.memory_space<hbm>>) dst(%arg12 : memref<128xi32, #tpu.memory_space<vmem>>)
          tpu.yield
        }) : () -> ()
        %dma_start3A_128 = arith.constant 0 : i32
        %dma_start3A_129 = arith.constant 0 : i32
        %dma_start3A_130 = tpu.memref_slice %arg2[%dma_start3A_128, %dma_start3A_129] : memref<20000x128xf32, #tpu.memory_space<hbm>> -> memref<20000x128xf32, #tpu.memory_space<hbm>>
        tpu.enqueue_indirect_dma source(%dma_start3A_130 : memref<20000x128xf32, #tpu.memory_space<hbm>>) target(%arg15 : memref<128x128xf32, #tpu.memory_space<vmem>>) offsets(%arg9 : memref<128xi32, #tpu.memory_space<vmem>>) semaphore(%arg20 : memref<!tpu.dma_semaphore, #tpu.memory_space<semaphore_mem>>)
      } else {
      }
      %eq3A_72 = arith.constant 0 : i32
      %eq3A_73 = arith.cmpi eq, %scan3A_52, %eq3A_72 : i32
      %and3A_74 = arith.constant false
      %and3A_75 = arith.andi %eq3A_73, %and3A_74 : i1
      %lt3A_76 = arith.constant 25 : i32
      %lt3A_77 = arith.cmpi slt, %scan3A_52, %lt3A_76 : i32
      %or3A_78 = arith.constant false
      %or3A_79 = arith.ori %lt3A_77, %or3A_78 : i1
      %dma_wait3A_80 = arith.constant 0 : i32
      %dma_wait3A_81 = arith.constant 0 : i32
      %dma_wait3A_82 = tpu.memref_slice %arg2[%dma_wait3A_80, %dma_wait3A_81] : memref<20000x128xf32, #tpu.memory_space<hbm>> -> memref<20000x128xf32, #tpu.memory_space<hbm>>
      tpu.wait_indirect_dma semaphore(%arg19 : memref<!tpu.dma_semaphore, #tpu.memory_space<semaphore_mem>>) src(%dma_wait3A_82 : memref<20000x128xf32, #tpu.memory_space<hbm>>) dst(%arg14 : memref<128x128xf32, #tpu.memory_space<vmem>>)
      %dma_start3A_83 = arith.constant 0 : i32
      %dma_start3A_84 = arith.constant 0 : i32
      %dma_start3A_85 = tpu.memref_slice %arg6[%dma_start3A_83, %dma_start3A_84] : memref<10000x128xf32, #tpu.memory_space<vmem_shared>> -> memref<10000x128xf32, #tpu.memory_space<vmem_shared>>
      tpu.enqueue_indirect_dma source(%arg14 : memref<128x128xf32, #tpu.memory_space<vmem>>) target(%dma_start3A_85 : memref<10000x128xf32, #tpu.memory_space<vmem_shared>>) offsets(%arg11 : memref<128xi32, #tpu.memory_space<vmem>>) semaphore(%arg22 : memref<!tpu.dma_semaphore, #tpu.memory_space<semaphore_mem>>) {add = true}
      %not3A_86 = arith.constant true
      %not3A_87 = arith.xori %and3A_75, %not3A_86 : i1
      %convert_element_type3A_88 = arith.extui %not3A_87 : i1 to i32
      %cond3A_89 = arith.constant 0 : i32
      %cond3A_90 = arith.cmpi ne, %convert_element_type3A_88, %cond3A_89 : i32
      scf.if %cond3A_90 {
        %dma_wait3A_117 = arith.constant 0 : i32
        %dma_wait3A_118 = arith.constant 0 : i32
        %dma_wait3A_119 = tpu.memref_slice %arg6[%dma_wait3A_117, %dma_wait3A_118] : memref<10000x128xf32, #tpu.memory_space<vmem_shared>> -> memref<10000x128xf32, #tpu.memory_space<vmem_shared>>
        tpu.wait_indirect_dma semaphore(%arg21 : memref<!tpu.dma_semaphore, #tpu.memory_space<semaphore_mem>>) src(%arg13 : memref<128x128xf32, #tpu.memory_space<vmem>>) dst(%dma_wait3A_119 : memref<10000x128xf32, #tpu.memory_space<vmem_shared>>)
      } else {
      }
      %convert_element_type3A_91 = arith.extui %or3A_79 : i1 to i32
      %cond3A_92 = arith.constant 0 : i32
      %cond3A_93 = arith.cmpi ne, %convert_element_type3A_91, %cond3A_92 : i32
      scf.if %cond3A_93 {
        %mul3A_117 = arith.constant 3 : i32
        %mul3A_118 = arith.muli %mul3A_117, %scan3A_52 : i32
        %add3A_119 = arith.constant 1 : i32
        %add3A_120 = arith.addi %mul3A_118, %add3A_119 : i32
        %add3A_121 = arith.constant 3 : i32
        %add3A_122 = arith.addi %add3A_120, %add3A_121 : i32
        %sub3A = arith.constant 1 : i32
        %sub3A_123 = arith.subi %add3A_122, %sub3A : i32
        %mul3A_124 = arith.constant 128 : i32
        %mul3A_125 = arith.muli %sub3A_123, %mul3A_124 : i32
        %add3A_126 = arith.addi %mul3A_2, %mul3A_125 : i32
        %add3A_127 = arith.addi %mul3A_4, %add3A_126 : i32
        "tpu.region"() ({
          %run_scoped3A = tpu.sem_alloc : memref<!tpu.dma_semaphore, #tpu.memory_space<semaphore_mem>>
          %dma_start3A_131 = tpu.memref_slice %arg3[%add3A_127] : memref<320000xi32, #tpu.memory_space<hbm>> -> memref<128xi32, #tpu.memory_space<hbm>>
          %dma_start3A_132 = tpu.memref_slice %arg3[%add3A_127] : memref<320000xi32, #tpu.memory_space<hbm>> -> memref<128xi32, #tpu.memory_space<hbm>>
          tpu.enqueue_dma source(%dma_start3A_132 : memref<128xi32, #tpu.memory_space<hbm>>) target(%arg7 : memref<128xi32, #tpu.memory_space<vmem>>) target_semaphore(%run_scoped3A : memref<!tpu.dma_semaphore, #tpu.memory_space<semaphore_mem>>)
          %dma_wait3A_133 = tpu.memref_slice %arg3[%add3A_127] : memref<320000xi32, #tpu.memory_space<hbm>> -> memref<128xi32, #tpu.memory_space<hbm>>
          %dma_wait3A_134 = tpu.memref_slice %arg3[%add3A_127] : memref<320000xi32, #tpu.memory_space<hbm>> -> memref<128xi32, #tpu.memory_space<hbm>>
          tpu.wait_dma2 semaphore(%run_scoped3A : memref<!tpu.dma_semaphore, #tpu.memory_space<semaphore_mem>>) src(%dma_wait3A_134 : memref<128xi32, #tpu.memory_space<hbm>>) dst(%arg7 : memref<128xi32, #tpu.memory_space<vmem>>)
          tpu.yield
        }) : () -> ()
        "tpu.region"() ({
          %run_scoped3A = tpu.sem_alloc : memref<!tpu.dma_semaphore, #tpu.memory_space<semaphore_mem>>
          %dma_start3A_131 = tpu.memref_slice %arg4[%add3A_126] : memref<160000xi32, #tpu.memory_space<hbm>> -> memref<128xi32, #tpu.memory_space<hbm>>
          %dma_start3A_132 = tpu.memref_slice %arg4[%add3A_126] : memref<160000xi32, #tpu.memory_space<hbm>> -> memref<128xi32, #tpu.memory_space<hbm>>
          tpu.enqueue_dma source(%dma_start3A_132 : memref<128xi32, #tpu.memory_space<hbm>>) target(%arg10 : memref<128xi32, #tpu.memory_space<vmem>>) target_semaphore(%run_scoped3A : memref<!tpu.dma_semaphore, #tpu.memory_space<semaphore_mem>>)
          %dma_wait3A_133 = tpu.memref_slice %arg4[%add3A_126] : memref<160000xi32, #tpu.memory_space<hbm>> -> memref<128xi32, #tpu.memory_space<hbm>>
          %dma_wait3A_134 = tpu.memref_slice %arg4[%add3A_126] : memref<160000xi32, #tpu.memory_space<hbm>> -> memref<128xi32, #tpu.memory_space<hbm>>
          tpu.wait_dma2 semaphore(%run_scoped3A : memref<!tpu.dma_semaphore, #tpu.memory_space<semaphore_mem>>) src(%dma_wait3A_134 : memref<128xi32, #tpu.memory_space<hbm>>) dst(%arg10 : memref<128xi32, #tpu.memory_space<vmem>>)
          tpu.yield
        }) : () -> ()
        %dma_start3A_128 = arith.constant 0 : i32
        %dma_start3A_129 = arith.constant 0 : i32
        %dma_start3A_130 = tpu.memref_slice %arg2[%dma_start3A_128, %dma_start3A_129] : memref<20000x128xf32, #tpu.memory_space<hbm>> -> memref<20000x128xf32, #tpu.memory_space<hbm>>
        tpu.enqueue_indirect_dma source(%dma_start3A_130 : memref<20000x128xf32, #tpu.memory_space<hbm>>) target(%arg13 : memref<128x128xf32, #tpu.memory_space<vmem>>) offsets(%arg7 : memref<128xi32, #tpu.memory_space<vmem>>) semaphore(%arg18 : memref<!tpu.dma_semaphore, #tpu.memory_space<semaphore_mem>>)
      } else {
      }
      %eq3A_94 = arith.constant 0 : i32
      %eq3A_95 = arith.cmpi eq, %scan3A_52, %eq3A_94 : i32
      %and3A_96 = arith.constant false
      %and3A_97 = arith.andi %eq3A_95, %and3A_96 : i1
      %lt3A_98 = arith.constant 25 : i32
      %lt3A_99 = arith.cmpi slt, %scan3A_52, %lt3A_98 : i32
      %or3A_100 = arith.constant false
      %or3A_101 = arith.ori %lt3A_99, %or3A_100 : i1
      %dma_wait3A_102 = arith.constant 0 : i32
      %dma_wait3A_103 = arith.constant 0 : i32
      %dma_wait3A_104 = tpu.memref_slice %arg2[%dma_wait3A_102, %dma_wait3A_103] : memref<20000x128xf32, #tpu.memory_space<hbm>> -> memref<20000x128xf32, #tpu.memory_space<hbm>>
      tpu.wait_indirect_dma semaphore(%arg20 : memref<!tpu.dma_semaphore, #tpu.memory_space<semaphore_mem>>) src(%dma_wait3A_104 : memref<20000x128xf32, #tpu.memory_space<hbm>>) dst(%arg15 : memref<128x128xf32, #tpu.memory_space<vmem>>)
      %dma_start3A_105 = arith.constant 0 : i32
      %dma_start3A_106 = arith.constant 0 : i32
      %dma_start3A_107 = tpu.memref_slice %arg6[%dma_start3A_105, %dma_start3A_106] : memref<10000x128xf32, #tpu.memory_space<vmem_shared>> -> memref<10000x128xf32, #tpu.memory_space<vmem_shared>>
      tpu.enqueue_indirect_dma source(%arg15 : memref<128x128xf32, #tpu.memory_space<vmem>>) target(%dma_start3A_107 : memref<10000x128xf32, #tpu.memory_space<vmem_shared>>) offsets(%arg12 : memref<128xi32, #tpu.memory_space<vmem>>) semaphore(%arg23 : memref<!tpu.dma_semaphore, #tpu.memory_space<semaphore_mem>>) {add = true}
      %not3A_108 = arith.constant true
      %not3A_109 = arith.xori %and3A_97, %not3A_108 : i1
      %convert_element_type3A_110 = arith.extui %not3A_109 : i1 to i32
      %cond3A_111 = arith.constant 0 : i32
      %cond3A_112 = arith.cmpi ne, %convert_element_type3A_110, %cond3A_111 : i32
      scf.if %cond3A_112 {
        %dma_wait3A_117 = arith.constant 0 : i32
        %dma_wait3A_118 = arith.constant 0 : i32
        %dma_wait3A_119 = tpu.memref_slice %arg6[%dma_wait3A_117, %dma_wait3A_118] : memref<10000x128xf32, #tpu.memory_space<vmem_shared>> -> memref<10000x128xf32, #tpu.memory_space<vmem_shared>>
        tpu.wait_indirect_dma semaphore(%arg22 : memref<!tpu.dma_semaphore, #tpu.memory_space<semaphore_mem>>) src(%arg14 : memref<128x128xf32, #tpu.memory_space<vmem>>) dst(%dma_wait3A_119 : memref<10000x128xf32, #tpu.memory_space<vmem_shared>>)
      } else {
      }
      %convert_element_type3A_113 = arith.extui %or3A_101 : i1 to i32
      %cond3A_114 = arith.constant 0 : i32
      %cond3A_115 = arith.cmpi ne, %convert_element_type3A_113, %cond3A_114 : i32
      scf.if %cond3A_115 {
        %mul3A_117 = arith.constant 3 : i32
        %mul3A_118 = arith.muli %mul3A_117, %scan3A_52 : i32
        %add3A_119 = arith.constant 2 : i32
        %add3A_120 = arith.addi %mul3A_118, %add3A_119 : i32
        %add3A_121 = arith.constant 3 : i32
        %add3A_122 = arith.addi %add3A_120, %add3A_121 : i32
        %sub3A = arith.constant 1 : i32
        %sub3A_123 = arith.subi %add3A_122, %sub3A : i32
        %mul3A_124 = arith.constant 128 : i32
        %mul3A_125 = arith.muli %sub3A_123, %mul3A_124 : i32
        %add3A_126 = arith.addi %mul3A_2, %mul3A_125 : i32
        %add3A_127 = arith.addi %mul3A_4, %add3A_126 : i32
        "tpu.region"() ({
          %run_scoped3A = tpu.sem_alloc : memref<!tpu.dma_semaphore, #tpu.memory_space<semaphore_mem>>
          %dma_start3A_131 = tpu.memref_slice %arg3[%add3A_127] : memref<320000xi32, #tpu.memory_space<hbm>> -> memref<128xi32, #tpu.memory_space<hbm>>
          %dma_start3A_132 = tpu.memref_slice %arg3[%add3A_127] : memref<320000xi32, #tpu.memory_space<hbm>> -> memref<128xi32, #tpu.memory_space<hbm>>
          tpu.enqueue_dma source(%dma_start3A_132 : memref<128xi32, #tpu.memory_space<hbm>>) target(%arg8 : memref<128xi32, #tpu.memory_space<vmem>>) target_semaphore(%run_scoped3A : memref<!tpu.dma_semaphore, #tpu.memory_space<semaphore_mem>>)
          %dma_wait3A_133 = tpu.memref_slice %arg3[%add3A_127] : memref<320000xi32, #tpu.memory_space<hbm>> -> memref<128xi32, #tpu.memory_space<hbm>>
          %dma_wait3A_134 = tpu.memref_slice %arg3[%add3A_127] : memref<320000xi32, #tpu.memory_space<hbm>> -> memref<128xi32, #tpu.memory_space<hbm>>
          tpu.wait_dma2 semaphore(%run_scoped3A : memref<!tpu.dma_semaphore, #tpu.memory_space<semaphore_mem>>) src(%dma_wait3A_134 : memref<128xi32, #tpu.memory_space<hbm>>) dst(%arg8 : memref<128xi32, #tpu.memory_space<vmem>>)
          tpu.yield
        }) : () -> ()
        "tpu.region"() ({
          %run_scoped3A = tpu.sem_alloc : memref<!tpu.dma_semaphore, #tpu.memory_space<semaphore_mem>>
          %dma_start3A_131 = tpu.memref_slice %arg4[%add3A_126] : memref<160000xi32, #tpu.memory_space<hbm>> -> memref<128xi32, #tpu.memory_space<hbm>>
          %dma_start3A_132 = tpu.memref_slice %arg4[%add3A_126] : memref<160000xi32, #tpu.memory_space<hbm>> -> memref<128xi32, #tpu.memory_space<hbm>>
          tpu.enqueue_dma source(%dma_start3A_132 : memref<128xi32, #tpu.memory_space<hbm>>) target(%arg11 : memref<128xi32, #tpu.memory_space<vmem>>) target_semaphore(%run_scoped3A : memref<!tpu.dma_semaphore, #tpu.memory_space<semaphore_mem>>)
          %dma_wait3A_133 = tpu.memref_slice %arg4[%add3A_126] : memref<160000xi32, #tpu.memory_space<hbm>> -> memref<128xi32, #tpu.memory_space<hbm>>
          %dma_wait3A_134 = tpu.memref_slice %arg4[%add3A_126] : memref<160000xi32, #tpu.memory_space<hbm>> -> memref<128xi32, #tpu.memory_space<hbm>>
          tpu.wait_dma2 semaphore(%run_scoped3A : memref<!tpu.dma_semaphore, #tpu.memory_space<semaphore_mem>>) src(%dma_wait3A_134 : memref<128xi32, #tpu.memory_space<hbm>>) dst(%arg11 : memref<128xi32, #tpu.memory_space<vmem>>)
          tpu.yield
        }) : () -> ()
        %dma_start3A_128 = arith.constant 0 : i32
        %dma_start3A_129 = arith.constant 0 : i32
        %dma_start3A_130 = tpu.memref_slice %arg2[%dma_start3A_128, %dma_start3A_129] : memref<20000x128xf32, #tpu.memory_space<hbm>> -> memref<20000x128xf32, #tpu.memory_space<hbm>>
        tpu.enqueue_indirect_dma source(%dma_start3A_130 : memref<20000x128xf32, #tpu.memory_space<hbm>>) target(%arg14 : memref<128x128xf32, #tpu.memory_space<vmem>>) offsets(%arg8 : memref<128xi32, #tpu.memory_space<vmem>>) semaphore(%arg19 : memref<!tpu.dma_semaphore, #tpu.memory_space<semaphore_mem>>)
      } else {
      }
      %scan3A_116 = arith.constant 0 : i32
      scf.yield %scan3A_116 : i32
    }
    %scan3A_25 = arith.constant 26 : i32
    %dma_wait3A = arith.constant 0 : i32
    %dma_wait3A_26 = arith.constant 0 : i32
    %dma_wait3A_27 = tpu.memref_slice %arg6[%dma_wait3A, %dma_wait3A_26] : memref<10000x128xf32, #tpu.memory_space<vmem_shared>> -> memref<10000x128xf32, #tpu.memory_space<vmem_shared>>
    tpu.wait_indirect_dma semaphore(%arg23 : memref<!tpu.dma_semaphore, #tpu.memory_space<semaphore_mem>>) src(%arg15 : memref<128x128xf32, #tpu.memory_space<vmem>>) dst(%dma_wait3A_27 : memref<10000x128xf32, #tpu.memory_space<vmem_shared>>)
    %add3A_28 = arith.constant 9984 : i32
    %add3A_29 = arith.addi %mul3A_2, %add3A_28 : i32
    %add3A_30 = arith.addi %mul3A_4, %add3A_29 : i32
    "tpu.region"() ({
      %run_scoped3A = tpu.sem_alloc : memref<!tpu.dma_semaphore, #tpu.memory_space<semaphore_mem>>
      %dma_start3A_52 = tpu.memref_slice %arg3[%add3A_30] : memref<320000xi32, #tpu.memory_space<hbm>> -> memref<16xi32, #tpu.memory_space<hbm>>
      %dma_start3A_53 = tpu.memref_slice %arg3[%add3A_30] : memref<320000xi32, #tpu.memory_space<hbm>> -> memref<16xi32, #tpu.memory_space<hbm>>
      tpu.enqueue_dma source(%dma_start3A_53 : memref<16xi32, #tpu.memory_space<hbm>>) target(%arg16 : memref<16xi32, #tpu.memory_space<vmem>>) target_semaphore(%run_scoped3A : memref<!tpu.dma_semaphore, #tpu.memory_space<semaphore_mem>>)
      %dma_wait3A_54 = tpu.memref_slice %arg3[%add3A_30] : memref<320000xi32, #tpu.memory_space<hbm>> -> memref<16xi32, #tpu.memory_space<hbm>>
      %dma_wait3A_55 = tpu.memref_slice %arg3[%add3A_30] : memref<320000xi32, #tpu.memory_space<hbm>> -> memref<16xi32, #tpu.memory_space<hbm>>
      tpu.wait_dma2 semaphore(%run_scoped3A : memref<!tpu.dma_semaphore, #tpu.memory_space<semaphore_mem>>) src(%dma_wait3A_55 : memref<16xi32, #tpu.memory_space<hbm>>) dst(%arg16 : memref<16xi32, #tpu.memory_space<vmem>>)
      tpu.yield
    }) : () -> ()
    "tpu.region"() ({
      %run_scoped3A = tpu.sem_alloc : memref<!tpu.dma_semaphore, #tpu.memory_space<semaphore_mem>>
      %dma_start3A_52 = tpu.memref_slice %arg4[%add3A_29] : memref<160000xi32, #tpu.memory_space<hbm>> -> memref<16xi32, #tpu.memory_space<hbm>>
      %dma_start3A_53 = tpu.memref_slice %arg4[%add3A_29] : memref<160000xi32, #tpu.memory_space<hbm>> -> memref<16xi32, #tpu.memory_space<hbm>>
      tpu.enqueue_dma source(%dma_start3A_53 : memref<16xi32, #tpu.memory_space<hbm>>) target(%arg17 : memref<16xi32, #tpu.memory_space<vmem>>) target_semaphore(%run_scoped3A : memref<!tpu.dma_semaphore, #tpu.memory_space<semaphore_mem>>)
      %dma_wait3A_54 = tpu.memref_slice %arg4[%add3A_29] : memref<160000xi32, #tpu.memory_space<hbm>> -> memref<16xi32, #tpu.memory_space<hbm>>
      %dma_wait3A_55 = tpu.memref_slice %arg4[%add3A_29] : memref<160000xi32, #tpu.memory_space<hbm>> -> memref<16xi32, #tpu.memory_space<hbm>>
      tpu.wait_dma2 semaphore(%run_scoped3A : memref<!tpu.dma_semaphore, #tpu.memory_space<semaphore_mem>>) src(%dma_wait3A_55 : memref<16xi32, #tpu.memory_space<hbm>>) dst(%arg17 : memref<16xi32, #tpu.memory_space<vmem>>)
      tpu.yield
    }) : () -> ()
    %dma_start3A_31 = arith.constant 0 : i32
    %dma_start3A_32 = arith.constant 0 : i32
    %dma_start3A_33 = tpu.memref_slice %arg13[%dma_start3A_31, %dma_start3A_32] : memref<128x128xf32, #tpu.memory_space<vmem>> -> memref<16x128xf32, #tpu.memory_space<vmem>>
    %dma_start3A_34 = arith.constant 0 : i32
    %dma_start3A_35 = arith.constant 0 : i32
    %dma_start3A_36 = tpu.memref_slice %arg2[%dma_start3A_34, %dma_start3A_35] : memref<20000x128xf32, #tpu.memory_space<hbm>> -> memref<20000x128xf32, #tpu.memory_space<hbm>>
    tpu.enqueue_indirect_dma source(%dma_start3A_36 : memref<20000x128xf32, #tpu.memory_space<hbm>>) target(%dma_start3A_33 : memref<16x128xf32, #tpu.memory_space<vmem>>) offsets(%arg16 : memref<16xi32, #tpu.memory_space<vmem>>) semaphore(%arg18 : memref<!tpu.dma_semaphore, #tpu.memory_space<semaphore_mem>>)
    %dma_wait3A_37 = arith.constant 0 : i32
    %dma_wait3A_38 = arith.constant 0 : i32
    %dma_wait3A_39 = tpu.memref_slice %arg13[%dma_wait3A_37, %dma_wait3A_38] : memref<128x128xf32, #tpu.memory_space<vmem>> -> memref<16x128xf32, #tpu.memory_space<vmem>>
    %dma_wait3A_40 = arith.constant 0 : i32
    %dma_wait3A_41 = arith.constant 0 : i32
    %dma_wait3A_42 = tpu.memref_slice %arg2[%dma_wait3A_40, %dma_wait3A_41] : memref<20000x128xf32, #tpu.memory_space<hbm>> -> memref<20000x128xf32, #tpu.memory_space<hbm>>
    tpu.wait_indirect_dma semaphore(%arg18 : memref<!tpu.dma_semaphore, #tpu.memory_space<semaphore_mem>>) src(%dma_wait3A_42 : memref<20000x128xf32, #tpu.memory_space<hbm>>) dst(%dma_wait3A_39 : memref<16x128xf32, #tpu.memory_space<vmem>>)
    "tpu.region"() ({
      %run_scoped3A = tpu.sem_alloc : memref<!tpu.dma_semaphore, #tpu.memory_space<semaphore_mem>>
      %dma_start3A_52 = arith.constant 0 : i32
      %dma_start3A_53 = arith.constant 0 : i32
      %dma_start3A_54 = tpu.memref_slice %arg13[%dma_start3A_52, %dma_start3A_53] : memref<128x128xf32, #tpu.memory_space<vmem>> -> memref<16x128xf32, #tpu.memory_space<vmem>>
      %dma_start3A_55 = arith.constant 0 : i32
      %dma_start3A_56 = arith.constant 0 : i32
      %dma_start3A_57 = tpu.memref_slice %arg6[%dma_start3A_55, %dma_start3A_56] : memref<10000x128xf32, #tpu.memory_space<vmem_shared>> -> memref<10000x128xf32, #tpu.memory_space<vmem_shared>>
      tpu.enqueue_indirect_dma source(%dma_start3A_54 : memref<16x128xf32, #tpu.memory_space<vmem>>) target(%dma_start3A_57 : memref<10000x128xf32, #tpu.memory_space<vmem_shared>>) offsets(%arg17 : memref<16xi32, #tpu.memory_space<vmem>>) semaphore(%run_scoped3A : memref<!tpu.dma_semaphore, #tpu.memory_space<semaphore_mem>>) {add = true}
      %dma_wait3A_58 = arith.constant 0 : i32
      %dma_wait3A_59 = arith.constant 0 : i32
      %dma_wait3A_60 = tpu.memref_slice %arg13[%dma_wait3A_58, %dma_wait3A_59] : memref<128x128xf32, #tpu.memory_space<vmem>> -> memref<16x128xf32, #tpu.memory_space<vmem>>
      %dma_wait3A_61 = arith.constant 0 : i32
      %dma_wait3A_62 = arith.constant 0 : i32
      %dma_wait3A_63 = tpu.memref_slice %arg6[%dma_wait3A_61, %dma_wait3A_62] : memref<10000x128xf32, #tpu.memory_space<vmem_shared>> -> memref<10000x128xf32, #tpu.memory_space<vmem_shared>>
      tpu.wait_indirect_dma semaphore(%run_scoped3A : memref<!tpu.dma_semaphore, #tpu.memory_space<semaphore_mem>>) src(%dma_wait3A_60 : memref<16x128xf32, #tpu.memory_space<vmem>>) dst(%dma_wait3A_63 : memref<10000x128xf32, #tpu.memory_space<vmem_shared>>)
      tpu.yield
    }) : () -> ()
    %barrier3A_43 = arith.constant 0 : index
    tpu.barrier barrier_id(%barrier3A_43)
    %mul3A_44 = arith.constant 10000 : i32
    %mul3A_45 = arith.muli %arg0, %mul3A_44 : i32
    %add3A_46 = arith.addi %mul3A_45, %mul3A_0 : i32
    "tpu.region"() ({
      %run_scoped3A = tpu.sem_alloc : memref<!tpu.dma_semaphore, #tpu.memory_space<semaphore_mem>>
      %dma_start3A_52 = arith.constant 0 : i32
      %dma_start3A_53 = tpu.memref_slice %arg5[%add3A_46, %dma_start3A_52] : memref<20000x128xf32, #tpu.memory_space<hbm>> -> memref<624x128xf32, #tpu.memory_space<hbm>>
      %dma_start3A_54 = arith.constant 0 : i32
      %dma_start3A_55 = tpu.memref_slice %arg6[%mul3A_0, %dma_start3A_54] : memref<10000x128xf32, #tpu.memory_space<vmem_shared>> -> memref<624x128xf32, #tpu.memory_space<vmem_shared>>
      tpu.enqueue_dma source(%dma_start3A_55 : memref<624x128xf32, #tpu.memory_space<vmem_shared>>) target(%dma_start3A_53 : memref<624x128xf32, #tpu.memory_space<hbm>>) target_semaphore(%run_scoped3A : memref<!tpu.dma_semaphore, #tpu.memory_space<semaphore_mem>>)
      %dma_wait3A_56 = arith.constant 0 : i32
      %dma_wait3A_57 = tpu.memref_slice %arg5[%add3A_46, %dma_wait3A_56] : memref<20000x128xf32, #tpu.memory_space<hbm>> -> memref<624x128xf32, #tpu.memory_space<hbm>>
      %dma_wait3A_58 = arith.constant 0 : i32
      %dma_wait3A_59 = tpu.memref_slice %arg6[%mul3A_0, %dma_wait3A_58] : memref<10000x128xf32, #tpu.memory_space<vmem_shared>> -> memref<624x128xf32, #tpu.memory_space<vmem_shared>>
      tpu.wait_dma2 semaphore(%run_scoped3A : memref<!tpu.dma_semaphore, #tpu.memory_space<semaphore_mem>>) src(%dma_wait3A_59 : memref<624x128xf32, #tpu.memory_space<vmem_shared>>) dst(%dma_wait3A_57 : memref<624x128xf32, #tpu.memory_space<hbm>>)
      tpu.yield
    }) : () -> ()
    %eq3A_47 = arith.constant 15 : i32
    %eq3A_48 = arith.cmpi eq, %arg1, %eq3A_47 : i32
    %convert_element_type3A_49 = arith.extui %eq3A_48 : i1 to i32
    %cond3A_50 = arith.constant 0 : i32
    %cond3A_51 = arith.cmpi ne, %convert_element_type3A_49, %cond3A_50 : i32
    scf.if %cond3A_51 {
      %mul3A_52 = arith.constant 10000 : i32
      %mul3A_53 = arith.muli %arg0, %mul3A_52 : i32
      %add3A_54 = arith.constant 9984 : i32
      %add3A_55 = arith.addi %mul3A_53, %add3A_54 : i32
      "tpu.region"() ({
        %run_scoped3A = tpu.sem_alloc : memref<!tpu.dma_semaphore, #tpu.memory_space<semaphore_mem>>
        %dma_start3A_56 = arith.constant 0 : i32
        %dma_start3A_57 = tpu.memref_slice %arg5[%add3A_55, %dma_start3A_56] : memref<20000x128xf32, #tpu.memory_space<hbm>> -> memref<16x128xf32, #tpu.memory_space<hbm>>
        %dma_start3A_58 = arith.constant 9984 : i32
        %dma_start3A_59 = arith.constant 0 : i32
        %dma_start3A_60 = tpu.memref_slice %arg6[%dma_start3A_58, %dma_start3A_59] : memref<10000x128xf32, #tpu.memory_space<vmem_shared>> -> memref<16x128xf32, #tpu.memory_space<vmem_shared>>
        tpu.enqueue_dma source(%dma_start3A_60 : memref<16x128xf32, #tpu.memory_space<vmem_shared>>) target(%dma_start3A_57 : memref<16x128xf32, #tpu.memory_space<hbm>>) target_semaphore(%run_scoped3A : memref<!tpu.dma_semaphore, #tpu.memory_space<semaphore_mem>>)
        %dma_wait3A_61 = arith.constant 0 : i32
        %dma_wait3A_62 = tpu.memref_slice %arg5[%add3A_55, %dma_wait3A_61] : memref<20000x128xf32, #tpu.memory_space<hbm>> -> memref<16x128xf32, #tpu.memory_space<hbm>>
        %dma_wait3A_63 = arith.constant 9984 : i32
        %dma_wait3A_64 = arith.constant 0 : i32
        %dma_wait3A_65 = tpu.memref_slice %arg6[%dma_wait3A_63, %dma_wait3A_64] : memref<10000x128xf32, #tpu.memory_space<vmem_shared>> -> memref<16x128xf32, #tpu.memory_space<vmem_shared>>
        tpu.wait_dma2 semaphore(%run_scoped3A : memref<!tpu.dma_semaphore, #tpu.memory_space<semaphore_mem>>) src(%dma_wait3A_65 : memref<16x128xf32, #tpu.memory_space<vmem_shared>>) dst(%dma_wait3A_62 : memref<16x128xf32, #tpu.memory_space<hbm>>)
        tpu.yield
      }) : () -> ()
    } else {
    }
    return
  }
}

#map = affine_map<(d0, d1) -> (0, 0)>
#map1 = affine_map<(d0, d1) -> (0)>
module attributes {stable_mosaic.version = 14 : i64} {
  func.func @_scatter_body(%arg0: i32, %arg1: i32, %arg2: memref<20000x128xf32, #tpu.memory_space<hbm>>, %arg3: memref<320000xi32, #tpu.memory_space<hbm>>, %arg4: memref<160000xi32, #tpu.memory_space<hbm>>, %arg5: memref<20000x128xf32, #tpu.memory_space<hbm>>, %arg6: memref<10000x128xf32, #tpu.memory_space<vmem_shared>>, %arg7: memref<128xi32, #tpu.memory_space<vmem>>, %arg8: memref<128xi32, #tpu.memory_space<vmem>>, %arg9: memref<128xi32, #tpu.memory_space<vmem>>, %arg10: memref<128xi32, #tpu.memory_space<vmem>>, %arg11: memref<128xi32, #tpu.memory_space<vmem>>, %arg12: memref<128xi32, #tpu.memory_space<vmem>>, %arg13: memref<128x128xf32, #tpu.memory_space<vmem>>, %arg14: memref<128x128xf32, #tpu.memory_space<vmem>>, %arg15: memref<128x128xf32, #tpu.memory_space<vmem>>, %arg16: memref<16xi32, #tpu.memory_space<vmem>>, %arg17: memref<16xi32, #tpu.memory_space<vmem>>, %arg18: memref<!tpu.dma_semaphore, #tpu.memory_space<semaphore_mem>>, %arg19: memref<!tpu.dma_semaphore, #tpu.memory_space<semaphore_mem>>, %arg20: memref<!tpu.dma_semaphore, #tpu.memory_space<semaphore_mem>>, %arg21: memref<!tpu.dma_semaphore, #tpu.memory_space<semaphore_mem>>, %arg22: memref<!tpu.dma_semaphore, #tpu.memory_space<semaphore_mem>>, %arg23: memref<!tpu.dma_semaphore, #tpu.memory_space<semaphore_mem>>) attributes {dimension_semantics = [#tpu.dimension_semantics<core_parallel>, #tpu.dimension_semantics<subcore_parallel>], iteration_bounds = array<i64: 2, 16>, scalar_prefetch = 0 : i64, scratch_operands = 18 : i64, tpu.core_type = #tpu.core_type<sc_vector_subcore>, window_params = [{transform_indices = #map}, {transform_indices = #map1}, {transform_indices = #map1}, {transform_indices = #map}]} {
    %mul3A = arith.constant 624 : i32
    %mul3A_0 = arith.muli %arg1, %mul3A : i32
    %mul3A_1 = arith.constant 10000 : i32
    %mul3A_2 = arith.muli %arg1, %mul3A_1 : i32
    %mul3A_3 = arith.constant 160000 : i32
    %mul3A_4 = arith.muli %arg0, %mul3A_3 : i32
    %add3A = arith.constant 0 : i32
    %add3A_5 = arith.addi %mul3A_2, %add3A : i32
    %add3A_6 = arith.addi %mul3A_4, %add3A_5 : i32
    "tpu.region"() ({
      %run_scoped3A = tpu.sem_alloc : memref<!tpu.dma_semaphore, #tpu.memory_space<semaphore_mem>>
      %dma_start3A_52 = tpu.memref_slice %arg3[%add3A_6] : memref<320000xi32, #tpu.memory_space<hbm>> -> memref<128xi32, #tpu.memory_space<hbm>>
      %dma_start3A_53 = tpu.memref_slice %arg3[%add3A_6] : memref<320000xi32, #tpu.memory_space<hbm>> -> memref<128xi32, #tpu.memory_space<hbm>>
      tpu.enqueue_dma source(%dma_start3A_53 : memref<128xi32, #tpu.memory_space<hbm>>) target(%arg7 : memref<128xi32, #tpu.memory_space<vmem>>) target_semaphore(%run_scoped3A : memref<!tpu.dma_semaphore, #tpu.memory_space<semaphore_mem>>)
      %dma_wait3A_54 = tpu.memref_slice %arg3[%add3A_6] : memref<320000xi32, #tpu.memory_space<hbm>> -> memref<128xi32, #tpu.memory_space<hbm>>
      %dma_wait3A_55 = tpu.memref_slice %arg3[%add3A_6] : memref<320000xi32, #tpu.memory_space<hbm>> -> memref<128xi32, #tpu.memory_space<hbm>>
      tpu.wait_dma2 semaphore(%run_scoped3A : memref<!tpu.dma_semaphore, #tpu.memory_space<semaphore_mem>>) src(%dma_wait3A_55 : memref<128xi32, #tpu.memory_space<hbm>>) dst(%arg7 : memref<128xi32, #tpu.memory_space<vmem>>)
      tpu.yield
    }) : () -> ()
    "tpu.region"() ({
      %run_scoped3A = tpu.sem_alloc : memref<!tpu.dma_semaphore, #tpu.memory_space<semaphore_mem>>
      %dma_start3A_52 = tpu.memref_slice %arg4[%add3A_5] : memref<160000xi32, #tpu.memory_space<hbm>> -> memref<128xi32, #tpu.memory_space<hbm>>
      %dma_start3A_53 = tpu.memref_slice %arg4[%add3A_5] : memref<160000xi32, #tpu.memory_space<hbm>> -> memref<128xi32, #tpu.memory_space<hbm>>
      tpu.enqueue_dma source(%dma_start3A_53 : memref<128xi32, #tpu.memory_space<hbm>>) target(%arg10 : memref<128xi32, #tpu.memory_space<vmem>>) target_semaphore(%run_scoped3A : memref<!tpu.dma_semaphore, #tpu.memory_space<semaphore_mem>>)
      %dma_wait3A_54 = tpu.memref_slice %arg4[%add3A_5] : memref<160000xi32, #tpu.memory_space<hbm>> -> memref<128xi32, #tpu.memory_space<hbm>>
      %dma_wait3A_55 = tpu.memref_slice %arg4[%add3A_5] : memref<160000xi32, #tpu.memory_space<hbm>> -> memref<128xi32, #tpu.memory_space<hbm>>
      tpu.wait_dma2 semaphore(%run_scoped3A : memref<!tpu.dma_semaphore, #tpu.memory_space<semaphore_mem>>) src(%dma_wait3A_55 : memref<128xi32, #tpu.memory_space<hbm>>) dst(%arg10 : memref<128xi32, #tpu.memory_space<vmem>>)
      tpu.yield
    }) : () -> ()
    %dma_start3A = arith.constant 0 : i32
    %dma_start3A_7 = arith.constant 0 : i32
    %dma_start3A_8 = tpu.memref_slice %arg2[%dma_start3A, %dma_start3A_7] : memref<20000x128xf32, #tpu.memory_space<hbm>> -> memref<20000x128xf32, #tpu.memory_space<hbm>>
    tpu.enqueue_indirect_dma source(%dma_start3A_8 : memref<20000x128xf32, #tpu.memory_space<hbm>>) target(%arg13 : memref<128x128xf32, #tpu.memory_space<vmem>>) offsets(%arg7 : memref<128xi32, #tpu.memory_space<vmem>>) semaphore(%arg18 : memref<!tpu.dma_semaphore, #tpu.memory_space<semaphore_mem>>)
    %add3A_9 = arith.constant 128 : i32
    %add3A_10 = arith.addi %mul3A_2, %add3A_9 : i32
    %add3A_11 = arith.addi %mul3A_4, %add3A_10 : i32
    "tpu.region"() ({
      %run_scoped3A = tpu.sem_alloc : memref<!tpu.dma_semaphore, #tpu.memory_space<semaphore_mem>>
      %dma_start3A_52 = tpu.memref_slice %arg3[%add3A_11] : memref<320000xi32, #tpu.memory_space<hbm>> -> memref<128xi32, #tpu.memory_space<hbm>>
      %dma_start3A_53 = tpu.memref_slice %arg3[%add3A_11] : memref<320000xi32, #tpu.memory_space<hbm>> -> memref<128xi32, #tpu.memory_space<hbm>>
      tpu.enqueue_dma source(%dma_start3A_53 : memref<128xi32, #tpu.memory_space<hbm>>) target(%arg8 : memref<128xi32, #tpu.memory_space<vmem>>) target_semaphore(%run_scoped3A : memref<!tpu.dma_semaphore, #tpu.memory_space<semaphore_mem>>)
      %dma_wait3A_54 = tpu.memref_slice %arg3[%add3A_11] : memref<320000xi32, #tpu.memory_space<hbm>> -> memref<128xi32, #tpu.memory_space<hbm>>
      %dma_wait3A_55 = tpu.memref_slice %arg3[%add3A_11] : memref<320000xi32, #tpu.memory_space<hbm>> -> memref<128xi32, #tpu.memory_space<hbm>>
      tpu.wait_dma2 semaphore(%run_scoped3A : memref<!tpu.dma_semaphore, #tpu.memory_space<semaphore_mem>>) src(%dma_wait3A_55 : memref<128xi32, #tpu.memory_space<hbm>>) dst(%arg8 : memref<128xi32, #tpu.memory_space<vmem>>)
      tpu.yield
    }) : () -> ()
    "tpu.region"() ({
      %run_scoped3A = tpu.sem_alloc : memref<!tpu.dma_semaphore, #tpu.memory_space<semaphore_mem>>
      %dma_start3A_52 = tpu.memref_slice %arg4[%add3A_10] : memref<160000xi32, #tpu.memory_space<hbm>> -> memref<128xi32, #tpu.memory_space<hbm>>
      %dma_start3A_53 = tpu.memref_slice %arg4[%add3A_10] : memref<160000xi32, #tpu.memory_space<hbm>> -> memref<128xi32, #tpu.memory_space<hbm>>
      tpu.enqueue_dma source(%dma_start3A_53 : memref<128xi32, #tpu.memory_space<hbm>>) target(%arg11 : memref<128xi32, #tpu.memory_space<vmem>>) target_semaphore(%run_scoped3A : memref<!tpu.dma_semaphore, #tpu.memory_space<semaphore_mem>>)
      %dma_wait3A_54 = tpu.memref_slice %arg4[%add3A_10] : memref<160000xi32, #tpu.memory_space<hbm>> -> memref<128xi32, #tpu.memory_space<hbm>>
      %dma_wait3A_55 = tpu.memref_slice %arg4[%add3A_10] : memref<160000xi32, #tpu.memory_space<hbm>> -> memref<128xi32, #tpu.memory_space<hbm>>
      tpu.wait_dma2 semaphore(%run_scoped3A : memref<!tpu.dma_semaphore, #tpu.memory_space<semaphore_mem>>) src(%dma_wait3A_55 : memref<128xi32, #tpu.memory_space<hbm>>) dst(%arg11 : memref<128xi32, #tpu.memory_space<vmem>>)
      tpu.yield
    }) : () -> ()
    %dma_start3A_12 = arith.constant 0 : i32
    %dma_start3A_13 = arith.constant 0 : i32
    %dma_start3A_14 = tpu.memref_slice %arg2[%dma_start3A_12, %dma_start3A_13] : memref<20000x128xf32, #tpu.memory_space<hbm>> -> memref<20000x128xf32, #tpu.memory_space<hbm>>
    tpu.enqueue_indirect_dma source(%dma_start3A_14 : memref<20000x128xf32, #tpu.memory_space<hbm>>) target(%arg14 : memref<128x128xf32, #tpu.memory_space<vmem>>) offsets(%arg8 : memref<128xi32, #tpu.memory_space<vmem>>) semaphore(%arg19 : memref<!tpu.dma_semaphore, #tpu.memory_space<semaphore_mem>>)
    %mul3A_15 = arith.constant 10000 : i32
    %mul3A_16 = arith.muli %arg0, %mul3A_15 : i32
    %add3A_17 = arith.addi %mul3A_16, %mul3A_0 : i32
    "tpu.region"() ({
      %run_scoped3A = tpu.sem_alloc : memref<!tpu.dma_semaphore, #tpu.memory_space<semaphore_mem>>
      %dma_start3A_52 = arith.constant 0 : i32
      %dma_start3A_53 = tpu.memref_slice %arg6[%mul3A_0, %dma_start3A_52] : memref<10000x128xf32, #tpu.memory_space<vmem_shared>> -> memref<624x128xf32, #tpu.memory_space<vmem_shared>>
      %dma_start3A_54 = arith.constant 0 : i32
      %dma_start3A_55 = tpu.memref_slice %arg2[%add3A_17, %dma_start3A_54] : memref<20000x128xf32, #tpu.memory_space<hbm>> -> memref<624x128xf32, #tpu.memory_space<hbm>>
      tpu.enqueue_dma source(%dma_start3A_55 : memref<624x128xf32, #tpu.memory_space<hbm>>) target(%dma_start3A_53 : memref<624x128xf32, #tpu.memory_space<vmem_shared>>) target_semaphore(%run_scoped3A : memref<!tpu.dma_semaphore, #tpu.memory_space<semaphore_mem>>)
      %dma_wait3A_56 = arith.constant 0 : i32
      %dma_wait3A_57 = tpu.memref_slice %arg6[%mul3A_0, %dma_wait3A_56] : memref<10000x128xf32, #tpu.memory_space<vmem_shared>> -> memref<624x128xf32, #tpu.memory_space<vmem_shared>>
      %dma_wait3A_58 = arith.constant 0 : i32
      %dma_wait3A_59 = tpu.memref_slice %arg2[%add3A_17, %dma_wait3A_58] : memref<20000x128xf32, #tpu.memory_space<hbm>> -> memref<624x128xf32, #tpu.memory_space<hbm>>
      tpu.wait_dma2 semaphore(%run_scoped3A : memref<!tpu.dma_semaphore, #tpu.memory_space<semaphore_mem>>) src(%dma_wait3A_59 : memref<624x128xf32, #tpu.memory_space<hbm>>) dst(%dma_wait3A_57 : memref<624x128xf32, #tpu.memory_space<vmem_shared>>)
      tpu.yield
    }) : () -> ()
    %eq3A = arith.constant 15 : i32
    %eq3A_18 = arith.cmpi eq, %arg1, %eq3A : i32
    %convert_element_type3A = arith.extui %eq3A_18 : i1 to i32
    %cond3A = arith.constant 0 : i32
    %cond3A_19 = arith.cmpi ne, %convert_element_type3A, %cond3A : i32
    scf.if %cond3A_19 {
      %mul3A_52 = arith.constant 10000 : i32
      %mul3A_53 = arith.muli %arg0, %mul3A_52 : i32
      %add3A_54 = arith.constant 9984 : i32
      %add3A_55 = arith.addi %mul3A_53, %add3A_54 : i32
      "tpu.region"() ({
        %run_scoped3A = tpu.sem_alloc : memref<!tpu.dma_semaphore, #tpu.memory_space<semaphore_mem>>
        %dma_start3A_56 = arith.constant 9984 : i32
        %dma_start3A_57 = arith.constant 0 : i32
        %dma_start3A_58 = tpu.memref_slice %arg6[%dma_start3A_56, %dma_start3A_57] : memref<10000x128xf32, #tpu.memory_space<vmem_shared>> -> memref<16x128xf32, #tpu.memory_space<vmem_shared>>
        %dma_start3A_59 = arith.constant 0 : i32
        %dma_start3A_60 = tpu.memref_slice %arg2[%add3A_55, %dma_start3A_59] : memref<20000x128xf32, #tpu.memory_space<hbm>> -> memref<16x128xf32, #tpu.memory_space<hbm>>
        tpu.enqueue_dma source(%dma_start3A_60 : memref<16x128xf32, #tpu.memory_space<hbm>>) target(%dma_start3A_58 : memref<16x128xf32, #tpu.memory_space<vmem_shared>>) target_semaphore(%run_scoped3A : memref<!tpu.dma_semaphore, #tpu.memory_space<semaphore_mem>>)
        %dma_wait3A_61 = arith.constant 9984 : i32
        %dma_wait3A_62 = arith.constant 0 : i32
        %dma_wait3A_63 = tpu.memref_slice %arg6[%dma_wait3A_61, %dma_wait3A_62] : memref<10000x128xf32, #tpu.memory_space<vmem_shared>> -> memref<16x128xf32, #tpu.memory_space<vmem_shared>>
        %dma_wait3A_64 = arith.constant 0 : i32
        %dma_wait3A_65 = tpu.memref_slice %arg2[%add3A_55, %dma_wait3A_64] : memref<20000x128xf32, #tpu.memory_space<hbm>> -> memref<16x128xf32, #tpu.memory_space<hbm>>
        tpu.wait_dma2 semaphore(%run_scoped3A : memref<!tpu.dma_semaphore, #tpu.memory_space<semaphore_mem>>) src(%dma_wait3A_65 : memref<16x128xf32, #tpu.memory_space<hbm>>) dst(%dma_wait3A_63 : memref<16x128xf32, #tpu.memory_space<vmem_shared>>)
        tpu.yield
      }) : () -> ()
    } else {
    }
    %barrier3A = arith.constant 0 : index
    tpu.barrier barrier_id(%barrier3A)
    %scan3A = arith.constant 0 : i32
    %scan3A_20 = arith.constant 0 : i32
    %scan3A_21 = arith.constant 26 : i32
    %scan3A_22 = arith.addi %scan3A_20, %scan3A_21 : i32
    %scan3A_23 = arith.constant 1 : i32
    %scan3A_24 = scf.for %scan3A_52 = %scan3A_20 to %scan3A_22 step %scan3A_23 iter_args(%scan3A_53 = %scan3A) -> (i32)  : i32 {
      %eq3A_54 = arith.constant 0 : i32
      %eq3A_55 = arith.cmpi eq, %scan3A_52, %eq3A_54 : i32
      %and3A = arith.constant true
      %and3A_56 = arith.andi %eq3A_55, %and3A : i1
      %lt3A = arith.constant 25 : i32
      %lt3A_57 = arith.cmpi slt, %scan3A_52, %lt3A : i32
      %or3A = arith.constant true
      %or3A_58 = arith.ori %lt3A_57, %or3A : i1
      %dma_wait3A_59 = arith.constant 0 : i32
      %dma_wait3A_60 = arith.constant 0 : i32
      %dma_wait3A_61 = tpu.memref_slice %arg2[%dma_wait3A_59, %dma_wait3A_60] : memref<20000x128xf32, #tpu.memory_space<hbm>> -> memref<20000x128xf32, #tpu.memory_space<hbm>>
      tpu.wait_indirect_dma semaphore(%arg18 : memref<!tpu.dma_semaphore, #tpu.memory_space<semaphore_mem>>) src(%dma_wait3A_61 : memref<20000x128xf32, #tpu.memory_space<hbm>>) dst(%arg13 : memref<128x128xf32, #tpu.memory_space<vmem>>)
      %dma_start3A_62 = arith.constant 0 : i32
      %dma_start3A_63 = arith.constant 0 : i32
      %dma_start3A_64 = tpu.memref_slice %arg6[%dma_start3A_62, %dma_start3A_63] : memref<10000x128xf32, #tpu.memory_space<vmem_shared>> -> memref<10000x128xf32, #tpu.memory_space<vmem_shared>>
      tpu.enqueue_indirect_dma source(%arg13 : memref<128x128xf32, #tpu.memory_space<vmem>>) target(%dma_start3A_64 : memref<10000x128xf32, #tpu.memory_space<vmem_shared>>) offsets(%arg10 : memref<128xi32, #tpu.memory_space<vmem>>) semaphore(%arg21 : memref<!tpu.dma_semaphore, #tpu.memory_space<semaphore_mem>>) {add = true}
      %not3A = arith.constant true
      %not3A_65 = arith.xori %and3A_56, %not3A : i1
      %convert_element_type3A_66 = arith.extui %not3A_65 : i1 to i32
      %cond3A_67 = arith.constant 0 : i32
      %cond3A_68 = arith.cmpi ne, %convert_element_type3A_66, %cond3A_67 : i32
      scf.if %cond3A_68 {
        %dma_wait3A_117 = arith.constant 0 : i32
        %dma_wait3A_118 = arith.constant 0 : i32
        %dma_wait3A_119 = tpu.memref_slice %arg6[%dma_wait3A_117, %dma_wait3A_118] : memref<10000x128xf32, #tpu.memory_space<vmem_shared>> -> memref<10000x128xf32, #tpu.memory_space<vmem_shared>>
        tpu.wait_indirect_dma semaphore(%arg23 : memref<!tpu.dma_semaphore, #tpu.memory_space<semaphore_mem>>) src(%arg15 : memref<128x128xf32, #tpu.memory_space<vmem>>) dst(%dma_wait3A_119 : memref<10000x128xf32, #tpu.memory_space<vmem_shared>>)
      } else {
      }
      %convert_element_type3A_69 = arith.extui %or3A_58 : i1 to i32
      %cond3A_70 = arith.constant 0 : i32
      %cond3A_71 = arith.cmpi ne, %convert_element_type3A_69, %cond3A_70 : i32
      scf.if %cond3A_71 {
        %mul3A_117 = arith.constant 3 : i32
        %mul3A_118 = arith.muli %mul3A_117, %scan3A_52 : i32
        %add3A_119 = arith.constant 0 : i32
        %add3A_120 = arith.addi %mul3A_118, %add3A_119 : i32
        %add3A_121 = arith.constant 3 : i32
        %add3A_122 = arith.addi %add3A_120, %add3A_121 : i32
        %sub3A = arith.constant 1 : i32
        %sub3A_123 = arith.subi %add3A_122, %sub3A : i32
        %mul3A_124 = arith.constant 128 : i32
        %mul3A_125 = arith.muli %sub3A_123, %mul3A_124 : i32
        %add3A_126 = arith.addi %mul3A_2, %mul3A_125 : i32
        %add3A_127 = arith.addi %mul3A_4, %add3A_126 : i32
        "tpu.region"() ({
          %run_scoped3A = tpu.sem_alloc : memref<!tpu.dma_semaphore, #tpu.memory_space<semaphore_mem>>
          %dma_start3A_131 = tpu.memref_slice %arg3[%add3A_127] : memref<320000xi32, #tpu.memory_space<hbm>> -> memref<128xi32, #tpu.memory_space<hbm>>
          %dma_start3A_132 = tpu.memref_slice %arg3[%add3A_127] : memref<320000xi32, #tpu.memory_space<hbm>> -> memref<128xi32, #tpu.memory_space<hbm>>
          tpu.enqueue_dma source(%dma_start3A_132 : memref<128xi32, #tpu.memory_space<hbm>>) target(%arg9 : memref<128xi32, #tpu.memory_space<vmem>>) target_semaphore(%run_scoped3A : memref<!tpu.dma_semaphore, #tpu.memory_space<semaphore_mem>>)
          %dma_wait3A_133 = tpu.memref_slice %arg3[%add3A_127] : memref<320000xi32, #tpu.memory_space<hbm>> -> memref<128xi32, #tpu.memory_space<hbm>>
          %dma_wait3A_134 = tpu.memref_slice %arg3[%add3A_127] : memref<320000xi32, #tpu.memory_space<hbm>> -> memref<128xi32, #tpu.memory_space<hbm>>
          tpu.wait_dma2 semaphore(%run_scoped3A : memref<!tpu.dma_semaphore, #tpu.memory_space<semaphore_mem>>) src(%dma_wait3A_134 : memref<128xi32, #tpu.memory_space<hbm>>) dst(%arg9 : memref<128xi32, #tpu.memory_space<vmem>>)
          tpu.yield
        }) : () -> ()
        "tpu.region"() ({
          %run_scoped3A = tpu.sem_alloc : memref<!tpu.dma_semaphore, #tpu.memory_space<semaphore_mem>>
          %dma_start3A_131 = tpu.memref_slice %arg4[%add3A_126] : memref<160000xi32, #tpu.memory_space<hbm>> -> memref<128xi32, #tpu.memory_space<hbm>>
          %dma_start3A_132 = tpu.memref_slice %arg4[%add3A_126] : memref<160000xi32, #tpu.memory_space<hbm>> -> memref<128xi32, #tpu.memory_space<hbm>>
          tpu.enqueue_dma source(%dma_start3A_132 : memref<128xi32, #tpu.memory_space<hbm>>) target(%arg12 : memref<128xi32, #tpu.memory_space<vmem>>) target_semaphore(%run_scoped3A : memref<!tpu.dma_semaphore, #tpu.memory_space<semaphore_mem>>)
          %dma_wait3A_133 = tpu.memref_slice %arg4[%add3A_126] : memref<160000xi32, #tpu.memory_space<hbm>> -> memref<128xi32, #tpu.memory_space<hbm>>
          %dma_wait3A_134 = tpu.memref_slice %arg4[%add3A_126] : memref<160000xi32, #tpu.memory_space<hbm>> -> memref<128xi32, #tpu.memory_space<hbm>>
          tpu.wait_dma2 semaphore(%run_scoped3A : memref<!tpu.dma_semaphore, #tpu.memory_space<semaphore_mem>>) src(%dma_wait3A_134 : memref<128xi32, #tpu.memory_space<hbm>>) dst(%arg12 : memref<128xi32, #tpu.memory_space<vmem>>)
          tpu.yield
        }) : () -> ()
        %dma_start3A_128 = arith.constant 0 : i32
        %dma_start3A_129 = arith.constant 0 : i32
        %dma_start3A_130 = tpu.memref_slice %arg2[%dma_start3A_128, %dma_start3A_129] : memref<20000x128xf32, #tpu.memory_space<hbm>> -> memref<20000x128xf32, #tpu.memory_space<hbm>>
        tpu.enqueue_indirect_dma source(%dma_start3A_130 : memref<20000x128xf32, #tpu.memory_space<hbm>>) target(%arg15 : memref<128x128xf32, #tpu.memory_space<vmem>>) offsets(%arg9 : memref<128xi32, #tpu.memory_space<vmem>>) semaphore(%arg20 : memref<!tpu.dma_semaphore, #tpu.memory_space<semaphore_mem>>)
      } else {
      }
      %eq3A_72 = arith.constant 0 : i32
      %eq3A_73 = arith.cmpi eq, %scan3A_52, %eq3A_72 : i32
      %and3A_74 = arith.constant false
      %and3A_75 = arith.andi %eq3A_73, %and3A_74 : i1
      %lt3A_76 = arith.constant 25 : i32
      %lt3A_77 = arith.cmpi slt, %scan3A_52, %lt3A_76 : i32
      %or3A_78 = arith.constant false
      %or3A_79 = arith.ori %lt3A_77, %or3A_78 : i1
      %dma_wait3A_80 = arith.constant 0 : i32
      %dma_wait3A_81 = arith.constant 0 : i32
      %dma_wait3A_82 = tpu.memref_slice %arg2[%dma_wait3A_80, %dma_wait3A_81] : memref<20000x128xf32, #tpu.memory_space<hbm>> -> memref<20000x128xf32, #tpu.memory_space<hbm>>
      tpu.wait_indirect_dma semaphore(%arg19 : memref<!tpu.dma_semaphore, #tpu.memory_space<semaphore_mem>>) src(%dma_wait3A_82 : memref<20000x128xf32, #tpu.memory_space<hbm>>) dst(%arg14 : memref<128x128xf32, #tpu.memory_space<vmem>>)
      %dma_start3A_83 = arith.constant 0 : i32
      %dma_start3A_84 = arith.constant 0 : i32
      %dma_start3A_85 = tpu.memref_slice %arg6[%dma_start3A_83, %dma_start3A_84] : memref<10000x128xf32, #tpu.memory_space<vmem_shared>> -> memref<10000x128xf32, #tpu.memory_space<vmem_shared>>
      tpu.enqueue_indirect_dma source(%arg14 : memref<128x128xf32, #tpu.memory_space<vmem>>) target(%dma_start3A_85 : memref<10000x128xf32, #tpu.memory_space<vmem_shared>>) offsets(%arg11 : memref<128xi32, #tpu.memory_space<vmem>>) semaphore(%arg22 : memref<!tpu.dma_semaphore, #tpu.memory_space<semaphore_mem>>) {add = true}
      %not3A_86 = arith.constant true
      %not3A_87 = arith.xori %and3A_75, %not3A_86 : i1
      %convert_element_type3A_88 = arith.extui %not3A_87 : i1 to i32
      %cond3A_89 = arith.constant 0 : i32
      %cond3A_90 = arith.cmpi ne, %convert_element_type3A_88, %cond3A_89 : i32
      scf.if %cond3A_90 {
        %dma_wait3A_117 = arith.constant 0 : i32
        %dma_wait3A_118 = arith.constant 0 : i32
        %dma_wait3A_119 = tpu.memref_slice %arg6[%dma_wait3A_117, %dma_wait3A_118] : memref<10000x128xf32, #tpu.memory_space<vmem_shared>> -> memref<10000x128xf32, #tpu.memory_space<vmem_shared>>
        tpu.wait_indirect_dma semaphore(%arg21 : memref<!tpu.dma_semaphore, #tpu.memory_space<semaphore_mem>>) src(%arg13 : memref<128x128xf32, #tpu.memory_space<vmem>>) dst(%dma_wait3A_119 : memref<10000x128xf32, #tpu.memory_space<vmem_shared>>)
      } else {
      }
      %convert_element_type3A_91 = arith.extui %or3A_79 : i1 to i32
      %cond3A_92 = arith.constant 0 : i32
      %cond3A_93 = arith.cmpi ne, %convert_element_type3A_91, %cond3A_92 : i32
      scf.if %cond3A_93 {
        %mul3A_117 = arith.constant 3 : i32
        %mul3A_118 = arith.muli %mul3A_117, %scan3A_52 : i32
        %add3A_119 = arith.constant 1 : i32
        %add3A_120 = arith.addi %mul3A_118, %add3A_119 : i32
        %add3A_121 = arith.constant 3 : i32
        %add3A_122 = arith.addi %add3A_120, %add3A_121 : i32
        %sub3A = arith.constant 1 : i32
        %sub3A_123 = arith.subi %add3A_122, %sub3A : i32
        %mul3A_124 = arith.constant 128 : i32
        %mul3A_125 = arith.muli %sub3A_123, %mul3A_124 : i32
        %add3A_126 = arith.addi %mul3A_2, %mul3A_125 : i32
        %add3A_127 = arith.addi %mul3A_4, %add3A_126 : i32
        "tpu.region"() ({
          %run_scoped3A = tpu.sem_alloc : memref<!tpu.dma_semaphore, #tpu.memory_space<semaphore_mem>>
          %dma_start3A_131 = tpu.memref_slice %arg3[%add3A_127] : memref<320000xi32, #tpu.memory_space<hbm>> -> memref<128xi32, #tpu.memory_space<hbm>>
          %dma_start3A_132 = tpu.memref_slice %arg3[%add3A_127] : memref<320000xi32, #tpu.memory_space<hbm>> -> memref<128xi32, #tpu.memory_space<hbm>>
          tpu.enqueue_dma source(%dma_start3A_132 : memref<128xi32, #tpu.memory_space<hbm>>) target(%arg7 : memref<128xi32, #tpu.memory_space<vmem>>) target_semaphore(%run_scoped3A : memref<!tpu.dma_semaphore, #tpu.memory_space<semaphore_mem>>)
          %dma_wait3A_133 = tpu.memref_slice %arg3[%add3A_127] : memref<320000xi32, #tpu.memory_space<hbm>> -> memref<128xi32, #tpu.memory_space<hbm>>
          %dma_wait3A_134 = tpu.memref_slice %arg3[%add3A_127] : memref<320000xi32, #tpu.memory_space<hbm>> -> memref<128xi32, #tpu.memory_space<hbm>>
          tpu.wait_dma2 semaphore(%run_scoped3A : memref<!tpu.dma_semaphore, #tpu.memory_space<semaphore_mem>>) src(%dma_wait3A_134 : memref<128xi32, #tpu.memory_space<hbm>>) dst(%arg7 : memref<128xi32, #tpu.memory_space<vmem>>)
          tpu.yield
        }) : () -> ()
        "tpu.region"() ({
          %run_scoped3A = tpu.sem_alloc : memref<!tpu.dma_semaphore, #tpu.memory_space<semaphore_mem>>
          %dma_start3A_131 = tpu.memref_slice %arg4[%add3A_126] : memref<160000xi32, #tpu.memory_space<hbm>> -> memref<128xi32, #tpu.memory_space<hbm>>
          %dma_start3A_132 = tpu.memref_slice %arg4[%add3A_126] : memref<160000xi32, #tpu.memory_space<hbm>> -> memref<128xi32, #tpu.memory_space<hbm>>
          tpu.enqueue_dma source(%dma_start3A_132 : memref<128xi32, #tpu.memory_space<hbm>>) target(%arg10 : memref<128xi32, #tpu.memory_space<vmem>>) target_semaphore(%run_scoped3A : memref<!tpu.dma_semaphore, #tpu.memory_space<semaphore_mem>>)
          %dma_wait3A_133 = tpu.memref_slice %arg4[%add3A_126] : memref<160000xi32, #tpu.memory_space<hbm>> -> memref<128xi32, #tpu.memory_space<hbm>>
          %dma_wait3A_134 = tpu.memref_slice %arg4[%add3A_126] : memref<160000xi32, #tpu.memory_space<hbm>> -> memref<128xi32, #tpu.memory_space<hbm>>
          tpu.wait_dma2 semaphore(%run_scoped3A : memref<!tpu.dma_semaphore, #tpu.memory_space<semaphore_mem>>) src(%dma_wait3A_134 : memref<128xi32, #tpu.memory_space<hbm>>) dst(%arg10 : memref<128xi32, #tpu.memory_space<vmem>>)
          tpu.yield
        }) : () -> ()
        %dma_start3A_128 = arith.constant 0 : i32
        %dma_start3A_129 = arith.constant 0 : i32
        %dma_start3A_130 = tpu.memref_slice %arg2[%dma_start3A_128, %dma_start3A_129] : memref<20000x128xf32, #tpu.memory_space<hbm>> -> memref<20000x128xf32, #tpu.memory_space<hbm>>
        tpu.enqueue_indirect_dma source(%dma_start3A_130 : memref<20000x128xf32, #tpu.memory_space<hbm>>) target(%arg13 : memref<128x128xf32, #tpu.memory_space<vmem>>) offsets(%arg7 : memref<128xi32, #tpu.memory_space<vmem>>) semaphore(%arg18 : memref<!tpu.dma_semaphore, #tpu.memory_space<semaphore_mem>>)
      } else {
      }
      %eq3A_94 = arith.constant 0 : i32
      %eq3A_95 = arith.cmpi eq, %scan3A_52, %eq3A_94 : i32
      %and3A_96 = arith.constant false
      %and3A_97 = arith.andi %eq3A_95, %and3A_96 : i1
      %lt3A_98 = arith.constant 25 : i32
      %lt3A_99 = arith.cmpi slt, %scan3A_52, %lt3A_98 : i32
      %or3A_100 = arith.constant false
      %or3A_101 = arith.ori %lt3A_99, %or3A_100 : i1
      %dma_wait3A_102 = arith.constant 0 : i32
      %dma_wait3A_103 = arith.constant 0 : i32
      %dma_wait3A_104 = tpu.memref_slice %arg2[%dma_wait3A_102, %dma_wait3A_103] : memref<20000x128xf32, #tpu.memory_space<hbm>> -> memref<20000x128xf32, #tpu.memory_space<hbm>>
      tpu.wait_indirect_dma semaphore(%arg20 : memref<!tpu.dma_semaphore, #tpu.memory_space<semaphore_mem>>) src(%dma_wait3A_104 : memref<20000x128xf32, #tpu.memory_space<hbm>>) dst(%arg15 : memref<128x128xf32, #tpu.memory_space<vmem>>)
      %dma_start3A_105 = arith.constant 0 : i32
      %dma_start3A_106 = arith.constant 0 : i32
      %dma_start3A_107 = tpu.memref_slice %arg6[%dma_start3A_105, %dma_start3A_106] : memref<10000x128xf32, #tpu.memory_space<vmem_shared>> -> memref<10000x128xf32, #tpu.memory_space<vmem_shared>>
      tpu.enqueue_indirect_dma source(%arg15 : memref<128x128xf32, #tpu.memory_space<vmem>>) target(%dma_start3A_107 : memref<10000x128xf32, #tpu.memory_space<vmem_shared>>) offsets(%arg12 : memref<128xi32, #tpu.memory_space<vmem>>) semaphore(%arg23 : memref<!tpu.dma_semaphore, #tpu.memory_space<semaphore_mem>>) {add = true}
      %not3A_108 = arith.constant true
      %not3A_109 = arith.xori %and3A_97, %not3A_108 : i1
      %convert_element_type3A_110 = arith.extui %not3A_109 : i1 to i32
      %cond3A_111 = arith.constant 0 : i32
      %cond3A_112 = arith.cmpi ne, %convert_element_type3A_110, %cond3A_111 : i32
      scf.if %cond3A_112 {
        %dma_wait3A_117 = arith.constant 0 : i32
        %dma_wait3A_118 = arith.constant 0 : i32
        %dma_wait3A_119 = tpu.memref_slice %arg6[%dma_wait3A_117, %dma_wait3A_118] : memref<10000x128xf32, #tpu.memory_space<vmem_shared>> -> memref<10000x128xf32, #tpu.memory_space<vmem_shared>>
        tpu.wait_indirect_dma semaphore(%arg22 : memref<!tpu.dma_semaphore, #tpu.memory_space<semaphore_mem>>) src(%arg14 : memref<128x128xf32, #tpu.memory_space<vmem>>) dst(%dma_wait3A_119 : memref<10000x128xf32, #tpu.memory_space<vmem_shared>>)
      } else {
      }
      %convert_element_type3A_113 = arith.extui %or3A_101 : i1 to i32
      %cond3A_114 = arith.constant 0 : i32
      %cond3A_115 = arith.cmpi ne, %convert_element_type3A_113, %cond3A_114 : i32
      scf.if %cond3A_115 {
        %mul3A_117 = arith.constant 3 : i32
        %mul3A_118 = arith.muli %mul3A_117, %scan3A_52 : i32
        %add3A_119 = arith.constant 2 : i32
        %add3A_120 = arith.addi %mul3A_118, %add3A_119 : i32
        %add3A_121 = arith.constant 3 : i32
        %add3A_122 = arith.addi %add3A_120, %add3A_121 : i32
        %sub3A = arith.constant 1 : i32
        %sub3A_123 = arith.subi %add3A_122, %sub3A : i32
        %mul3A_124 = arith.constant 128 : i32
        %mul3A_125 = arith.muli %sub3A_123, %mul3A_124 : i32
        %add3A_126 = arith.addi %mul3A_2, %mul3A_125 : i32
        %add3A_127 = arith.addi %mul3A_4, %add3A_126 : i32
        "tpu.region"() ({
          %run_scoped3A = tpu.sem_alloc : memref<!tpu.dma_semaphore, #tpu.memory_space<semaphore_mem>>
          %dma_start3A_131 = tpu.memref_slice %arg3[%add3A_127] : memref<320000xi32, #tpu.memory_space<hbm>> -> memref<128xi32, #tpu.memory_space<hbm>>
          %dma_start3A_132 = tpu.memref_slice %arg3[%add3A_127] : memref<320000xi32, #tpu.memory_space<hbm>> -> memref<128xi32, #tpu.memory_space<hbm>>
          tpu.enqueue_dma source(%dma_start3A_132 : memref<128xi32, #tpu.memory_space<hbm>>) target(%arg8 : memref<128xi32, #tpu.memory_space<vmem>>) target_semaphore(%run_scoped3A : memref<!tpu.dma_semaphore, #tpu.memory_space<semaphore_mem>>)
          %dma_wait3A_133 = tpu.memref_slice %arg3[%add3A_127] : memref<320000xi32, #tpu.memory_space<hbm>> -> memref<128xi32, #tpu.memory_space<hbm>>
          %dma_wait3A_134 = tpu.memref_slice %arg3[%add3A_127] : memref<320000xi32, #tpu.memory_space<hbm>> -> memref<128xi32, #tpu.memory_space<hbm>>
          tpu.wait_dma2 semaphore(%run_scoped3A : memref<!tpu.dma_semaphore, #tpu.memory_space<semaphore_mem>>) src(%dma_wait3A_134 : memref<128xi32, #tpu.memory_space<hbm>>) dst(%arg8 : memref<128xi32, #tpu.memory_space<vmem>>)
          tpu.yield
        }) : () -> ()
        "tpu.region"() ({
          %run_scoped3A = tpu.sem_alloc : memref<!tpu.dma_semaphore, #tpu.memory_space<semaphore_mem>>
          %dma_start3A_131 = tpu.memref_slice %arg4[%add3A_126] : memref<160000xi32, #tpu.memory_space<hbm>> -> memref<128xi32, #tpu.memory_space<hbm>>
          %dma_start3A_132 = tpu.memref_slice %arg4[%add3A_126] : memref<160000xi32, #tpu.memory_space<hbm>> -> memref<128xi32, #tpu.memory_space<hbm>>
          tpu.enqueue_dma source(%dma_start3A_132 : memref<128xi32, #tpu.memory_space<hbm>>) target(%arg11 : memref<128xi32, #tpu.memory_space<vmem>>) target_semaphore(%run_scoped3A : memref<!tpu.dma_semaphore, #tpu.memory_space<semaphore_mem>>)
          %dma_wait3A_133 = tpu.memref_slice %arg4[%add3A_126] : memref<160000xi32, #tpu.memory_space<hbm>> -> memref<128xi32, #tpu.memory_space<hbm>>
          %dma_wait3A_134 = tpu.memref_slice %arg4[%add3A_126] : memref<160000xi32, #tpu.memory_space<hbm>> -> memref<128xi32, #tpu.memory_space<hbm>>
          tpu.wait_dma2 semaphore(%run_scoped3A : memref<!tpu.dma_semaphore, #tpu.memory_space<semaphore_mem>>) src(%dma_wait3A_134 : memref<128xi32, #tpu.memory_space<hbm>>) dst(%arg11 : memref<128xi32, #tpu.memory_space<vmem>>)
          tpu.yield
        }) : () -> ()
        %dma_start3A_128 = arith.constant 0 : i32
        %dma_start3A_129 = arith.constant 0 : i32
        %dma_start3A_130 = tpu.memref_slice %arg2[%dma_start3A_128, %dma_start3A_129] : memref<20000x128xf32, #tpu.memory_space<hbm>> -> memref<20000x128xf32, #tpu.memory_space<hbm>>
        tpu.enqueue_indirect_dma source(%dma_start3A_130 : memref<20000x128xf32, #tpu.memory_space<hbm>>) target(%arg14 : memref<128x128xf32, #tpu.memory_space<vmem>>) offsets(%arg8 : memref<128xi32, #tpu.memory_space<vmem>>) semaphore(%arg19 : memref<!tpu.dma_semaphore, #tpu.memory_space<semaphore_mem>>)
      } else {
      }
      %scan3A_116 = arith.constant 0 : i32
      scf.yield %scan3A_116 : i32
    }
    %scan3A_25 = arith.constant 26 : i32
    %dma_wait3A = arith.constant 0 : i32
    %dma_wait3A_26 = arith.constant 0 : i32
    %dma_wait3A_27 = tpu.memref_slice %arg6[%dma_wait3A, %dma_wait3A_26] : memref<10000x128xf32, #tpu.memory_space<vmem_shared>> -> memref<10000x128xf32, #tpu.memory_space<vmem_shared>>
    tpu.wait_indirect_dma semaphore(%arg23 : memref<!tpu.dma_semaphore, #tpu.memory_space<semaphore_mem>>) src(%arg15 : memref<128x128xf32, #tpu.memory_space<vmem>>) dst(%dma_wait3A_27 : memref<10000x128xf32, #tpu.memory_space<vmem_shared>>)
    %add3A_28 = arith.constant 9984 : i32
    %add3A_29 = arith.addi %mul3A_2, %add3A_28 : i32
    %add3A_30 = arith.addi %mul3A_4, %add3A_29 : i32
    "tpu.region"() ({
      %run_scoped3A = tpu.sem_alloc : memref<!tpu.dma_semaphore, #tpu.memory_space<semaphore_mem>>
      %dma_start3A_52 = tpu.memref_slice %arg3[%add3A_30] : memref<320000xi32, #tpu.memory_space<hbm>> -> memref<16xi32, #tpu.memory_space<hbm>>
      %dma_start3A_53 = tpu.memref_slice %arg3[%add3A_30] : memref<320000xi32, #tpu.memory_space<hbm>> -> memref<16xi32, #tpu.memory_space<hbm>>
      tpu.enqueue_dma source(%dma_start3A_53 : memref<16xi32, #tpu.memory_space<hbm>>) target(%arg16 : memref<16xi32, #tpu.memory_space<vmem>>) target_semaphore(%run_scoped3A : memref<!tpu.dma_semaphore, #tpu.memory_space<semaphore_mem>>)
      %dma_wait3A_54 = tpu.memref_slice %arg3[%add3A_30] : memref<320000xi32, #tpu.memory_space<hbm>> -> memref<16xi32, #tpu.memory_space<hbm>>
      %dma_wait3A_55 = tpu.memref_slice %arg3[%add3A_30] : memref<320000xi32, #tpu.memory_space<hbm>> -> memref<16xi32, #tpu.memory_space<hbm>>
      tpu.wait_dma2 semaphore(%run_scoped3A : memref<!tpu.dma_semaphore, #tpu.memory_space<semaphore_mem>>) src(%dma_wait3A_55 : memref<16xi32, #tpu.memory_space<hbm>>) dst(%arg16 : memref<16xi32, #tpu.memory_space<vmem>>)
      tpu.yield
    }) : () -> ()
    "tpu.region"() ({
      %run_scoped3A = tpu.sem_alloc : memref<!tpu.dma_semaphore, #tpu.memory_space<semaphore_mem>>
      %dma_start3A_52 = tpu.memref_slice %arg4[%add3A_29] : memref<160000xi32, #tpu.memory_space<hbm>> -> memref<16xi32, #tpu.memory_space<hbm>>
      %dma_start3A_53 = tpu.memref_slice %arg4[%add3A_29] : memref<160000xi32, #tpu.memory_space<hbm>> -> memref<16xi32, #tpu.memory_space<hbm>>
      tpu.enqueue_dma source(%dma_start3A_53 : memref<16xi32, #tpu.memory_space<hbm>>) target(%arg17 : memref<16xi32, #tpu.memory_space<vmem>>) target_semaphore(%run_scoped3A : memref<!tpu.dma_semaphore, #tpu.memory_space<semaphore_mem>>)
      %dma_wait3A_54 = tpu.memref_slice %arg4[%add3A_29] : memref<160000xi32, #tpu.memory_space<hbm>> -> memref<16xi32, #tpu.memory_space<hbm>>
      %dma_wait3A_55 = tpu.memref_slice %arg4[%add3A_29] : memref<160000xi32, #tpu.memory_space<hbm>> -> memref<16xi32, #tpu.memory_space<hbm>>
      tpu.wait_dma2 semaphore(%run_scoped3A : memref<!tpu.dma_semaphore, #tpu.memory_space<semaphore_mem>>) src(%dma_wait3A_55 : memref<16xi32, #tpu.memory_space<hbm>>) dst(%arg17 : memref<16xi32, #tpu.memory_space<vmem>>)
      tpu.yield
    }) : () -> ()
    %dma_start3A_31 = arith.constant 0 : i32
    %dma_start3A_32 = arith.constant 0 : i32
    %dma_start3A_33 = tpu.memref_slice %arg13[%dma_start3A_31, %dma_start3A_32] : memref<128x128xf32, #tpu.memory_space<vmem>> -> memref<16x128xf32, #tpu.memory_space<vmem>>
    %dma_start3A_34 = arith.constant 0 : i32
    %dma_start3A_35 = arith.constant 0 : i32
    %dma_start3A_36 = tpu.memref_slice %arg2[%dma_start3A_34, %dma_start3A_35] : memref<20000x128xf32, #tpu.memory_space<hbm>> -> memref<20000x128xf32, #tpu.memory_space<hbm>>
    tpu.enqueue_indirect_dma source(%dma_start3A_36 : memref<20000x128xf32, #tpu.memory_space<hbm>>) target(%dma_start3A_33 : memref<16x128xf32, #tpu.memory_space<vmem>>) offsets(%arg16 : memref<16xi32, #tpu.memory_space<vmem>>) semaphore(%arg18 : memref<!tpu.dma_semaphore, #tpu.memory_space<semaphore_mem>>)
    %dma_wait3A_37 = arith.constant 0 : i32
    %dma_wait3A_38 = arith.constant 0 : i32
    %dma_wait3A_39 = tpu.memref_slice %arg13[%dma_wait3A_37, %dma_wait3A_38] : memref<128x128xf32, #tpu.memory_space<vmem>> -> memref<16x128xf32, #tpu.memory_space<vmem>>
    %dma_wait3A_40 = arith.constant 0 : i32
    %dma_wait3A_41 = arith.constant 0 : i32
    %dma_wait3A_42 = tpu.memref_slice %arg2[%dma_wait3A_40, %dma_wait3A_41] : memref<20000x128xf32, #tpu.memory_space<hbm>> -> memref<20000x128xf32, #tpu.memory_space<hbm>>
    tpu.wait_indirect_dma semaphore(%arg18 : memref<!tpu.dma_semaphore, #tpu.memory_space<semaphore_mem>>) src(%dma_wait3A_42 : memref<20000x128xf32, #tpu.memory_space<hbm>>) dst(%dma_wait3A_39 : memref<16x128xf32, #tpu.memory_space<vmem>>)
    "tpu.region"() ({
      %run_scoped3A = tpu.sem_alloc : memref<!tpu.dma_semaphore, #tpu.memory_space<semaphore_mem>>
      %dma_start3A_52 = arith.constant 0 : i32
      %dma_start3A_53 = arith.constant 0 : i32
      %dma_start3A_54 = tpu.memref_slice %arg13[%dma_start3A_52, %dma_start3A_53] : memref<128x128xf32, #tpu.memory_space<vmem>> -> memref<16x128xf32, #tpu.memory_space<vmem>>
      %dma_start3A_55 = arith.constant 0 : i32
      %dma_start3A_56 = arith.constant 0 : i32
      %dma_start3A_57 = tpu.memref_slice %arg6[%dma_start3A_55, %dma_start3A_56] : memref<10000x128xf32, #tpu.memory_space<vmem_shared>> -> memref<10000x128xf32, #tpu.memory_space<vmem_shared>>
      tpu.enqueue_indirect_dma source(%dma_start3A_54 : memref<16x128xf32, #tpu.memory_space<vmem>>) target(%dma_start3A_57 : memref<10000x128xf32, #tpu.memory_space<vmem_shared>>) offsets(%arg17 : memref<16xi32, #tpu.memory_space<vmem>>) semaphore(%run_scoped3A : memref<!tpu.dma_semaphore, #tpu.memory_space<semaphore_mem>>) {add = true}
      %dma_wait3A_58 = arith.constant 0 : i32
      %dma_wait3A_59 = arith.constant 0 : i32
      %dma_wait3A_60 = tpu.memref_slice %arg13[%dma_wait3A_58, %dma_wait3A_59] : memref<128x128xf32, #tpu.memory_space<vmem>> -> memref<16x128xf32, #tpu.memory_space<vmem>>
      %dma_wait3A_61 = arith.constant 0 : i32
      %dma_wait3A_62 = arith.constant 0 : i32
      %dma_wait3A_63 = tpu.memref_slice %arg6[%dma_wait3A_61, %dma_wait3A_62] : memref<10000x128xf32, #tpu.memory_space<vmem_shared>> -> memref<10000x128xf32, #tpu.memory_space<vmem_shared>>
      tpu.wait_indirect_dma semaphore(%run_scoped3A : memref<!tpu.dma_semaphore, #tpu.memory_space<semaphore_mem>>) src(%dma_wait3A_60 : memref<16x128xf32, #tpu.memory_space<vmem>>) dst(%dma_wait3A_63 : memref<10000x128xf32, #tpu.memory_space<vmem_shared>>)
      tpu.yield
    }) : () -> ()
    %barrier3A_43 = arith.constant 0 : index
    tpu.barrier barrier_id(%barrier3A_43)
    %mul3A_44 = arith.constant 10000 : i32
    %mul3A_45 = arith.muli %arg0, %mul3A_44 : i32
    %add3A_46 = arith.addi %mul3A_45, %mul3A_0 : i32
    "tpu.region"() ({
      %run_scoped3A = tpu.sem_alloc : memref<!tpu.dma_semaphore, #tpu.memory_space<semaphore_mem>>
      %dma_start3A_52 = arith.constant 0 : i32
      %dma_start3A_53 = tpu.memref_slice %arg5[%add3A_46, %dma_start3A_52] : memref<20000x128xf32, #tpu.memory_space<hbm>> -> memref<624x128xf32, #tpu.memory_space<hbm>>
      %dma_start3A_54 = arith.constant 0 : i32
      %dma_start3A_55 = tpu.memref_slice %arg6[%mul3A_0, %dma_start3A_54] : memref<10000x128xf32, #tpu.memory_space<vmem_shared>> -> memref<624x128xf32, #tpu.memory_space<vmem_shared>>
      tpu.enqueue_dma source(%dma_start3A_55 : memref<624x128xf32, #tpu.memory_space<vmem_shared>>) target(%dma_start3A_53 : memref<624x128xf32, #tpu.memory_space<hbm>>) target_semaphore(%run_scoped3A : memref<!tpu.dma_semaphore, #tpu.memory_space<semaphore_mem>>)
      %dma_wait3A_56 = arith.constant 0 : i32
      %dma_wait3A_57 = tpu.memref_slice %arg5[%add3A_46, %dma_wait3A_56] : memref<20000x128xf32, #tpu.memory_space<hbm>> -> memref<624x128xf32, #tpu.memory_space<hbm>>
      %dma_wait3A_58 = arith.constant 0 : i32
      %dma_wait3A_59 = tpu.memref_slice %arg6[%mul3A_0, %dma_wait3A_58] : memref<10000x128xf32, #tpu.memory_space<vmem_shared>> -> memref<624x128xf32, #tpu.memory_space<vmem_shared>>
      tpu.wait_dma2 semaphore(%run_scoped3A : memref<!tpu.dma_semaphore, #tpu.memory_space<semaphore_mem>>) src(%dma_wait3A_59 : memref<624x128xf32, #tpu.memory_space<vmem_shared>>) dst(%dma_wait3A_57 : memref<624x128xf32, #tpu.memory_space<hbm>>)
      tpu.yield
    }) : () -> ()
    %eq3A_47 = arith.constant 15 : i32
    %eq3A_48 = arith.cmpi eq, %arg1, %eq3A_47 : i32
    %convert_element_type3A_49 = arith.extui %eq3A_48 : i1 to i32
    %cond3A_50 = arith.constant 0 : i32
    %cond3A_51 = arith.cmpi ne, %convert_element_type3A_49, %cond3A_50 : i32
    scf.if %cond3A_51 {
      %mul3A_52 = arith.constant 10000 : i32
      %mul3A_53 = arith.muli %arg0, %mul3A_52 : i32
      %add3A_54 = arith.constant 9984 : i32
      %add3A_55 = arith.addi %mul3A_53, %add3A_54 : i32
      "tpu.region"() ({
        %run_scoped3A = tpu.sem_alloc : memref<!tpu.dma_semaphore, #tpu.memory_space<semaphore_mem>>
        %dma_start3A_56 = arith.constant 0 : i32
        %dma_start3A_57 = tpu.memref_slice %arg5[%add3A_55, %dma_start3A_56] : memref<20000x128xf32, #tpu.memory_space<hbm>> -> memref<16x128xf32, #tpu.memory_space<hbm>>
        %dma_start3A_58 = arith.constant 9984 : i32
        %dma_start3A_59 = arith.constant 0 : i32
        %dma_start3A_60 = tpu.memref_slice %arg6[%dma_start3A_58, %dma_start3A_59] : memref<10000x128xf32, #tpu.memory_space<vmem_shared>> -> memref<16x128xf32, #tpu.memory_space<vmem_shared>>
        tpu.enqueue_dma source(%dma_start3A_60 : memref<16x128xf32, #tpu.memory_space<vmem_shared>>) target(%dma_start3A_57 : memref<16x128xf32, #tpu.memory_space<hbm>>) target_semaphore(%run_scoped3A : memref<!tpu.dma_semaphore, #tpu.memory_space<semaphore_mem>>)
        %dma_wait3A_61 = arith.constant 0 : i32
        %dma_wait3A_62 = tpu.memref_slice %arg5[%add3A_55, %dma_wait3A_61] : memref<20000x128xf32, #tpu.memory_space<hbm>> -> memref<16x128xf32, #tpu.memory_space<hbm>>
        %dma_wait3A_63 = arith.constant 9984 : i32
        %dma_wait3A_64 = arith.constant 0 : i32
        %dma_wait3A_65 = tpu.memref_slice %arg6[%dma_wait3A_63, %dma_wait3A_64] : memref<10000x128xf32, #tpu.memory_space<vmem_shared>> -> memref<16x128xf32, #tpu.memory_space<vmem_shared>>
        tpu.wait_dma2 semaphore(%run_scoped3A : memref<!tpu.dma_semaphore, #tpu.memory_space<semaphore_mem>>) src(%dma_wait3A_65 : memref<16x128xf32, #tpu.memory_space<vmem_shared>>) dst(%dma_wait3A_62 : memref<16x128xf32, #tpu.memory_space<hbm>>)
        tpu.yield
      }) : () -> ()
    } else {
    }
    return
  }
}

#map = affine_map<(d0, d1) -> (0, 0)>
#map1 = affine_map<(d0, d1) -> (0)>
module attributes {stable_mosaic.version = 14 : i64} {
  func.func @_scatter_body(%arg0: i32, %arg1: i32, %arg2: memref<20000x128xf32, #tpu.memory_space<hbm>>, %arg3: memref<320000xi32, #tpu.memory_space<hbm>>, %arg4: memref<160000xi32, #tpu.memory_space<hbm>>, %arg5: memref<20000x128xf32, #tpu.memory_space<hbm>>, %arg6: memref<10000x128xf32, #tpu.memory_space<vmem_shared>>, %arg7: memref<128xi32, #tpu.memory_space<vmem>>, %arg8: memref<128xi32, #tpu.memory_space<vmem>>, %arg9: memref<128xi32, #tpu.memory_space<vmem>>, %arg10: memref<128xi32, #tpu.memory_space<vmem>>, %arg11: memref<128xi32, #tpu.memory_space<vmem>>, %arg12: memref<128xi32, #tpu.memory_space<vmem>>, %arg13: memref<128x128xf32, #tpu.memory_space<vmem>>, %arg14: memref<128x128xf32, #tpu.memory_space<vmem>>, %arg15: memref<128x128xf32, #tpu.memory_space<vmem>>, %arg16: memref<16xi32, #tpu.memory_space<vmem>>, %arg17: memref<16xi32, #tpu.memory_space<vmem>>, %arg18: memref<!tpu.dma_semaphore, #tpu.memory_space<semaphore_mem>>, %arg19: memref<!tpu.dma_semaphore, #tpu.memory_space<semaphore_mem>>, %arg20: memref<!tpu.dma_semaphore, #tpu.memory_space<semaphore_mem>>, %arg21: memref<!tpu.dma_semaphore, #tpu.memory_space<semaphore_mem>>, %arg22: memref<!tpu.dma_semaphore, #tpu.memory_space<semaphore_mem>>, %arg23: memref<!tpu.dma_semaphore, #tpu.memory_space<semaphore_mem>>) attributes {dimension_semantics = [#tpu.dimension_semantics<core_parallel>, #tpu.dimension_semantics<subcore_parallel>], iteration_bounds = array<i64: 2, 16>, scalar_prefetch = 0 : i64, scratch_operands = 18 : i64, tpu.core_type = #tpu.core_type<sc_vector_subcore>, window_params = [{transform_indices = #map}, {transform_indices = #map1}, {transform_indices = #map1}, {transform_indices = #map}]} {
    %mul3A = arith.constant 624 : i32
    %mul3A_0 = arith.muli %arg1, %mul3A : i32
    %mul3A_1 = arith.constant 10000 : i32
    %mul3A_2 = arith.muli %arg1, %mul3A_1 : i32
    %mul3A_3 = arith.constant 160000 : i32
    %mul3A_4 = arith.muli %arg0, %mul3A_3 : i32
    %add3A = arith.constant 0 : i32
    %add3A_5 = arith.addi %mul3A_2, %add3A : i32
    %add3A_6 = arith.addi %mul3A_4, %add3A_5 : i32
    "tpu.region"() ({
      %run_scoped3A = tpu.sem_alloc : memref<!tpu.dma_semaphore, #tpu.memory_space<semaphore_mem>>
      %dma_start3A_52 = tpu.memref_slice %arg3[%add3A_6] : memref<320000xi32, #tpu.memory_space<hbm>> -> memref<128xi32, #tpu.memory_space<hbm>>
      %dma_start3A_53 = tpu.memref_slice %arg3[%add3A_6] : memref<320000xi32, #tpu.memory_space<hbm>> -> memref<128xi32, #tpu.memory_space<hbm>>
      tpu.enqueue_dma source(%dma_start3A_53 : memref<128xi32, #tpu.memory_space<hbm>>) target(%arg7 : memref<128xi32, #tpu.memory_space<vmem>>) target_semaphore(%run_scoped3A : memref<!tpu.dma_semaphore, #tpu.memory_space<semaphore_mem>>)
      %dma_wait3A_54 = tpu.memref_slice %arg3[%add3A_6] : memref<320000xi32, #tpu.memory_space<hbm>> -> memref<128xi32, #tpu.memory_space<hbm>>
      %dma_wait3A_55 = tpu.memref_slice %arg3[%add3A_6] : memref<320000xi32, #tpu.memory_space<hbm>> -> memref<128xi32, #tpu.memory_space<hbm>>
      tpu.wait_dma2 semaphore(%run_scoped3A : memref<!tpu.dma_semaphore, #tpu.memory_space<semaphore_mem>>) src(%dma_wait3A_55 : memref<128xi32, #tpu.memory_space<hbm>>) dst(%arg7 : memref<128xi32, #tpu.memory_space<vmem>>)
      tpu.yield
    }) : () -> ()
    "tpu.region"() ({
      %run_scoped3A = tpu.sem_alloc : memref<!tpu.dma_semaphore, #tpu.memory_space<semaphore_mem>>
      %dma_start3A_52 = tpu.memref_slice %arg4[%add3A_5] : memref<160000xi32, #tpu.memory_space<hbm>> -> memref<128xi32, #tpu.memory_space<hbm>>
      %dma_start3A_53 = tpu.memref_slice %arg4[%add3A_5] : memref<160000xi32, #tpu.memory_space<hbm>> -> memref<128xi32, #tpu.memory_space<hbm>>
      tpu.enqueue_dma source(%dma_start3A_53 : memref<128xi32, #tpu.memory_space<hbm>>) target(%arg10 : memref<128xi32, #tpu.memory_space<vmem>>) target_semaphore(%run_scoped3A : memref<!tpu.dma_semaphore, #tpu.memory_space<semaphore_mem>>)
      %dma_wait3A_54 = tpu.memref_slice %arg4[%add3A_5] : memref<160000xi32, #tpu.memory_space<hbm>> -> memref<128xi32, #tpu.memory_space<hbm>>
      %dma_wait3A_55 = tpu.memref_slice %arg4[%add3A_5] : memref<160000xi32, #tpu.memory_space<hbm>> -> memref<128xi32, #tpu.memory_space<hbm>>
      tpu.wait_dma2 semaphore(%run_scoped3A : memref<!tpu.dma_semaphore, #tpu.memory_space<semaphore_mem>>) src(%dma_wait3A_55 : memref<128xi32, #tpu.memory_space<hbm>>) dst(%arg10 : memref<128xi32, #tpu.memory_space<vmem>>)
      tpu.yield
    }) : () -> ()
    %dma_start3A = arith.constant 0 : i32
    %dma_start3A_7 = arith.constant 0 : i32
    %dma_start3A_8 = tpu.memref_slice %arg2[%dma_start3A, %dma_start3A_7] : memref<20000x128xf32, #tpu.memory_space<hbm>> -> memref<20000x128xf32, #tpu.memory_space<hbm>>
    tpu.enqueue_indirect_dma source(%dma_start3A_8 : memref<20000x128xf32, #tpu.memory_space<hbm>>) target(%arg13 : memref<128x128xf32, #tpu.memory_space<vmem>>) offsets(%arg7 : memref<128xi32, #tpu.memory_space<vmem>>) semaphore(%arg18 : memref<!tpu.dma_semaphore, #tpu.memory_space<semaphore_mem>>)
    %add3A_9 = arith.constant 128 : i32
    %add3A_10 = arith.addi %mul3A_2, %add3A_9 : i32
    %add3A_11 = arith.addi %mul3A_4, %add3A_10 : i32
    "tpu.region"() ({
      %run_scoped3A = tpu.sem_alloc : memref<!tpu.dma_semaphore, #tpu.memory_space<semaphore_mem>>
      %dma_start3A_52 = tpu.memref_slice %arg3[%add3A_11] : memref<320000xi32, #tpu.memory_space<hbm>> -> memref<128xi32, #tpu.memory_space<hbm>>
      %dma_start3A_53 = tpu.memref_slice %arg3[%add3A_11] : memref<320000xi32, #tpu.memory_space<hbm>> -> memref<128xi32, #tpu.memory_space<hbm>>
      tpu.enqueue_dma source(%dma_start3A_53 : memref<128xi32, #tpu.memory_space<hbm>>) target(%arg8 : memref<128xi32, #tpu.memory_space<vmem>>) target_semaphore(%run_scoped3A : memref<!tpu.dma_semaphore, #tpu.memory_space<semaphore_mem>>)
      %dma_wait3A_54 = tpu.memref_slice %arg3[%add3A_11] : memref<320000xi32, #tpu.memory_space<hbm>> -> memref<128xi32, #tpu.memory_space<hbm>>
      %dma_wait3A_55 = tpu.memref_slice %arg3[%add3A_11] : memref<320000xi32, #tpu.memory_space<hbm>> -> memref<128xi32, #tpu.memory_space<hbm>>
      tpu.wait_dma2 semaphore(%run_scoped3A : memref<!tpu.dma_semaphore, #tpu.memory_space<semaphore_mem>>) src(%dma_wait3A_55 : memref<128xi32, #tpu.memory_space<hbm>>) dst(%arg8 : memref<128xi32, #tpu.memory_space<vmem>>)
      tpu.yield
    }) : () -> ()
    "tpu.region"() ({
      %run_scoped3A = tpu.sem_alloc : memref<!tpu.dma_semaphore, #tpu.memory_space<semaphore_mem>>
      %dma_start3A_52 = tpu.memref_slice %arg4[%add3A_10] : memref<160000xi32, #tpu.memory_space<hbm>> -> memref<128xi32, #tpu.memory_space<hbm>>
      %dma_start3A_53 = tpu.memref_slice %arg4[%add3A_10] : memref<160000xi32, #tpu.memory_space<hbm>> -> memref<128xi32, #tpu.memory_space<hbm>>
      tpu.enqueue_dma source(%dma_start3A_53 : memref<128xi32, #tpu.memory_space<hbm>>) target(%arg11 : memref<128xi32, #tpu.memory_space<vmem>>) target_semaphore(%run_scoped3A : memref<!tpu.dma_semaphore, #tpu.memory_space<semaphore_mem>>)
      %dma_wait3A_54 = tpu.memref_slice %arg4[%add3A_10] : memref<160000xi32, #tpu.memory_space<hbm>> -> memref<128xi32, #tpu.memory_space<hbm>>
      %dma_wait3A_55 = tpu.memref_slice %arg4[%add3A_10] : memref<160000xi32, #tpu.memory_space<hbm>> -> memref<128xi32, #tpu.memory_space<hbm>>
      tpu.wait_dma2 semaphore(%run_scoped3A : memref<!tpu.dma_semaphore, #tpu.memory_space<semaphore_mem>>) src(%dma_wait3A_55 : memref<128xi32, #tpu.memory_space<hbm>>) dst(%arg11 : memref<128xi32, #tpu.memory_space<vmem>>)
      tpu.yield
    }) : () -> ()
    %dma_start3A_12 = arith.constant 0 : i32
    %dma_start3A_13 = arith.constant 0 : i32
    %dma_start3A_14 = tpu.memref_slice %arg2[%dma_start3A_12, %dma_start3A_13] : memref<20000x128xf32, #tpu.memory_space<hbm>> -> memref<20000x128xf32, #tpu.memory_space<hbm>>
    tpu.enqueue_indirect_dma source(%dma_start3A_14 : memref<20000x128xf32, #tpu.memory_space<hbm>>) target(%arg14 : memref<128x128xf32, #tpu.memory_space<vmem>>) offsets(%arg8 : memref<128xi32, #tpu.memory_space<vmem>>) semaphore(%arg19 : memref<!tpu.dma_semaphore, #tpu.memory_space<semaphore_mem>>)
    %mul3A_15 = arith.constant 10000 : i32
    %mul3A_16 = arith.muli %arg0, %mul3A_15 : i32
    %add3A_17 = arith.addi %mul3A_16, %mul3A_0 : i32
    "tpu.region"() ({
      %run_scoped3A = tpu.sem_alloc : memref<!tpu.dma_semaphore, #tpu.memory_space<semaphore_mem>>
      %dma_start3A_52 = arith.constant 0 : i32
      %dma_start3A_53 = tpu.memref_slice %arg6[%mul3A_0, %dma_start3A_52] : memref<10000x128xf32, #tpu.memory_space<vmem_shared>> -> memref<624x128xf32, #tpu.memory_space<vmem_shared>>
      %dma_start3A_54 = arith.constant 0 : i32
      %dma_start3A_55 = tpu.memref_slice %arg2[%add3A_17, %dma_start3A_54] : memref<20000x128xf32, #tpu.memory_space<hbm>> -> memref<624x128xf32, #tpu.memory_space<hbm>>
      tpu.enqueue_dma source(%dma_start3A_55 : memref<624x128xf32, #tpu.memory_space<hbm>>) target(%dma_start3A_53 : memref<624x128xf32, #tpu.memory_space<vmem_shared>>) target_semaphore(%run_scoped3A : memref<!tpu.dma_semaphore, #tpu.memory_space<semaphore_mem>>)
      %dma_wait3A_56 = arith.constant 0 : i32
      %dma_wait3A_57 = tpu.memref_slice %arg6[%mul3A_0, %dma_wait3A_56] : memref<10000x128xf32, #tpu.memory_space<vmem_shared>> -> memref<624x128xf32, #tpu.memory_space<vmem_shared>>
      %dma_wait3A_58 = arith.constant 0 : i32
      %dma_wait3A_59 = tpu.memref_slice %arg2[%add3A_17, %dma_wait3A_58] : memref<20000x128xf32, #tpu.memory_space<hbm>> -> memref<624x128xf32, #tpu.memory_space<hbm>>
      tpu.wait_dma2 semaphore(%run_scoped3A : memref<!tpu.dma_semaphore, #tpu.memory_space<semaphore_mem>>) src(%dma_wait3A_59 : memref<624x128xf32, #tpu.memory_space<hbm>>) dst(%dma_wait3A_57 : memref<624x128xf32, #tpu.memory_space<vmem_shared>>)
      tpu.yield
    }) : () -> ()
    %eq3A = arith.constant 15 : i32
    %eq3A_18 = arith.cmpi eq, %arg1, %eq3A : i32
    %convert_element_type3A = arith.extui %eq3A_18 : i1 to i32
    %cond3A = arith.constant 0 : i32
    %cond3A_19 = arith.cmpi ne, %convert_element_type3A, %cond3A : i32
    scf.if %cond3A_19 {
      %mul3A_52 = arith.constant 10000 : i32
      %mul3A_53 = arith.muli %arg0, %mul3A_52 : i32
      %add3A_54 = arith.constant 9984 : i32
      %add3A_55 = arith.addi %mul3A_53, %add3A_54 : i32
      "tpu.region"() ({
        %run_scoped3A = tpu.sem_alloc : memref<!tpu.dma_semaphore, #tpu.memory_space<semaphore_mem>>
        %dma_start3A_56 = arith.constant 9984 : i32
        %dma_start3A_57 = arith.constant 0 : i32
        %dma_start3A_58 = tpu.memref_slice %arg6[%dma_start3A_56, %dma_start3A_57] : memref<10000x128xf32, #tpu.memory_space<vmem_shared>> -> memref<16x128xf32, #tpu.memory_space<vmem_shared>>
        %dma_start3A_59 = arith.constant 0 : i32
        %dma_start3A_60 = tpu.memref_slice %arg2[%add3A_55, %dma_start3A_59] : memref<20000x128xf32, #tpu.memory_space<hbm>> -> memref<16x128xf32, #tpu.memory_space<hbm>>
        tpu.enqueue_dma source(%dma_start3A_60 : memref<16x128xf32, #tpu.memory_space<hbm>>) target(%dma_start3A_58 : memref<16x128xf32, #tpu.memory_space<vmem_shared>>) target_semaphore(%run_scoped3A : memref<!tpu.dma_semaphore, #tpu.memory_space<semaphore_mem>>)
        %dma_wait3A_61 = arith.constant 9984 : i32
        %dma_wait3A_62 = arith.constant 0 : i32
        %dma_wait3A_63 = tpu.memref_slice %arg6[%dma_wait3A_61, %dma_wait3A_62] : memref<10000x128xf32, #tpu.memory_space<vmem_shared>> -> memref<16x128xf32, #tpu.memory_space<vmem_shared>>
        %dma_wait3A_64 = arith.constant 0 : i32
        %dma_wait3A_65 = tpu.memref_slice %arg2[%add3A_55, %dma_wait3A_64] : memref<20000x128xf32, #tpu.memory_space<hbm>> -> memref<16x128xf32, #tpu.memory_space<hbm>>
        tpu.wait_dma2 semaphore(%run_scoped3A : memref<!tpu.dma_semaphore, #tpu.memory_space<semaphore_mem>>) src(%dma_wait3A_65 : memref<16x128xf32, #tpu.memory_space<hbm>>) dst(%dma_wait3A_63 : memref<16x128xf32, #tpu.memory_space<vmem_shared>>)
        tpu.yield
      }) : () -> ()
    } else {
    }
    %barrier3A = arith.constant 0 : index
    tpu.barrier barrier_id(%barrier3A)
    %scan3A = arith.constant 0 : i32
    %scan3A_20 = arith.constant 0 : i32
    %scan3A_21 = arith.constant 26 : i32
    %scan3A_22 = arith.addi %scan3A_20, %scan3A_21 : i32
    %scan3A_23 = arith.constant 1 : i32
    %scan3A_24 = scf.for %scan3A_52 = %scan3A_20 to %scan3A_22 step %scan3A_23 iter_args(%scan3A_53 = %scan3A) -> (i32)  : i32 {
      %eq3A_54 = arith.constant 0 : i32
      %eq3A_55 = arith.cmpi eq, %scan3A_52, %eq3A_54 : i32
      %and3A = arith.constant true
      %and3A_56 = arith.andi %eq3A_55, %and3A : i1
      %lt3A = arith.constant 25 : i32
      %lt3A_57 = arith.cmpi slt, %scan3A_52, %lt3A : i32
      %or3A = arith.constant true
      %or3A_58 = arith.ori %lt3A_57, %or3A : i1
      %dma_wait3A_59 = arith.constant 0 : i32
      %dma_wait3A_60 = arith.constant 0 : i32
      %dma_wait3A_61 = tpu.memref_slice %arg2[%dma_wait3A_59, %dma_wait3A_60] : memref<20000x128xf32, #tpu.memory_space<hbm>> -> memref<20000x128xf32, #tpu.memory_space<hbm>>
      tpu.wait_indirect_dma semaphore(%arg18 : memref<!tpu.dma_semaphore, #tpu.memory_space<semaphore_mem>>) src(%dma_wait3A_61 : memref<20000x128xf32, #tpu.memory_space<hbm>>) dst(%arg13 : memref<128x128xf32, #tpu.memory_space<vmem>>)
      %dma_start3A_62 = arith.constant 0 : i32
      %dma_start3A_63 = arith.constant 0 : i32
      %dma_start3A_64 = tpu.memref_slice %arg6[%dma_start3A_62, %dma_start3A_63] : memref<10000x128xf32, #tpu.memory_space<vmem_shared>> -> memref<10000x128xf32, #tpu.memory_space<vmem_shared>>
      tpu.enqueue_indirect_dma source(%arg13 : memref<128x128xf32, #tpu.memory_space<vmem>>) target(%dma_start3A_64 : memref<10000x128xf32, #tpu.memory_space<vmem_shared>>) offsets(%arg10 : memref<128xi32, #tpu.memory_space<vmem>>) semaphore(%arg21 : memref<!tpu.dma_semaphore, #tpu.memory_space<semaphore_mem>>) {add = true}
      %not3A = arith.constant true
      %not3A_65 = arith.xori %and3A_56, %not3A : i1
      %convert_element_type3A_66 = arith.extui %not3A_65 : i1 to i32
      %cond3A_67 = arith.constant 0 : i32
      %cond3A_68 = arith.cmpi ne, %convert_element_type3A_66, %cond3A_67 : i32
      scf.if %cond3A_68 {
        %dma_wait3A_117 = arith.constant 0 : i32
        %dma_wait3A_118 = arith.constant 0 : i32
        %dma_wait3A_119 = tpu.memref_slice %arg6[%dma_wait3A_117, %dma_wait3A_118] : memref<10000x128xf32, #tpu.memory_space<vmem_shared>> -> memref<10000x128xf32, #tpu.memory_space<vmem_shared>>
        tpu.wait_indirect_dma semaphore(%arg23 : memref<!tpu.dma_semaphore, #tpu.memory_space<semaphore_mem>>) src(%arg15 : memref<128x128xf32, #tpu.memory_space<vmem>>) dst(%dma_wait3A_119 : memref<10000x128xf32, #tpu.memory_space<vmem_shared>>)
      } else {
      }
      %convert_element_type3A_69 = arith.extui %or3A_58 : i1 to i32
      %cond3A_70 = arith.constant 0 : i32
      %cond3A_71 = arith.cmpi ne, %convert_element_type3A_69, %cond3A_70 : i32
      scf.if %cond3A_71 {
        %mul3A_117 = arith.constant 3 : i32
        %mul3A_118 = arith.muli %mul3A_117, %scan3A_52 : i32
        %add3A_119 = arith.constant 0 : i32
        %add3A_120 = arith.addi %mul3A_118, %add3A_119 : i32
        %add3A_121 = arith.constant 3 : i32
        %add3A_122 = arith.addi %add3A_120, %add3A_121 : i32
        %sub3A = arith.constant 1 : i32
        %sub3A_123 = arith.subi %add3A_122, %sub3A : i32
        %mul3A_124 = arith.constant 128 : i32
        %mul3A_125 = arith.muli %sub3A_123, %mul3A_124 : i32
        %add3A_126 = arith.addi %mul3A_2, %mul3A_125 : i32
        %add3A_127 = arith.addi %mul3A_4, %add3A_126 : i32
        "tpu.region"() ({
          %run_scoped3A = tpu.sem_alloc : memref<!tpu.dma_semaphore, #tpu.memory_space<semaphore_mem>>
          %dma_start3A_131 = tpu.memref_slice %arg3[%add3A_127] : memref<320000xi32, #tpu.memory_space<hbm>> -> memref<128xi32, #tpu.memory_space<hbm>>
          %dma_start3A_132 = tpu.memref_slice %arg3[%add3A_127] : memref<320000xi32, #tpu.memory_space<hbm>> -> memref<128xi32, #tpu.memory_space<hbm>>
          tpu.enqueue_dma source(%dma_start3A_132 : memref<128xi32, #tpu.memory_space<hbm>>) target(%arg9 : memref<128xi32, #tpu.memory_space<vmem>>) target_semaphore(%run_scoped3A : memref<!tpu.dma_semaphore, #tpu.memory_space<semaphore_mem>>)
          %dma_wait3A_133 = tpu.memref_slice %arg3[%add3A_127] : memref<320000xi32, #tpu.memory_space<hbm>> -> memref<128xi32, #tpu.memory_space<hbm>>
          %dma_wait3A_134 = tpu.memref_slice %arg3[%add3A_127] : memref<320000xi32, #tpu.memory_space<hbm>> -> memref<128xi32, #tpu.memory_space<hbm>>
          tpu.wait_dma2 semaphore(%run_scoped3A : memref<!tpu.dma_semaphore, #tpu.memory_space<semaphore_mem>>) src(%dma_wait3A_134 : memref<128xi32, #tpu.memory_space<hbm>>) dst(%arg9 : memref<128xi32, #tpu.memory_space<vmem>>)
          tpu.yield
        }) : () -> ()
        "tpu.region"() ({
          %run_scoped3A = tpu.sem_alloc : memref<!tpu.dma_semaphore, #tpu.memory_space<semaphore_mem>>
          %dma_start3A_131 = tpu.memref_slice %arg4[%add3A_126] : memref<160000xi32, #tpu.memory_space<hbm>> -> memref<128xi32, #tpu.memory_space<hbm>>
          %dma_start3A_132 = tpu.memref_slice %arg4[%add3A_126] : memref<160000xi32, #tpu.memory_space<hbm>> -> memref<128xi32, #tpu.memory_space<hbm>>
          tpu.enqueue_dma source(%dma_start3A_132 : memref<128xi32, #tpu.memory_space<hbm>>) target(%arg12 : memref<128xi32, #tpu.memory_space<vmem>>) target_semaphore(%run_scoped3A : memref<!tpu.dma_semaphore, #tpu.memory_space<semaphore_mem>>)
          %dma_wait3A_133 = tpu.memref_slice %arg4[%add3A_126] : memref<160000xi32, #tpu.memory_space<hbm>> -> memref<128xi32, #tpu.memory_space<hbm>>
          %dma_wait3A_134 = tpu.memref_slice %arg4[%add3A_126] : memref<160000xi32, #tpu.memory_space<hbm>> -> memref<128xi32, #tpu.memory_space<hbm>>
          tpu.wait_dma2 semaphore(%run_scoped3A : memref<!tpu.dma_semaphore, #tpu.memory_space<semaphore_mem>>) src(%dma_wait3A_134 : memref<128xi32, #tpu.memory_space<hbm>>) dst(%arg12 : memref<128xi32, #tpu.memory_space<vmem>>)
          tpu.yield
        }) : () -> ()
        %dma_start3A_128 = arith.constant 0 : i32
        %dma_start3A_129 = arith.constant 0 : i32
        %dma_start3A_130 = tpu.memref_slice %arg2[%dma_start3A_128, %dma_start3A_129] : memref<20000x128xf32, #tpu.memory_space<hbm>> -> memref<20000x128xf32, #tpu.memory_space<hbm>>
        tpu.enqueue_indirect_dma source(%dma_start3A_130 : memref<20000x128xf32, #tpu.memory_space<hbm>>) target(%arg15 : memref<128x128xf32, #tpu.memory_space<vmem>>) offsets(%arg9 : memref<128xi32, #tpu.memory_space<vmem>>) semaphore(%arg20 : memref<!tpu.dma_semaphore, #tpu.memory_space<semaphore_mem>>)
      } else {
      }
      %eq3A_72 = arith.constant 0 : i32
      %eq3A_73 = arith.cmpi eq, %scan3A_52, %eq3A_72 : i32
      %and3A_74 = arith.constant false
      %and3A_75 = arith.andi %eq3A_73, %and3A_74 : i1
      %lt3A_76 = arith.constant 25 : i32
      %lt3A_77 = arith.cmpi slt, %scan3A_52, %lt3A_76 : i32
      %or3A_78 = arith.constant false
      %or3A_79 = arith.ori %lt3A_77, %or3A_78 : i1
      %dma_wait3A_80 = arith.constant 0 : i32
      %dma_wait3A_81 = arith.constant 0 : i32
      %dma_wait3A_82 = tpu.memref_slice %arg2[%dma_wait3A_80, %dma_wait3A_81] : memref<20000x128xf32, #tpu.memory_space<hbm>> -> memref<20000x128xf32, #tpu.memory_space<hbm>>
      tpu.wait_indirect_dma semaphore(%arg19 : memref<!tpu.dma_semaphore, #tpu.memory_space<semaphore_mem>>) src(%dma_wait3A_82 : memref<20000x128xf32, #tpu.memory_space<hbm>>) dst(%arg14 : memref<128x128xf32, #tpu.memory_space<vmem>>)
      %dma_start3A_83 = arith.constant 0 : i32
      %dma_start3A_84 = arith.constant 0 : i32
      %dma_start3A_85 = tpu.memref_slice %arg6[%dma_start3A_83, %dma_start3A_84] : memref<10000x128xf32, #tpu.memory_space<vmem_shared>> -> memref<10000x128xf32, #tpu.memory_space<vmem_shared>>
      tpu.enqueue_indirect_dma source(%arg14 : memref<128x128xf32, #tpu.memory_space<vmem>>) target(%dma_start3A_85 : memref<10000x128xf32, #tpu.memory_space<vmem_shared>>) offsets(%arg11 : memref<128xi32, #tpu.memory_space<vmem>>) semaphore(%arg22 : memref<!tpu.dma_semaphore, #tpu.memory_space<semaphore_mem>>) {add = true}
      %not3A_86 = arith.constant true
      %not3A_87 = arith.xori %and3A_75, %not3A_86 : i1
      %convert_element_type3A_88 = arith.extui %not3A_87 : i1 to i32
      %cond3A_89 = arith.constant 0 : i32
      %cond3A_90 = arith.cmpi ne, %convert_element_type3A_88, %cond3A_89 : i32
      scf.if %cond3A_90 {
        %dma_wait3A_117 = arith.constant 0 : i32
        %dma_wait3A_118 = arith.constant 0 : i32
        %dma_wait3A_119 = tpu.memref_slice %arg6[%dma_wait3A_117, %dma_wait3A_118] : memref<10000x128xf32, #tpu.memory_space<vmem_shared>> -> memref<10000x128xf32, #tpu.memory_space<vmem_shared>>
        tpu.wait_indirect_dma semaphore(%arg21 : memref<!tpu.dma_semaphore, #tpu.memory_space<semaphore_mem>>) src(%arg13 : memref<128x128xf32, #tpu.memory_space<vmem>>) dst(%dma_wait3A_119 : memref<10000x128xf32, #tpu.memory_space<vmem_shared>>)
      } else {
      }
      %convert_element_type3A_91 = arith.extui %or3A_79 : i1 to i32
      %cond3A_92 = arith.constant 0 : i32
      %cond3A_93 = arith.cmpi ne, %convert_element_type3A_91, %cond3A_92 : i32
      scf.if %cond3A_93 {
        %mul3A_117 = arith.constant 3 : i32
        %mul3A_118 = arith.muli %mul3A_117, %scan3A_52 : i32
        %add3A_119 = arith.constant 1 : i32
        %add3A_120 = arith.addi %mul3A_118, %add3A_119 : i32
        %add3A_121 = arith.constant 3 : i32
        %add3A_122 = arith.addi %add3A_120, %add3A_121 : i32
        %sub3A = arith.constant 1 : i32
        %sub3A_123 = arith.subi %add3A_122, %sub3A : i32
        %mul3A_124 = arith.constant 128 : i32
        %mul3A_125 = arith.muli %sub3A_123, %mul3A_124 : i32
        %add3A_126 = arith.addi %mul3A_2, %mul3A_125 : i32
        %add3A_127 = arith.addi %mul3A_4, %add3A_126 : i32
        "tpu.region"() ({
          %run_scoped3A = tpu.sem_alloc : memref<!tpu.dma_semaphore, #tpu.memory_space<semaphore_mem>>
          %dma_start3A_131 = tpu.memref_slice %arg3[%add3A_127] : memref<320000xi32, #tpu.memory_space<hbm>> -> memref<128xi32, #tpu.memory_space<hbm>>
          %dma_start3A_132 = tpu.memref_slice %arg3[%add3A_127] : memref<320000xi32, #tpu.memory_space<hbm>> -> memref<128xi32, #tpu.memory_space<hbm>>
          tpu.enqueue_dma source(%dma_start3A_132 : memref<128xi32, #tpu.memory_space<hbm>>) target(%arg7 : memref<128xi32, #tpu.memory_space<vmem>>) target_semaphore(%run_scoped3A : memref<!tpu.dma_semaphore, #tpu.memory_space<semaphore_mem>>)
          %dma_wait3A_133 = tpu.memref_slice %arg3[%add3A_127] : memref<320000xi32, #tpu.memory_space<hbm>> -> memref<128xi32, #tpu.memory_space<hbm>>
          %dma_wait3A_134 = tpu.memref_slice %arg3[%add3A_127] : memref<320000xi32, #tpu.memory_space<hbm>> -> memref<128xi32, #tpu.memory_space<hbm>>
          tpu.wait_dma2 semaphore(%run_scoped3A : memref<!tpu.dma_semaphore, #tpu.memory_space<semaphore_mem>>) src(%dma_wait3A_134 : memref<128xi32, #tpu.memory_space<hbm>>) dst(%arg7 : memref<128xi32, #tpu.memory_space<vmem>>)
          tpu.yield
        }) : () -> ()
        "tpu.region"() ({
          %run_scoped3A = tpu.sem_alloc : memref<!tpu.dma_semaphore, #tpu.memory_space<semaphore_mem>>
          %dma_start3A_131 = tpu.memref_slice %arg4[%add3A_126] : memref<160000xi32, #tpu.memory_space<hbm>> -> memref<128xi32, #tpu.memory_space<hbm>>
          %dma_start3A_132 = tpu.memref_slice %arg4[%add3A_126] : memref<160000xi32, #tpu.memory_space<hbm>> -> memref<128xi32, #tpu.memory_space<hbm>>
          tpu.enqueue_dma source(%dma_start3A_132 : memref<128xi32, #tpu.memory_space<hbm>>) target(%arg10 : memref<128xi32, #tpu.memory_space<vmem>>) target_semaphore(%run_scoped3A : memref<!tpu.dma_semaphore, #tpu.memory_space<semaphore_mem>>)
          %dma_wait3A_133 = tpu.memref_slice %arg4[%add3A_126] : memref<160000xi32, #tpu.memory_space<hbm>> -> memref<128xi32, #tpu.memory_space<hbm>>
          %dma_wait3A_134 = tpu.memref_slice %arg4[%add3A_126] : memref<160000xi32, #tpu.memory_space<hbm>> -> memref<128xi32, #tpu.memory_space<hbm>>
          tpu.wait_dma2 semaphore(%run_scoped3A : memref<!tpu.dma_semaphore, #tpu.memory_space<semaphore_mem>>) src(%dma_wait3A_134 : memref<128xi32, #tpu.memory_space<hbm>>) dst(%arg10 : memref<128xi32, #tpu.memory_space<vmem>>)
          tpu.yield
        }) : () -> ()
        %dma_start3A_128 = arith.constant 0 : i32
        %dma_start3A_129 = arith.constant 0 : i32
        %dma_start3A_130 = tpu.memref_slice %arg2[%dma_start3A_128, %dma_start3A_129] : memref<20000x128xf32, #tpu.memory_space<hbm>> -> memref<20000x128xf32, #tpu.memory_space<hbm>>
        tpu.enqueue_indirect_dma source(%dma_start3A_130 : memref<20000x128xf32, #tpu.memory_space<hbm>>) target(%arg13 : memref<128x128xf32, #tpu.memory_space<vmem>>) offsets(%arg7 : memref<128xi32, #tpu.memory_space<vmem>>) semaphore(%arg18 : memref<!tpu.dma_semaphore, #tpu.memory_space<semaphore_mem>>)
      } else {
      }
      %eq3A_94 = arith.constant 0 : i32
      %eq3A_95 = arith.cmpi eq, %scan3A_52, %eq3A_94 : i32
      %and3A_96 = arith.constant false
      %and3A_97 = arith.andi %eq3A_95, %and3A_96 : i1
      %lt3A_98 = arith.constant 25 : i32
      %lt3A_99 = arith.cmpi slt, %scan3A_52, %lt3A_98 : i32
      %or3A_100 = arith.constant false
      %or3A_101 = arith.ori %lt3A_99, %or3A_100 : i1
      %dma_wait3A_102 = arith.constant 0 : i32
      %dma_wait3A_103 = arith.constant 0 : i32
      %dma_wait3A_104 = tpu.memref_slice %arg2[%dma_wait3A_102, %dma_wait3A_103] : memref<20000x128xf32, #tpu.memory_space<hbm>> -> memref<20000x128xf32, #tpu.memory_space<hbm>>
      tpu.wait_indirect_dma semaphore(%arg20 : memref<!tpu.dma_semaphore, #tpu.memory_space<semaphore_mem>>) src(%dma_wait3A_104 : memref<20000x128xf32, #tpu.memory_space<hbm>>) dst(%arg15 : memref<128x128xf32, #tpu.memory_space<vmem>>)
      %dma_start3A_105 = arith.constant 0 : i32
      %dma_start3A_106 = arith.constant 0 : i32
      %dma_start3A_107 = tpu.memref_slice %arg6[%dma_start3A_105, %dma_start3A_106] : memref<10000x128xf32, #tpu.memory_space<vmem_shared>> -> memref<10000x128xf32, #tpu.memory_space<vmem_shared>>
      tpu.enqueue_indirect_dma source(%arg15 : memref<128x128xf32, #tpu.memory_space<vmem>>) target(%dma_start3A_107 : memref<10000x128xf32, #tpu.memory_space<vmem_shared>>) offsets(%arg12 : memref<128xi32, #tpu.memory_space<vmem>>) semaphore(%arg23 : memref<!tpu.dma_semaphore, #tpu.memory_space<semaphore_mem>>) {add = true}
      %not3A_108 = arith.constant true
      %not3A_109 = arith.xori %and3A_97, %not3A_108 : i1
      %convert_element_type3A_110 = arith.extui %not3A_109 : i1 to i32
      %cond3A_111 = arith.constant 0 : i32
      %cond3A_112 = arith.cmpi ne, %convert_element_type3A_110, %cond3A_111 : i32
      scf.if %cond3A_112 {
        %dma_wait3A_117 = arith.constant 0 : i32
        %dma_wait3A_118 = arith.constant 0 : i32
        %dma_wait3A_119 = tpu.memref_slice %arg6[%dma_wait3A_117, %dma_wait3A_118] : memref<10000x128xf32, #tpu.memory_space<vmem_shared>> -> memref<10000x128xf32, #tpu.memory_space<vmem_shared>>
        tpu.wait_indirect_dma semaphore(%arg22 : memref<!tpu.dma_semaphore, #tpu.memory_space<semaphore_mem>>) src(%arg14 : memref<128x128xf32, #tpu.memory_space<vmem>>) dst(%dma_wait3A_119 : memref<10000x128xf32, #tpu.memory_space<vmem_shared>>)
      } else {
      }
      %convert_element_type3A_113 = arith.extui %or3A_101 : i1 to i32
      %cond3A_114 = arith.constant 0 : i32
      %cond3A_115 = arith.cmpi ne, %convert_element_type3A_113, %cond3A_114 : i32
      scf.if %cond3A_115 {
        %mul3A_117 = arith.constant 3 : i32
        %mul3A_118 = arith.muli %mul3A_117, %scan3A_52 : i32
        %add3A_119 = arith.constant 2 : i32
        %add3A_120 = arith.addi %mul3A_118, %add3A_119 : i32
        %add3A_121 = arith.constant 3 : i32
        %add3A_122 = arith.addi %add3A_120, %add3A_121 : i32
        %sub3A = arith.constant 1 : i32
        %sub3A_123 = arith.subi %add3A_122, %sub3A : i32
        %mul3A_124 = arith.constant 128 : i32
        %mul3A_125 = arith.muli %sub3A_123, %mul3A_124 : i32
        %add3A_126 = arith.addi %mul3A_2, %mul3A_125 : i32
        %add3A_127 = arith.addi %mul3A_4, %add3A_126 : i32
        "tpu.region"() ({
          %run_scoped3A = tpu.sem_alloc : memref<!tpu.dma_semaphore, #tpu.memory_space<semaphore_mem>>
          %dma_start3A_131 = tpu.memref_slice %arg3[%add3A_127] : memref<320000xi32, #tpu.memory_space<hbm>> -> memref<128xi32, #tpu.memory_space<hbm>>
          %dma_start3A_132 = tpu.memref_slice %arg3[%add3A_127] : memref<320000xi32, #tpu.memory_space<hbm>> -> memref<128xi32, #tpu.memory_space<hbm>>
          tpu.enqueue_dma source(%dma_start3A_132 : memref<128xi32, #tpu.memory_space<hbm>>) target(%arg8 : memref<128xi32, #tpu.memory_space<vmem>>) target_semaphore(%run_scoped3A : memref<!tpu.dma_semaphore, #tpu.memory_space<semaphore_mem>>)
          %dma_wait3A_133 = tpu.memref_slice %arg3[%add3A_127] : memref<320000xi32, #tpu.memory_space<hbm>> -> memref<128xi32, #tpu.memory_space<hbm>>
          %dma_wait3A_134 = tpu.memref_slice %arg3[%add3A_127] : memref<320000xi32, #tpu.memory_space<hbm>> -> memref<128xi32, #tpu.memory_space<hbm>>
          tpu.wait_dma2 semaphore(%run_scoped3A : memref<!tpu.dma_semaphore, #tpu.memory_space<semaphore_mem>>) src(%dma_wait3A_134 : memref<128xi32, #tpu.memory_space<hbm>>) dst(%arg8 : memref<128xi32, #tpu.memory_space<vmem>>)
          tpu.yield
        }) : () -> ()
        "tpu.region"() ({
          %run_scoped3A = tpu.sem_alloc : memref<!tpu.dma_semaphore, #tpu.memory_space<semaphore_mem>>
          %dma_start3A_131 = tpu.memref_slice %arg4[%add3A_126] : memref<160000xi32, #tpu.memory_space<hbm>> -> memref<128xi32, #tpu.memory_space<hbm>>
          %dma_start3A_132 = tpu.memref_slice %arg4[%add3A_126] : memref<160000xi32, #tpu.memory_space<hbm>> -> memref<128xi32, #tpu.memory_space<hbm>>
          tpu.enqueue_dma source(%dma_start3A_132 : memref<128xi32, #tpu.memory_space<hbm>>) target(%arg11 : memref<128xi32, #tpu.memory_space<vmem>>) target_semaphore(%run_scoped3A : memref<!tpu.dma_semaphore, #tpu.memory_space<semaphore_mem>>)
          %dma_wait3A_133 = tpu.memref_slice %arg4[%add3A_126] : memref<160000xi32, #tpu.memory_space<hbm>> -> memref<128xi32, #tpu.memory_space<hbm>>
          %dma_wait3A_134 = tpu.memref_slice %arg4[%add3A_126] : memref<160000xi32, #tpu.memory_space<hbm>> -> memref<128xi32, #tpu.memory_space<hbm>>
          tpu.wait_dma2 semaphore(%run_scoped3A : memref<!tpu.dma_semaphore, #tpu.memory_space<semaphore_mem>>) src(%dma_wait3A_134 : memref<128xi32, #tpu.memory_space<hbm>>) dst(%arg11 : memref<128xi32, #tpu.memory_space<vmem>>)
          tpu.yield
        }) : () -> ()
        %dma_start3A_128 = arith.constant 0 : i32
        %dma_start3A_129 = arith.constant 0 : i32
        %dma_start3A_130 = tpu.memref_slice %arg2[%dma_start3A_128, %dma_start3A_129] : memref<20000x128xf32, #tpu.memory_space<hbm>> -> memref<20000x128xf32, #tpu.memory_space<hbm>>
        tpu.enqueue_indirect_dma source(%dma_start3A_130 : memref<20000x128xf32, #tpu.memory_space<hbm>>) target(%arg14 : memref<128x128xf32, #tpu.memory_space<vmem>>) offsets(%arg8 : memref<128xi32, #tpu.memory_space<vmem>>) semaphore(%arg19 : memref<!tpu.dma_semaphore, #tpu.memory_space<semaphore_mem>>)
      } else {
      }
      %scan3A_116 = arith.constant 0 : i32
      scf.yield %scan3A_116 : i32
    }
    %scan3A_25 = arith.constant 26 : i32
    %dma_wait3A = arith.constant 0 : i32
    %dma_wait3A_26 = arith.constant 0 : i32
    %dma_wait3A_27 = tpu.memref_slice %arg6[%dma_wait3A, %dma_wait3A_26] : memref<10000x128xf32, #tpu.memory_space<vmem_shared>> -> memref<10000x128xf32, #tpu.memory_space<vmem_shared>>
    tpu.wait_indirect_dma semaphore(%arg23 : memref<!tpu.dma_semaphore, #tpu.memory_space<semaphore_mem>>) src(%arg15 : memref<128x128xf32, #tpu.memory_space<vmem>>) dst(%dma_wait3A_27 : memref<10000x128xf32, #tpu.memory_space<vmem_shared>>)
    %add3A_28 = arith.constant 9984 : i32
    %add3A_29 = arith.addi %mul3A_2, %add3A_28 : i32
    %add3A_30 = arith.addi %mul3A_4, %add3A_29 : i32
    "tpu.region"() ({
      %run_scoped3A = tpu.sem_alloc : memref<!tpu.dma_semaphore, #tpu.memory_space<semaphore_mem>>
      %dma_start3A_52 = tpu.memref_slice %arg3[%add3A_30] : memref<320000xi32, #tpu.memory_space<hbm>> -> memref<16xi32, #tpu.memory_space<hbm>>
      %dma_start3A_53 = tpu.memref_slice %arg3[%add3A_30] : memref<320000xi32, #tpu.memory_space<hbm>> -> memref<16xi32, #tpu.memory_space<hbm>>
      tpu.enqueue_dma source(%dma_start3A_53 : memref<16xi32, #tpu.memory_space<hbm>>) target(%arg16 : memref<16xi32, #tpu.memory_space<vmem>>) target_semaphore(%run_scoped3A : memref<!tpu.dma_semaphore, #tpu.memory_space<semaphore_mem>>)
      %dma_wait3A_54 = tpu.memref_slice %arg3[%add3A_30] : memref<320000xi32, #tpu.memory_space<hbm>> -> memref<16xi32, #tpu.memory_space<hbm>>
      %dma_wait3A_55 = tpu.memref_slice %arg3[%add3A_30] : memref<320000xi32, #tpu.memory_space<hbm>> -> memref<16xi32, #tpu.memory_space<hbm>>
      tpu.wait_dma2 semaphore(%run_scoped3A : memref<!tpu.dma_semaphore, #tpu.memory_space<semaphore_mem>>) src(%dma_wait3A_55 : memref<16xi32, #tpu.memory_space<hbm>>) dst(%arg16 : memref<16xi32, #tpu.memory_space<vmem>>)
      tpu.yield
    }) : () -> ()
    "tpu.region"() ({
      %run_scoped3A = tpu.sem_alloc : memref<!tpu.dma_semaphore, #tpu.memory_space<semaphore_mem>>
      %dma_start3A_52 = tpu.memref_slice %arg4[%add3A_29] : memref<160000xi32, #tpu.memory_space<hbm>> -> memref<16xi32, #tpu.memory_space<hbm>>
      %dma_start3A_53 = tpu.memref_slice %arg4[%add3A_29] : memref<160000xi32, #tpu.memory_space<hbm>> -> memref<16xi32, #tpu.memory_space<hbm>>
      tpu.enqueue_dma source(%dma_start3A_53 : memref<16xi32, #tpu.memory_space<hbm>>) target(%arg17 : memref<16xi32, #tpu.memory_space<vmem>>) target_semaphore(%run_scoped3A : memref<!tpu.dma_semaphore, #tpu.memory_space<semaphore_mem>>)
      %dma_wait3A_54 = tpu.memref_slice %arg4[%add3A_29] : memref<160000xi32, #tpu.memory_space<hbm>> -> memref<16xi32, #tpu.memory_space<hbm>>
      %dma_wait3A_55 = tpu.memref_slice %arg4[%add3A_29] : memref<160000xi32, #tpu.memory_space<hbm>> -> memref<16xi32, #tpu.memory_space<hbm>>
      tpu.wait_dma2 semaphore(%run_scoped3A : memref<!tpu.dma_semaphore, #tpu.memory_space<semaphore_mem>>) src(%dma_wait3A_55 : memref<16xi32, #tpu.memory_space<hbm>>) dst(%arg17 : memref<16xi32, #tpu.memory_space<vmem>>)
      tpu.yield
    }) : () -> ()
    %dma_start3A_31 = arith.constant 0 : i32
    %dma_start3A_32 = arith.constant 0 : i32
    %dma_start3A_33 = tpu.memref_slice %arg13[%dma_start3A_31, %dma_start3A_32] : memref<128x128xf32, #tpu.memory_space<vmem>> -> memref<16x128xf32, #tpu.memory_space<vmem>>
    %dma_start3A_34 = arith.constant 0 : i32
    %dma_start3A_35 = arith.constant 0 : i32
    %dma_start3A_36 = tpu.memref_slice %arg2[%dma_start3A_34, %dma_start3A_35] : memref<20000x128xf32, #tpu.memory_space<hbm>> -> memref<20000x128xf32, #tpu.memory_space<hbm>>
    tpu.enqueue_indirect_dma source(%dma_start3A_36 : memref<20000x128xf32, #tpu.memory_space<hbm>>) target(%dma_start3A_33 : memref<16x128xf32, #tpu.memory_space<vmem>>) offsets(%arg16 : memref<16xi32, #tpu.memory_space<vmem>>) semaphore(%arg18 : memref<!tpu.dma_semaphore, #tpu.memory_space<semaphore_mem>>)
    %dma_wait3A_37 = arith.constant 0 : i32
    %dma_wait3A_38 = arith.constant 0 : i32
    %dma_wait3A_39 = tpu.memref_slice %arg13[%dma_wait3A_37, %dma_wait3A_38] : memref<128x128xf32, #tpu.memory_space<vmem>> -> memref<16x128xf32, #tpu.memory_space<vmem>>
    %dma_wait3A_40 = arith.constant 0 : i32
    %dma_wait3A_41 = arith.constant 0 : i32
    %dma_wait3A_42 = tpu.memref_slice %arg2[%dma_wait3A_40, %dma_wait3A_41] : memref<20000x128xf32, #tpu.memory_space<hbm>> -> memref<20000x128xf32, #tpu.memory_space<hbm>>
    tpu.wait_indirect_dma semaphore(%arg18 : memref<!tpu.dma_semaphore, #tpu.memory_space<semaphore_mem>>) src(%dma_wait3A_42 : memref<20000x128xf32, #tpu.memory_space<hbm>>) dst(%dma_wait3A_39 : memref<16x128xf32, #tpu.memory_space<vmem>>)
    "tpu.region"() ({
      %run_scoped3A = tpu.sem_alloc : memref<!tpu.dma_semaphore, #tpu.memory_space<semaphore_mem>>
      %dma_start3A_52 = arith.constant 0 : i32
      %dma_start3A_53 = arith.constant 0 : i32
      %dma_start3A_54 = tpu.memref_slice %arg13[%dma_start3A_52, %dma_start3A_53] : memref<128x128xf32, #tpu.memory_space<vmem>> -> memref<16x128xf32, #tpu.memory_space<vmem>>
      %dma_start3A_55 = arith.constant 0 : i32
      %dma_start3A_56 = arith.constant 0 : i32
      %dma_start3A_57 = tpu.memref_slice %arg6[%dma_start3A_55, %dma_start3A_56] : memref<10000x128xf32, #tpu.memory_space<vmem_shared>> -> memref<10000x128xf32, #tpu.memory_space<vmem_shared>>
      tpu.enqueue_indirect_dma source(%dma_start3A_54 : memref<16x128xf32, #tpu.memory_space<vmem>>) target(%dma_start3A_57 : memref<10000x128xf32, #tpu.memory_space<vmem_shared>>) offsets(%arg17 : memref<16xi32, #tpu.memory_space<vmem>>) semaphore(%run_scoped3A : memref<!tpu.dma_semaphore, #tpu.memory_space<semaphore_mem>>) {add = true}
      %dma_wait3A_58 = arith.constant 0 : i32
      %dma_wait3A_59 = arith.constant 0 : i32
      %dma_wait3A_60 = tpu.memref_slice %arg13[%dma_wait3A_58, %dma_wait3A_59] : memref<128x128xf32, #tpu.memory_space<vmem>> -> memref<16x128xf32, #tpu.memory_space<vmem>>
      %dma_wait3A_61 = arith.constant 0 : i32
      %dma_wait3A_62 = arith.constant 0 : i32
      %dma_wait3A_63 = tpu.memref_slice %arg6[%dma_wait3A_61, %dma_wait3A_62] : memref<10000x128xf32, #tpu.memory_space<vmem_shared>> -> memref<10000x128xf32, #tpu.memory_space<vmem_shared>>
      tpu.wait_indirect_dma semaphore(%run_scoped3A : memref<!tpu.dma_semaphore, #tpu.memory_space<semaphore_mem>>) src(%dma_wait3A_60 : memref<16x128xf32, #tpu.memory_space<vmem>>) dst(%dma_wait3A_63 : memref<10000x128xf32, #tpu.memory_space<vmem_shared>>)
      tpu.yield
    }) : () -> ()
    %barrier3A_43 = arith.constant 0 : index
    tpu.barrier barrier_id(%barrier3A_43)
    %mul3A_44 = arith.constant 10000 : i32
    %mul3A_45 = arith.muli %arg0, %mul3A_44 : i32
    %add3A_46 = arith.addi %mul3A_45, %mul3A_0 : i32
    "tpu.region"() ({
      %run_scoped3A = tpu.sem_alloc : memref<!tpu.dma_semaphore, #tpu.memory_space<semaphore_mem>>
      %dma_start3A_52 = arith.constant 0 : i32
      %dma_start3A_53 = tpu.memref_slice %arg5[%add3A_46, %dma_start3A_52] : memref<20000x128xf32, #tpu.memory_space<hbm>> -> memref<624x128xf32, #tpu.memory_space<hbm>>
      %dma_start3A_54 = arith.constant 0 : i32
      %dma_start3A_55 = tpu.memref_slice %arg6[%mul3A_0, %dma_start3A_54] : memref<10000x128xf32, #tpu.memory_space<vmem_shared>> -> memref<624x128xf32, #tpu.memory_space<vmem_shared>>
      tpu.enqueue_dma source(%dma_start3A_55 : memref<624x128xf32, #tpu.memory_space<vmem_shared>>) target(%dma_start3A_53 : memref<624x128xf32, #tpu.memory_space<hbm>>) target_semaphore(%run_scoped3A : memref<!tpu.dma_semaphore, #tpu.memory_space<semaphore_mem>>)
      %dma_wait3A_56 = arith.constant 0 : i32
      %dma_wait3A_57 = tpu.memref_slice %arg5[%add3A_46, %dma_wait3A_56] : memref<20000x128xf32, #tpu.memory_space<hbm>> -> memref<624x128xf32, #tpu.memory_space<hbm>>
      %dma_wait3A_58 = arith.constant 0 : i32
      %dma_wait3A_59 = tpu.memref_slice %arg6[%mul3A_0, %dma_wait3A_58] : memref<10000x128xf32, #tpu.memory_space<vmem_shared>> -> memref<624x128xf32, #tpu.memory_space<vmem_shared>>
      tpu.wait_dma2 semaphore(%run_scoped3A : memref<!tpu.dma_semaphore, #tpu.memory_space<semaphore_mem>>) src(%dma_wait3A_59 : memref<624x128xf32, #tpu.memory_space<vmem_shared>>) dst(%dma_wait3A_57 : memref<624x128xf32, #tpu.memory_space<hbm>>)
      tpu.yield
    }) : () -> ()
    %eq3A_47 = arith.constant 15 : i32
    %eq3A_48 = arith.cmpi eq, %arg1, %eq3A_47 : i32
    %convert_element_type3A_49 = arith.extui %eq3A_48 : i1 to i32
    %cond3A_50 = arith.constant 0 : i32
    %cond3A_51 = arith.cmpi ne, %convert_element_type3A_49, %cond3A_50 : i32
    scf.if %cond3A_51 {
      %mul3A_52 = arith.constant 10000 : i32
      %mul3A_53 = arith.muli %arg0, %mul3A_52 : i32
      %add3A_54 = arith.constant 9984 : i32
      %add3A_55 = arith.addi %mul3A_53, %add3A_54 : i32
      "tpu.region"() ({
        %run_scoped3A = tpu.sem_alloc : memref<!tpu.dma_semaphore, #tpu.memory_space<semaphore_mem>>
        %dma_start3A_56 = arith.constant 0 : i32
        %dma_start3A_57 = tpu.memref_slice %arg5[%add3A_55, %dma_start3A_56] : memref<20000x128xf32, #tpu.memory_space<hbm>> -> memref<16x128xf32, #tpu.memory_space<hbm>>
        %dma_start3A_58 = arith.constant 9984 : i32
        %dma_start3A_59 = arith.constant 0 : i32
        %dma_start3A_60 = tpu.memref_slice %arg6[%dma_start3A_58, %dma_start3A_59] : memref<10000x128xf32, #tpu.memory_space<vmem_shared>> -> memref<16x128xf32, #tpu.memory_space<vmem_shared>>
        tpu.enqueue_dma source(%dma_start3A_60 : memref<16x128xf32, #tpu.memory_space<vmem_shared>>) target(%dma_start3A_57 : memref<16x128xf32, #tpu.memory_space<hbm>>) target_semaphore(%run_scoped3A : memref<!tpu.dma_semaphore, #tpu.memory_space<semaphore_mem>>)
        %dma_wait3A_61 = arith.constant 0 : i32
        %dma_wait3A_62 = tpu.memref_slice %arg5[%add3A_55, %dma_wait3A_61] : memref<20000x128xf32, #tpu.memory_space<hbm>> -> memref<16x128xf32, #tpu.memory_space<hbm>>
        %dma_wait3A_63 = arith.constant 9984 : i32
        %dma_wait3A_64 = arith.constant 0 : i32
        %dma_wait3A_65 = tpu.memref_slice %arg6[%dma_wait3A_63, %dma_wait3A_64] : memref<10000x128xf32, #tpu.memory_space<vmem_shared>> -> memref<16x128xf32, #tpu.memory_space<vmem_shared>>
        tpu.wait_dma2 semaphore(%run_scoped3A : memref<!tpu.dma_semaphore, #tpu.memory_space<semaphore_mem>>) src(%dma_wait3A_65 : memref<16x128xf32, #tpu.memory_space<vmem_shared>>) dst(%dma_wait3A_62 : memref<16x128xf32, #tpu.memory_space<hbm>>)
        tpu.yield
      }) : () -> ()
    } else {
    }
    return
  }
}

module attributes {stable_mosaic.version = 14 : i64} {
  func.func @_mm_raw_body(%arg0: i32, %arg1: memref<1000x256xf32, #tpu.memory_space<vmem>>, %arg2: memref<256x256xf32, #tpu.memory_space<vmem>>, %arg3: memref<1000x256xf32, #tpu.memory_space<vmem>>) attributes {dimension_semantics = [#tpu.dimension_semantics<arbitrary>], iteration_bounds = array<i64: 10>, scalar_prefetch = 0 : i64, scratch_operands = 0 : i64, tpu.core_type = #tpu.core_type<tc>, window_params = [{transform_indices = @transform_0, window_bounds = array<i64: 1000, 256>}, {pipeline_mode = #tpu.pipeline_mode<synchronous>, transform_indices = @transform_1, window_bounds = array<i64: 256, 256>}, {transform_indices = @transform_2, window_bounds = array<i64: 1000, 256>}]} {
    %get3A = arith.constant 0 : index
    %get3A_0 = arith.constant 0 : index
    %get3A_1 = vector.load %arg1[%get3A, %get3A_0] : memref<1000x256xf32, #tpu.memory_space<vmem>>, vector<1000x256xf32>
    %get3A_2 = arith.constant 0 : index
    %get3A_3 = arith.constant 0 : index
    %get3A_4 = vector.load %arg2[%get3A_2, %get3A_3] : memref<256x256xf32, #tpu.memory_space<vmem>>, vector<256x256xf32>
    %dot_general3A = arith.constant dense<0.000000e+00> : vector<1000x256xf32>
    %dot_general3A_5 = tpu.matmul %get3A_1, %get3A_4, %dot_general3A {dimension_numbers = #tpu.dot_dimension_numbers<[1], [0], [0], [1], [0, 0, 1, 1], [], []>, transpose_lhs_hint = false} : vector<1000x256xf32>, vector<256x256xf32>, vector<1000x256xf32> -> vector<1000x256xf32>
    %swap3A = arith.constant 0 : index
    %swap3A_6 = arith.constant 0 : index
    %swap3A_7 = vector.load %arg3[%swap3A, %swap3A_6] : memref<1000x256xf32, #tpu.memory_space<vmem>>, vector<1000x256xf32>
    tpu.vector_store %arg3[%swap3A, %swap3A_6], %dot_general3A_5 {strides = array<i32>} : memref<1000x256xf32, #tpu.memory_space<vmem>>, vector<1000x256xf32>,
    return
  }
  func.func @transform_0(%arg0: i32) -> (i32, i32) {
    %c0_i32 = arith.constant 0 : i32
    %c0_i32_0 = arith.constant 0 : i32
    return %arg0, %c0_i32 : i32, i32
  }
  func.func @transform_1(%arg0: i32) -> (i32, i32) {
    %c0_i32 = arith.constant 0 : i32
    %c0_i32_0 = arith.constant 0 : i32
    %c0_i32_1 = arith.constant 0 : i32
    return %c0_i32, %c0_i32_0 : i32, i32
  }
  func.func @transform_2(%arg0: i32) -> (i32, i32) {
    %c0_i32 = arith.constant 0 : i32
    %c0_i32_0 = arith.constant 0 : i32
    return %arg0, %c0_i32 : i32, i32
  }
}

module attributes {stable_mosaic.version = 14 : i64} {
  func.func @_scale_split_body(%arg0: i32, %arg1: memref<1000x256xf32, #tpu.memory_space<vmem>>, %arg2: memref<1000x1xf32, #tpu.memory_space<vmem>>, %arg3: memref<2x1000x128xf32, #tpu.memory_space<vmem>>) attributes {dimension_semantics = [#tpu.dimension_semantics<arbitrary>], iteration_bounds = array<i64: 10>, scalar_prefetch = 0 : i64, scratch_operands = 0 : i64, tpu.core_type = #tpu.core_type<tc>, window_params = [{transform_indices = @transform_0, window_bounds = array<i64: 1000, 256>}, {transform_indices = @transform_1, window_bounds = array<i64: 1000, 1>}, {transform_indices = @transform_2, window_bounds = array<i64: 2, 1000, 128>}]} {
    %get3A = arith.constant 0 : index
    %get3A_0 = arith.constant 0 : index
    %get3A_1 = vector.load %arg1[%get3A, %get3A_0] : memref<1000x256xf32, #tpu.memory_space<vmem>>, vector<1000x256xf32>
    %get3A_2 = arith.constant 0 : index
    %get3A_3 = arith.constant 0 : index
    %get3A_4 = vector.load %arg2[%get3A_2, %get3A_3] : memref<1000x1xf32, #tpu.memory_space<vmem>>, vector<1000x1xf32>
    %mul3A = vector.broadcast %get3A_4 : vector<1000x1xf32> to vector<1000x256xf32>
    %mul3A_5 = arith.mulf %get3A_1, %mul3A : vector<1000x256xf32>
    %slice3A = vector.extract_strided_slice %mul3A_5 {offsets = [0, 0], sizes = [1000, 128], strides = [1, 1]} : vector<1000x256xf32> to vector<1000x128xf32>
    %swap3A = arith.constant 0 : index
    %swap3A_6 = arith.constant 0 : index
    %swap3A_7 = arith.constant 0 : index
    %swap3A_8 = vector.load %arg3[%swap3A, %swap3A_6, %swap3A_7] : memref<2x1000x128xf32, #tpu.memory_space<vmem>>, vector<1x1000x128xf32>
    %swap3A_9 = vector.shape_cast %swap3A_8 : vector<1x1000x128xf32> to vector<1000x128xf32>
    %swap3A_10 = vector.shape_cast %slice3A : vector<1000x128xf32> to vector<1x1000x128xf32>
    tpu.vector_store %arg3[%swap3A, %swap3A_6, %swap3A_7], %swap3A_10 {strides = array<i32>} : memref<2x1000x128xf32, #tpu.memory_space<vmem>>, vector<1x1000x128xf32>,
    %slice3A_11 = vector.extract_strided_slice %mul3A_5 {offsets = [0, 128], sizes = [1000, 128], strides = [1, 1]} : vector<1000x256xf32> to vector<1000x128xf32>
    %swap3A_12 = arith.constant 1 : index
    %swap3A_13 = arith.constant 0 : index
    %swap3A_14 = arith.constant 0 : index
    %swap3A_15 = vector.load %arg3[%swap3A_12, %swap3A_13, %swap3A_14] : memref<2x1000x128xf32, #tpu.memory_space<vmem>>, vector<1x1000x128xf32>
    %swap3A_16 = vector.shape_cast %swap3A_15 : vector<1x1000x128xf32> to vector<1000x128xf32>
    %swap3A_17 = vector.shape_cast %slice3A_11 : vector<1000x128xf32> to vector<1x1000x128xf32>
    tpu.vector_store %arg3[%swap3A_12, %swap3A_13, %swap3A_14], %swap3A_17 {strides = array<i32>} : memref<2x1000x128xf32, #tpu.memory_space<vmem>>, vector<1x1000x128xf32>,
    return
  }
  func.func @transform_0(%arg0: i32) -> (i32, i32) {
    %c0_i32 = arith.constant 0 : i32
    %c0_i32_0 = arith.constant 0 : i32
    return %arg0, %c0_i32 : i32, i32
  }
  func.func @transform_1(%arg0: i32) -> (i32, i32) {
    %c0_i32 = arith.constant 0 : i32
    %c0_i32_0 = arith.constant 0 : i32
    return %arg0, %c0_i32 : i32, i32
  }
  func.func @transform_2(%arg0: i32) -> (i32, i32, i32) {
    %c0_i32 = arith.constant 0 : i32
    %c0_i32_0 = arith.constant 0 : i32
    %c0_i32_1 = arith.constant 0 : i32
    return %c0_i32, %arg0, %c0_i32_0 : i32, i32, i32
  }
}

module attributes {stable_mosaic.version = 14 : i64} {
  func.func @_combine_mm_body(%arg0: i32, %arg1: memref<1000x128xf32, #tpu.memory_space<vmem>>, %arg2: memref<1000x128xf32, #tpu.memory_space<vmem>>, %arg3: memref<1000x1xf32, #tpu.memory_space<vmem>>, %arg4: memref<1x256xf32, #tpu.memory_space<vmem>>, %arg5: memref<256x256xf32, #tpu.memory_space<vmem>>, %arg6: memref<2x1000x128xf32, #tpu.memory_space<vmem>>) attributes {dimension_semantics = [#tpu.dimension_semantics<arbitrary>], iteration_bounds = array<i64: 10>, scalar_prefetch = 0 : i64, scratch_operands = 0 : i64, tpu.core_type = #tpu.core_type<tc>, window_params = [{transform_indices = @transform_0, window_bounds = array<i64: 1000, 128>}, {transform_indices = @transform_1, window_bounds = array<i64: 1000, 128>}, {transform_indices = @transform_2, window_bounds = array<i64: 1000, 1>}, {pipeline_mode = #tpu.pipeline_mode<synchronous>, transform_indices = @transform_3, window_bounds = array<i64: 1, 256>}, {pipeline_mode = #tpu.pipeline_mode<synchronous>, transform_indices = @transform_4, window_bounds = array<i64: 256, 256>}, {transform_indices = @transform_5, window_bounds = array<i64: 2, 1000, 128>}]} {
    %get3A = arith.constant 0 : index
    %get3A_0 = arith.constant 0 : index
    %get3A_1 = vector.load %arg3[%get3A, %get3A_0] : memref<1000x1xf32, #tpu.memory_space<vmem>>, vector<1000x1xf32>
    %get3A_2 = arith.constant 0 : index
    %get3A_3 = arith.constant 0 : index
    %get3A_4 = vector.load %arg1[%get3A_2, %get3A_3] : memref<1000x128xf32, #tpu.memory_space<vmem>>, vector<1000x128xf32>
    %get3A_5 = arith.constant 0 : index
    %get3A_6 = arith.constant 0 : index
    %get3A_7 = vector.load %arg2[%get3A_5, %get3A_6] : memref<1000x128xf32, #tpu.memory_space<vmem>>, vector<1000x128xf32>
    %concatenate3A = tpu.concatenate %get3A_4, %get3A_7 in 1 : vector<1000x128xf32>, vector<1000x128xf32> -> vector<1000x256xf32>
    %mul3A = vector.broadcast %get3A_1 : vector<1000x1xf32> to vector<1000x256xf32>
    %mul3A_8 = arith.mulf %mul3A, %concatenate3A : vector<1000x256xf32>
    %get3A_9 = arith.constant 0 : index
    %get3A_10 = arith.constant 0 : index
    %get3A_11 = vector.load %arg4[%get3A_9, %get3A_10] : memref<1x256xf32, #tpu.memory_space<vmem>>, vector<1x256xf32>
    %add3A = vector.broadcast %get3A_11 : vector<1x256xf32> to vector<1000x256xf32>
    %add3A_12 = arith.addf %mul3A_8, %add3A : vector<1000x256xf32>
    %max3A = arith.constant 0.000000e+00 : f32
    %max3A_13 = vector.broadcast %max3A : f32 to vector<1000x256xf32>
    %max3A_14 = arith.maximumf %add3A_12, %max3A_13 : vector<1000x256xf32>
    %get3A_15 = arith.constant 0 : index
    %get3A_16 = arith.constant 0 : index
    %get3A_17 = vector.load %arg5[%get3A_15, %get3A_16] : memref<256x256xf32, #tpu.memory_space<vmem>>, vector<256x256xf32>
    %dot_general3A = arith.constant dense<0.000000e+00> : vector<1000x256xf32>
    %dot_general3A_18 = tpu.matmul %max3A_14, %get3A_17, %dot_general3A {dimension_numbers = #tpu.dot_dimension_numbers<[1], [0], [0], [1], [0, 0, 1, 1], [], []>, transpose_lhs_hint = false} : vector<1000x256xf32>, vector<256x256xf32>, vector<1000x256xf32> -> vector<1000x256xf32>
    %mul3A_19 = vector.broadcast %get3A_1 : vector<1000x1xf32> to vector<1000x256xf32>
    %mul3A_20 = arith.mulf %dot_general3A_18, %mul3A_19 : vector<1000x256xf32>
    %slice3A = vector.extract_strided_slice %mul3A_20 {offsets = [0, 0], sizes = [1000, 128], strides = [1, 1]} : vector<1000x256xf32> to vector<1000x128xf32>
    %swap3A = arith.constant 0 : index
    %swap3A_21 = arith.constant 0 : index
    %swap3A_22 = arith.constant 0 : index
    %swap3A_23 = vector.load %arg6[%swap3A, %swap3A_21, %swap3A_22] : memref<2x1000x128xf32, #tpu.memory_space<vmem>>, vector<1x1000x128xf32>
    %swap3A_24 = vector.shape_cast %swap3A_23 : vector<1x1000x128xf32> to vector<1000x128xf32>
    %swap3A_25 = vector.shape_cast %slice3A : vector<1000x128xf32> to vector<1x1000x128xf32>
    tpu.vector_store %arg6[%swap3A, %swap3A_21, %swap3A_22], %swap3A_25 {strides = array<i32>} : memref<2x1000x128xf32, #tpu.memory_space<vmem>>, vector<1x1000x128xf32>,
    %slice3A_26 = vector.extract_strided_slice %mul3A_20 {offsets = [0, 128], sizes = [1000, 128], strides = [1, 1]} : vector<1000x256xf32> to vector<1000x128xf32>
    %swap3A_27 = arith.constant 1 : index
    %swap3A_28 = arith.constant 0 : index
    %swap3A_29 = arith.constant 0 : index
    %swap3A_30 = vector.load %arg6[%swap3A_27, %swap3A_28, %swap3A_29] : memref<2x1000x128xf32, #tpu.memory_space<vmem>>, vector<1x1000x128xf32>
    %swap3A_31 = vector.shape_cast %swap3A_30 : vector<1x1000x128xf32> to vector<1000x128xf32>
    %swap3A_32 = vector.shape_cast %slice3A_26 : vector<1000x128xf32> to vector<1x1000x128xf32>
    tpu.vector_store %arg6[%swap3A_27, %swap3A_28, %swap3A_29], %swap3A_32 {strides = array<i32>} : memref<2x1000x128xf32, #tpu.memory_space<vmem>>, vector<1x1000x128xf32>,
    return
  }
  func.func @transform_0(%arg0: i32) -> (i32, i32) {
    %c0_i32 = arith.constant 0 : i32
    %c0_i32_0 = arith.constant 0 : i32
    return %arg0, %c0_i32 : i32, i32
  }
  func.func @transform_1(%arg0: i32) -> (i32, i32) {
    %add3A = arith.constant 10 : i32
    %add3A_0 = arith.addi %add3A, %arg0 : i32
    %c0_i32 = arith.constant 0 : i32
    %c0_i32_1 = arith.constant 0 : i32
    return %add3A_0, %c0_i32 : i32, i32
  }
  func.func @transform_2(%arg0: i32) -> (i32, i32) {
    %c0_i32 = arith.constant 0 : i32
    %c0_i32_0 = arith.constant 0 : i32
    return %arg0, %c0_i32 : i32, i32
  }
  func.func @transform_3(%arg0: i32) -> (i32, i32) {
    %c0_i32 = arith.constant 0 : i32
    %c0_i32_0 = arith.constant 0 : i32
    %c0_i32_1 = arith.constant 0 : i32
    return %c0_i32, %c0_i32_0 : i32, i32
  }
  func.func @transform_4(%arg0: i32) -> (i32, i32) {
    %c0_i32 = arith.constant 0 : i32
    %c0_i32_0 = arith.constant 0 : i32
    %c0_i32_1 = arith.constant 0 : i32
    return %c0_i32, %c0_i32_0 : i32, i32
  }
  func.func @transform_5(%arg0: i32) -> (i32, i32, i32) {
    %c0_i32 = arith.constant 0 : i32
    %c0_i32_0 = arith.constant 0 : i32
    %c0_i32_1 = arith.constant 0 : i32
    return %c0_i32, %arg0, %c0_i32_0 : i32, i32, i32
  }
}

module attributes {stable_mosaic.version = 14 : i64} {
  func.func @_finalA_body(%arg0: i32, %arg1: memref<1000x128xf32, #tpu.memory_space<vmem>>, %arg2: memref<1000x128xf32, #tpu.memory_space<vmem>>, %arg3: memref<1000x1xf32, #tpu.memory_space<vmem>>, %arg4: memref<1x256xf32, #tpu.memory_space<vmem>>, %arg5: memref<1000x256xf32, #tpu.memory_space<vmem>>, %arg6: memref<1x256xf32, #tpu.memory_space<vmem>>) attributes {dimension_semantics = [#tpu.dimension_semantics<arbitrary>], iteration_bounds = array<i64: 10>, scalar_prefetch = 0 : i64, scratch_operands = 0 : i64, tpu.core_type = #tpu.core_type<tc>, window_params = [{transform_indices = @transform_0, window_bounds = array<i64: 1000, 128>}, {transform_indices = @transform_1, window_bounds = array<i64: 1000, 128>}, {transform_indices = @transform_2, window_bounds = array<i64: 1000, 1>}, {pipeline_mode = #tpu.pipeline_mode<synchronous>, transform_indices = @transform_3, window_bounds = array<i64: 1, 256>}, {transform_indices = @transform_4, window_bounds = array<i64: 1000, 256>}, {pipeline_mode = #tpu.pipeline_mode<synchronous>, transform_indices = @transform_5, window_bounds = array<i64: 1, 256>}]} {
    %get3A = arith.constant 0 : index
    %get3A_0 = arith.constant 0 : index
    %get3A_1 = vector.load %arg3[%get3A, %get3A_0] : memref<1000x1xf32, #tpu.memory_space<vmem>>, vector<1000x1xf32>
    %get3A_2 = arith.constant 0 : index
    %get3A_3 = arith.constant 0 : index
    %get3A_4 = vector.load %arg1[%get3A_2, %get3A_3] : memref<1000x128xf32, #tpu.memory_space<vmem>>, vector<1000x128xf32>
    %get3A_5 = arith.constant 0 : index
    %get3A_6 = arith.constant 0 : index
    %get3A_7 = vector.load %arg2[%get3A_5, %get3A_6] : memref<1000x128xf32, #tpu.memory_space<vmem>>, vector<1000x128xf32>
    %concatenate3A = tpu.concatenate %get3A_4, %get3A_7 in 1 : vector<1000x128xf32>, vector<1000x128xf32> -> vector<1000x256xf32>
    %mul3A = vector.broadcast %get3A_1 : vector<1000x1xf32> to vector<1000x256xf32>
    %mul3A_8 = arith.mulf %mul3A, %concatenate3A : vector<1000x256xf32>
    %get3A_9 = arith.constant 0 : index
    %get3A_10 = arith.constant 0 : index
    %get3A_11 = vector.load %arg4[%get3A_9, %get3A_10] : memref<1x256xf32, #tpu.memory_space<vmem>>, vector<1x256xf32>
    %add3A = vector.broadcast %get3A_11 : vector<1x256xf32> to vector<1000x256xf32>
    %add3A_12 = arith.addf %mul3A_8, %add3A : vector<1000x256xf32>
    %swap3A = arith.constant 0 : index
    %swap3A_13 = arith.constant 0 : index
    %swap3A_14 = vector.load %arg5[%swap3A, %swap3A_13] : memref<1000x256xf32, #tpu.memory_space<vmem>>, vector<1000x256xf32>
    tpu.vector_store %arg5[%swap3A, %swap3A_13], %add3A_12 {strides = array<i32>} : memref<1000x256xf32, #tpu.memory_space<vmem>>, vector<1000x256xf32>,
    %eq3A = arith.constant 0 : i32
    %eq3A_15 = arith.cmpi eq, %arg0, %eq3A : i32
    %convert_element_type3A = arith.extui %eq3A_15 : i1 to i32
    %cond3A = arith.constant 0 : i32
    %cond3A_16 = arith.cmpi ne, %convert_element_type3A, %cond3A : i32
    scf.if %cond3A_16 {
      %broadcast_in_dim3A_25 = arith.constant 0.000000e+00 : f32
      %broadcast_in_dim3A_26 = vector.broadcast %broadcast_in_dim3A_25 : f32 to vector<1x256xf32>
      %swap3A_27 = arith.constant 0 : index
      %swap3A_28 = arith.constant 0 : index
      %swap3A_29 = vector.load %arg6[%swap3A_27, %swap3A_28] : memref<1x256xf32, #tpu.memory_space<vmem>>, vector<1x256xf32>
      tpu.vector_store %arg6[%swap3A_27, %swap3A_28], %broadcast_in_dim3A_26 {strides = array<i32>} : memref<1x256xf32, #tpu.memory_space<vmem>>, vector<1x256xf32>,
    } else {
    }
    %get3A_17 = arith.constant 0 : index
    %get3A_18 = arith.constant 0 : index
    %get3A_19 = vector.load %arg6[%get3A_17, %get3A_18] : memref<1x256xf32, #tpu.memory_space<vmem>>, vector<1x256xf32>
    %reduce_sum3A = arith.constant dense<0.000000e+00> : vector<256xf32>
    %reduce_sum3A_20 = vector.multi_reduction <add>, %add3A_12, %reduce_sum3A [0] : vector<1000x256xf32> to vector<256xf32>
    %broadcast_in_dim3A = vector.shape_cast %reduce_sum3A_20 : vector<256xf32> to vector<1x256xf32>
    %add3A_21 = arith.addf %get3A_19, %broadcast_in_dim3A : vector<1x256xf32>
    %swap3A_22 = arith.constant 0 : index
    %swap3A_23 = arith.constant 0 : index
    %swap3A_24 = vector.load %arg6[%swap3A_22, %swap3A_23] : memref<1x256xf32, #tpu.memory_space<vmem>>, vector<1x256xf32>
    tpu.vector_store %arg6[%swap3A_22, %swap3A_23], %add3A_21 {strides = array<i32>} : memref<1x256xf32, #tpu.memory_space<vmem>>, vector<1x256xf32>,
    return
  }
  func.func @transform_0(%arg0: i32) -> (i32, i32) {
    %c0_i32 = arith.constant 0 : i32
    %c0_i32_0 = arith.constant 0 : i32
    return %arg0, %c0_i32 : i32, i32
  }
  func.func @transform_1(%arg0: i32) -> (i32, i32) {
    %add3A = arith.constant 10 : i32
    %add3A_0 = arith.addi %add3A, %arg0 : i32
    %c0_i32 = arith.constant 0 : i32
    %c0_i32_1 = arith.constant 0 : i32
    return %add3A_0, %c0_i32 : i32, i32
  }
  func.func @transform_2(%arg0: i32) -> (i32, i32) {
    %c0_i32 = arith.constant 0 : i32
    %c0_i32_0 = arith.constant 0 : i32
    return %arg0, %c0_i32 : i32, i32
  }
  func.func @transform_3(%arg0: i32) -> (i32, i32) {
    %c0_i32 = arith.constant 0 : i32
    %c0_i32_0 = arith.constant 0 : i32
    %c0_i32_1 = arith.constant 0 : i32
    return %c0_i32, %c0_i32_0 : i32, i32
  }
  func.func @transform_4(%arg0: i32) -> (i32, i32) {
    %c0_i32 = arith.constant 0 : i32
    %c0_i32_0 = arith.constant 0 : i32
    return %arg0, %c0_i32 : i32, i32
  }
  func.func @transform_5(%arg0: i32) -> (i32, i32) {
    %c0_i32 = arith.constant 0 : i32
    %c0_i32_0 = arith.constant 0 : i32
    %c0_i32_1 = arith.constant 0 : i32
    return %c0_i32, %c0_i32_0 : i32, i32
  }
}

module attributes {stable_mosaic.version = 14 : i64} {
  func.func @_score1_body(%arg0: i32, %arg1: memref<1000x256xf32, #tpu.memory_space<vmem>>, %arg2: memref<1x256xf32, #tpu.memory_space<vmem>>, %arg3: memref<1000x1xf32, #tpu.memory_space<vmem>>) attributes {dimension_semantics = [#tpu.dimension_semantics<arbitrary>], iteration_bounds = array<i64: 10>, scalar_prefetch = 0 : i64, scratch_operands = 0 : i64, tpu.core_type = #tpu.core_type<tc>, window_params = [{transform_indices = @transform_0, window_bounds = array<i64: 1000, 256>}, {pipeline_mode = #tpu.pipeline_mode<synchronous>, transform_indices = @transform_1, window_bounds = array<i64: 1, 256>}, {transform_indices = @transform_2, window_bounds = array<i64: 1000, 1>}]} {
    %get3A = arith.constant 0 : index
    %get3A_0 = arith.constant 0 : index
    %get3A_1 = vector.load %arg2[%get3A, %get3A_0] : memref<1x256xf32, #tpu.memory_space<vmem>>, vector<1x256xf32>
    %mul3A = arith.constant 9.99999974E-5 : f32
    %mul3A_2 = vector.broadcast %mul3A : f32 to vector<1x256xf32>
    %mul3A_3 = arith.mulf %get3A_1, %mul3A_2 : vector<1x256xf32>
    %get3A_4 = arith.constant 0 : index
    %get3A_5 = arith.constant 0 : index
    %get3A_6 = vector.load %arg1[%get3A_4, %get3A_5] : memref<1000x256xf32, #tpu.memory_space<vmem>>, vector<1000x256xf32>
    %dot_general3A = arith.constant dense<0.000000e+00> : vector<1000x1xf32>
    %dot_general3A_7 = tpu.matmul %get3A_6, %mul3A_3, %dot_general3A {dimension_numbers = #tpu.dot_dimension_numbers<[1], [1], [0], [0], [0, 0, 1, 0], [], []>, transpose_lhs_hint = false} : vector<1000x256xf32>, vector<1x256xf32>, vector<1000x1xf32> -> vector<1000x1xf32>
    %neg3A = arith.constant 0.000000e+00 : f32
    %neg3A_8 = vector.broadcast %neg3A : f32 to vector<1000x1xf32>
    %neg3A_9 = arith.subf %neg3A_8, %dot_general3A_7 : vector<1000x1xf32>
    %exp3A = math.exp %neg3A_9 : vector<1000x1xf32>
    %add3A = arith.constant 1.000000e+00 : f32
    %add3A_10 = vector.broadcast %add3A : f32 to vector<1000x1xf32>
    %add3A_11 = arith.addf %add3A_10, %exp3A : vector<1000x1xf32>
    %div3A = arith.constant 1.000000e+00 : f32
    %div3A_12 = vector.broadcast %div3A : f32 to vector<1000x1xf32>
    %div3A_13 = arith.divf %div3A_12, %add3A_11 : vector<1000x1xf32>
    %swap3A = arith.constant 0 : index
    %swap3A_14 = arith.constant 0 : index
    %swap3A_15 = vector.load %arg3[%swap3A, %swap3A_14] : memref<1000x1xf32, #tpu.memory_space<vmem>>, vector<1000x1xf32>
    tpu.vector_store %arg3[%swap3A, %swap3A_14], %div3A_13 {strides = array<i32>} : memref<1000x1xf32, #tpu.memory_space<vmem>>, vector<1000x1xf32>,
    return
  }
  func.func @transform_0(%arg0: i32) -> (i32, i32) {
    %c0_i32 = arith.constant 0 : i32
    %c0_i32_0 = arith.constant 0 : i32
    return %arg0, %c0_i32 : i32, i32
  }
  func.func @transform_1(%arg0: i32) -> (i32, i32) {
    %c0_i32 = arith.constant 0 : i32
    %c0_i32_0 = arith.constant 0 : i32
    %c0_i32_1 = arith.constant 0 : i32
    return %c0_i32, %c0_i32_0 : i32, i32
  }
  func.func @transform_2(%arg0: i32) -> (i32, i32) {
    %c0_i32 = arith.constant 0 : i32
    %c0_i32_0 = arith.constant 0 : i32
    return %arg0, %c0_i32 : i32, i32
  }
}

module attributes {stable_mosaic.version = 14 : i64} {
  func.func @_finalB_body(%arg0: i32, %arg1: memref<1000x128xf32, #tpu.memory_space<vmem>>, %arg2: memref<1000x128xf32, #tpu.memory_space<vmem>>, %arg3: memref<1000x1xf32, #tpu.memory_space<vmem>>, %arg4: memref<1x256xf32, #tpu.memory_space<vmem>>, %arg5: memref<1x256xf32, #tpu.memory_space<vmem>>, %arg6: memref<1000x256xf32, #tpu.memory_space<vmem>>, %arg7: memref<1000x1xf32, #tpu.memory_space<vmem>>) attributes {dimension_semantics = [#tpu.dimension_semantics<arbitrary>], iteration_bounds = array<i64: 10>, scalar_prefetch = 0 : i64, scratch_operands = 0 : i64, tpu.core_type = #tpu.core_type<tc>, window_params = [{transform_indices = @transform_0, window_bounds = array<i64: 1000, 128>}, {transform_indices = @transform_1, window_bounds = array<i64: 1000, 128>}, {transform_indices = @transform_2, window_bounds = array<i64: 1000, 1>}, {pipeline_mode = #tpu.pipeline_mode<synchronous>, transform_indices = @transform_3, window_bounds = array<i64: 1, 256>}, {pipeline_mode = #tpu.pipeline_mode<synchronous>, transform_indices = @transform_4, window_bounds = array<i64: 1, 256>}, {transform_indices = @transform_5, window_bounds = array<i64: 1000, 256>}, {transform_indices = @transform_6, window_bounds = array<i64: 1000, 1>}]} {
    %get3A = arith.constant 0 : index
    %get3A_0 = arith.constant 0 : index
    %get3A_1 = vector.load %arg3[%get3A, %get3A_0] : memref<1000x1xf32, #tpu.memory_space<vmem>>, vector<1000x1xf32>
    %get3A_2 = arith.constant 0 : index
    %get3A_3 = arith.constant 0 : index
    %get3A_4 = vector.load %arg1[%get3A_2, %get3A_3] : memref<1000x128xf32, #tpu.memory_space<vmem>>, vector<1000x128xf32>
    %get3A_5 = arith.constant 0 : index
    %get3A_6 = arith.constant 0 : index
    %get3A_7 = vector.load %arg2[%get3A_5, %get3A_6] : memref<1000x128xf32, #tpu.memory_space<vmem>>, vector<1000x128xf32>
    %concatenate3A = tpu.concatenate %get3A_4, %get3A_7 in 1 : vector<1000x128xf32>, vector<1000x128xf32> -> vector<1000x256xf32>
    %mul3A = vector.broadcast %get3A_1 : vector<1000x1xf32> to vector<1000x256xf32>
    %mul3A_8 = arith.mulf %mul3A, %concatenate3A : vector<1000x256xf32>
    %get3A_9 = arith.constant 0 : index
    %get3A_10 = arith.constant 0 : index
    %get3A_11 = vector.load %arg4[%get3A_9, %get3A_10] : memref<1x256xf32, #tpu.memory_space<vmem>>, vector<1x256xf32>
    %add3A = vector.broadcast %get3A_11 : vector<1x256xf32> to vector<1000x256xf32>
    %add3A_12 = arith.addf %mul3A_8, %add3A : vector<1000x256xf32>
    %swap3A = arith.constant 0 : index
    %swap3A_13 = arith.constant 0 : index
    %swap3A_14 = vector.load %arg6[%swap3A, %swap3A_13] : memref<1000x256xf32, #tpu.memory_space<vmem>>, vector<1000x256xf32>
    tpu.vector_store %arg6[%swap3A, %swap3A_13], %add3A_12 {strides = array<i32>} : memref<1000x256xf32, #tpu.memory_space<vmem>>, vector<1000x256xf32>,
    %get3A_15 = arith.constant 0 : index
    %get3A_16 = arith.constant 0 : index
    %get3A_17 = vector.load %arg5[%get3A_15, %get3A_16] : memref<1x256xf32, #tpu.memory_space<vmem>>, vector<1x256xf32>
    %mul3A_18 = arith.constant 9.99999974E-5 : f32
    %mul3A_19 = vector.broadcast %mul3A_18 : f32 to vector<1x256xf32>
    %mul3A_20 = arith.mulf %get3A_17, %mul3A_19 : vector<1x256xf32>
    %dot_general3A = arith.constant dense<0.000000e+00> : vector<1000x1xf32>
    %dot_general3A_21 = tpu.matmul %add3A_12, %mul3A_20, %dot_general3A {dimension_numbers = #tpu.dot_dimension_numbers<[1], [1], [0], [0], [0, 0, 1, 0], [], []>, transpose_lhs_hint = false} : vector<1000x256xf32>, vector<1x256xf32>, vector<1000x1xf32> -> vector<1000x1xf32>
    %neg3A = arith.constant 0.000000e+00 : f32
    %neg3A_22 = vector.broadcast %neg3A : f32 to vector<1000x1xf32>
    %neg3A_23 = arith.subf %neg3A_22, %dot_general3A_21 : vector<1000x1xf32>
    %exp3A = math.exp %neg3A_23 : vector<1000x1xf32>
    %add3A_24 = arith.constant 1.000000e+00 : f32
    %add3A_25 = vector.broadcast %add3A_24 : f32 to vector<1000x1xf32>
    %add3A_26 = arith.addf %add3A_25, %exp3A : vector<1000x1xf32>
    %div3A = arith.constant 1.000000e+00 : f32
    %div3A_27 = vector.broadcast %div3A : f32 to vector<1000x1xf32>
    %div3A_28 = arith.divf %div3A_27, %add3A_26 : vector<1000x1xf32>
    %swap3A_29 = arith.constant 0 : index
    %swap3A_30 = arith.constant 0 : index
    %swap3A_31 = vector.load %arg7[%swap3A_29, %swap3A_30] : memref<1000x1xf32, #tpu.memory_space<vmem>>, vector<1000x1xf32>
    tpu.vector_store %arg7[%swap3A_29, %swap3A_30], %div3A_28 {strides = array<i32>} : memref<1000x1xf32, #tpu.memory_space<vmem>>, vector<1000x1xf32>,
    return
  }
  func.func @transform_0(%arg0: i32) -> (i32, i32) {
    %c0_i32 = arith.constant 0 : i32
    %c0_i32_0 = arith.constant 0 : i32
    return %arg0, %c0_i32 : i32, i32
  }
  func.func @transform_1(%arg0: i32) -> (i32, i32) {
    %add3A = arith.constant 10 : i32
    %add3A_0 = arith.addi %add3A, %arg0 : i32
    %c0_i32 = arith.constant 0 : i32
    %c0_i32_1 = arith.constant 0 : i32
    return %add3A_0, %c0_i32 : i32, i32
  }
  func.func @transform_2(%arg0: i32) -> (i32, i32) {
    %c0_i32 = arith.constant 0 : i32
    %c0_i32_0 = arith.constant 0 : i32
    return %arg0, %c0_i32 : i32, i32
  }
  func.func @transform_3(%arg0: i32) -> (i32, i32) {
    %c0_i32 = arith.constant 0 : i32
    %c0_i32_0 = arith.constant 0 : i32
    %c0_i32_1 = arith.constant 0 : i32
    return %c0_i32, %c0_i32_0 : i32, i32
  }
  func.func @transform_4(%arg0: i32) -> (i32, i32) {
    %c0_i32 = arith.constant 0 : i32
    %c0_i32_0 = arith.constant 0 : i32
    %c0_i32_1 = arith.constant 0 : i32
    return %c0_i32, %c0_i32_0 : i32, i32
  }
  func.func @transform_5(%arg0: i32) -> (i32, i32) {
    %c0_i32 = arith.constant 0 : i32
    %c0_i32_0 = arith.constant 0 : i32
    return %arg0, %c0_i32 : i32, i32
  }
  func.func @transform_6(%arg0: i32) -> (i32, i32) {
    %c0_i32 = arith.constant 0 : i32
    %c0_i32_0 = arith.constant 0 : i32
    return %arg0, %c0_i32 : i32, i32
  }
}

</mosaic_0001>

<sc_bundles>
// kernel: kernel.16.cloned.1.call-start
scs
__scs_entry_jumppad:
0x0: {  	(pc) =	sbr.rel $0x88, $3  }
0x1: {  	(tag) =	ssettag $0x0;
	lr =	simm.s32 $0x1  }
0x2: {  	[smem:$0x3F99] =	sst lr;
	_ =	strace $0xD0000000  }
0x3: {  	_ = 	snop  }
0x4: {  	_ = 	snop  }
0x5: {  	_ = 	snop  }
0x6: {  	_ = 	snop  }
0x7: {  	_ = 	snop  }
__scs_overlays_trampoline_lowered:
0x8: {  	[smem:$0x3FA8] =	sst s0  }
0x9: {  	[smem:$0x3FA9] =	sst s1  }
0xa: {  	[smem:$0x3FAA] =	sst s2  }
0xb: {  	[smem:$0x3FAB] =	sst s3  }
0xc: {  	[smem:$0x3FAC] =	sst s4  }
0xd: {  	[smem:$0x3FAD] =	sst s5  }
0xe: {  	[smem:$0x3FAE] =	sst s6  }
0xf: {  	[smem:$0x3FAF] =	sst s7  }
0x10: {  	[smem:$0x3FB0] =	sst s8  }
0x11: {  	[smem:$0x3FB1] =	sst s9;
	s0 =	simm.s32 @!p0 $0x0  }
0x12: {  	s1 =	sld [smem:$0x3F97];
	s0 =	simm.s32 @p0 $0x1  }
0x13: {  	[smem:$0x3FB2] =	sst s0;
	s0 =	simm.s32 @!p1 $0x0  }
0x14: {  	s2 =	sld [smem:$0x3F96];
	s0 =	simm.s32 @p1 $0x1  }
0x15: {  	[smem:$0x3FB3] =	sst s0;
	s0 =	simm.s32 @!p2 $0x0  }
0x16: {  	s3 =	sld [smem:$0x3FDB];
	s0 =	simm.s32 @p2 $0x1  }
0x17: {  	s4 =	simm.s32 $0x1BF5;
	[smem:$0x3FB5] =	sst s0  }
0x18: {  	s0 =	sld [smem:$0x3F98];
	_ =	swait.ge [sflag:s4], $0x0  }
0x19: {  	s7 =	sld [smem:$0x3F99]  }
0x1a: {  	s8 =	sadd.s32 $0xFFFFE003, lr  }
0x1b: {  	s9 =	sadd.s32 $0xFFFFFEF7, lr;
	s5 =	simm.s32 $0xFFFFFFFF;
	p2 =	slt.u32 s8, $0xFFFFF086  }
0x1c: {  	p1 =	slt.u32 s9, $0xF7A;
	s5 =	simm.s32 @!p2 $0x0  }
0x1d: {  	s5 =	simm.s32 @p1 $0x1;
	p0 =	seq.s32 s7, s2  }
0x1e: {  	s7 =	smul.u32 @!p0 $0xF7A, s2;
	p2 =	seq.s32 @!p0 s5, $0x0  }
0x1f: {  	s9 =	smul.u32 $0xF7A, s1;
	s8 =	simm.s32 @!p0 $0x1BF5;
	p2 =	por !p2, p0  }
0x20: {  	[sflag:s8] =	ssyncset.s32 @!p0 $0xFFFFF086;
	s6 =	sadd.s32 @!p0 s3, s7;
	s7 =	simm.s32 @!p0 $0x108  }
0x21: {  	s3 =	sadd.s32 s3, s9;
	s6 =	sadd.s32 @!p0 $0x88, s6;
	s7 =	simm.s32 @p2 $0x1082  }
0x22: {  	[simem:s7], [sflag:s8] =	dma.local @!p0 [hbm:s6], $0xF7A  }
0x23: {  	s9 =	sor.u32 $0xD0000000, s2;
	s6 =	simm.s32 $0x108;
	_ =	swait.ge @!p0 [sflag:s8], $0x0  }
0x24: {  	s3 =	sadd.s32 $0x88, s3;
	s6 =	simm.s32 @!p1 $0x1082;
	[sflag:s4] =	ssyncset.s32 $0xFFFFF086  }
0x25: {  	[simem:s6], [sflag:s4] =	dma.local [hbm:s3], $0xF7A  }
0x26: {  	[smem:$0x3F99] =	sst s1;
	(tag) =	ssettag s2;
	_ =	strace s9  }
0x27: {  	s1 =	sld [smem:$0x3FA9]  }
0x28: {  	s2 =	sld [smem:$0x3FAA]  }
0x29: {  	s4 =	sld [smem:$0x3FAC]  }
0x2a: {  	p0 =	seq.s32 s5, $0x0;
	s5 =	sld [smem:$0x3FAD]  }
0x2b: {  	s6 =	sld [smem:$0x3FAE]  }
0x2c: {  	s7 =	sld [smem:$0x3FAF]  }
0x2d: {  	s3 =	simm.s32 $0x108;
	s8 =	sld [smem:$0x3FB0]  }
0x2e: {  	s3 =	simm.s32 @!p0 $0x1082;
	s9 =	sld [smem:$0x3FB1]  }
0x2f: {  	lr =	sadd.s32 s0, s3;
	s0 =	sld [smem:$0x3FA8]  }
0x30: {  	s3 =	sld [smem:$0x3FAB]  }
0x31: {  	[smem:$0x3FB4] =	sst s10  }
0x32: {  	s10 =	sld [smem:$0x3FB2];
	_ =	sdelay $0x3  }
0x33: {  	p0 =	seq.s32 s10, $0x1;
	s10 =	sld [smem:$0x3FB4];
	_ =	sdelay $0x3  }
0x34: {  	[smem:$0x3FB4] =	sst s10  }
0x35: {  	s10 =	sld [smem:$0x3FB3];
	_ =	sdelay $0x3  }
0x36: {  	p1 =	seq.s32 s10, $0x1;
	s10 =	sld [smem:$0x3FB4];
	_ =	sdelay $0x3  }
0x37: {  	[smem:$0x3FB4] =	sst s10  }
0x38: {  	s10 =	sld [smem:$0x3FB5]  }
0x39: {  	_ = 	snop;
	(pc) =	sbr.ind lr, $3  }
0x3a: {  	_ = 	snop  }
0x3b: {  	_ = 	snop  }
0x3c: {  	p2 =	seq.s32 s10, $0x1;
	s10 =	sld [smem:$0x3FB4]  }
0x3d: {  	_ =	shalt  }
0x3e: {  	_ =	shalt  }
0x3f: {  	_ =	shalt  }
0x40: {  	_ =	shalt  }
0x41: {  	_ =	shalt  }
0x42: {  	_ =	shalt  }
0x43: {  	_ =	shalt  }
0x44: {  	_ =	shalt  }
0x45: {  	_ =	shalt  }
0x46: {  	_ =	shalt  }
0x47: {  	_ =	shalt  }
0x48: {  	_ =	shalt  }
0x49: {  	_ =	shalt  }
0x4a: {  	_ =	shalt  }
0x4b: {  	_ =	shalt  }
0x4c: {  	_ =	shalt  }
0x4d: {  	_ =	shalt  }
0x4e: {  	_ =	shalt  }
0x4f: {  	_ =	shalt  }
0x50: {  	_ =	shalt  }
0x51: {  	_ =	shalt  }
0x52: {  	_ =	shalt  }
0x53: {  	_ =	shalt  }
0x54: {  	_ =	shalt  }
0x55: {  	_ =	shalt  }
0x56: {  	_ =	shalt  }
0x57: {  	_ =	shalt  }
0x58: {  	_ =	shalt  }
0x59: {  	_ =	shalt  }
0x5a: {  	_ =	shalt  }
0x5b: {  	_ =	shalt  }
0x5c: {  	_ =	shalt  }
0x5d: {  	_ =	shalt  }
0x5e: {  	_ =	shalt  }
0x5f: {  	_ =	shalt  }
0x60: {  	_ =	shalt  }
0x61: {  	_ =	shalt  }
0x62: {  	_ =	shalt  }
0x63: {  	_ =	shalt  }
0x64: {  	_ =	shalt  }
0x65: {  	_ =	shalt  }
0x66: {  	_ =	shalt  }
0x67: {  	_ =	shalt  }
0x68: {  	_ =	shalt  }
0x69: {  	_ =	shalt  }
0x6a: {  	_ =	shalt  }
0x6b: {  	_ =	shalt  }
0x6c: {  	_ =	shalt  }
0x6d: {  	_ =	shalt  }
0x6e: {  	_ =	shalt  }
0x6f: {  	_ =	shalt  }
0x70: {  	_ =	shalt  }
0x71: {  	_ =	shalt  }
0x72: {  	_ =	shalt  }
0x73: {  	_ =	shalt  }
0x74: {  	_ =	shalt  }
0x75: {  	_ =	shalt  }
0x76: {  	_ =	shalt  }
0x77: {  	_ =	shalt  }
0x78: {  	_ =	shalt  }
0x79: {  	_ =	shalt  }
0x7a: {  	_ =	shalt  }
0x7b: {  	_ =	shalt  }
0x7c: {  	_ =	shalt  }
0x7d: {  	_ =	shalt  }
0x7e: {  	_ =	shalt  }
0x7f: {  	_ =	shalt  }
0x80: {  	_ =	shalt  }
0x81: {  	_ =	shalt  }
0x82: {  	_ =	shalt  }
0x83: {  	_ =	shalt  }
0x84: {  	_ =	shalt  }
0x85: {  	_ =	shalt  }
0x86: {  	_ =	shalt  }
0x87: {  	_ =	shalt  }
.Lfunc_end0:
.L_simem_size_0:
called_computation_lowered:
.L_overlay_start_0:
0x88: {  	s2 =	sld [smem:$0x3FD9]  }
0x89: {  	s3 =	sld [smem:$0x3FFE];
	_ =	sdelay $0x1  }
0x8a: {  	s1 =	srdreg.scid  }
0x8b: {  	s0 =	sand.u32 $0x1, s1  }
0x8c: {  	s16 =	sshll.u32 s0, $0xA;
	s2 =	sadd.s32 s3, s2  }
0x8d: {  	s2 =	sadd.s32 s2, s16  }
0x8e: {  	[smem:$0x3FC0] =	sst s2  }
0x8f: {  	_ = 	snop  }
0x90: {  	(tm) =	ssettm $0x1  }
0x91: {  	s17 =	sld [smem:$0x3FFB];
	_ =	sdelay $0x3  }
0x92: {  	_ =	strace s17  }
0x93: {  	s2 =	sld [smem:$0x3FFC];
	_ =	sdelay $0x3  }
0x94: {  	_ =	strace s2  }
0x95: {  	s2 =	sld [smem:$0x3FFD];
	_ =	sdelay $0x3  }
0x96: {  	_ =	strace s2  }
0x97: {  	_ =	strace $0x8FFFFFFF  }
0x98: {  	s18 =	sld [smem:$0x3FDB];
	_ =	sdelay $0x1  }
0x99: {  	s19 =	simm.s32 $_scs_section_size  }
0x9a: {  	s4 =	simm.s32 $_size__tile_overlayer_lowered;
	s5 =	simm.s32 $_tile_overlayer_lowered  }
0x9b: {  	s22 =	simm.s32 $0x1BFF;
	s21 =	sshll.u32 s5, $0x1;
	s2 =	sadd.s32 s19, s18  }
0x9c: {  	s6 =	simm.s32 $0x0;
	s20 =	sshll.u32 s4, $0x1;
	s4 =	sadd.s32 s21, s2  }
0x9d: {  	[timem:s6], [sflag:s22] =	dma.local [hbm:s4], s20  }
0x9e: {  	_ =	swait.ge [sflag:s22], s20  }
0x9f: {  	s3 =	ssub.s32 $0x0, s20;
	[sflag:s22] =	ssyncset.done $0x0  }
0xa0: {  	[sflag:s22] =	ssyncadd.s32 s3;
	_ =	sdelay $0x1  }
0xa1: {  	s23 =	simm.s32 $0x1B8B  }
0xa2: {  	_ =	swait.ge [sflag:s23], $0x1  }
0xa3: {  	[sflag:s23] =	ssyncset.done $0x0  }
0xa4: {  	s25 =	simm.s32 $0x1B8E;
	s24 =	sld [smem:$0x3FFE];
	[sflag:s23] =	ssyncadd.s32 $0xFFFFFFFF  }
0xa5: {  	s26 =	simm.s32 $execute0_lowered;
	[smem:$0x3FD2] =	sst s25  }
0xa6: {  	s4 =	sshll.u32 s26, $0x1;
	_ =	strace $0x80000046;
	[dreg:$0x1] =	wrdreg $0xFFFFFFFF  }
0xa7: {  	s28 =	simm.s32 $_size_execute0_lowered;
	s2 =	sadd.s32 s2, s4;
	[dreg:$0x0] =	wrdreg $0x0  }
0xa8: {  	s4 =	sshll.u32 s28, $0x1;
	[dreg:$0x2] =	wrdreg s2  }
0xa9: {  	[dreg:$0x3] =	wrdreg s4  }
0xaa: {  	[dreg:$0x4] =	wrdreg $0xC0  }
0xab: {  	_ =	task [dreg:s6], $0x5FFFF  }
0xac: {  	[dreg:$0x1] =	wrdreg $0xFFFFFFFF  }
0xad: {  	[dreg:$0x0] =	wrdreg $0x60  }
0xae: {  	[dreg:$0x2] =	wrdreg s24  }
0xaf: {  	[dreg:$0x3] =	wrdreg $0x0  }
0xb0: {  	[dreg:$0x4] =	wrdreg $0x9  }
0xb1: {  	_ =	task.clear_ibuf [dreg:s6], $0x5FFFF;
	_ =	strace $0x90000046  }
0xb2: {  	s29 =	simm.s32 $0x9;
	_ =	strace $0x80000048  }
0xb3: {  	_ =	swait.ge [sflag:s29], $0x1  }
0xb4: {  	[sflag:s29] =	ssyncadd.s32 $0xFFFFFFFF  }
0xb5: {  	_ =	strace $0x90000048  }
0xb6: {  	_ =	sfence  }
0xb7: {  	s30 =	sld [smem:$0x0];
	_ =	sdelay $0x2  }
0xb8: {  	s31 =	sshll.u32 s1, $0xD;
	s1 =	sshrl.u32 s1, $0x2  }
0xb9: {  	s3 =	sand.u32 $0x4000, s31;
	s1 =	sadd.s32 s1, s30  }
0xba: {  	s0 =	sor.u32 s3, s0;
	s1 =	sshll.u32 s1, $0x11  }
0xbb: {  	s0 =	sor.u32 s1, s0  }
0xbc: {  	s0 =	sadd.s32 $0x8F2B, s0  }
0xbd: {  	[sflag:s0] =	ssyncadd.remote.s32 $0x1  }
0xbe: {  	_ =	sfence.sel $0xFFFF  }
0xbf: {  	[dreg:$0x0] =	wrdreg $0xFFFFFFFF;
	(pc) =	sbr.abs _section_cstart, $3  }
0xc0: {  	[dreg:$0x1] =	wrdreg $0xFFFFFFFF  }
0xc1: {  	_ =	task.clear_ibuf [dreg:s6], $0x2FFFF;
	_ =	strace $0x9FFFFFFF  }
0xc2: {  	(tm) =	ssettm $0x7FFFFFFF  }
0xc3: {  	_ =	shalt  }
tec
execute0_lowered:
.L_overlay_start_1:
0x0: {  	(tag) =	ssettag $0x1  }
0x1: {  	s5 =	rddreg [dreg:$0x0];
	s1 =	srdreg.scid  }
0x2: {  	s0 =	stileid.u32;
	s2 =	rddreg [dreg:$0x1];
	s3 =	simm.s32 $0x0  }
0x3: {  	s14 =	simm.s32 $0x780;
	s15 =	simm.s32 $0x3;
	s16 =	simm.s32 $0x80  }
0x4: {  	s17 =	simm.s32 $0x580;
	s18 =	simm.s32 $0x1;
	s19 =	simm.s32 $0x700  }
0x5: {  	s20 =	simm.s32 $0x2;
	s21 =	simm.s32 $0x600;
	s22 =	simm.s32 $0x680  }
0x6: {  	s23 =	simm.s32 $0x8;
	s24 =	simm.s32 $0x0;
	s6 =	smul.u32 $0x500, s0  }
0x7: {  	s7 =	sand.u32 $0x1, s1;
	s1 =	rddreg [dreg:$0x2];
	s12 =	smul.u32 $0x2710, s0  }
0x8: {  	[smem:$0x7FF] =	sst s3;
	s8 =	sshll.u32 s0, $0x1;
	s4 =	smul.u32 $0x5000, s7  }
0x9: {  	s8 =	sor.u32 s7, s8;
	s10 =	ssub.s32 $0x2, s7;
	s13 =	smul.u32 $0x1388, s7  }
0xa: {  	_ =	strace $0x80000047;
	s8 =	smul.u32 $0x1388, s8;
	s30 =	sshrl.u32 s10, $0x1  }
0xb: {  	s4 =	sadd.s32 s6, s4;
	s10 =	ssub.s32 s10, s30;
	s6 =	sadd.s32 s6, s2  }
0xc: {  	s9 =	sshrl.u32 s4, $0x3;
	s4 =	sadd.s32 $0xBE00, s5;
	s31 =	sshrl.u32 s8, $0x3  }
0xd: {  	s12 =	sadd.s32 s13, s12;
	s9 =	sadd.s32 s9, s5;
	s5 =	sadd.s32 s4, s31  }
0xe: {  	s13 =	simm.s32 $0x500;
	s10 =	smax.u32 s10, $0x1;
	s7 =	sadd.s32 $0x270, s5  }
0xf: {  	v0 =	vimm.f32 $1.000000000e+00;
	v1 =	vimm.f32 $0.0e+00;
	s8 =	sadd.s32 $0x5090, s5;
	s9 =	sadd.s32 $0x15C00, s9;
	s11 =	sadd.s32 $0x5080, s5  }
.LBB2_1:
0x10: {  	[tilespmem:$0x700] =	vst v0  }
0x11: {  	[tilespmem:$0x710] =	vst v0  }
0x12: {  	[tilespmem:$0x720] =	vst v0  }
0x13: {  	[tilespmem:$0x730] =	vst v0  }
0x14: {  	[tilespmem:$0x740] =	vst v0  }
0x15: {  	[tilespmem:$0x750] =	vst v0  }
0x16: {  	[tilespmem:$0x760] =	vst v0  }
0x17: {  	[tilespmem:$0x770] =	vst v0;
	s25 =	simm.s32 $0x40;
	s26 =	simm.s32 $0x0  }
.LBB2_2:
0x18: {  	p0 =	sne.s32 s25, $0x13C0;
	[tilespmem:s26+$0x780] =	vst v1;
	s26 =	smov.u32 s25;
	s25 =	sadd.s32 $0x40, s25  }
.Ltmp0:
0x19: {  	(pc) =	sbr.rel @p0 .LBB2_2-.Ltmp0, $2  }
0x1a: {  	_ =	sdelay $0x2  }
0x1b: {  	s26 =	sshra.s32 s26, $0x2  }
0x1c: {  	[tilespmem:s26+$0x780] =	vst v1;
	s25 =	simm.s32 $0x0  }
0x1d: {  	[tilespmem:s13], [sflag:$0x1] =	stream.linear.gather [hbm4b:s5+s25], $0x80, $0x38;
	[tilespmem:$0xC80] =	vst v63  }
0x1e: {  	p0 =	por $0x1, $0x1;
	s25 =	simm.s32 $0x80  }
0x1f: {  	[spmem:s6] =	stream.linear.scatter [tilespmem:s14], [sflag:$0x3], $0x500, $0x38;
	[tilespmem:$0xC80] =	vst v63  }
0x20: {  	s25 =	simm.s32 @!p0 $0x25E00;
	_ =	swait.ge [sflag:s15], $0x500  }
0x21: {  	s25 =	sadd.s32 s25, s12;
	[sflag:s15] =	ssyncset.done $0x0  }
0x22: {  	s25 =	sshrl.u32 s25, $0x3;
	[sflag:s15] =	ssyncadd.s32 $0xFFFFFB00  }
0x23: {  	s25 =	sadd.s32 s4, s25;
	[bflag:$0x0] =	sbarrier.arrive $0xFFFF  }
0x24: {  	[tilespmem:s17], [sflag:$0x2] =	stream.linear.gather [hbm4b:s25+s3], $0x80, $0x38;
	[tilespmem:$0xC80] =	vst v63  }
0x25: {  	_ =	swait.ge [sflag:s18], $0x80  }
0x26: {  	p0 =	por $0x1, $0x1;
	s25 =	simm.s32 $0x100;
	[sflag:s18] =	ssyncset.done $0x0  }
0x27: {  	s25 =	simm.s32 @!p0 $0x25E80;
	[sflag:s18] =	ssyncadd.s32 $0xFFFFFF80  }
0x28: {  	[spmem:s2] =	stream.indirect.scatter.add.f32 [tilespmem:s19], [sflag:$0x3], $0x1, s13, s16, $0xb8;
	[tilespmem:$0xC80] =	vst v63  }
0x29: {  	s25 =	sadd.s32 s12, s25;
	_ =	swait.ge [sflag:s15], $0x80  }
0x2a: {  	s25 =	sshrl.u32 s25, $0x3;
	[sflag:s15] =	ssyncset.done $0x0  }
0x2b: {  	s25 =	sadd.s32 s4, s25;
	[sflag:s15] =	ssyncadd.s32 $0xFFFFFF80  }
0x2c: {  	[tilespmem:s13], [sflag:$0x1] =	stream.linear.gather [hbm4b:s25+s3], $0x80, $0x38;
	[tilespmem:$0xC80] =	vst v63  }
0x2d: {  	s26 =	simm.s32 $0x80;
	_ =	swait.ge [sflag:s20], $0x80  }
0x2e: {  	s28 =	simm.s32 $0x5;
	p0 =	por $0x1, $0x1;
	[sflag:s20] =	ssyncset.done $0x0  }
0x2f: {  	s26 =	simm.s32 @!p0 $0x25E00;
	s25 =	sadd.s32 $0x100, s12;
	[sflag:s20] =	ssyncadd.s32 $0xFFFFFF80  }
0x30: {  	[spmem:s2] =	stream.indirect.scatter.add.f32 [tilespmem:s19], [sflag:$0x3], $0x1, s17, s16, $0xb8;
	[tilespmem:$0xC80] =	vst v63  }
0x31: {  	s29 =	sadd.s32 s26, s25;
	s26 =	simm.s32 $0x1;
	_ =	swait.ge [sflag:s15], $0x80  }
.LBB2_4:
0x32: {  	s29 =	sshrl.u32 s29, $0x3  }
0x33: {  	[sflag:s15] =	ssyncset.done $0x0;
	s30 =	smov.u32 s28;
	s31 =	sadd.s32 $0x2, s28  }
0x34: {  	p0 =	sne.s32 s28, $0x4B;
	s28 =	sadd.s32 s4, s29;
	[sflag:s15] =	ssyncadd.s32 $0xFFFFFF80  }
0x35: {  	[tilespmem:s17], [sflag:$0x2] =	stream.linear.gather [hbm4b:s28+s3], $0x80, $0x38;
	[tilespmem:$0xC80] =	vst v63  }
0x36: {  	_ =	swait.ge [sflag:s18], $0x80  }
0x37: {  	[sflag:s18] =	ssyncset.done $0x0  }
0x38: {  	p1 =	slt.u32 s26, $0x13;
	s28 =	simm.s32 $0x100;
	[sflag:s18] =	ssyncadd.s32 $0xFFFFFF80  }
0x39: {  	[spmem:s2] =	stream.indirect.scatter.add.f32 [tilespmem:s19], [sflag:$0x3], $0x1, s13, s16, $0xb8;
	[tilespmem:$0xC80] =	vst v63  }
0x3a: {  	s28 =	simm.s32 @!p1 $0x25E80;
	_ =	swait.ge [sflag:s15], $0x80  }
0x3b: {  	s28 =	sadd.s32 s25, s28;
	[sflag:s15] =	ssyncset.done $0x0  }
0x3c: {  	s28 =	sshrl.u32 s28, $0x3;
	[sflag:s15] =	ssyncadd.s32 $0xFFFFFF80  }
0x3d: {  	s28 =	sadd.s32 s4, s28  }
0x3e: {  	[tilespmem:s13], [sflag:$0x1] =	stream.linear.gather [hbm4b:s28+s3], $0x80, $0x38;
	[tilespmem:$0xC80] =	vst v63  }
.Ltmp1:
0x3f: {  	s26 =	sadd.s32 $0x1, s26;
	_ =	swait.ge [sflag:s20], $0x80;
	(pc) =	sbr.rel @p0 .LBB2_4-.Ltmp1, $4  }
0x40: {  	p1 =	slt.u32 s30, $0x27;
	s28 =	simm.s32 $0x80;
	[sflag:s20] =	ssyncset.done $0x0  }
0x41: {  	s25 =	sadd.s32 $0x100, s25;
	s28 =	simm.s32 @!p1 $0x25E00;
	[sflag:s20] =	ssyncadd.s32 $0xFFFFFF80  }
0x42: {  	[spmem:s2] =	stream.indirect.scatter.add.f32 [tilespmem:s19], [sflag:$0x3], $0x1, s17, s16, $0xb8;
	[tilespmem:$0xC80] =	vst v63  }
0x43: {  	s29 =	sadd.s32 s28, s25;
	s28 =	smov.u32 s31;
	_ =	swait.ge [sflag:s15], $0x80  }
0x44: {  	s28 =	sshrl.u32 s29, $0x3;
	[sflag:s15] =	ssyncset.done $0x0  }
0x45: {  	s28 =	sadd.s32 s4, s28;
	[sflag:s15] =	ssyncadd.s32 $0xFFFFFF80  }
0x46: {  	[tilespmem:s17], [sflag:$0x2] =	stream.linear.gather [hbm4b:s28+s3], $0x80, $0x38;
	[tilespmem:$0xC80] =	vst v63  }
0x47: {  	_ =	swait.ge [sflag:s18], $0x80  }
0x48: {  	p0 =	slt.u32 s26, $0x13;
	s26 =	simm.s32 $0x100;
	[sflag:s18] =	ssyncset.done $0x0  }
0x49: {  	s26 =	simm.s32 @!p0 $0x25E80;
	[sflag:s18] =	ssyncadd.s32 $0xFFFFFF80  }
0x4a: {  	[spmem:s2] =	stream.indirect.scatter.add.f32 [tilespmem:s19], [sflag:$0x3], $0x1, s13, s16, $0xb8;
	[tilespmem:$0xC80] =	vst v63  }
0x4b: {  	s25 =	sadd.s32 s25, s26;
	_ =	swait.ge [sflag:s15], $0x80  }
0x4c: {  	s25 =	sshrl.u32 s25, $0x3;
	[sflag:s15] =	ssyncset.done $0x0  }
0x4d: {  	s25 =	sadd.s32 s4, s25;
	[sflag:s15] =	ssyncadd.s32 $0xFFFFFF80  }
0x4e: {  	[tilespmem:s13], [sflag:$0x1] =	stream.linear.gather [hbm4b:s25+s3], $0x80, $0x38;
	[tilespmem:$0xC80] =	vst v63  }
0x4f: {  	_ =	swait.ge [sflag:s20], $0x80  }
0x50: {  	[sflag:s20] =	ssyncset.done $0x0  }
0x51: {  	[sflag:s20] =	ssyncadd.s32 $0xFFFFFF80  }
0x52: {  	[spmem:s2] =	stream.indirect.scatter.add.f32 [tilespmem:s19], [sflag:$0x3], $0x1, s17, s16, $0xb8;
	[tilespmem:$0xC80] =	vst v63  }
0x53: {  	_ =	swait.ge [sflag:s15], $0x80  }
0x54: {  	[sflag:s15] =	ssyncset.done $0x0  }
0x55: {  	[sflag:s15] =	ssyncadd.s32 $0xFFFFFF80  }
0x56: {  	[tilespmem:s17], [sflag:$0x2] =	stream.linear.gather [hbm4b:s11+s3], $0x80, $0x38;
	[tilespmem:$0xC80] =	vst v63  }
0x57: {  	_ =	swait.ge [sflag:s18], $0x80  }
0x58: {  	[sflag:s18] =	ssyncset.done $0x0  }
0x59: {  	[sflag:s18] =	ssyncadd.s32 $0xFFFFFF80  }
0x5a: {  	[spmem:s2] =	stream.indirect.scatter.add.f32 [tilespmem:s19], [sflag:$0x3], $0x1, s13, s16, $0xb8;
	[tilespmem:$0xC80] =	vst v63  }
0x5b: {  	_ =	swait.ge [sflag:s15], $0x80  }
0x5c: {  	[sflag:s15] =	ssyncset.done $0x0  }
0x5d: {  	[sflag:s15] =	ssyncadd.s32 $0xFFFFFF80  }
0x5e: {  	_ =	swait.ge [sflag:s20], $0x80  }
0x5f: {  	[sflag:s20] =	ssyncset.done $0x0  }
0x60: {  	[sflag:s20] =	ssyncadd.s32 $0xFFFFFF80  }
0x61: {  	[spmem:s2] =	stream.indirect.scatter.add.f32 [tilespmem:s19], [sflag:$0x3], $0x1, s17, s16, $0xb8;
	[tilespmem:$0xC80] =	vst v63  }
0x62: {  	_ =	swait.ge [sflag:s15], $0x80  }
0x63: {  	[sflag:s15] =	ssyncset.done $0x0  }
0x64: {  	[sflag:s15] =	ssyncadd.s32 $0xFFFFFF80  }
0x65: {  	[tilespmem:s21], [sflag:$0x3] =	stream.linear.gather [hbm4b:s7+s3], $0x8, $0x38;
	[tilespmem:$0xC80] =	vst v63  }
0x66: {  	_ =	swait.ge [sflag:s15], $0x8  }
0x67: {  	[sflag:s15] =	ssyncset.done $0x0  }
0x68: {  	[sflag:s15] =	ssyncadd.s32 $0xFFFFFFF8  }
0x69: {  	[tilespmem:s22], [sflag:$0x3] =	stream.linear.gather [hbm4b:s8+s3], $0x8, $0x38;
	[tilespmem:$0xC80] =	vst v63  }
0x6a: {  	_ =	swait.ge [sflag:s15], $0x8  }
0x6b: {  	[sflag:s15] =	ssyncset.done $0x0  }
0x6c: {  	[sflag:s15] =	ssyncadd.s32 $0xFFFFFFF8  }
0x6d: {  	[spmem:s2] =	stream.indirect.scatter.add.f32 [tilespmem:s19], [sflag:$0x3], $0x1, s21, s23, $0xb8;
	[tilespmem:$0xC80] =	vst v63  }
0x6e: {  	_ =	swait.ge [sflag:s15], $0x8  }
0x6f: {  	[sflag:s15] =	ssyncset.done $0x0  }
0x70: {  	[sflag:s15] =	ssyncadd.s32 $0xFFFFFFF8  }
0x71: {  	[spmem:s2] =	stream.indirect.scatter.add.f32 [tilespmem:s19], [sflag:$0x3], $0x1, s22, s23, $0xb8;
	[tilespmem:$0xC80] =	vst v63  }
0x72: {  	_ =	swait.ge [sflag:s15], $0x8  }
0x73: {  	s30 =	sshll.u32 s0, $0x6;
	s24 =	sadd.s32 $0x1, s24;
	[sflag:s15] =	ssyncset.done $0x0  }
0x74: {  	s31 =	sshrl.u32 s6, $0x3;
	p0 =	sne.s32 s24, s10;
	[sflag:s15] =	ssyncadd.s32 $0xFFFFFFF8  }
.Ltmp2:
0x75: {  	s25 =	sor.u32 $0x1C03, s30;
	[bflag:$0x0] =	sbarrier.arrive $0xFFFF;
	(pc) =	sbr.rel @p0 .LBB2_1-.Ltmp2, $4  }
0x76: {  	[hbm:s9], [sflag:s25] =	dma.local [spmem:s31], $0xA0  }
0x77: {  	_ =	swait.ge [sflag:s15], $0xA0  }
0x78: {  	[sflag:s15] =	ssyncset.done $0x0  }
0x79: {  	[sflag:s15] =	ssyncadd.s32 $0xFFFFFF60  }
0x7a: {  	_ =	sfence.sel $0x180000  }
0x7b: {  	[bflag:$0x0] =	sbarrier.arrive $0xFFFF  }
0x7c: {  	p0 =	sne.s32 s0, $0x0;
	_ =	strace $0x90000047  }
0x7d: {  	s0 =	sadd.s32 @!p0 $0x100000, s1;
	[bflag:$0x2] =	sbarrier.arrive $0xFFFF  }
0x7e: {  	[sflag:s0] =	ssyncadd.tile.s32 @!p0 $0x1;
	_ =	shalt  }
.Lfunc_end2:
_tile_overlayer_lowered:
.L_overlay_start_2:
0x7f: {  	(tag) =	ssettag $0x2  }
0x80: {  	s0 =	rddreg [dreg:$0x0];
	s2 =	stileid.u32  }
0x81: {  	s1 =	rddreg [dreg:$0x1];
	p0 =	sne.s32 s2, $0x0  }
0x82: {  	s3 =	rddreg [dreg:$0x2];
	[bflag:$0x3] =	sbarrier.arrive $0xFFFF;
	s2 =	simm.s32 @!p0 $0x1C03  }
0x83: {  	[timem:s3], [sflag:s2] =	dma.local @!p0 [hbm:s0], s1  }
0x84: {  	s0 =	simm.s32 @!p0 $0x3  }
0x85: {  	_ =	swait.ge @!p0 [sflag:s0], s1  }
0x86: {  	s1 =	ssub.s32 @!p0 $0x0, s1;
	[sflag:s0] =	ssyncset.done @!p0 $0x0  }
0x87: {  	[sflag:s0] =	ssyncadd.s32 @!p0 s1  }
0x88: {  	[bflag:$0x3] =	sbarrier.arrive $0xFFFF  }
0x89: {  	_ =	shalt  }

// kernel: kernel.19.cloned.1.call-start
scs
__scs_entry_jumppad:
0x0: {  	(pc) =	sbr.rel $0x88, $3  }
0x1: {  	(tag) =	ssettag $0x0;
	lr =	simm.s32 $0x1  }
0x2: {  	[smem:$0x3F99] =	sst lr;
	_ =	strace $0xD0000000  }
0x3: {  	_ = 	snop  }
0x4: {  	_ = 	snop  }
0x5: {  	_ = 	snop  }
0x6: {  	_ = 	snop  }
0x7: {  	_ = 	snop  }
__scs_overlays_trampoline_lowered:
0x8: {  	[smem:$0x3FA8] =	sst s0  }
0x9: {  	[smem:$0x3FA9] =	sst s1  }
0xa: {  	[smem:$0x3FAA] =	sst s2  }
0xb: {  	[smem:$0x3FAB] =	sst s3  }
0xc: {  	[smem:$0x3FAC] =	sst s4  }
0xd: {  	[smem:$0x3FAD] =	sst s5  }
0xe: {  	[smem:$0x3FAE] =	sst s6  }
0xf: {  	[smem:$0x3FAF] =	sst s7  }
0x10: {  	[smem:$0x3FB0] =	sst s8  }
0x11: {  	[smem:$0x3FB1] =	sst s9;
	s0 =	simm.s32 @!p0 $0x0  }
0x12: {  	s1 =	sld [smem:$0x3F97];
	s0 =	simm.s32 @p0 $0x1  }
0x13: {  	[smem:$0x3FB2] =	sst s0;
	s0 =	simm.s32 @!p1 $0x0  }
0x14: {  	s2 =	sld [smem:$0x3F96];
	s0 =	simm.s32 @p1 $0x1  }
0x15: {  	[smem:$0x3FB3] =	sst s0;
	s0 =	simm.s32 @!p2 $0x0  }
0x16: {  	s3 =	sld [smem:$0x3FDB];
	s0 =	simm.s32 @p2 $0x1  }
0x17: {  	s4 =	simm.s32 $0x1BF5;
	[smem:$0x3FB5] =	sst s0  }
0x18: {  	s0 =	sld [smem:$0x3F98];
	_ =	swait.ge [sflag:s4], $0x0  }
0x19: {  	s7 =	sld [smem:$0x3F99]  }
0x1a: {  	s8 =	sadd.s32 $0xFFFFE003, lr  }
0x1b: {  	s9 =	sadd.s32 $0xFFFFFEF7, lr;
	s5 =	simm.s32 $0xFFFFFFFF;
	p2 =	slt.u32 s8, $0xFFFFF086  }
0x1c: {  	p1 =	slt.u32 s9, $0xF7A;
	s5 =	simm.s32 @!p2 $0x0  }
0x1d: {  	s5 =	simm.s32 @p1 $0x1;
	p0 =	seq.s32 s7, s2  }
0x1e: {  	s7 =	smul.u32 @!p0 $0xF7A, s2;
	p2 =	seq.s32 @!p0 s5, $0x0  }
0x1f: {  	s9 =	smul.u32 $0xF7A, s1;
	s8 =	simm.s32 @!p0 $0x1BF5;
	p2 =	por !p2, p0  }
0x20: {  	[sflag:s8] =	ssyncset.s32 @!p0 $0xFFFFF086;
	s6 =	sadd.s32 @!p0 s3, s7;
	s7 =	simm.s32 @!p0 $0x108  }
0x21: {  	s3 =	sadd.s32 s3, s9;
	s6 =	sadd.s32 @!p0 $0x88, s6;
	s7 =	simm.s32 @p2 $0x1082  }
0x22: {  	[simem:s7], [sflag:s8] =	dma.local @!p0 [hbm:s6], $0xF7A  }
0x23: {  	s9 =	sor.u32 $0xD0000000, s2;
	s6 =	simm.s32 $0x108;
	_ =	swait.ge @!p0 [sflag:s8], $0x0  }
0x24: {  	s3 =	sadd.s32 $0x88, s3;
	s6 =	simm.s32 @!p1 $0x1082;
	[sflag:s4] =	ssyncset.s32 $0xFFFFF086  }
0x25: {  	[simem:s6], [sflag:s4] =	dma.local [hbm:s3], $0xF7A  }
0x26: {  	[smem:$0x3F99] =	sst s1;
	(tag) =	ssettag s2;
	_ =	strace s9  }
0x27: {  	s1 =	sld [smem:$0x3FA9]  }
0x28: {  	s2 =	sld [smem:$0x3FAA]  }
0x29: {  	s4 =	sld [smem:$0x3FAC]  }
0x2a: {  	p0 =	seq.s32 s5, $0x0;
	s5 =	sld [smem:$0x3FAD]  }
0x2b: {  	s6 =	sld [smem:$0x3FAE]  }
0x2c: {  	s7 =	sld [smem:$0x3FAF]  }
0x2d: {  	s3 =	simm.s32 $0x108;
	s8 =	sld [smem:$0x3FB0]  }
0x2e: {  	s3 =	simm.s32 @!p0 $0x1082;
	s9 =	sld [smem:$0x3FB1]  }
0x2f: {  	lr =	sadd.s32 s0, s3;
	s0 =	sld [smem:$0x3FA8]  }
0x30: {  	s3 =	sld [smem:$0x3FAB]  }
0x31: {  	[smem:$0x3FB4] =	sst s10  }
0x32: {  	s10 =	sld [smem:$0x3FB2];
	_ =	sdelay $0x3  }
0x33: {  	p0 =	seq.s32 s10, $0x1;
	s10 =	sld [smem:$0x3FB4];
	_ =	sdelay $0x3  }
0x34: {  	[smem:$0x3FB4] =	sst s10  }
0x35: {  	s10 =	sld [smem:$0x3FB3];
	_ =	sdelay $0x3  }
0x36: {  	p1 =	seq.s32 s10, $0x1;
	s10 =	sld [smem:$0x3FB4];
	_ =	sdelay $0x3  }
0x37: {  	[smem:$0x3FB4] =	sst s10  }
0x38: {  	s10 =	sld [smem:$0x3FB5]  }
0x39: {  	_ = 	snop;
	(pc) =	sbr.ind lr, $3  }
0x3a: {  	_ = 	snop  }
0x3b: {  	_ = 	snop  }
0x3c: {  	p2 =	seq.s32 s10, $0x1;
	s10 =	sld [smem:$0x3FB4]  }
0x3d: {  	_ =	shalt  }
0x3e: {  	_ =	shalt  }
0x3f: {  	_ =	shalt  }
0x40: {  	_ =	shalt  }
0x41: {  	_ =	shalt  }
0x42: {  	_ =	shalt  }
0x43: {  	_ =	shalt  }
0x44: {  	_ =	shalt  }
0x45: {  	_ =	shalt  }
0x46: {  	_ =	shalt  }
0x47: {  	_ =	shalt  }
0x48: {  	_ =	shalt  }
0x49: {  	_ =	shalt  }
0x4a: {  	_ =	shalt  }
0x4b: {  	_ =	shalt  }
0x4c: {  	_ =	shalt  }
0x4d: {  	_ =	shalt  }
0x4e: {  	_ =	shalt  }
0x4f: {  	_ =	shalt  }
0x50: {  	_ =	shalt  }
0x51: {  	_ =	shalt  }
0x52: {  	_ =	shalt  }
0x53: {  	_ =	shalt  }
0x54: {  	_ =	shalt  }
0x55: {  	_ =	shalt  }
0x56: {  	_ =	shalt  }
0x57: {  	_ =	shalt  }
0x58: {  	_ =	shalt  }
0x59: {  	_ =	shalt  }
0x5a: {  	_ =	shalt  }
0x5b: {  	_ =	shalt  }
0x5c: {  	_ =	shalt  }
0x5d: {  	_ =	shalt  }
0x5e: {  	_ =	shalt  }
0x5f: {  	_ =	shalt  }
0x60: {  	_ =	shalt  }
0x61: {  	_ =	shalt  }
0x62: {  	_ =	shalt  }
0x63: {  	_ =	shalt  }
0x64: {  	_ =	shalt  }
0x65: {  	_ =	shalt  }
0x66: {  	_ =	shalt  }
0x67: {  	_ =	shalt  }
0x68: {  	_ =	shalt  }
0x69: {  	_ =	shalt  }
0x6a: {  	_ =	shalt  }
0x6b: {  	_ =	shalt  }
0x6c: {  	_ =	shalt  }
0x6d: {  	_ =	shalt  }
0x6e: {  	_ =	shalt  }
0x6f: {  	_ =	shalt  }
0x70: {  	_ =	shalt  }
0x71: {  	_ =	shalt  }
0x72: {  	_ =	shalt  }
0x73: {  	_ =	shalt  }
0x74: {  	_ =	shalt  }
0x75: {  	_ =	shalt  }
0x76: {  	_ =	shalt  }
0x77: {  	_ =	shalt  }
0x78: {  	_ =	shalt  }
0x79: {  	_ =	shalt  }
0x7a: {  	_ =	shalt  }
0x7b: {  	_ =	shalt  }
0x7c: {  	_ =	shalt  }
0x7d: {  	_ =	shalt  }
0x7e: {  	_ =	shalt  }
0x7f: {  	_ =	shalt  }
0x80: {  	_ =	shalt  }
0x81: {  	_ =	shalt  }
0x82: {  	_ =	shalt  }
0x83: {  	_ =	shalt  }
0x84: {  	_ =	shalt  }
0x85: {  	_ =	shalt  }
0x86: {  	_ =	shalt  }
0x87: {  	_ =	shalt  }
.Lfunc_end0:
.L_simem_size_0:
called_computation.1_lowered:
.L_overlay_start_0:
0x88: {  	s2 =	sld [smem:$0x3FD9]  }
0x89: {  	s3 =	sld [smem:$0x3FFE];
	_ =	sdelay $0x1  }
0x8a: {  	s1 =	srdreg.scid  }
0x8b: {  	s0 =	sand.u32 $0x1, s1  }
0x8c: {  	s14 =	sshll.u32 s0, $0xA;
	s2 =	sadd.s32 s3, s2  }
0x8d: {  	s2 =	sadd.s32 s2, s14  }
0x8e: {  	[smem:$0x3FC0] =	sst s2  }
0x8f: {  	_ = 	snop  }
0x90: {  	s2 =	sld [smem:$0x3FD0];
	_ =	sdelay $0x2  }
0x91: {  	s15 =	simm.s32 $0xB;
	s4 =	simm.s32 $0x10  }
0x92: {  	[smem:s4], [sflag:s15] =	dma.local [hbm:s2], $0x1  }
0x93: {  	_ =	swait.eq [sflag:s15], $0x1  }
0x94: {  	[sflag:s15] =	ssyncset.done $0x0  }
0x95: {  	[sflag:s15] =	ssyncadd.s32 $0xFFFFFFFF  }
0x96: {  	s16 =	sld [smem:$0x12];
	(tm) =	ssettm $0x1  }
0x97: {  	s17 =	sld [smem:$0x3FFB];
	_ =	sdelay $0x3  }
0x98: {  	_ =	strace s17  }
0x99: {  	s3 =	sld [smem:$0x3FFC];
	_ =	sdelay $0x3  }
0x9a: {  	_ =	strace s3  }
0x9b: {  	s3 =	sld [smem:$0x3FFD];
	_ =	sdelay $0x3  }
0x9c: {  	_ =	strace s3  }
0x9d: {  	_ =	strace $0x8FFFFFFF  }
0x9e: {  	s18 =	sld [smem:$0x3FDB];
	_ =	sdelay $0x1  }
0x9f: {  	s19 =	simm.s32 $_scs_section_size  }
0xa0: {  	s5 =	simm.s32 $_size__tile_overlayer_lowered;
	s6 =	simm.s32 $_tile_overlayer_lowered  }
0xa1: {  	s22 =	simm.s32 $0x1BFF;
	s21 =	sshll.u32 s6, $0x1;
	s3 =	sadd.s32 s19, s18  }
0xa2: {  	s7 =	simm.s32 $0x0;
	s20 =	sshll.u32 s5, $0x1;
	s5 =	sadd.s32 s21, s3  }
0xa3: {  	[timem:s7], [sflag:s22] =	dma.local [hbm:s5], s20  }
0xa4: {  	_ =	swait.ge [sflag:s22], s20  }
0xa5: {  	s4 =	ssub.s32 $0x0, s20;
	[sflag:s22] =	ssyncset.done $0x0  }
0xa6: {  	[sflag:s22] =	ssyncadd.s32 s4;
	_ =	sdelay $0x1  }
0xa7: {  	s23 =	simm.s32 $0x1B8B  }
0xa8: {  	_ =	swait.ge [sflag:s23], $0x1  }
0xa9: {  	[sflag:s23] =	ssyncset.done $0x0  }
0xaa: {  	s25 =	simm.s32 $0x1B8E;
	s24 =	sld [smem:$0x3FFE];
	[sflag:s23] =	ssyncadd.s32 $0xFFFFFFFF  }
0xab: {  	s26 =	simm.s32 $execute0_lowered;
	[smem:$0x3FD2] =	sst s25  }
0xac: {  	s5 =	sshll.u32 s26, $0x1;
	_ =	strace $0x80000049;
	[dreg:$0x1] =	wrdreg $0xFFFFFFFF  }
0xad: {  	s28 =	simm.s32 $_size_execute0_lowered;
	s3 =	sadd.s32 s3, s5;
	[dreg:$0x0] =	wrdreg $0x0  }
0xae: {  	s5 =	sshll.u32 s28, $0x1;
	[dreg:$0x2] =	wrdreg s3  }
0xaf: {  	[dreg:$0x3] =	wrdreg s5  }
0xb0: {  	[dreg:$0x4] =	wrdreg $0xC0  }
0xb1: {  	_ =	task [dreg:s7], $0x5FFFF  }
0xb2: {  	[dreg:$0x1] =	wrdreg $0xFFFFFFFF  }
0xb3: {  	[dreg:$0x0] =	wrdreg $0x60  }
0xb4: {  	[dreg:$0x2] =	wrdreg s16  }
0xb5: {  	[dreg:$0x3] =	wrdreg s24  }
0xb6: {  	[dreg:$0x4] =	wrdreg $0x0  }
0xb7: {  	[dreg:$0x5] =	wrdreg $0xA  }
0xb8: {  	_ =	task.clear_ibuf [dreg:s7], $0x6FFFF;
	_ =	strace $0x90000049  }
0xb9: {  	s29 =	simm.s32 $0xA;
	_ =	strace $0x8000004B  }
0xba: {  	_ =	swait.ge [sflag:s29], $0x1  }
0xbb: {  	[sflag:s29] =	ssyncadd.s32 $0xFFFFFFFF  }
0xbc: {  	_ =	strace $0x9000004B  }
0xbd: {  	_ =	sfence  }
0xbe: {  	s30 =	sld [smem:$0x0];
	_ =	sdelay $0x2  }
0xbf: {  	s31 =	sshll.u32 s1, $0xD;
	s1 =	sshrl.u32 s1, $0x2  }
0xc0: {  	s3 =	sand.u32 $0x4000, s31;
	s1 =	sadd.s32 s1, s30  }
0xc1: {  	s0 =	sor.u32 s3, s0;
	s1 =	sshll.u32 s1, $0x11  }
0xc2: {  	s0 =	sor.u32 s1, s0  }
0xc3: {  	s0 =	sadd.s32 $0x8F2B, s0  }
0xc4: {  	[sflag:s0] =	ssyncadd.remote.s32 $0x1  }
0xc5: {  	_ =	sfence.sel $0xFFFF  }
0xc6: {  	[dreg:$0x0] =	wrdreg $0xFFFFFFFF;
	(pc) =	sbr.abs _section_cstart, $3  }
0xc7: {  	[dreg:$0x1] =	wrdreg $0xFFFFFFFF  }
0xc8: {  	_ =	task.clear_ibuf [dreg:s7], $0x2FFFF;
	_ =	strace $0x9FFFFFFF  }
0xc9: {  	(tm) =	ssettm $0x7FFFFFFF  }
tec
execute0_lowered:
.L_overlay_start_1:
0x0: {  	(tag) =	ssettag $0x1  }
0x1: {  	s1 =	rddreg [dreg:$0x0]  }
0x2: {  	s0 =	rddreg [dreg:$0x1]  }
0x3: {  	s3 =	rddreg [dreg:$0x2];
	s4 =	simm.s32 $0x0;
	s17 =	stileid.u32  }
0x4: {  	s2 =	srdreg.scid;
	s28 =	simm.s32 $0x13B80;
	s6 =	smul.u32 $0x2710, s17  }
0x5: {  	s29 =	simm.s32 $0x13900;
	s30 =	simm.s32 $0x13A80;
	s11 =	smul.u32 $0x270, s17  }
0x6: {  	s31 =	simm.s32 $0x17B80;
	[smem:$0x7FF] =	sst s4;
	s14 =	smul.u32 $0x4E000, s17  }
0x7: {  	s2 =	sand.u32 $0x1, s2;
	s5 =	sadd.s32 $0x17000, s0;
	s21 =	smul.u32 $0x4E2, s17  }
0x8: {  	s9 =	sadd.s32 $0x6E00, s0;
	s0 =	sadd.s32 $0x20E00, s0;
	s8 =	smul.u32 $0x27100, s2  }
0x9: {  	s18 =	sadd.s32 $0x138000, s3;
	p0 =	sne.s32 s17, $0xF;
	s16 =	smul.u32 $0x2710, s2  }
0xa: {  	_ =	strace $0x8000004A;
	s7 =	ssub.s32 $0x2, s2;
	s2 =	smul.u32 $0x138800, s2  }
0xb: {  	[dreg:$0xa] =	wrdreg s18;
	s10 =	sshrl.u32 s7, $0x1;
	s13 =	sadd.s32 $0x80, s6  }
0xc: {  	s15 =	sshrl.u32 s6, $0x3;
	s14 =	sshrl.u32 s14, $0x2;
	s7 =	ssub.s32 s7, s10  }
0xd: {  	s10 =	sadd.s32 s6, s8;
	s26 =	sadd.s32 s8, s13;
	s15 =	sadd.s32 s9, s15  }
0xe: {  	s13 =	sshrl.u32 s13, $0x3;
	s11 =	sadd.s32 s11, s16;
	s2 =	sshrl.u32 s2, $0x3  }
0xf: {  	s6 =	sadd.s32 $0x2700, s6;
	s12 =	sshrl.u32 s10, $0x3;
	[dreg:$0x5] =	wrdreg s15  }
0x10: {  	s15 =	sadd.s32 s14, s3;
	s11 =	sshll.u32 s11, $0x4;
	s2 =	sadd.s32 $0x27000, s2  }
0x11: {  	s8 =	sadd.s32 s8, s6;
	s6 =	sshrl.u32 s6, $0x3;
	s22 =	sadd.s32 $0x200, s10  }
0x12: {  	s23 =	smax.u32 s7, $0x1;
	s24 =	sadd.s32 $0x100, s10;
	s7 =	simm.s32 $0x1BB80  }
0x13: {  	s12 =	sadd.s32 s5, s12;
	[dreg:$0x8] =	wrdreg s15;
	s16 =	sadd.s32 s1, s11  }
0x14: {  	s19 =	sadd.s32 s1, s2;
	s8 =	sshrl.u32 s8, $0x3;
	[dreg:$0x10] =	wrdreg s23  }
0x15: {  	s6 =	sadd.s32 s9, s6;
	s20 =	sadd.s32 s0, s11;
	[dreg:$0x4] =	wrdreg s12  }
0x16: {  	s0 =	sadd.s32 s0, s2;
	s2 =	sshrl.u32 s22, $0x3;
	[dreg:$0x9] =	wrdreg s16  }
0x17: {  	s25 =	sshrl.u32 s24, $0x3;
	s23 =	simm.s32 $0x13880;
	[dreg:$0xb] =	wrdreg s19  }
0x18: {  	s24 =	simm.s32 $0x7;
	s11 =	simm.s32 $0x5;
	[dreg:$0xd] =	wrdreg s6  }
0x19: {  	s12 =	sshrl.u32 s26, $0x3;
	s8 =	sadd.s32 s5, s8;
	[dreg:$0xe] =	wrdreg s20  }
0x1a: {  	[dreg:$0xf] =	wrdreg s0;
	s19 =	sadd.s32 s21, s9;
	s20 =	sadd.s32 s2, s5  }
0x1b: {  	s26 =	sadd.s32 $0x180, s10;
	s22 =	sadd.s32 s25, s5;
	s25 =	simm.s32 $0x13A00  }
.Ltmp0:
0x1c: {  	s0 =	simm.s32 $0x1;
	s2 =	simm.s32 $0x13980;
	(pc) =	sbr.rel .LBB2_1-.Ltmp0, $4  }
0x1d: {  	s6 =	simm.s32 $0x13B00;
	s10 =	simm.s32 $0x3;
	[dreg:$0xc] =	wrdreg s8  }
0x1e: {  	s16 =	simm.s32 $0x0;
	s12 =	sadd.s32 s5, s12;
	[dreg:$0x11] =	wrdreg s26  }
0x1f: {  	s26 =	simm.s32 $0x80;
	[dreg:$0x6] =	wrdreg s12;
	s12 =	sadd.s32 s9, s13  }
0x20: {  	s8 =	simm.s32 $0x2;
	s9 =	simm.s32 $0x4;
	[dreg:$0x7] =	wrdreg s12  }
.LBB2_4:
0x21: {  	_ =	swait.ge [sflag:s10], $0x4000  }
0x22: {  	[sflag:s10] =	ssyncset.done $0x0  }
0x23: {  	[sflag:s10] =	ssyncadd.s32 $0xFFFFC000  }
0x24: {  	[spmem:s3] =	stream.indirect.scatter.add.f32 [tilespmem:s7], [sflag:$0x6], $0x80, s6, s26, $0xb8;
	[tilespmem:$0x1FC80] =	vst v63  }
0x25: {  	_ =	swait.ge [sflag:s11], $0x4000  }
0x26: {  	[sflag:s11] =	ssyncset.done $0x0  }
0x27: {  	s12 =	simm.s32 $0x6;
	[sflag:s11] =	ssyncadd.s32 $0xFFFFC000  }
0x28: {  	_ =	swait.ge [sflag:s12], $0x4000  }
0x29: {  	[sflag:s12] =	ssyncset.done $0x0  }
0x2a: {  	s13 =	simm.s32 $0x1FB80;
	s14 =	rddreg [dreg:$0xc];
	[sflag:s12] =	ssyncadd.s32 $0xFFFFC000  }
0x2b: {  	[tilespmem:s13], [sflag:$0x7] =	stream.linear.gather [hbm4b:s14+s4], $0x10, $0x38;
	[tilespmem:$0x1FC80] =	vst v63  }
0x2c: {  	_ =	swait.ge [sflag:s24], $0x10  }
0x2d: {  	[sflag:s24] =	ssyncset.done $0x0  }
0x2e: {  	s14 =	simm.s32 $0x1FC00;
	s15 =	rddreg [dreg:$0xd];
	[sflag:s24] =	ssyncadd.s32 $0xFFFFFFF0  }
0x2f: {  	[tilespmem:s14], [sflag:$0x7] =	stream.linear.gather [hbm4b:s15+s4], $0x10, $0x38;
	[tilespmem:$0x1FC80] =	vst v63  }
0x30: {  	_ =	swait.ge [sflag:s24], $0x10  }
0x31: {  	[sflag:s24] =	ssyncset.done $0x0  }
0x32: {  	s15 =	simm.s32 $0x10;
	[sflag:s24] =	ssyncadd.s32 $0xFFFFFFF0  }
0x33: {  	[tilespmem:s28], [sflag:$0x1] =	stream.indirect.gather [hbm4b:s1+s15], $0x80, s13, s15, $0xb8;
	[tilespmem:$0x1FC80] =	vst v63  }
0x34: {  	_ =	swait.ge [sflag:s0], $0x800  }
0x35: {  	[sflag:s0] =	ssyncset.done $0x0  }
0x36: {  	[sflag:s0] =	ssyncadd.s32 $0xFFFFF800  }
0x37: {  	[spmem:s3] =	stream.indirect.scatter.add.f32 [tilespmem:s28], [sflag:$0x7], $0x80, s14, s15, $0xb8;
	[tilespmem:$0x1FC80] =	vst v63  }
0x38: {  	_ =	swait.ge [sflag:s24], $0x800  }
0x39: {  	[sflag:s24] =	ssyncset.done $0x0  }
0x3a: {  	[sflag:s24] =	ssyncadd.s32 $0xFFFFF800  }
0x3b: {  	[bflag:$0x0] =	sbarrier.arrive $0xFFFF  }
0x3c: {  	s15 =	rddreg [dreg:$0xe]  }
0x3d: {  	[hbm:s15], [sflag:s17] =	dma.local [spmem:s18], $0x2700  }
0x3e: {  	_ =	swait.ge [sflag:s24], $0x2700  }
0x3f: {  	[sflag:s24] =	ssyncset.done $0x0  }
0x40: {  	s12 =	rddreg [dreg:$0xf];
	[sflag:s24] =	ssyncadd.s32 $0xFFFFD900  }
0x41: {  	[hbm:s12], [sflag:s17] =	dma.local @!p0 [spmem:s21], $0x100  }
0x42: {  	s12 =	simm.s32 @!p0 $0x7  }
0x43: {  	_ =	swait.ge @!p0 [sflag:s12], $0x100  }
0x44: {  	s16 =	sadd.s32 $0x1, s16;
	s21 =	rddreg [dreg:$0x10]  }
0x45: {  	p1 =	sne.s32 s16, s21  }
.Ltmp1:
0x46: {  	_ = 	snop;
	(pc) =	sbr.rel @!p1 .LBB2_5-.Ltmp1, $3  }
0x47: {  	_ =	sdelay $0x1  }
0x48: {  	[sflag:s12] =	ssyncset.done @!p0 $0x0  }
0x49: {  	[sflag:s12] =	ssyncadd.s32 @!p0 $0xFFFFFF00  }
.LBB2_1:
0x4a: {  	s12 =	rddreg [dreg:$0x4]  }
0x4b: {  	[tilespmem:s23], [sflag:$0x7] =	stream.linear.gather [hbm4b:s12+s4], $0x80, $0x38;
	[tilespmem:$0x1FC80] =	vst v63  }
0x4c: {  	_ =	swait.ge [sflag:s24], $0x80  }
0x4d: {  	[sflag:s24] =	ssyncset.done $0x0  }
0x4e: {  	s13 =	rddreg [dreg:$0x5];
	[sflag:s24] =	ssyncadd.s32 $0xFFFFFF80  }
0x4f: {  	[tilespmem:s25], [sflag:$0x7] =	stream.linear.gather [hbm4b:s13+s4], $0x80, $0x38;
	[tilespmem:$0x1FC80] =	vst v63  }
0x50: {  	_ =	swait.ge [sflag:s24], $0x80  }
0x51: {  	[sflag:s24] =	ssyncset.done $0x0  }
0x52: {  	[sflag:s24] =	ssyncadd.s32 $0xFFFFFF80  }
0x53: {  	[tilespmem:s28], [sflag:$0x1] =	stream.indirect.gather [hbm4b:s1+s26], $0x80, s23, s26, $0xb8;
	[tilespmem:$0x1FC80] =	vst v63  }
0x54: {  	s14 =	rddreg [dreg:$0x6]  }
0x55: {  	[tilespmem:s29], [sflag:$0x7] =	stream.linear.gather [hbm4b:s14+s4], $0x80, $0x38;
	[tilespmem:$0x1FC80] =	vst v63  }
0x56: {  	_ =	swait.ge [sflag:s24], $0x80  }
0x57: {  	[sflag:s24] =	ssyncset.done $0x0  }
0x58: {  	s17 =	stileid.u32;
	s15 =	rddreg [dreg:$0x7];
	[sflag:s24] =	ssyncadd.s32 $0xFFFFFF80  }
0x59: {  	[tilespmem:s30], [sflag:$0x7] =	stream.linear.gather [hbm4b:s15+s4], $0x80, $0x38;
	[tilespmem:$0x1FC80] =	vst v63  }
0x5a: {  	s13 =	sshll.u32 s17, $0x6;
	_ =	swait.ge [sflag:s24], $0x80  }
0x5b: {  	s17 =	sor.u32 $0x1C07, s13;
	[sflag:s24] =	ssyncset.done $0x0;
	s18 =	rddreg [dreg:$0x8]  }
0x5c: {  	s21 =	rddreg [dreg:$0x9];
	[sflag:s24] =	ssyncadd.s32 $0xFFFFFF80;
	s18 =	sshrl.u32 s18, $0x3  }
0x5d: {  	[tilespmem:s31], [sflag:$0x2] =	stream.indirect.gather [hbm4b:s1+s26], $0x80, s29, s26, $0xb8;
	[tilespmem:$0x1FC80] =	vst v63  }
0x5e: {  	[spmem:s18], [sflag:s17] =	dma.local [hbm:s21], $0x2700  }
0x5f: {  	_ =	swait.ge [sflag:s24], $0x2700  }
0x60: {  	s13 =	simm.s32 @!p0 $0x7;
	[sflag:s24] =	ssyncset.done $0x0;
	s12 =	rddreg [dreg:$0xa]  }
0x61: {  	[sflag:s24] =	ssyncadd.s32 $0xFFFFD900;
	s21 =	sshrl.u32 @!p0 s12, $0x3;
	s12 =	rddreg [dreg:$0xb]  }
0x62: {  	[spmem:s21], [sflag:s17] =	dma.local @!p0 [hbm:s12], $0x100  }
0x63: {  	_ =	swait.ge @!p0 [sflag:s13], $0x100  }
0x64: {  	[sflag:s13] =	ssyncset.done @!p0 $0x0  }
0x65: {  	[sflag:s13] =	ssyncadd.s32 @!p0 $0xFFFFFF00  }
0x66: {  	[bflag:$0x0] =	sbarrier.arrive $0xFFFF  }
0x67: {  	s14 =	simm.s32 $0x0;
	s13 =	rddreg [dreg:$0x11]  }
.LBB2_2:
0x68: {  	_ =	swait.ge [sflag:s0], $0x4000  }
0x69: {  	p1 =	seq.s32 s14, $0x0;
	[sflag:s0] =	ssyncset.done $0x0  }
0x6a: {  	s15 =	simm.s32 @!p1 $0x6;
	[sflag:s0] =	ssyncadd.s32 $0xFFFFC000  }
0x6b: {  	[spmem:s3] =	stream.indirect.scatter.add.f32 [tilespmem:s28], [sflag:$0x4], $0x80, s25, s26, $0xb8;
	[tilespmem:$0x1FC80] =	vst v63  }
0x6c: {  	_ =	swait.ge @!p1 [sflag:s15], $0x4000  }
0x6d: {  	[sflag:s15] =	ssyncset.done @!p1 $0x0  }
0x6e: {  	s12 =	sadd.s32 s14, s22;
	[sflag:s15] =	ssyncadd.s32 @!p1 $0xFFFFC000  }
0x6f: {  	[tilespmem:s2], [sflag:$0x7] =	stream.linear.gather [hbm4b:s12+s4], $0x80, $0x38;
	[tilespmem:$0x1FC80] =	vst v63  }
0x70: {  	_ =	swait.ge [sflag:s24], $0x80  }
0x71: {  	s15 =	sadd.s32 s14, s19;
	[sflag:s24] =	ssyncset.done $0x0  }
0x72: {  	s12 =	sadd.s32 $0x20, s15;
	[sflag:s24] =	ssyncadd.s32 $0xFFFFFF80  }
0x73: {  	[tilespmem:s6], [sflag:$0x7] =	stream.linear.gather [hbm4b:s12+s4], $0x80, $0x38;
	[tilespmem:$0x1FC80] =	vst v63  }
0x74: {  	_ =	swait.ge [sflag:s24], $0x80  }
0x75: {  	[sflag:s24] =	ssyncset.done $0x0  }
0x76: {  	[sflag:s24] =	ssyncadd.s32 $0xFFFFFF80  }
0x77: {  	[tilespmem:s7], [sflag:$0x3] =	stream.indirect.gather [hbm4b:s1+s26], $0x80, s2, s26, $0xb8;
	[tilespmem:$0x1FC80] =	vst v63  }
0x78: {  	_ =	swait.ge [sflag:s8], $0x4000  }
0x79: {  	p1 =	seq.s32 s14, $0x4B0;
	[sflag:s8] =	ssyncset.done $0x0  }
.Ltmp2:
0x7a: {  	[sflag:s8] =	ssyncadd.s32 $0xFFFFC000;
	(pc) =	sbr.rel @p1 .LBB2_4-.Ltmp2, $4  }
0x7b: {  	[spmem:s3] =	stream.indirect.scatter.add.f32 [tilespmem:s31], [sflag:$0x5], $0x80, s30, s26, $0xb8;
	[tilespmem:$0x1FC80] =	vst v63  }
0x7c: {  	_ =	swait.ge [sflag:s9], $0x4000  }
0x7d: {  	[sflag:s9] =	ssyncset.done $0x0  }
0x7e: {  	[sflag:s9] =	ssyncadd.s32 $0xFFFFC000  }
0x7f: {  	s12 =	sshrl.u32 s13, $0x3  }
0x80: {  	s12 =	sadd.s32 s5, s12  }
0x81: {  	[tilespmem:s23], [sflag:$0x7] =	stream.linear.gather [hbm4b:s12+s4], $0x80, $0x38;
	[tilespmem:$0x1FC80] =	vst v63  }
0x82: {  	_ =	swait.ge [sflag:s24], $0x80  }
0x83: {  	[sflag:s24] =	ssyncset.done $0x0  }
0x84: {  	s12 =	sadd.s32 $0x30, s15;
	[sflag:s24] =	ssyncadd.s32 $0xFFFFFF80  }
0x85: {  	[tilespmem:s25], [sflag:$0x7] =	stream.linear.gather [hbm4b:s12+s4], $0x80, $0x38;
	[tilespmem:$0x1FC80] =	vst v63  }
0x86: {  	_ =	swait.ge [sflag:s24], $0x80  }
0x87: {  	[sflag:s24] =	ssyncset.done $0x0  }
0x88: {  	[sflag:s24] =	ssyncadd.s32 $0xFFFFFF80  }
0x89: {  	[tilespmem:s28], [sflag:$0x1] =	stream.indirect.gather [hbm4b:s1+s26], $0x80, s23, s26, $0xb8;
	[tilespmem:$0x1FC80] =	vst v63  }
0x8a: {  	_ =	swait.ge [sflag:s10], $0x4000  }
0x8b: {  	[sflag:s10] =	ssyncset.done $0x0  }
0x8c: {  	[sflag:s10] =	ssyncadd.s32 $0xFFFFC000  }
0x8d: {  	[spmem:s3] =	stream.indirect.scatter.add.f32 [tilespmem:s7], [sflag:$0x6], $0x80, s6, s26, $0xb8;
	[tilespmem:$0x1FC80] =	vst v63  }
0x8e: {  	_ =	swait.ge [sflag:s11], $0x4000  }
0x8f: {  	[sflag:s11] =	ssyncset.done $0x0  }
0x90: {  	s12 =	sadd.s32 s14, s20;
	[sflag:s11] =	ssyncadd.s32 $0xFFFFC000  }
0x91: {  	[tilespmem:s29], [sflag:$0x7] =	stream.linear.gather [hbm4b:s12+s4], $0x80, $0x38;
	[tilespmem:$0x1FC80] =	vst v63  }
0x92: {  	_ =	swait.ge [sflag:s24], $0x80  }
0x93: {  	[sflag:s24] =	ssyncset.done $0x0  }
0x94: {  	s15 =	sadd.s32 $0x40, s15;
	[sflag:s24] =	ssyncadd.s32 $0xFFFFFF80  }
0x95: {  	[tilespmem:s30], [sflag:$0x7] =	stream.linear.gather [hbm4b:s15+s4], $0x80, $0x38;
	[tilespmem:$0x1FC80] =	vst v63  }
.Ltmp3:
0x96: {  	_ = 	snop;
	(pc) =	sbr.rel .LBB2_2-.Ltmp3, $4  }
0x97: {  	_ =	swait.ge [sflag:s24], $0x80  }
0x98: {  	[sflag:s24] =	ssyncset.done $0x0  }
0x99: {  	s13 =	sadd.s32 $0x180, s13;
	s14 =	sadd.s32 $0x30, s14;
	[sflag:s24] =	ssyncadd.s32 $0xFFFFFF80  }
0x9a: {  	[tilespmem:s31], [sflag:$0x2] =	stream.indirect.gather [hbm4b:s1+s26], $0x80, s29, s26, $0xb8;
	[tilespmem:$0x1FC80] =	vst v63  }
.LBB2_5:
0x9b: {  	_ =	sfence.sel $0x180000  }
0x9c: {  	[bflag:$0x0] =	sbarrier.arrive $0xFFFF  }
0x9d: {  	_ =	strace $0x9000004A  }
0x9e: {  	s0 =	stileid.u32;
	[bflag:$0x2] =	sbarrier.arrive $0xFFFF  }
0x9f: {  	p0 =	sne.s32 s0, $0x0;
	s0 =	rddreg [dreg:$0x3]  }
0xa0: {  	s0 =	sadd.s32 @!p0 $0x100000, s0  }
0xa1: {  	[sflag:s0] =	ssyncadd.tile.s32 @!p0 $0x1;
	_ =	shalt  }
.Lfunc_end2:
_tile_overlayer_lowered:
.L_overlay_start_2:
0xa2: {  	(tag) =	ssettag $0x2  }
0xa3: {  	s0 =	rddreg [dreg:$0x0];
	s2 =	stileid.u32  }
0xa4: {  	s1 =	rddreg [dreg:$0x1];
	p0 =	sne.s32 s2, $0x0  }
0xa5: {  	s3 =	rddreg [dreg:$0x2];
	[bflag:$0x3] =	sbarrier.arrive $0xFFFF;
	s2 =	simm.s32 @!p0 $0x1C07  }
0xa6: {  	[timem:s3], [sflag:s2] =	dma.local @!p0 [hbm:s0], s1  }
0xa7: {  	s0 =	simm.s32 @!p0 $0x7  }
0xa8: {  	_ =	swait.ge @!p0 [sflag:s0], s1  }
0xa9: {  	s1 =	ssub.s32 @!p0 $0x0, s1;
	[sflag:s0] =	ssyncset.done @!p0 $0x0  }
0xaa: {  	[sflag:s0] =	ssyncadd.s32 @!p0 s1  }
0xab: {  	[bflag:$0x3] =	sbarrier.arrive $0xFFFF  }
0xac: {  	_ =	shalt  }

// kernel: kernel.22.cloned.1.call-start
scs
__scs_entry_jumppad:
0x0: {  	(pc) =	sbr.rel $0x88, $3  }
0x1: {  	(tag) =	ssettag $0x0;
	lr =	simm.s32 $0x1  }
0x2: {  	[smem:$0x3F99] =	sst lr;
	_ =	strace $0xD0000000  }
0x3: {  	_ = 	snop  }
0x4: {  	_ = 	snop  }
0x5: {  	_ = 	snop  }
0x6: {  	_ = 	snop  }
0x7: {  	_ = 	snop  }
__scs_overlays_trampoline_lowered:
0x8: {  	[smem:$0x3FA8] =	sst s0  }
0x9: {  	[smem:$0x3FA9] =	sst s1  }
0xa: {  	[smem:$0x3FAA] =	sst s2  }
0xb: {  	[smem:$0x3FAB] =	sst s3  }
0xc: {  	[smem:$0x3FAC] =	sst s4  }
0xd: {  	[smem:$0x3FAD] =	sst s5  }
0xe: {  	[smem:$0x3FAE] =	sst s6  }
0xf: {  	[smem:$0x3FAF] =	sst s7  }
0x10: {  	[smem:$0x3FB0] =	sst s8  }
0x11: {  	[smem:$0x3FB1] =	sst s9;
	s0 =	simm.s32 @!p0 $0x0  }
0x12: {  	s1 =	sld [smem:$0x3F97];
	s0 =	simm.s32 @p0 $0x1  }
0x13: {  	[smem:$0x3FB2] =	sst s0;
	s0 =	simm.s32 @!p1 $0x0  }
0x14: {  	s2 =	sld [smem:$0x3F96];
	s0 =	simm.s32 @p1 $0x1  }
0x15: {  	[smem:$0x3FB3] =	sst s0;
	s0 =	simm.s32 @!p2 $0x0  }
0x16: {  	s3 =	sld [smem:$0x3FDB];
	s0 =	simm.s32 @p2 $0x1  }
0x17: {  	s4 =	simm.s32 $0x1BF5;
	[smem:$0x3FB5] =	sst s0  }
0x18: {  	s0 =	sld [smem:$0x3F98];
	_ =	swait.ge [sflag:s4], $0x0  }
0x19: {  	s7 =	sld [smem:$0x3F99]  }
0x1a: {  	s8 =	sadd.s32 $0xFFFFE003, lr  }
0x1b: {  	s9 =	sadd.s32 $0xFFFFFEF7, lr;
	s5 =	simm.s32 $0xFFFFFFFF;
	p2 =	slt.u32 s8, $0xFFFFF086  }
0x1c: {  	p1 =	slt.u32 s9, $0xF7A;
	s5 =	simm.s32 @!p2 $0x0  }
0x1d: {  	s5 =	simm.s32 @p1 $0x1;
	p0 =	seq.s32 s7, s2  }
0x1e: {  	s7 =	smul.u32 @!p0 $0xF7A, s2;
	p2 =	seq.s32 @!p0 s5, $0x0  }
0x1f: {  	s9 =	smul.u32 $0xF7A, s1;
	s8 =	simm.s32 @!p0 $0x1BF5;
	p2 =	por !p2, p0  }
0x20: {  	[sflag:s8] =	ssyncset.s32 @!p0 $0xFFFFF086;
	s6 =	sadd.s32 @!p0 s3, s7;
	s7 =	simm.s32 @!p0 $0x108  }
0x21: {  	s3 =	sadd.s32 s3, s9;
	s6 =	sadd.s32 @!p0 $0x88, s6;
	s7 =	simm.s32 @p2 $0x1082  }
0x22: {  	[simem:s7], [sflag:s8] =	dma.local @!p0 [hbm:s6], $0xF7A  }
0x23: {  	s9 =	sor.u32 $0xD0000000, s2;
	s6 =	simm.s32 $0x108;
	_ =	swait.ge @!p0 [sflag:s8], $0x0  }
0x24: {  	s3 =	sadd.s32 $0x88, s3;
	s6 =	simm.s32 @!p1 $0x1082;
	[sflag:s4] =	ssyncset.s32 $0xFFFFF086  }
0x25: {  	[simem:s6], [sflag:s4] =	dma.local [hbm:s3], $0xF7A  }
0x26: {  	[smem:$0x3F99] =	sst s1;
	(tag) =	ssettag s2;
	_ =	strace s9  }
0x27: {  	s1 =	sld [smem:$0x3FA9]  }
0x28: {  	s2 =	sld [smem:$0x3FAA]  }
0x29: {  	s4 =	sld [smem:$0x3FAC]  }
0x2a: {  	p0 =	seq.s32 s5, $0x0;
	s5 =	sld [smem:$0x3FAD]  }
0x2b: {  	s6 =	sld [smem:$0x3FAE]  }
0x2c: {  	s7 =	sld [smem:$0x3FAF]  }
0x2d: {  	s3 =	simm.s32 $0x108;
	s8 =	sld [smem:$0x3FB0]  }
0x2e: {  	s3 =	simm.s32 @!p0 $0x1082;
	s9 =	sld [smem:$0x3FB1]  }
0x2f: {  	lr =	sadd.s32 s0, s3;
	s0 =	sld [smem:$0x3FA8]  }
0x30: {  	s3 =	sld [smem:$0x3FAB]  }
0x31: {  	[smem:$0x3FB4] =	sst s10  }
0x32: {  	s10 =	sld [smem:$0x3FB2];
	_ =	sdelay $0x3  }
0x33: {  	p0 =	seq.s32 s10, $0x1;
	s10 =	sld [smem:$0x3FB4];
	_ =	sdelay $0x3  }
0x34: {  	[smem:$0x3FB4] =	sst s10  }
0x35: {  	s10 =	sld [smem:$0x3FB3];
	_ =	sdelay $0x3  }
0x36: {  	p1 =	seq.s32 s10, $0x1;
	s10 =	sld [smem:$0x3FB4];
	_ =	sdelay $0x3  }
0x37: {  	[smem:$0x3FB4] =	sst s10  }
0x38: {  	s10 =	sld [smem:$0x3FB5]  }
0x39: {  	_ = 	snop;
	(pc) =	sbr.ind lr, $3  }
0x3a: {  	_ = 	snop  }
0x3b: {  	_ = 	snop  }
0x3c: {  	p2 =	seq.s32 s10, $0x1;
	s10 =	sld [smem:$0x3FB4]  }
0x3d: {  	_ =	shalt  }
0x3e: {  	_ =	shalt  }
0x3f: {  	_ =	shalt  }
0x40: {  	_ =	shalt  }
0x41: {  	_ =	shalt  }
0x42: {  	_ =	shalt  }
0x43: {  	_ =	shalt  }
0x44: {  	_ =	shalt  }
0x45: {  	_ =	shalt  }
0x46: {  	_ =	shalt  }
0x47: {  	_ =	shalt  }
0x48: {  	_ =	shalt  }
0x49: {  	_ =	shalt  }
0x4a: {  	_ =	shalt  }
0x4b: {  	_ =	shalt  }
0x4c: {  	_ =	shalt  }
0x4d: {  	_ =	shalt  }
0x4e: {  	_ =	shalt  }
0x4f: {  	_ =	shalt  }
0x50: {  	_ =	shalt  }
0x51: {  	_ =	shalt  }
0x52: {  	_ =	shalt  }
0x53: {  	_ =	shalt  }
0x54: {  	_ =	shalt  }
0x55: {  	_ =	shalt  }
0x56: {  	_ =	shalt  }
0x57: {  	_ =	shalt  }
0x58: {  	_ =	shalt  }
0x59: {  	_ =	shalt  }
0x5a: {  	_ =	shalt  }
0x5b: {  	_ =	shalt  }
0x5c: {  	_ =	shalt  }
0x5d: {  	_ =	shalt  }
0x5e: {  	_ =	shalt  }
0x5f: {  	_ =	shalt  }
0x60: {  	_ =	shalt  }
0x61: {  	_ =	shalt  }
0x62: {  	_ =	shalt  }
0x63: {  	_ =	shalt  }
0x64: {  	_ =	shalt  }
0x65: {  	_ =	shalt  }
0x66: {  	_ =	shalt  }
0x67: {  	_ =	shalt  }
0x68: {  	_ =	shalt  }
0x69: {  	_ =	shalt  }
0x6a: {  	_ =	shalt  }
0x6b: {  	_ =	shalt  }
0x6c: {  	_ =	shalt  }
0x6d: {  	_ =	shalt  }
0x6e: {  	_ =	shalt  }
0x6f: {  	_ =	shalt  }
0x70: {  	_ =	shalt  }
0x71: {  	_ =	shalt  }
0x72: {  	_ =	shalt  }
0x73: {  	_ =	shalt  }
0x74: {  	_ =	shalt  }
0x75: {  	_ =	shalt  }
0x76: {  	_ =	shalt  }
0x77: {  	_ =	shalt  }
0x78: {  	_ =	shalt  }
0x79: {  	_ =	shalt  }
0x7a: {  	_ =	shalt  }
0x7b: {  	_ =	shalt  }
0x7c: {  	_ =	shalt  }
0x7d: {  	_ =	shalt  }
0x7e: {  	_ =	shalt  }
0x7f: {  	_ =	shalt  }
0x80: {  	_ =	shalt  }
0x81: {  	_ =	shalt  }
0x82: {  	_ =	shalt  }
0x83: {  	_ =	shalt  }
0x84: {  	_ =	shalt  }
0x85: {  	_ =	shalt  }
0x86: {  	_ =	shalt  }
0x87: {  	_ =	shalt  }
.Lfunc_end0:
.L_simem_size_0:
called_computation.2_lowered:
.L_overlay_start_0:
0x88: {  	s2 =	sld [smem:$0x3FD9]  }
0x89: {  	s3 =	sld [smem:$0x3FFE];
	_ =	sdelay $0x1  }
0x8a: {  	s1 =	srdreg.scid  }
0x8b: {  	s0 =	sand.u32 $0x1, s1  }
0x8c: {  	s17 =	sshll.u32 s0, $0xA;
	s2 =	sadd.s32 s3, s2  }
0x8d: {  	s2 =	sadd.s32 s2, s17  }
0x8e: {  	[smem:$0x3FC0] =	sst s2  }
0x8f: {  	_ = 	snop  }
0x90: {  	(tm) =	ssettm $0x1  }
0x91: {  	s18 =	sld [smem:$0x3FFB];
	_ =	sdelay $0x3  }
0x92: {  	_ =	strace s18  }
0x93: {  	s2 =	sld [smem:$0x3FFC];
	_ =	sdelay $0x3  }
0x94: {  	_ =	strace s2  }
0x95: {  	s2 =	sld [smem:$0x3FFD];
	_ =	sdelay $0x3  }
0x96: {  	_ =	strace s2  }
0x97: {  	_ =	strace $0x8FFFFFFF  }
0x98: {  	s19 =	sld [smem:$0x3FDB];
	_ =	sdelay $0x1  }
0x99: {  	s20 =	simm.s32 $_scs_section_size  }
0x9a: {  	s4 =	simm.s32 $_size__tile_overlayer_lowered;
	s5 =	simm.s32 $_tile_overlayer_lowered  }
0x9b: {  	s6 =	simm.s32 $0x1BFF;
	s21 =	sshll.u32 s5, $0x1;
	s3 =	sadd.s32 s20, s19  }
0x9c: {  	s22 =	simm.s32 $0x0;
	s4 =	sshll.u32 s4, $0x1;
	s5 =	sadd.s32 s21, s3  }
0x9d: {  	[timem:s22], [sflag:s6] =	dma.local [hbm:s5], s4  }
0x9e: {  	_ =	swait.ge [sflag:s6], s4  }
0x9f: {  	s4 =	ssub.s32 $0x0, s4;
	[sflag:s6] =	ssyncset.done $0x0  }
0xa0: {  	[sflag:s6] =	ssyncadd.s32 s4;
	_ =	sdelay $0x1  }
0xa1: {  	s23 =	simm.s32 $0x1B8B  }
0xa2: {  	_ =	swait.ge [sflag:s23], $0x1  }
0xa3: {  	[sflag:s23] =	ssyncset.done $0x0  }
0xa4: {  	[sflag:s23] =	ssyncadd.s32 $0xFFFFFFFF  }
0xa5: {  	s4 =	sld [smem:$0x0]  }
0xa6: {  	s5 =	sand.u32 $0xFFFFFFFE, s1  }
0xa7: {  	p0 =	sne.s32 s1, s5  }
0xa8: {  	s5 =	sshll.u32 @p0 s5, $0xE  }
0xa9: {  	s5 =	sadd.s32 @p0 $0x11B8D, s5;
	s6 =	sshll.u32 @p0 s4, $0x11  }
0xaa: {  	s5 =	sor.u32 @p0 s6, s5  }
0xab: {  	[sflag:s5] =	ssyncadd.remote.s32 @p0 $0x1;
	_ =	sdelay $0x1  }
0xac: {  	s5 =	simm.s32 @p0 $0x1B8D  }
0xad: {  	_ =	swait.eq @p0 [sflag:s5], $0x1  }
0xae: {  	[sflag:s5] =	ssyncadd.s32 @p0 $0xFFFFFFFF  }
0xaf: {  	s6 =	sshll.u32 @!p0 s1, $0xE  }
0xb0: {  	s6 =	sor.u32 @!p0 $0x4000, s6;
	s5 =	simm.s32 @!p0 $0x1B8D  }
0xb1: {  	s4 =	sshll.u32 @!p0 s4, $0x11;
	s6 =	sadd.s32 @!p0 $0x11B8D, s6;
	_ =	swait.eq @!p0 [sflag:s5], $0x1  }
0xb2: {  	s4 =	sor.u32 @!p0 s4, s6;
	[sflag:s5] =	ssyncadd.s32 @!p0 $0xFFFFFFFF  }
0xb3: {  	s25 =	simm.s32 $0x1B8E;
	s24 =	sld [smem:$0x3FFE];
	[sflag:s4] =	ssyncadd.remote.s32 @!p0 $0x1  }
0xb4: {  	s26 =	simm.s32 $execute0_lowered;
	[smem:$0x3FD2] =	sst s25  }
0xb5: {  	s5 =	sshll.u32 s26, $0x1;
	_ =	strace $0x8000004C;
	[dreg:$0x1] =	wrdreg $0xFFFFFFFF  }
0xb6: {  	s28 =	simm.s32 $_size_execute0_lowered;
	s3 =	sadd.s32 s3, s5;
	[dreg:$0x0] =	wrdreg $0x0  }
0xb7: {  	s5 =	sshll.u32 s28, $0x1;
	[dreg:$0x2] =	wrdreg s3  }
0xb8: {  	[dreg:$0x3] =	wrdreg s5  }
0xb9: {  	[dreg:$0x4] =	wrdreg $0xC0  }
0xba: {  	_ =	task [dreg:s22], $0x5FFFF  }
0xbb: {  	[dreg:$0x1] =	wrdreg $0xFFFFFFFF  }
0xbc: {  	[dreg:$0x0] =	wrdreg $0x60  }
0xbd: {  	[dreg:$0x2] =	wrdreg s24  }
0xbe: {  	[dreg:$0x3] =	wrdreg $0x0  }
0xbf: {  	[dreg:$0x4] =	wrdreg $0x9  }
0xc0: {  	_ =	task.clear_ibuf [dreg:s22], $0x5FFFF;
	_ =	strace $0x9000004C  }
0xc1: {  	s29 =	simm.s32 $0x9;
	_ =	strace $0x8000004E  }
0xc2: {  	_ =	swait.ge [sflag:s29], $0x1  }
0xc3: {  	[sflag:s29] =	ssyncadd.s32 $0xFFFFFFFF  }
0xc4: {  	_ =	strace $0x9000004E  }
0xc5: {  	_ =	sfence  }
0xc6: {  	s30 =	sld [smem:$0x0];
	_ =	sdelay $0x2  }
0xc7: {  	s31 =	sshll.u32 s1, $0xD;
	s1 =	sshrl.u32 s1, $0x2  }
0xc8: {  	s4 =	sand.u32 $0x4000, s31;
	s1 =	sadd.s32 s1, s30  }
0xc9: {  	s0 =	sor.u32 s4, s0;
	s1 =	sshll.u32 s1, $0x11  }
0xca: {  	s0 =	sor.u32 s1, s0  }
0xcb: {  	s0 =	sadd.s32 $0x8F2B, s0  }
0xcc: {  	[sflag:s0] =	ssyncadd.remote.s32 $0x1  }
0xcd: {  	_ =	sfence.sel $0xFFFF  }
0xce: {  	[dreg:$0x0] =	wrdreg $0xFFFFFFFF;
	(pc) =	sbr.abs _section_cstart, $3  }
0xcf: {  	[dreg:$0x1] =	wrdreg $0xFFFFFFFF  }
0xd0: {  	_ =	task.clear_ibuf [dreg:s22], $0x2FFFF;
	_ =	strace $0x9FFFFFFF  }
0xd1: {  	(tm) =	ssettm $0x7FFFFFFF  }
tec
execute0_lowered:
.L_overlay_start_1:
0x0: {  	(tag) =	ssettag $0x1  }
0x1: {  	s0 =	rddreg [dreg:$0x0]  }
0x2: {  	s1 =	rddreg [dreg:$0x1]  }
0x3: {  	s3 =	simm.s32 $0x0;
	s2 =	srdreg.scid;
	s17 =	stileid.u32  }
0x4: {  	s28 =	simm.s32 $0x13B80;
	s29 =	simm.s32 $0x13900;
	s6 =	smul.u32 $0x2710, s17  }
0x5: {  	s30 =	simm.s32 $0x13A80;
	s31 =	simm.s32 $0x17B80;
	s11 =	smul.u32 $0x270, s17  }
0x6: {  	[smem:$0x7FF] =	sst s3;
	s2 =	sand.u32 $0x1, s2;
	s14 =	smul.u32 $0x4E000, s17  }
0x7: {  	s4 =	sadd.s32 $0x6F000, s0;
	s5 =	sadd.s32 $0xBE00, s0;
	s21 =	smul.u32 $0x4E2, s17  }
0x8: {  	s9 =	sadd.s32 $0x1E00, s0;
	s0 =	sadd.s32 $0xBD200, s0;
	s8 =	smul.u32 $0x27100, s2  }
0x9: {  	s18 =	sadd.s32 $0x138000, s1;
	p0 =	sne.s32 s17, $0xF;
	s16 =	smul.u32 $0x2710, s2  }
0xa: {  	_ =	strace $0x8000004D;
	s7 =	ssub.s32 $0x2, s2;
	s2 =	smul.u32 $0x138800, s2  }
0xb: {  	[dreg:$0x9] =	wrdreg s18;
	s10 =	sshrl.u32 s7, $0x1;
	s13 =	sadd.s32 $0x80, s6  }
0xc: {  	s15 =	sshrl.u32 s6, $0x3;
	s14 =	sshrl.u32 s14, $0x2;
	s7 =	ssub.s32 s7, s10  }
0xd: {  	s10 =	sadd.s32 s6, s8;
	s26 =	sadd.s32 s8, s13;
	s15 =	sadd.s32 s9, s15  }
0xe: {  	s13 =	sshrl.u32 s13, $0x3;
	s11 =	sadd.s32 s11, s16;
	s2 =	sshrl.u32 s2, $0x3  }
0xf: {  	s6 =	sadd.s32 $0x2700, s6;
	s12 =	sshrl.u32 s10, $0x3;
	[dreg:$0x4] =	wrdreg s15  }
0x10: {  	s15 =	sadd.s32 s14, s1;
	s11 =	sshll.u32 s11, $0x4;
	s2 =	sadd.s32 $0x27000, s2  }
0x11: {  	s8 =	sadd.s32 s8, s6;
	s6 =	sshrl.u32 s6, $0x3;
	s22 =	sadd.s32 $0x200, s10  }
0x12: {  	s23 =	smax.u32 s7, $0x1;
	s24 =	sadd.s32 $0x100, s10;
	s7 =	simm.s32 $0x1BB80  }
0x13: {  	s12 =	sadd.s32 s5, s12;
	[dreg:$0x7] =	wrdreg s15;
	s16 =	sadd.s32 s4, s11  }
0x14: {  	s19 =	sadd.s32 s4, s2;
	s8 =	sshrl.u32 s8, $0x3;
	[dreg:$0xf] =	wrdreg s23  }
0x15: {  	s6 =	sadd.s32 s9, s6;
	s20 =	sadd.s32 s0, s11;
	[dreg:$0x3] =	wrdreg s12  }
0x16: {  	s0 =	sadd.s32 s0, s2;
	s2 =	sshrl.u32 s22, $0x3;
	[dreg:$0x8] =	wrdreg s16  }
0x17: {  	s25 =	sshrl.u32 s24, $0x3;
	s23 =	simm.s32 $0x13880;
	[dreg:$0xa] =	wrdreg s19  }
0x18: {  	s24 =	simm.s32 $0x7;
	s11 =	simm.s32 $0x5;
	[dreg:$0xc] =	wrdreg s6  }
0x19: {  	s12 =	sshrl.u32 s26, $0x3;
	s8 =	sadd.s32 s5, s8;
	[dreg:$0xd] =	wrdreg s20  }
0x1a: {  	[dreg:$0xe] =	wrdreg s0;
	s19 =	sadd.s32 s21, s9;
	s20 =	sadd.s32 s2, s5  }
0x1b: {  	s26 =	sadd.s32 $0x180, s10;
	s22 =	sadd.s32 s25, s5;
	s25 =	simm.s32 $0x13A00  }
.Ltmp0:
0x1c: {  	s0 =	simm.s32 $0x1;
	s2 =	simm.s32 $0x13980;
	(pc) =	sbr.rel .LBB2_1-.Ltmp0, $4  }
0x1d: {  	s6 =	simm.s32 $0x13B00;
	s10 =	simm.s32 $0x3;
	[dreg:$0xb] =	wrdreg s8  }
0x1e: {  	s16 =	simm.s32 $0x0;
	s12 =	sadd.s32 s5, s12;
	[dreg:$0x10] =	wrdreg s26  }
0x1f: {  	s26 =	simm.s32 $0x80;
	[dreg:$0x5] =	wrdreg s12;
	s12 =	sadd.s32 s9, s13  }
0x20: {  	s8 =	simm.s32 $0x2;
	s9 =	simm.s32 $0x4;
	[dreg:$0x6] =	wrdreg s12  }
.LBB2_4:
0x21: {  	_ =	swait.ge [sflag:s10], $0x4000  }
0x22: {  	[sflag:s10] =	ssyncset.done $0x0  }
0x23: {  	[sflag:s10] =	ssyncadd.s32 $0xFFFFC000  }
0x24: {  	[spmem:s1] =	stream.indirect.scatter.add.f32 [tilespmem:s7], [sflag:$0x6], $0x80, s6, s26, $0xb8;
	[tilespmem:$0x1FC80] =	vst v63  }
0x25: {  	_ =	swait.ge [sflag:s11], $0x4000  }
0x26: {  	[sflag:s11] =	ssyncset.done $0x0  }
0x27: {  	s12 =	simm.s32 $0x6;
	[sflag:s11] =	ssyncadd.s32 $0xFFFFC000  }
0x28: {  	_ =	swait.ge [sflag:s12], $0x4000  }
0x29: {  	[sflag:s12] =	ssyncset.done $0x0  }
0x2a: {  	s13 =	simm.s32 $0x1FB80;
	s14 =	rddreg [dreg:$0xb];
	[sflag:s12] =	ssyncadd.s32 $0xFFFFC000  }
0x2b: {  	[tilespmem:s13], [sflag:$0x7] =	stream.linear.gather [hbm4b:s14+s3], $0x10, $0x38;
	[tilespmem:$0x1FC80] =	vst v63  }
0x2c: {  	_ =	swait.ge [sflag:s24], $0x10  }
0x2d: {  	[sflag:s24] =	ssyncset.done $0x0  }
0x2e: {  	s14 =	simm.s32 $0x1FC00;
	s15 =	rddreg [dreg:$0xc];
	[sflag:s24] =	ssyncadd.s32 $0xFFFFFFF0  }
0x2f: {  	[tilespmem:s14], [sflag:$0x7] =	stream.linear.gather [hbm4b:s15+s3], $0x10, $0x38;
	[tilespmem:$0x1FC80] =	vst v63  }
0x30: {  	_ =	swait.ge [sflag:s24], $0x10  }
0x31: {  	[sflag:s24] =	ssyncset.done $0x0  }
0x32: {  	s15 =	simm.s32 $0x10;
	[sflag:s24] =	ssyncadd.s32 $0xFFFFFFF0  }
0x33: {  	[tilespmem:s28], [sflag:$0x1] =	stream.indirect.gather [hbm4b:s4+s15], $0x80, s13, s15, $0xb8;
	[tilespmem:$0x1FC80] =	vst v63  }
0x34: {  	_ =	swait.ge [sflag:s0], $0x800  }
0x35: {  	[sflag:s0] =	ssyncset.done $0x0  }
0x36: {  	[sflag:s0] =	ssyncadd.s32 $0xFFFFF800  }
0x37: {  	[spmem:s1] =	stream.indirect.scatter.add.f32 [tilespmem:s28], [sflag:$0x7], $0x80, s14, s15, $0xb8;
	[tilespmem:$0x1FC80] =	vst v63  }
0x38: {  	_ =	swait.ge [sflag:s24], $0x800  }
0x39: {  	[sflag:s24] =	ssyncset.done $0x0  }
0x3a: {  	[sflag:s24] =	ssyncadd.s32 $0xFFFFF800  }
0x3b: {  	[bflag:$0x0] =	sbarrier.arrive $0xFFFF  }
0x3c: {  	s15 =	rddreg [dreg:$0xd]  }
0x3d: {  	[hbm:s15], [sflag:s17] =	dma.local [spmem:s18], $0x2700  }
0x3e: {  	_ =	swait.ge [sflag:s24], $0x2700  }
0x3f: {  	[sflag:s24] =	ssyncset.done $0x0  }
0x40: {  	s12 =	rddreg [dreg:$0xe];
	[sflag:s24] =	ssyncadd.s32 $0xFFFFD900  }
0x41: {  	[hbm:s12], [sflag:s17] =	dma.local @!p0 [spmem:s21], $0x100  }
0x42: {  	s12 =	simm.s32 @!p0 $0x7  }
0x43: {  	_ =	swait.ge @!p0 [sflag:s12], $0x100  }
0x44: {  	s16 =	sadd.s32 $0x1, s16;
	s21 =	rddreg [dreg:$0xf]  }
0x45: {  	p1 =	sne.s32 s16, s21  }
.Ltmp1:
0x46: {  	_ = 	snop;
	(pc) =	sbr.rel @!p1 .LBB2_5-.Ltmp1, $3  }
0x47: {  	_ =	sdelay $0x1  }
0x48: {  	[sflag:s12] =	ssyncset.done @!p0 $0x0  }
0x49: {  	[sflag:s12] =	ssyncadd.s32 @!p0 $0xFFFFFF00  }
.LBB2_1:
0x4a: {  	s12 =	rddreg [dreg:$0x3]  }
0x4b: {  	[tilespmem:s23], [sflag:$0x7] =	stream.linear.gather [hbm4b:s12+s3], $0x80, $0x38;
	[tilespmem:$0x1FC80] =	vst v63  }
0x4c: {  	_ =	swait.ge [sflag:s24], $0x80  }
0x4d: {  	[sflag:s24] =	ssyncset.done $0x0  }
0x4e: {  	s13 =	rddreg [dreg:$0x4];
	[sflag:s24] =	ssyncadd.s32 $0xFFFFFF80  }
0x4f: {  	[tilespmem:s25], [sflag:$0x7] =	stream.linear.gather [hbm4b:s13+s3], $0x80, $0x38;
	[tilespmem:$0x1FC80] =	vst v63  }
0x50: {  	_ =	swait.ge [sflag:s24], $0x80  }
0x51: {  	[sflag:s24] =	ssyncset.done $0x0  }
0x52: {  	[sflag:s24] =	ssyncadd.s32 $0xFFFFFF80  }
0x53: {  	[tilespmem:s28], [sflag:$0x1] =	stream.indirect.gather [hbm4b:s4+s26], $0x80, s23, s26, $0xb8;
	[tilespmem:$0x1FC80] =	vst v63  }
0x54: {  	s14 =	rddreg [dreg:$0x5]  }
0x55: {  	[tilespmem:s29], [sflag:$0x7] =	stream.linear.gather [hbm4b:s14+s3], $0x80, $0x38;
	[tilespmem:$0x1FC80] =	vst v63  }
0x56: {  	_ =	swait.ge [sflag:s24], $0x80  }
0x57: {  	[sflag:s24] =	ssyncset.done $0x0  }
0x58: {  	s17 =	stileid.u32;
	s15 =	rddreg [dreg:$0x6];
	[sflag:s24] =	ssyncadd.s32 $0xFFFFFF80  }
0x59: {  	[tilespmem:s30], [sflag:$0x7] =	stream.linear.gather [hbm4b:s15+s3], $0x80, $0x38;
	[tilespmem:$0x1FC80] =	vst v63  }
0x5a: {  	s13 =	sshll.u32 s17, $0x6;
	_ =	swait.ge [sflag:s24], $0x80  }
0x5b: {  	s17 =	sor.u32 $0x1C07, s13;
	[sflag:s24] =	ssyncset.done $0x0;
	s18 =	rddreg [dreg:$0x7]  }
0x5c: {  	s21 =	rddreg [dreg:$0x8];
	[sflag:s24] =	ssyncadd.s32 $0xFFFFFF80;
	s18 =	sshrl.u32 s18, $0x3  }
0x5d: {  	[tilespmem:s31], [sflag:$0x2] =	stream.indirect.gather [hbm4b:s4+s26], $0x80, s29, s26, $0xb8;
	[tilespmem:$0x1FC80] =	vst v63  }
0x5e: {  	[spmem:s18], [sflag:s17] =	dma.local [hbm:s21], $0x2700  }
0x5f: {  	_ =	swait.ge [sflag:s24], $0x2700  }
0x60: {  	s13 =	simm.s32 @!p0 $0x7;
	[sflag:s24] =	ssyncset.done $0x0;
	s12 =	rddreg [dreg:$0x9]  }
0x61: {  	[sflag:s24] =	ssyncadd.s32 $0xFFFFD900;
	s21 =	sshrl.u32 @!p0 s12, $0x3;
	s12 =	rddreg [dreg:$0xa]  }
0x62: {  	[spmem:s21], [sflag:s17] =	dma.local @!p0 [hbm:s12], $0x100  }
0x63: {  	_ =	swait.ge @!p0 [sflag:s13], $0x100  }
0x64: {  	[sflag:s13] =	ssyncset.done @!p0 $0x0  }
0x65: {  	[sflag:s13] =	ssyncadd.s32 @!p0 $0xFFFFFF00  }
0x66: {  	[bflag:$0x0] =	sbarrier.arrive $0xFFFF  }
0x67: {  	s14 =	simm.s32 $0x0;
	s13 =	rddreg [dreg:$0x10]  }
.LBB2_2:
0x68: {  	_ =	swait.ge [sflag:s0], $0x4000  }
0x69: {  	p1 =	seq.s32 s14, $0x0;
	[sflag:s0] =	ssyncset.done $0x0  }
0x6a: {  	s15 =	simm.s32 @!p1 $0x6;
	[sflag:s0] =	ssyncadd.s32 $0xFFFFC000  }
0x6b: {  	[spmem:s1] =	stream.indirect.scatter.add.f32 [tilespmem:s28], [sflag:$0x4], $0x80, s25, s26, $0xb8;
	[tilespmem:$0x1FC80] =	vst v63  }
0x6c: {  	_ =	swait.ge @!p1 [sflag:s15], $0x4000  }
0x6d: {  	[sflag:s15] =	ssyncset.done @!p1 $0x0  }
0x6e: {  	s12 =	sadd.s32 s14, s22;
	[sflag:s15] =	ssyncadd.s32 @!p1 $0xFFFFC000  }
0x6f: {  	[tilespmem:s2], [sflag:$0x7] =	stream.linear.gather [hbm4b:s12+s3], $0x80, $0x38;
	[tilespmem:$0x1FC80] =	vst v63  }
0x70: {  	_ =	swait.ge [sflag:s24], $0x80  }
0x71: {  	s15 =	sadd.s32 s14, s19;
	[sflag:s24] =	ssyncset.done $0x0  }
0x72: {  	s12 =	sadd.s32 $0x20, s15;
	[sflag:s24] =	ssyncadd.s32 $0xFFFFFF80  }
0x73: {  	[tilespmem:s6], [sflag:$0x7] =	stream.linear.gather [hbm4b:s12+s3], $0x80, $0x38;
	[tilespmem:$0x1FC80] =	vst v63  }
0x74: {  	_ =	swait.ge [sflag:s24], $0x80  }
0x75: {  	[sflag:s24] =	ssyncset.done $0x0  }
0x76: {  	[sflag:s24] =	ssyncadd.s32 $0xFFFFFF80  }
0x77: {  	[tilespmem:s7], [sflag:$0x3] =	stream.indirect.gather [hbm4b:s4+s26], $0x80, s2, s26, $0xb8;
	[tilespmem:$0x1FC80] =	vst v63  }
0x78: {  	_ =	swait.ge [sflag:s8], $0x4000  }
0x79: {  	p1 =	seq.s32 s14, $0x4B0;
	[sflag:s8] =	ssyncset.done $0x0  }
.Ltmp2:
0x7a: {  	[sflag:s8] =	ssyncadd.s32 $0xFFFFC000;
	(pc) =	sbr.rel @p1 .LBB2_4-.Ltmp2, $4  }
0x7b: {  	[spmem:s1] =	stream.indirect.scatter.add.f32 [tilespmem:s31], [sflag:$0x5], $0x80, s30, s26, $0xb8;
	[tilespmem:$0x1FC80] =	vst v63  }
0x7c: {  	_ =	swait.ge [sflag:s9], $0x4000  }
0x7d: {  	[sflag:s9] =	ssyncset.done $0x0  }
0x7e: {  	[sflag:s9] =	ssyncadd.s32 $0xFFFFC000  }
0x7f: {  	s12 =	sshrl.u32 s13, $0x3  }
0x80: {  	s12 =	sadd.s32 s5, s12  }
0x81: {  	[tilespmem:s23], [sflag:$0x7] =	stream.linear.gather [hbm4b:s12+s3], $0x80, $0x38;
	[tilespmem:$0x1FC80] =	vst v63  }
0x82: {  	_ =	swait.ge [sflag:s24], $0x80  }
0x83: {  	[sflag:s24] =	ssyncset.done $0x0  }
0x84: {  	s12 =	sadd.s32 $0x30, s15;
	[sflag:s24] =	ssyncadd.s32 $0xFFFFFF80  }
0x85: {  	[tilespmem:s25], [sflag:$0x7] =	stream.linear.gather [hbm4b:s12+s3], $0x80, $0x38;
	[tilespmem:$0x1FC80] =	vst v63  }
0x86: {  	_ =	swait.ge [sflag:s24], $0x80  }
0x87: {  	[sflag:s24] =	ssyncset.done $0x0  }
0x88: {  	[sflag:s24] =	ssyncadd.s32 $0xFFFFFF80  }
0x89: {  	[tilespmem:s28], [sflag:$0x1] =	stream.indirect.gather [hbm4b:s4+s26], $0x80, s23, s26, $0xb8;
	[tilespmem:$0x1FC80] =	vst v63  }
0x8a: {  	_ =	swait.ge [sflag:s10], $0x4000  }
0x8b: {  	[sflag:s10] =	ssyncset.done $0x0  }
0x8c: {  	[sflag:s10] =	ssyncadd.s32 $0xFFFFC000  }
0x8d: {  	[spmem:s1] =	stream.indirect.scatter.add.f32 [tilespmem:s7], [sflag:$0x6], $0x80, s6, s26, $0xb8;
	[tilespmem:$0x1FC80] =	vst v63  }
0x8e: {  	_ =	swait.ge [sflag:s11], $0x4000  }
0x8f: {  	[sflag:s11] =	ssyncset.done $0x0  }
0x90: {  	s12 =	sadd.s32 s14, s20;
	[sflag:s11] =	ssyncadd.s32 $0xFFFFC000  }
0x91: {  	[tilespmem:s29], [sflag:$0x7] =	stream.linear.gather [hbm4b:s12+s3], $0x80, $0x38;
	[tilespmem:$0x1FC80] =	vst v63  }
0x92: {  	_ =	swait.ge [sflag:s24], $0x80  }
0x93: {  	[sflag:s24] =	ssyncset.done $0x0  }
0x94: {  	s15 =	sadd.s32 $0x40, s15;
	[sflag:s24] =	ssyncadd.s32 $0xFFFFFF80  }
0x95: {  	[tilespmem:s30], [sflag:$0x7] =	stream.linear.gather [hbm4b:s15+s3], $0x80, $0x38;
	[tilespmem:$0x1FC80] =	vst v63  }
.Ltmp3:
0x96: {  	_ = 	snop;
	(pc) =	sbr.rel .LBB2_2-.Ltmp3, $4  }
0x97: {  	_ =	swait.ge [sflag:s24], $0x80  }
0x98: {  	[sflag:s24] =	ssyncset.done $0x0  }
0x99: {  	s13 =	sadd.s32 $0x180, s13;
	s14 =	sadd.s32 $0x30, s14;
	[sflag:s24] =	ssyncadd.s32 $0xFFFFFF80  }
0x9a: {  	[tilespmem:s31], [sflag:$0x2] =	stream.indirect.gather [hbm4b:s4+s26], $0x80, s29, s26, $0xb8;
	[tilespmem:$0x1FC80] =	vst v63  }
.LBB2_5:
0x9b: {  	_ =	sfence.sel $0x180000  }
0x9c: {  	[bflag:$0x0] =	sbarrier.arrive $0xFFFF  }
0x9d: {  	_ =	strace $0x9000004D  }
0x9e: {  	s0 =	stileid.u32;
	[bflag:$0x2] =	sbarrier.arrive $0xFFFF  }
0x9f: {  	p0 =	sne.s32 s0, $0x0;
	s0 =	rddreg [dreg:$0x2]  }
0xa0: {  	s0 =	sadd.s32 @!p0 $0x100000, s0  }
0xa1: {  	[sflag:s0] =	ssyncadd.tile.s32 @!p0 $0x1;
	_ =	shalt  }
.Lfunc_end2:
_tile_overlayer_lowered:
.L_overlay_start_2:
0xa2: {  	(tag) =	ssettag $0x2  }
0xa3: {  	s0 =	rddreg [dreg:$0x0];
	s2 =	stileid.u32  }
0xa4: {  	s1 =	rddreg [dreg:$0x1];
	p0 =	sne.s32 s2, $0x0  }
0xa5: {  	s3 =	rddreg [dreg:$0x2];
	[bflag:$0x3] =	sbarrier.arrive $0xFFFF;
	s2 =	simm.s32 @!p0 $0x1C07  }
0xa6: {  	[timem:s3], [sflag:s2] =	dma.local @!p0 [hbm:s0], s1  }
0xa7: {  	s0 =	simm.s32 @!p0 $0x7  }
0xa8: {  	_ =	swait.ge @!p0 [sflag:s0], s1  }
0xa9: {  	s1 =	ssub.s32 @!p0 $0x0, s1;
	[sflag:s0] =	ssyncset.done @!p0 $0x0  }
0xaa: {  	[sflag:s0] =	ssyncadd.s32 @!p0 s1  }
0xab: {  	[bflag:$0x3] =	sbarrier.arrive $0xFFFF  }
0xac: {  	_ =	shalt  }

// kernel: kernel.25.cloned.1.call-start
scs
__scs_entry_jumppad:
0x0: {  	(pc) =	sbr.rel $0x88, $3  }
0x1: {  	(tag) =	ssettag $0x0;
	lr =	simm.s32 $0x1  }
0x2: {  	[smem:$0x3F99] =	sst lr;
	_ =	strace $0xD0000000  }
0x3: {  	_ = 	snop  }
0x4: {  	_ = 	snop  }
0x5: {  	_ = 	snop  }
0x6: {  	_ = 	snop  }
0x7: {  	_ = 	snop  }
__scs_overlays_trampoline_lowered:
0x8: {  	[smem:$0x3FA8] =	sst s0  }
0x9: {  	[smem:$0x3FA9] =	sst s1  }
0xa: {  	[smem:$0x3FAA] =	sst s2  }
0xb: {  	[smem:$0x3FAB] =	sst s3  }
0xc: {  	[smem:$0x3FAC] =	sst s4  }
0xd: {  	[smem:$0x3FAD] =	sst s5  }
0xe: {  	[smem:$0x3FAE] =	sst s6  }
0xf: {  	[smem:$0x3FAF] =	sst s7  }
0x10: {  	[smem:$0x3FB0] =	sst s8  }
0x11: {  	[smem:$0x3FB1] =	sst s9;
	s0 =	simm.s32 @!p0 $0x0  }
0x12: {  	s1 =	sld [smem:$0x3F97];
	s0 =	simm.s32 @p0 $0x1  }
0x13: {  	[smem:$0x3FB2] =	sst s0;
	s0 =	simm.s32 @!p1 $0x0  }
0x14: {  	s2 =	sld [smem:$0x3F96];
	s0 =	simm.s32 @p1 $0x1  }
0x15: {  	[smem:$0x3FB3] =	sst s0;
	s0 =	simm.s32 @!p2 $0x0  }
0x16: {  	s3 =	sld [smem:$0x3FDB];
	s0 =	simm.s32 @p2 $0x1  }
0x17: {  	s4 =	simm.s32 $0x1BF5;
	[smem:$0x3FB5] =	sst s0  }
0x18: {  	s0 =	sld [smem:$0x3F98];
	_ =	swait.ge [sflag:s4], $0x0  }
0x19: {  	s7 =	sld [smem:$0x3F99]  }
0x1a: {  	s8 =	sadd.s32 $0xFFFFE003, lr  }
0x1b: {  	s9 =	sadd.s32 $0xFFFFFEF7, lr;
	s5 =	simm.s32 $0xFFFFFFFF;
	p2 =	slt.u32 s8, $0xFFFFF086  }
0x1c: {  	p1 =	slt.u32 s9, $0xF7A;
	s5 =	simm.s32 @!p2 $0x0  }
0x1d: {  	s5 =	simm.s32 @p1 $0x1;
	p0 =	seq.s32 s7, s2  }
0x1e: {  	s7 =	smul.u32 @!p0 $0xF7A, s2;
	p2 =	seq.s32 @!p0 s5, $0x0  }
0x1f: {  	s9 =	smul.u32 $0xF7A, s1;
	s8 =	simm.s32 @!p0 $0x1BF5;
	p2 =	por !p2, p0  }
0x20: {  	[sflag:s8] =	ssyncset.s32 @!p0 $0xFFFFF086;
	s6 =	sadd.s32 @!p0 s3, s7;
	s7 =	simm.s32 @!p0 $0x108  }
0x21: {  	s3 =	sadd.s32 s3, s9;
	s6 =	sadd.s32 @!p0 $0x88, s6;
	s7 =	simm.s32 @p2 $0x1082  }
0x22: {  	[simem:s7], [sflag:s8] =	dma.local @!p0 [hbm:s6], $0xF7A  }
0x23: {  	s9 =	sor.u32 $0xD0000000, s2;
	s6 =	simm.s32 $0x108;
	_ =	swait.ge @!p0 [sflag:s8], $0x0  }
0x24: {  	s3 =	sadd.s32 $0x88, s3;
	s6 =	simm.s32 @!p1 $0x1082;
	[sflag:s4] =	ssyncset.s32 $0xFFFFF086  }
0x25: {  	[simem:s6], [sflag:s4] =	dma.local [hbm:s3], $0xF7A  }
0x26: {  	[smem:$0x3F99] =	sst s1;
	(tag) =	ssettag s2;
	_ =	strace s9  }
0x27: {  	s1 =	sld [smem:$0x3FA9]  }
0x28: {  	s2 =	sld [smem:$0x3FAA]  }
0x29: {  	s4 =	sld [smem:$0x3FAC]  }
0x2a: {  	p0 =	seq.s32 s5, $0x0;
	s5 =	sld [smem:$0x3FAD]  }
0x2b: {  	s6 =	sld [smem:$0x3FAE]  }
0x2c: {  	s7 =	sld [smem:$0x3FAF]  }
0x2d: {  	s3 =	simm.s32 $0x108;
	s8 =	sld [smem:$0x3FB0]  }
0x2e: {  	s3 =	simm.s32 @!p0 $0x1082;
	s9 =	sld [smem:$0x3FB1]  }
0x2f: {  	lr =	sadd.s32 s0, s3;
	s0 =	sld [smem:$0x3FA8]  }
0x30: {  	s3 =	sld [smem:$0x3FAB]  }
0x31: {  	[smem:$0x3FB4] =	sst s10  }
0x32: {  	s10 =	sld [smem:$0x3FB2];
	_ =	sdelay $0x3  }
0x33: {  	p0 =	seq.s32 s10, $0x1;
	s10 =	sld [smem:$0x3FB4];
	_ =	sdelay $0x3  }
0x34: {  	[smem:$0x3FB4] =	sst s10  }
0x35: {  	s10 =	sld [smem:$0x3FB3];
	_ =	sdelay $0x3  }
0x36: {  	p1 =	seq.s32 s10, $0x1;
	s10 =	sld [smem:$0x3FB4];
	_ =	sdelay $0x3  }
0x37: {  	[smem:$0x3FB4] =	sst s10  }
0x38: {  	s10 =	sld [smem:$0x3FB5]  }
0x39: {  	_ = 	snop;
	(pc) =	sbr.ind lr, $3  }
0x3a: {  	_ = 	snop  }
0x3b: {  	_ = 	snop  }
0x3c: {  	p2 =	seq.s32 s10, $0x1;
	s10 =	sld [smem:$0x3FB4]  }
0x3d: {  	_ =	shalt  }
0x3e: {  	_ =	shalt  }
0x3f: {  	_ =	shalt  }
0x40: {  	_ =	shalt  }
0x41: {  	_ =	shalt  }
0x42: {  	_ =	shalt  }
0x43: {  	_ =	shalt  }
0x44: {  	_ =	shalt  }
0x45: {  	_ =	shalt  }
0x46: {  	_ =	shalt  }
0x47: {  	_ =	shalt  }
0x48: {  	_ =	shalt  }
0x49: {  	_ =	shalt  }
0x4a: {  	_ =	shalt  }
0x4b: {  	_ =	shalt  }
0x4c: {  	_ =	shalt  }
0x4d: {  	_ =	shalt  }
0x4e: {  	_ =	shalt  }
0x4f: {  	_ =	shalt  }
0x50: {  	_ =	shalt  }
0x51: {  	_ =	shalt  }
0x52: {  	_ =	shalt  }
0x53: {  	_ =	shalt  }
0x54: {  	_ =	shalt  }
0x55: {  	_ =	shalt  }
0x56: {  	_ =	shalt  }
0x57: {  	_ =	shalt  }
0x58: {  	_ =	shalt  }
0x59: {  	_ =	shalt  }
0x5a: {  	_ =	shalt  }
0x5b: {  	_ =	shalt  }
0x5c: {  	_ =	shalt  }
0x5d: {  	_ =	shalt  }
0x5e: {  	_ =	shalt  }
0x5f: {  	_ =	shalt  }
0x60: {  	_ =	shalt  }
0x61: {  	_ =	shalt  }
0x62: {  	_ =	shalt  }
0x63: {  	_ =	shalt  }
0x64: {  	_ =	shalt  }
0x65: {  	_ =	shalt  }
0x66: {  	_ =	shalt  }
0x67: {  	_ =	shalt  }
0x68: {  	_ =	shalt  }
0x69: {  	_ =	shalt  }
0x6a: {  	_ =	shalt  }
0x6b: {  	_ =	shalt  }
0x6c: {  	_ =	shalt  }
0x6d: {  	_ =	shalt  }
0x6e: {  	_ =	shalt  }
0x6f: {  	_ =	shalt  }
0x70: {  	_ =	shalt  }
0x71: {  	_ =	shalt  }
0x72: {  	_ =	shalt  }
0x73: {  	_ =	shalt  }
0x74: {  	_ =	shalt  }
0x75: {  	_ =	shalt  }
0x76: {  	_ =	shalt  }
0x77: {  	_ =	shalt  }
0x78: {  	_ =	shalt  }
0x79: {  	_ =	shalt  }
0x7a: {  	_ =	shalt  }
0x7b: {  	_ =	shalt  }
0x7c: {  	_ =	shalt  }
0x7d: {  	_ =	shalt  }
0x7e: {  	_ =	shalt  }
0x7f: {  	_ =	shalt  }
0x80: {  	_ =	shalt  }
0x81: {  	_ =	shalt  }
0x82: {  	_ =	shalt  }
0x83: {  	_ =	shalt  }
0x84: {  	_ =	shalt  }
0x85: {  	_ =	shalt  }
0x86: {  	_ =	shalt  }
0x87: {  	_ =	shalt  }
.Lfunc_end0:
.L_simem_size_0:
called_computation.3_lowered:
.L_overlay_start_0:
0x88: {  	s2 =	sld [smem:$0x3FD9]  }
0x89: {  	s3 =	sld [smem:$0x3FFE];
	_ =	sdelay $0x1  }
0x8a: {  	s1 =	srdreg.scid  }
0x8b: {  	s0 =	sand.u32 $0x1, s1  }
0x8c: {  	s15 =	sshll.u32 s0, $0xA;
	s2 =	sadd.s32 s3, s2  }
0x8d: {  	s2 =	sadd.s32 s2, s15  }
0x8e: {  	[smem:$0x3FC0] =	sst s2  }
0x8f: {  	_ = 	snop  }
0x90: {  	s2 =	sld [smem:$0x3FD0];
	_ =	sdelay $0x2  }
0x91: {  	s16 =	simm.s32 $0xB;
	s4 =	simm.s32 $0x10  }
0x92: {  	[smem:s4], [sflag:s16] =	dma.local [hbm:s2], $0x1  }
0x93: {  	_ =	swait.eq [sflag:s16], $0x1  }
0x94: {  	[sflag:s16] =	ssyncset.done $0x0  }
0x95: {  	[sflag:s16] =	ssyncadd.s32 $0xFFFFFFFF  }
0x96: {  	s17 =	sld [smem:$0x12];
	(tm) =	ssettm $0x1  }
0x97: {  	s18 =	sld [smem:$0x3FFB];
	_ =	sdelay $0x3  }
0x98: {  	_ =	strace s18  }
0x99: {  	s2 =	sld [smem:$0x3FFC];
	_ =	sdelay $0x3  }
0x9a: {  	_ =	strace s2  }
0x9b: {  	s2 =	sld [smem:$0x3FFD];
	_ =	sdelay $0x3  }
0x9c: {  	_ =	strace s2  }
0x9d: {  	_ =	strace $0x8FFFFFFF  }
0x9e: {  	s19 =	sld [smem:$0x3FDB];
	_ =	sdelay $0x1  }
0x9f: {  	s20 =	simm.s32 $_scs_section_size  }
0xa0: {  	s5 =	simm.s32 $_size__tile_overlayer_lowered;
	s6 =	simm.s32 $_tile_overlayer_lowered  }
0xa1: {  	s7 =	simm.s32 $0x1BFF;
	s21 =	sshll.u32 s6, $0x1;
	s4 =	sadd.s32 s20, s19  }
0xa2: {  	s22 =	simm.s32 $0x0;
	s5 =	sshll.u32 s5, $0x1;
	s6 =	sadd.s32 s21, s4  }
0xa3: {  	[timem:s22], [sflag:s7] =	dma.local [hbm:s6], s5  }
0xa4: {  	_ =	swait.ge [sflag:s7], s5  }
0xa5: {  	s5 =	ssub.s32 $0x0, s5;
	[sflag:s7] =	ssyncset.done $0x0  }
0xa6: {  	[sflag:s7] =	ssyncadd.s32 s5;
	_ =	sdelay $0x1  }
0xa7: {  	s23 =	simm.s32 $0x1B8B  }
0xa8: {  	_ =	swait.ge [sflag:s23], $0x1  }
0xa9: {  	[sflag:s23] =	ssyncset.done $0x0  }
0xaa: {  	[sflag:s23] =	ssyncadd.s32 $0xFFFFFFFF  }
0xab: {  	s5 =	sld [smem:$0x0]  }
0xac: {  	s6 =	sand.u32 $0xFFFFFFFE, s1  }
0xad: {  	p0 =	sne.s32 s1, s6  }
0xae: {  	s6 =	sshll.u32 @p0 s6, $0xE  }
0xaf: {  	s6 =	sadd.s32 @p0 $0x11B8D, s6;
	s7 =	sshll.u32 @p0 s5, $0x11  }
0xb0: {  	s6 =	sor.u32 @p0 s7, s6  }
0xb1: {  	[sflag:s6] =	ssyncadd.remote.s32 @p0 $0x1;
	_ =	sdelay $0x1  }
0xb2: {  	s6 =	simm.s32 @p0 $0x1B8D  }
0xb3: {  	_ =	swait.eq @p0 [sflag:s6], $0x1  }
0xb4: {  	[sflag:s6] =	ssyncadd.s32 @p0 $0xFFFFFFFF  }
0xb5: {  	s7 =	sshll.u32 @!p0 s1, $0xE  }
0xb6: {  	s7 =	sor.u32 @!p0 $0x4000, s7;
	s6 =	simm.s32 @!p0 $0x1B8D  }
0xb7: {  	s5 =	sshll.u32 @!p0 s5, $0x11;
	s7 =	sadd.s32 @!p0 $0x11B8D, s7;
	_ =	swait.eq @!p0 [sflag:s6], $0x1  }
0xb8: {  	s5 =	sor.u32 @!p0 s5, s7;
	[sflag:s6] =	ssyncadd.s32 @!p0 $0xFFFFFFFF  }
0xb9: {  	s25 =	simm.s32 $0x1B8E;
	s24 =	sld [smem:$0x3FFE];
	[sflag:s5] =	ssyncadd.remote.s32 @!p0 $0x1  }
0xba: {  	s26 =	simm.s32 $execute0_lowered;
	[smem:$0x3FD2] =	sst s25  }
0xbb: {  	s6 =	sshll.u32 s26, $0x1;
	_ =	strace $0x8000004F;
	[dreg:$0x1] =	wrdreg $0xFFFFFFFF  }
0xbc: {  	s28 =	simm.s32 $_size_execute0_lowered;
	s4 =	sadd.s32 s4, s6;
	[dreg:$0x0] =	wrdreg $0x0  }
0xbd: {  	s6 =	sshll.u32 s28, $0x1;
	[dreg:$0x2] =	wrdreg s4  }
0xbe: {  	[dreg:$0x3] =	wrdreg s6  }
0xbf: {  	[dreg:$0x4] =	wrdreg $0xC0  }
0xc0: {  	_ =	task [dreg:s22], $0x5FFFF  }
0xc1: {  	[dreg:$0x1] =	wrdreg $0xFFFFFFFF  }
0xc2: {  	[dreg:$0x0] =	wrdreg $0x60  }
0xc3: {  	[dreg:$0x2] =	wrdreg s17  }
0xc4: {  	[dreg:$0x3] =	wrdreg s24  }
0xc5: {  	[dreg:$0x4] =	wrdreg $0x0  }
0xc6: {  	[dreg:$0x5] =	wrdreg $0xA  }
0xc7: {  	_ =	task.clear_ibuf [dreg:s22], $0x6FFFF;
	_ =	strace $0x9000004F  }
0xc8: {  	s29 =	simm.s32 $0xA;
	_ =	strace $0x80000051  }
0xc9: {  	_ =	swait.ge [sflag:s29], $0x1  }
0xca: {  	[sflag:s29] =	ssyncadd.s32 $0xFFFFFFFF  }
0xcb: {  	_ =	strace $0x90000051  }
0xcc: {  	_ =	sfence  }
0xcd: {  	s30 =	sld [smem:$0x0];
	_ =	sdelay $0x2  }
0xce: {  	s31 =	sshll.u32 s1, $0xD;
	s1 =	sshrl.u32 s1, $0x2  }
0xcf: {  	s4 =	sand.u32 $0x4000, s31;
	s1 =	sadd.s32 s1, s30  }
0xd0: {  	s0 =	sor.u32 s4, s0;
	s1 =	sshll.u32 s1, $0x11  }
0xd1: {  	s0 =	sor.u32 s1, s0  }
0xd2: {  	s0 =	sadd.s32 $0x8F2B, s0  }
0xd3: {  	[sflag:s0] =	ssyncadd.remote.s32 $0x1  }
0xd4: {  	_ =	sfence.sel $0xFFFF  }
0xd5: {  	[dreg:$0x0] =	wrdreg $0xFFFFFFFF;
	(pc) =	sbr.abs _section_cstart, $3  }
0xd6: {  	[dreg:$0x1] =	wrdreg $0xFFFFFFFF  }
0xd7: {  	_ =	task.clear_ibuf [dreg:s22], $0x2FFFF;
	_ =	strace $0x9FFFFFFF  }
0xd8: {  	(tm) =	ssettm $0x7FFFFFFF  }
0xd9: {  	_ =	shalt  }
tec
execute0_lowered:
.L_overlay_start_1:
0x0: {  	(tag) =	ssettag $0x1  }
0x1: {  	s1 =	rddreg [dreg:$0x0]  }
0x2: {  	s0 =	rddreg [dreg:$0x1]  }
0x3: {  	s3 =	rddreg [dreg:$0x2];
	s4 =	simm.s32 $0x0;
	s17 =	stileid.u32  }
0x4: {  	s2 =	srdreg.scid;
	s28 =	simm.s32 $0x13B80;
	s6 =	smul.u32 $0x2710, s17  }
0x5: {  	s29 =	simm.s32 $0x13900;
	s30 =	simm.s32 $0x13A80;
	s11 =	smul.u32 $0x270, s17  }
0x6: {  	s31 =	simm.s32 $0x17B80;
	[smem:$0x7FF] =	sst s4;
	s14 =	smul.u32 $0x4E000, s17  }
0x7: {  	s2 =	sand.u32 $0x1, s2;
	s5 =	sadd.s32 $0x17000, s0;
	s21 =	smul.u32 $0x4E2, s17  }
0x8: {  	s9 =	sadd.s32 $0x6E00, s0;
	s0 =	sadd.s32 $0x20E00, s0;
	s8 =	smul.u32 $0x27100, s2  }
0x9: {  	s18 =	sadd.s32 $0x138000, s3;
	p0 =	sne.s32 s17, $0xF;
	s16 =	smul.u32 $0x2710, s2  }
0xa: {  	_ =	strace $0x80000050;
	s7 =	ssub.s32 $0x2, s2;
	s2 =	smul.u32 $0x138800, s2  }
0xb: {  	[dreg:$0xa] =	wrdreg s18;
	s10 =	sshrl.u32 s7, $0x1;
	s13 =	sadd.s32 $0x80, s6  }
0xc: {  	s15 =	sshrl.u32 s6, $0x3;
	s14 =	sshrl.u32 s14, $0x2;
	s7 =	ssub.s32 s7, s10  }
0xd: {  	s10 =	sadd.s32 s6, s8;
	s26 =	sadd.s32 s8, s13;
	s15 =	sadd.s32 s9, s15  }
0xe: {  	s13 =	sshrl.u32 s13, $0x3;
	s11 =	sadd.s32 s11, s16;
	s2 =	sshrl.u32 s2, $0x3  }
0xf: {  	s6 =	sadd.s32 $0x2700, s6;
	s12 =	sshrl.u32 s10, $0x3;
	[dreg:$0x5] =	wrdreg s15  }
0x10: {  	s15 =	sadd.s32 s14, s3;
	s11 =	sshll.u32 s11, $0x4;
	s2 =	sadd.s32 $0x27000, s2  }
0x11: {  	s8 =	sadd.s32 s8, s6;
	s6 =	sshrl.u32 s6, $0x3;
	s22 =	sadd.s32 $0x200, s10  }
0x12: {  	s23 =	smax.u32 s7, $0x1;
	s24 =	sadd.s32 $0x100, s10;
	s7 =	simm.s32 $0x1BB80  }
0x13: {  	s12 =	sadd.s32 s5, s12;
	[dreg:$0x8] =	wrdreg s15;
	s16 =	sadd.s32 s1, s11  }
0x14: {  	s19 =	sadd.s32 s1, s2;
	s8 =	sshrl.u32 s8, $0x3;
	[dreg:$0x10] =	wrdreg s23  }
0x15: {  	s6 =	sadd.s32 s9, s6;
	s20 =	sadd.s32 s0, s11;
	[dreg:$0x4] =	wrdreg s12  }
0x16: {  	s0 =	sadd.s32 s0, s2;
	s2 =	sshrl.u32 s22, $0x3;
	[dreg:$0x9] =	wrdreg s16  }
0x17: {  	s25 =	sshrl.u32 s24, $0x3;
	s23 =	simm.s32 $0x13880;
	[dreg:$0xb] =	wrdreg s19  }
0x18: {  	s24 =	simm.s32 $0x7;
	s11 =	simm.s32 $0x5;
	[dreg:$0xd] =	wrdreg s6  }
0x19: {  	s12 =	sshrl.u32 s26, $0x3;
	s8 =	sadd.s32 s5, s8;
	[dreg:$0xe] =	wrdreg s20  }
0x1a: {  	[dreg:$0xf] =	wrdreg s0;
	s19 =	sadd.s32 s21, s9;
	s20 =	sadd.s32 s2, s5  }
0x1b: {  	s26 =	sadd.s32 $0x180, s10;
	s22 =	sadd.s32 s25, s5;
	s25 =	simm.s32 $0x13A00  }
.Ltmp0:
0x1c: {  	s0 =	simm.s32 $0x1;
	s2 =	simm.s32 $0x13980;
	(pc) =	sbr.rel .LBB2_1-.Ltmp0, $4  }
0x1d: {  	s6 =	simm.s32 $0x13B00;
	s10 =	simm.s32 $0x3;
	[dreg:$0xc] =	wrdreg s8  }
0x1e: {  	s16 =	simm.s32 $0x0;
	s12 =	sadd.s32 s5, s12;
	[dreg:$0x11] =	wrdreg s26  }
0x1f: {  	s26 =	simm.s32 $0x80;
	[dreg:$0x6] =	wrdreg s12;
	s12 =	sadd.s32 s9, s13  }
0x20: {  	s8 =	simm.s32 $0x2;
	s9 =	simm.s32 $0x4;
	[dreg:$0x7] =	wrdreg s12  }
.LBB2_4:
0x21: {  	_ =	swait.ge [sflag:s10], $0x4000  }
0x22: {  	[sflag:s10] =	ssyncset.done $0x0  }
0x23: {  	[sflag:s10] =	ssyncadd.s32 $0xFFFFC000  }
0x24: {  	[spmem:s3] =	stream.indirect.scatter.add.f32 [tilespmem:s7], [sflag:$0x6], $0x80, s6, s26, $0xb8;
	[tilespmem:$0x1FC80] =	vst v63  }
0x25: {  	_ =	swait.ge [sflag:s11], $0x4000  }
0x26: {  	[sflag:s11] =	ssyncset.done $0x0  }
0x27: {  	s12 =	simm.s32 $0x6;
	[sflag:s11] =	ssyncadd.s32 $0xFFFFC000  }
0x28: {  	_ =	swait.ge [sflag:s12], $0x4000  }
0x29: {  	[sflag:s12] =	ssyncset.done $0x0  }
0x2a: {  	s13 =	simm.s32 $0x1FB80;
	s14 =	rddreg [dreg:$0xc];
	[sflag:s12] =	ssyncadd.s32 $0xFFFFC000  }
0x2b: {  	[tilespmem:s13], [sflag:$0x7] =	stream.linear.gather [hbm4b:s14+s4], $0x10, $0x38;
	[tilespmem:$0x1FC80] =	vst v63  }
0x2c: {  	_ =	swait.ge [sflag:s24], $0x10  }
0x2d: {  	[sflag:s24] =	ssyncset.done $0x0  }
0x2e: {  	s14 =	simm.s32 $0x1FC00;
	s15 =	rddreg [dreg:$0xd];
	[sflag:s24] =	ssyncadd.s32 $0xFFFFFFF0  }
0x2f: {  	[tilespmem:s14], [sflag:$0x7] =	stream.linear.gather [hbm4b:s15+s4], $0x10, $0x38;
	[tilespmem:$0x1FC80] =	vst v63  }
0x30: {  	_ =	swait.ge [sflag:s24], $0x10  }
0x31: {  	[sflag:s24] =	ssyncset.done $0x0  }
0x32: {  	s15 =	simm.s32 $0x10;
	[sflag:s24] =	ssyncadd.s32 $0xFFFFFFF0  }
0x33: {  	[tilespmem:s28], [sflag:$0x1] =	stream.indirect.gather [hbm4b:s1+s15], $0x80, s13, s15, $0xb8;
	[tilespmem:$0x1FC80] =	vst v63  }
0x34: {  	_ =	swait.ge [sflag:s0], $0x800  }
0x35: {  	[sflag:s0] =	ssyncset.done $0x0  }
0x36: {  	[sflag:s0] =	ssyncadd.s32 $0xFFFFF800  }
0x37: {  	[spmem:s3] =	stream.indirect.scatter.add.f32 [tilespmem:s28], [sflag:$0x7], $0x80, s14, s15, $0xb8;
	[tilespmem:$0x1FC80] =	vst v63  }
0x38: {  	_ =	swait.ge [sflag:s24], $0x800  }
0x39: {  	[sflag:s24] =	ssyncset.done $0x0  }
0x3a: {  	[sflag:s24] =	ssyncadd.s32 $0xFFFFF800  }
0x3b: {  	[bflag:$0x0] =	sbarrier.arrive $0xFFFF  }
0x3c: {  	s15 =	rddreg [dreg:$0xe]  }
0x3d: {  	[hbm:s15], [sflag:s17] =	dma.local [spmem:s18], $0x2700  }
0x3e: {  	_ =	swait.ge [sflag:s24], $0x2700  }
0x3f: {  	[sflag:s24] =	ssyncset.done $0x0  }
0x40: {  	s12 =	rddreg [dreg:$0xf];
	[sflag:s24] =	ssyncadd.s32 $0xFFFFD900  }
0x41: {  	[hbm:s12], [sflag:s17] =	dma.local @!p0 [spmem:s21], $0x100  }
0x42: {  	s12 =	simm.s32 @!p0 $0x7  }
0x43: {  	_ =	swait.ge @!p0 [sflag:s12], $0x100  }
0x44: {  	s16 =	sadd.s32 $0x1, s16;
	s21 =	rddreg [dreg:$0x10]  }
0x45: {  	p1 =	sne.s32 s16, s21  }
.Ltmp1:
0x46: {  	_ = 	snop;
	(pc) =	sbr.rel @!p1 .LBB2_5-.Ltmp1, $3  }
0x47: {  	_ =	sdelay $0x1  }
0x48: {  	[sflag:s12] =	ssyncset.done @!p0 $0x0  }
0x49: {  	[sflag:s12] =	ssyncadd.s32 @!p0 $0xFFFFFF00  }
.LBB2_1:
0x4a: {  	s12 =	rddreg [dreg:$0x4]  }
0x4b: {  	[tilespmem:s23], [sflag:$0x7] =	stream.linear.gather [hbm4b:s12+s4], $0x80, $0x38;
	[tilespmem:$0x1FC80] =	vst v63  }
0x4c: {  	_ =	swait.ge [sflag:s24], $0x80  }
0x4d: {  	[sflag:s24] =	ssyncset.done $0x0  }
0x4e: {  	s13 =	rddreg [dreg:$0x5];
	[sflag:s24] =	ssyncadd.s32 $0xFFFFFF80  }
0x4f: {  	[tilespmem:s25], [sflag:$0x7] =	stream.linear.gather [hbm4b:s13+s4], $0x80, $0x38;
	[tilespmem:$0x1FC80] =	vst v63  }
0x50: {  	_ =	swait.ge [sflag:s24], $0x80  }
0x51: {  	[sflag:s24] =	ssyncset.done $0x0  }
0x52: {  	[sflag:s24] =	ssyncadd.s32 $0xFFFFFF80  }
0x53: {  	[tilespmem:s28], [sflag:$0x1] =	stream.indirect.gather [hbm4b:s1+s26], $0x80, s23, s26, $0xb8;
	[tilespmem:$0x1FC80] =	vst v63  }
0x54: {  	s14 =	rddreg [dreg:$0x6]  }
0x55: {  	[tilespmem:s29], [sflag:$0x7] =	stream.linear.gather [hbm4b:s14+s4], $0x80, $0x38;
	[tilespmem:$0x1FC80] =	vst v63  }
0x56: {  	_ =	swait.ge [sflag:s24], $0x80  }
0x57: {  	[sflag:s24] =	ssyncset.done $0x0  }
0x58: {  	s17 =	stileid.u32;
	s15 =	rddreg [dreg:$0x7];
	[sflag:s24] =	ssyncadd.s32 $0xFFFFFF80  }
0x59: {  	[tilespmem:s30], [sflag:$0x7] =	stream.linear.gather [hbm4b:s15+s4], $0x80, $0x38;
	[tilespmem:$0x1FC80] =	vst v63  }
0x5a: {  	s13 =	sshll.u32 s17, $0x6;
	_ =	swait.ge [sflag:s24], $0x80  }
0x5b: {  	s17 =	sor.u32 $0x1C07, s13;
	[sflag:s24] =	ssyncset.done $0x0;
	s18 =	rddreg [dreg:$0x8]  }
0x5c: {  	s21 =	rddreg [dreg:$0x9];
	[sflag:s24] =	ssyncadd.s32 $0xFFFFFF80;
	s18 =	sshrl.u32 s18, $0x3  }
0x5d: {  	[tilespmem:s31], [sflag:$0x2] =	stream.indirect.gather [hbm4b:s1+s26], $0x80, s29, s26, $0xb8;
	[tilespmem:$0x1FC80] =	vst v63  }
0x5e: {  	[spmem:s18], [sflag:s17] =	dma.local [hbm:s21], $0x2700  }
0x5f: {  	_ =	swait.ge [sflag:s24], $0x2700  }
0x60: {  	s13 =	simm.s32 @!p0 $0x7;
	[sflag:s24] =	ssyncset.done $0x0;
	s12 =	rddreg [dreg:$0xa]  }
0x61: {  	[sflag:s24] =	ssyncadd.s32 $0xFFFFD900;
	s21 =	sshrl.u32 @!p0 s12, $0x3;
	s12 =	rddreg [dreg:$0xb]  }
0x62: {  	[spmem:s21], [sflag:s17] =	dma.local @!p0 [hbm:s12], $0x100  }
0x63: {  	_ =	swait.ge @!p0 [sflag:s13], $0x100  }
0x64: {  	[sflag:s13] =	ssyncset.done @!p0 $0x0  }
0x65: {  	[sflag:s13] =	ssyncadd.s32 @!p0 $0xFFFFFF00  }
0x66: {  	[bflag:$0x0] =	sbarrier.arrive $0xFFFF  }
0x67: {  	s14 =	simm.s32 $0x0;
	s13 =	rddreg [dreg:$0x11]  }
.LBB2_2:
0x68: {  	_ =	swait.ge [sflag:s0], $0x4000  }
0x69: {  	p1 =	seq.s32 s14, $0x0;
	[sflag:s0] =	ssyncset.done $0x0  }
0x6a: {  	s15 =	simm.s32 @!p1 $0x6;
	[sflag:s0] =	ssyncadd.s32 $0xFFFFC000  }
0x6b: {  	[spmem:s3] =	stream.indirect.scatter.add.f32 [tilespmem:s28], [sflag:$0x4], $0x80, s25, s26, $0xb8;
	[tilespmem:$0x1FC80] =	vst v63  }
0x6c: {  	_ =	swait.ge @!p1 [sflag:s15], $0x4000  }
0x6d: {  	[sflag:s15] =	ssyncset.done @!p1 $0x0  }
0x6e: {  	s12 =	sadd.s32 s14, s22;
	[sflag:s15] =	ssyncadd.s32 @!p1 $0xFFFFC000  }
0x6f: {  	[tilespmem:s2], [sflag:$0x7] =	stream.linear.gather [hbm4b:s12+s4], $0x80, $0x38;
	[tilespmem:$0x1FC80] =	vst v63  }
0x70: {  	_ =	swait.ge [sflag:s24], $0x80  }
0x71: {  	s15 =	sadd.s32 s14, s19;
	[sflag:s24] =	ssyncset.done $0x0  }
0x72: {  	s12 =	sadd.s32 $0x20, s15;
	[sflag:s24] =	ssyncadd.s32 $0xFFFFFF80  }
0x73: {  	[tilespmem:s6], [sflag:$0x7] =	stream.linear.gather [hbm4b:s12+s4], $0x80, $0x38;
	[tilespmem:$0x1FC80] =	vst v63  }
0x74: {  	_ =	swait.ge [sflag:s24], $0x80  }
0x75: {  	[sflag:s24] =	ssyncset.done $0x0  }
0x76: {  	[sflag:s24] =	ssyncadd.s32 $0xFFFFFF80  }
0x77: {  	[tilespmem:s7], [sflag:$0x3] =	stream.indirect.gather [hbm4b:s1+s26], $0x80, s2, s26, $0xb8;
	[tilespmem:$0x1FC80] =	vst v63  }
0x78: {  	_ =	swait.ge [sflag:s8], $0x4000  }
0x79: {  	p1 =	seq.s32 s14, $0x4B0;
	[sflag:s8] =	ssyncset.done $0x0  }
.Ltmp2:
0x7a: {  	[sflag:s8] =	ssyncadd.s32 $0xFFFFC000;
	(pc) =	sbr.rel @p1 .LBB2_4-.Ltmp2, $4  }
0x7b: {  	[spmem:s3] =	stream.indirect.scatter.add.f32 [tilespmem:s31], [sflag:$0x5], $0x80, s30, s26, $0xb8;
	[tilespmem:$0x1FC80] =	vst v63  }
0x7c: {  	_ =	swait.ge [sflag:s9], $0x4000  }
0x7d: {  	[sflag:s9] =	ssyncset.done $0x0  }
0x7e: {  	[sflag:s9] =	ssyncadd.s32 $0xFFFFC000  }
0x7f: {  	s12 =	sshrl.u32 s13, $0x3  }
0x80: {  	s12 =	sadd.s32 s5, s12  }
0x81: {  	[tilespmem:s23], [sflag:$0x7] =	stream.linear.gather [hbm4b:s12+s4], $0x80, $0x38;
	[tilespmem:$0x1FC80] =	vst v63  }
0x82: {  	_ =	swait.ge [sflag:s24], $0x80  }
0x83: {  	[sflag:s24] =	ssyncset.done $0x0  }
0x84: {  	s12 =	sadd.s32 $0x30, s15;
	[sflag:s24] =	ssyncadd.s32 $0xFFFFFF80  }
0x85: {  	[tilespmem:s25], [sflag:$0x7] =	stream.linear.gather [hbm4b:s12+s4], $0x80, $0x38;
	[tilespmem:$0x1FC80] =	vst v63  }
0x86: {  	_ =	swait.ge [sflag:s24], $0x80  }
0x87: {  	[sflag:s24] =	ssyncset.done $0x0  }
0x88: {  	[sflag:s24] =	ssyncadd.s32 $0xFFFFFF80  }
0x89: {  	[tilespmem:s28], [sflag:$0x1] =	stream.indirect.gather [hbm4b:s1+s26], $0x80, s23, s26, $0xb8;
	[tilespmem:$0x1FC80] =	vst v63  }
0x8a: {  	_ =	swait.ge [sflag:s10], $0x4000  }
0x8b: {  	[sflag:s10] =	ssyncset.done $0x0  }
0x8c: {  	[sflag:s10] =	ssyncadd.s32 $0xFFFFC000  }
0x8d: {  	[spmem:s3] =	stream.indirect.scatter.add.f32 [tilespmem:s7], [sflag:$0x6], $0x80, s6, s26, $0xb8;
	[tilespmem:$0x1FC80] =	vst v63  }
0x8e: {  	_ =	swait.ge [sflag:s11], $0x4000  }
0x8f: {  	[sflag:s11] =	ssyncset.done $0x0  }
0x90: {  	s12 =	sadd.s32 s14, s20;
	[sflag:s11] =	ssyncadd.s32 $0xFFFFC000  }
0x91: {  	[tilespmem:s29], [sflag:$0x7] =	stream.linear.gather [hbm4b:s12+s4], $0x80, $0x38;
	[tilespmem:$0x1FC80] =	vst v63  }
0x92: {  	_ =	swait.ge [sflag:s24], $0x80  }
0x93: {  	[sflag:s24] =	ssyncset.done $0x0  }
0x94: {  	s15 =	sadd.s32 $0x40, s15;
	[sflag:s24] =	ssyncadd.s32 $0xFFFFFF80  }
0x95: {  	[tilespmem:s30], [sflag:$0x7] =	stream.linear.gather [hbm4b:s15+s4], $0x80, $0x38;
	[tilespmem:$0x1FC80] =	vst v63  }
.Ltmp3:
0x96: {  	_ = 	snop;
	(pc) =	sbr.rel .LBB2_2-.Ltmp3, $4  }
0x97: {  	_ =	swait.ge [sflag:s24], $0x80  }
0x98: {  	[sflag:s24] =	ssyncset.done $0x0  }
0x99: {  	s13 =	sadd.s32 $0x180, s13;
	s14 =	sadd.s32 $0x30, s14;
	[sflag:s24] =	ssyncadd.s32 $0xFFFFFF80  }
0x9a: {  	[tilespmem:s31], [sflag:$0x2] =	stream.indirect.gather [hbm4b:s1+s26], $0x80, s29, s26, $0xb8;
	[tilespmem:$0x1FC80] =	vst v63  }
.LBB2_5:
0x9b: {  	_ =	sfence.sel $0x180000  }
0x9c: {  	[bflag:$0x0] =	sbarrier.arrive $0xFFFF  }
0x9d: {  	_ =	strace $0x90000050  }
0x9e: {  	s0 =	stileid.u32;
	[bflag:$0x2] =	sbarrier.arrive $0xFFFF  }
0x9f: {  	p0 =	sne.s32 s0, $0x0;
	s0 =	rddreg [dreg:$0x3]  }
0xa0: {  	s0 =	sadd.s32 @!p0 $0x100000, s0  }
0xa1: {  	[sflag:s0] =	ssyncadd.tile.s32 @!p0 $0x1;
	_ =	shalt  }
.Lfunc_end2:
_tile_overlayer_lowered:
.L_overlay_start_2:
0xa2: {  	(tag) =	ssettag $0x2  }
0xa3: {  	s0 =	rddreg [dreg:$0x0];
	s2 =	stileid.u32  }
0xa4: {  	s1 =	rddreg [dreg:$0x1];
	p0 =	sne.s32 s2, $0x0  }
0xa5: {  	s3 =	rddreg [dreg:$0x2];
	[bflag:$0x3] =	sbarrier.arrive $0xFFFF;
	s2 =	simm.s32 @!p0 $0x1C07  }
0xa6: {  	[timem:s3], [sflag:s2] =	dma.local @!p0 [hbm:s0], s1  }
0xa7: {  	s0 =	simm.s32 @!p0 $0x7  }
0xa8: {  	_ =	swait.ge @!p0 [sflag:s0], s1  }
0xa9: {  	s1 =	ssub.s32 @!p0 $0x0, s1;
	[sflag:s0] =	ssyncset.done @!p0 $0x0  }
0xaa: {  	[sflag:s0] =	ssyncadd.s32 @!p0 s1  }
0xab: {  	[bflag:$0x3] =	sbarrier.arrive $0xFFFF  }
0xac: {  	_ =	shalt  }

// kernel: kernel.28.cloned.1.call-start
scs
__scs_entry_jumppad:
0x0: {  	(pc) =	sbr.rel $0x88, $3  }
0x1: {  	(tag) =	ssettag $0x0;
	lr =	simm.s32 $0x1  }
0x2: {  	[smem:$0x3F99] =	sst lr;
	_ =	strace $0xD0000000  }
0x3: {  	_ = 	snop  }
0x4: {  	_ = 	snop  }
0x5: {  	_ = 	snop  }
0x6: {  	_ = 	snop  }
0x7: {  	_ = 	snop  }
__scs_overlays_trampoline_lowered:
0x8: {  	[smem:$0x3FA8] =	sst s0  }
0x9: {  	[smem:$0x3FA9] =	sst s1  }
0xa: {  	[smem:$0x3FAA] =	sst s2  }
0xb: {  	[smem:$0x3FAB] =	sst s3  }
0xc: {  	[smem:$0x3FAC] =	sst s4  }
0xd: {  	[smem:$0x3FAD] =	sst s5  }
0xe: {  	[smem:$0x3FAE] =	sst s6  }
0xf: {  	[smem:$0x3FAF] =	sst s7  }
0x10: {  	[smem:$0x3FB0] =	sst s8  }
0x11: {  	[smem:$0x3FB1] =	sst s9;
	s0 =	simm.s32 @!p0 $0x0  }
0x12: {  	s1 =	sld [smem:$0x3F97];
	s0 =	simm.s32 @p0 $0x1  }
0x13: {  	[smem:$0x3FB2] =	sst s0;
	s0 =	simm.s32 @!p1 $0x0  }
0x14: {  	s2 =	sld [smem:$0x3F96];
	s0 =	simm.s32 @p1 $0x1  }
0x15: {  	[smem:$0x3FB3] =	sst s0;
	s0 =	simm.s32 @!p2 $0x0  }
0x16: {  	s3 =	sld [smem:$0x3FDB];
	s0 =	simm.s32 @p2 $0x1  }
0x17: {  	s4 =	simm.s32 $0x1BF5;
	[smem:$0x3FB5] =	sst s0  }
0x18: {  	s0 =	sld [smem:$0x3F98];
	_ =	swait.ge [sflag:s4], $0x0  }
0x19: {  	s7 =	sld [smem:$0x3F99]  }
0x1a: {  	s8 =	sadd.s32 $0xFFFFE003, lr  }
0x1b: {  	s9 =	sadd.s32 $0xFFFFFEF7, lr;
	s5 =	simm.s32 $0xFFFFFFFF;
	p2 =	slt.u32 s8, $0xFFFFF086  }
0x1c: {  	p1 =	slt.u32 s9, $0xF7A;
	s5 =	simm.s32 @!p2 $0x0  }
0x1d: {  	s5 =	simm.s32 @p1 $0x1;
	p0 =	seq.s32 s7, s2  }
0x1e: {  	s7 =	smul.u32 @!p0 $0xF7A, s2;
	p2 =	seq.s32 @!p0 s5, $0x0  }
0x1f: {  	s9 =	smul.u32 $0xF7A, s1;
	s8 =	simm.s32 @!p0 $0x1BF5;
	p2 =	por !p2, p0  }
0x20: {  	[sflag:s8] =	ssyncset.s32 @!p0 $0xFFFFF086;
	s6 =	sadd.s32 @!p0 s3, s7;
	s7 =	simm.s32 @!p0 $0x108  }
0x21: {  	s3 =	sadd.s32 s3, s9;
	s6 =	sadd.s32 @!p0 $0x88, s6;
	s7 =	simm.s32 @p2 $0x1082  }
0x22: {  	[simem:s7], [sflag:s8] =	dma.local @!p0 [hbm:s6], $0xF7A  }
0x23: {  	s9 =	sor.u32 $0xD0000000, s2;
	s6 =	simm.s32 $0x108;
	_ =	swait.ge @!p0 [sflag:s8], $0x0  }
0x24: {  	s3 =	sadd.s32 $0x88, s3;
	s6 =	simm.s32 @!p1 $0x1082;
	[sflag:s4] =	ssyncset.s32 $0xFFFFF086  }
0x25: {  	[simem:s6], [sflag:s4] =	dma.local [hbm:s3], $0xF7A  }
0x26: {  	[smem:$0x3F99] =	sst s1;
	(tag) =	ssettag s2;
	_ =	strace s9  }
0x27: {  	s1 =	sld [smem:$0x3FA9]  }
0x28: {  	s2 =	sld [smem:$0x3FAA]  }
0x29: {  	s4 =	sld [smem:$0x3FAC]  }
0x2a: {  	p0 =	seq.s32 s5, $0x0;
	s5 =	sld [smem:$0x3FAD]  }
0x2b: {  	s6 =	sld [smem:$0x3FAE]  }
0x2c: {  	s7 =	sld [smem:$0x3FAF]  }
0x2d: {  	s3 =	simm.s32 $0x108;
	s8 =	sld [smem:$0x3FB0]  }
0x2e: {  	s3 =	simm.s32 @!p0 $0x1082;
	s9 =	sld [smem:$0x3FB1]  }
0x2f: {  	lr =	sadd.s32 s0, s3;
	s0 =	sld [smem:$0x3FA8]  }
0x30: {  	s3 =	sld [smem:$0x3FAB]  }
0x31: {  	[smem:$0x3FB4] =	sst s10  }
0x32: {  	s10 =	sld [smem:$0x3FB2];
	_ =	sdelay $0x3  }
0x33: {  	p0 =	seq.s32 s10, $0x1;
	s10 =	sld [smem:$0x3FB4];
	_ =	sdelay $0x3  }
0x34: {  	[smem:$0x3FB4] =	sst s10  }
0x35: {  	s10 =	sld [smem:$0x3FB3];
	_ =	sdelay $0x3  }
0x36: {  	p1 =	seq.s32 s10, $0x1;
	s10 =	sld [smem:$0x3FB4];
	_ =	sdelay $0x3  }
0x37: {  	[smem:$0x3FB4] =	sst s10  }
0x38: {  	s10 =	sld [smem:$0x3FB5]  }
0x39: {  	_ = 	snop;
	(pc) =	sbr.ind lr, $3  }
0x3a: {  	_ = 	snop  }
0x3b: {  	_ = 	snop  }
0x3c: {  	p2 =	seq.s32 s10, $0x1;
	s10 =	sld [smem:$0x3FB4]  }
0x3d: {  	_ =	shalt  }
0x3e: {  	_ =	shalt  }
0x3f: {  	_ =	shalt  }
0x40: {  	_ =	shalt  }
0x41: {  	_ =	shalt  }
0x42: {  	_ =	shalt  }
0x43: {  	_ =	shalt  }
0x44: {  	_ =	shalt  }
0x45: {  	_ =	shalt  }
0x46: {  	_ =	shalt  }
0x47: {  	_ =	shalt  }
0x48: {  	_ =	shalt  }
0x49: {  	_ =	shalt  }
0x4a: {  	_ =	shalt  }
0x4b: {  	_ =	shalt  }
0x4c: {  	_ =	shalt  }
0x4d: {  	_ =	shalt  }
0x4e: {  	_ =	shalt  }
0x4f: {  	_ =	shalt  }
0x50: {  	_ =	shalt  }
0x51: {  	_ =	shalt  }
0x52: {  	_ =	shalt  }
0x53: {  	_ =	shalt  }
0x54: {  	_ =	shalt  }
0x55: {  	_ =	shalt  }
0x56: {  	_ =	shalt  }
0x57: {  	_ =	shalt  }
0x58: {  	_ =	shalt  }
0x59: {  	_ =	shalt  }
0x5a: {  	_ =	shalt  }
0x5b: {  	_ =	shalt  }
0x5c: {  	_ =	shalt  }
0x5d: {  	_ =	shalt  }
0x5e: {  	_ =	shalt  }
0x5f: {  	_ =	shalt  }
0x60: {  	_ =	shalt  }
0x61: {  	_ =	shalt  }
0x62: {  	_ =	shalt  }
0x63: {  	_ =	shalt  }
0x64: {  	_ =	shalt  }
0x65: {  	_ =	shalt  }
0x66: {  	_ =	shalt  }
0x67: {  	_ =	shalt  }
0x68: {  	_ =	shalt  }
0x69: {  	_ =	shalt  }
0x6a: {  	_ =	shalt  }
0x6b: {  	_ =	shalt  }
0x6c: {  	_ =	shalt  }
0x6d: {  	_ =	shalt  }
0x6e: {  	_ =	shalt  }
0x6f: {  	_ =	shalt  }
0x70: {  	_ =	shalt  }
0x71: {  	_ =	shalt  }
0x72: {  	_ =	shalt  }
0x73: {  	_ =	shalt  }
0x74: {  	_ =	shalt  }
0x75: {  	_ =	shalt  }
0x76: {  	_ =	shalt  }
0x77: {  	_ =	shalt  }
0x78: {  	_ =	shalt  }
0x79: {  	_ =	shalt  }
0x7a: {  	_ =	shalt  }
0x7b: {  	_ =	shalt  }
0x7c: {  	_ =	shalt  }
0x7d: {  	_ =	shalt  }
0x7e: {  	_ =	shalt  }
0x7f: {  	_ =	shalt  }
0x80: {  	_ =	shalt  }
0x81: {  	_ =	shalt  }
0x82: {  	_ =	shalt  }
0x83: {  	_ =	shalt  }
0x84: {  	_ =	shalt  }
0x85: {  	_ =	shalt  }
0x86: {  	_ =	shalt  }
0x87: {  	_ =	shalt  }
.Lfunc_end0:
.L_simem_size_0:
called_computation.4_lowered:
.L_overlay_start_0:
0x88: {  	s2 =	sld [smem:$0x3FD9]  }
0x89: {  	s3 =	sld [smem:$0x3FFE];
	_ =	sdelay $0x1  }
0x8a: {  	s1 =	srdreg.scid  }
0x8b: {  	s0 =	sand.u32 $0x1, s1  }
0x8c: {  	s17 =	sshll.u32 s0, $0xA;
	s2 =	sadd.s32 s3, s2  }
0x8d: {  	s2 =	sadd.s32 s2, s17  }
0x8e: {  	[smem:$0x3FC0] =	sst s2  }
0x8f: {  	_ = 	snop  }
0x90: {  	(tm) =	ssettm $0x1  }
0x91: {  	s18 =	sld [smem:$0x3FFB];
	_ =	sdelay $0x3  }
0x92: {  	_ =	strace s18  }
0x93: {  	s2 =	sld [smem:$0x3FFC];
	_ =	sdelay $0x3  }
0x94: {  	_ =	strace s2  }
0x95: {  	s2 =	sld [smem:$0x3FFD];
	_ =	sdelay $0x3  }
0x96: {  	_ =	strace s2  }
0x97: {  	_ =	strace $0x8FFFFFFF  }
0x98: {  	s19 =	sld [smem:$0x3FDB];
	_ =	sdelay $0x1  }
0x99: {  	s20 =	simm.s32 $_scs_section_size  }
0x9a: {  	s4 =	simm.s32 $_size__tile_overlayer_lowered;
	s5 =	simm.s32 $_tile_overlayer_lowered  }
0x9b: {  	s6 =	simm.s32 $0x1BFF;
	s21 =	sshll.u32 s5, $0x1;
	s3 =	sadd.s32 s20, s19  }
0x9c: {  	s22 =	simm.s32 $0x0;
	s4 =	sshll.u32 s4, $0x1;
	s5 =	sadd.s32 s21, s3  }
0x9d: {  	[timem:s22], [sflag:s6] =	dma.local [hbm:s5], s4  }
0x9e: {  	_ =	swait.ge [sflag:s6], s4  }
0x9f: {  	s4 =	ssub.s32 $0x0, s4;
	[sflag:s6] =	ssyncset.done $0x0  }
0xa0: {  	[sflag:s6] =	ssyncadd.s32 s4;
	_ =	sdelay $0x1  }
0xa1: {  	s23 =	simm.s32 $0x1B8B  }
0xa2: {  	_ =	swait.ge [sflag:s23], $0x1  }
0xa3: {  	[sflag:s23] =	ssyncset.done $0x0  }
0xa4: {  	[sflag:s23] =	ssyncadd.s32 $0xFFFFFFFF  }
0xa5: {  	s4 =	sld [smem:$0x0]  }
0xa6: {  	s5 =	sand.u32 $0xFFFFFFFE, s1  }
0xa7: {  	p0 =	sne.s32 s1, s5  }
0xa8: {  	s5 =	sshll.u32 @p0 s5, $0xE  }
0xa9: {  	s5 =	sadd.s32 @p0 $0x11B8D, s5;
	s6 =	sshll.u32 @p0 s4, $0x11  }
0xaa: {  	s5 =	sor.u32 @p0 s6, s5  }
0xab: {  	[sflag:s5] =	ssyncadd.remote.s32 @p0 $0x1;
	_ =	sdelay $0x1  }
0xac: {  	s5 =	simm.s32 @p0 $0x1B8D  }
0xad: {  	_ =	swait.eq @p0 [sflag:s5], $0x1  }
0xae: {  	[sflag:s5] =	ssyncadd.s32 @p0 $0xFFFFFFFF  }
0xaf: {  	s6 =	sshll.u32 @!p0 s1, $0xE  }
0xb0: {  	s6 =	sor.u32 @!p0 $0x4000, s6;
	s5 =	simm.s32 @!p0 $0x1B8D  }
0xb1: {  	s4 =	sshll.u32 @!p0 s4, $0x11;
	s6 =	sadd.s32 @!p0 $0x11B8D, s6;
	_ =	swait.eq @!p0 [sflag:s5], $0x1  }
0xb2: {  	s4 =	sor.u32 @!p0 s4, s6;
	[sflag:s5] =	ssyncadd.s32 @!p0 $0xFFFFFFFF  }
0xb3: {  	s25 =	simm.s32 $0x1B8E;
	s24 =	sld [smem:$0x3FFE];
	[sflag:s4] =	ssyncadd.remote.s32 @!p0 $0x1  }
0xb4: {  	s26 =	simm.s32 $execute0_lowered;
	[smem:$0x3FD2] =	sst s25  }
0xb5: {  	s5 =	sshll.u32 s26, $0x1;
	_ =	strace $0x80000052;
	[dreg:$0x1] =	wrdreg $0xFFFFFFFF  }
0xb6: {  	s28 =	simm.s32 $_size_execute0_lowered;
	s3 =	sadd.s32 s3, s5;
	[dreg:$0x0] =	wrdreg $0x0  }
0xb7: {  	s5 =	sshll.u32 s28, $0x1;
	[dreg:$0x2] =	wrdreg s3  }
0xb8: {  	[dreg:$0x3] =	wrdreg s5  }
0xb9: {  	[dreg:$0x4] =	wrdreg $0xC0  }
0xba: {  	_ =	task [dreg:s22], $0x5FFFF  }
0xbb: {  	[dreg:$0x1] =	wrdreg $0xFFFFFFFF  }
0xbc: {  	[dreg:$0x0] =	wrdreg $0x60  }
0xbd: {  	[dreg:$0x2] =	wrdreg s24  }
0xbe: {  	[dreg:$0x3] =	wrdreg $0x0  }
0xbf: {  	[dreg:$0x4] =	wrdreg $0x9  }
0xc0: {  	_ =	task.clear_ibuf [dreg:s22], $0x5FFFF;
	_ =	strace $0x90000052  }
0xc1: {  	s29 =	simm.s32 $0x9;
	_ =	strace $0x80000054  }
0xc2: {  	_ =	swait.ge [sflag:s29], $0x1  }
0xc3: {  	[sflag:s29] =	ssyncadd.s32 $0xFFFFFFFF  }
0xc4: {  	_ =	strace $0x90000054  }
0xc5: {  	_ =	sfence  }
0xc6: {  	s30 =	sld [smem:$0x0];
	_ =	sdelay $0x2  }
0xc7: {  	s31 =	sshll.u32 s1, $0xD;
	s1 =	sshrl.u32 s1, $0x2  }
0xc8: {  	s4 =	sand.u32 $0x4000, s31;
	s1 =	sadd.s32 s1, s30  }
0xc9: {  	s0 =	sor.u32 s4, s0;
	s1 =	sshll.u32 s1, $0x11  }
0xca: {  	s0 =	sor.u32 s1, s0  }
0xcb: {  	s0 =	sadd.s32 $0x8F2B, s0  }
0xcc: {  	[sflag:s0] =	ssyncadd.remote.s32 $0x1  }
0xcd: {  	_ =	sfence.sel $0xFFFF  }
0xce: {  	[dreg:$0x0] =	wrdreg $0xFFFFFFFF;
	(pc) =	sbr.abs _section_cstart, $3  }
0xcf: {  	[dreg:$0x1] =	wrdreg $0xFFFFFFFF  }
0xd0: {  	_ =	task.clear_ibuf [dreg:s22], $0x2FFFF;
	_ =	strace $0x9FFFFFFF  }
0xd1: {  	(tm) =	ssettm $0x7FFFFFFF  }
tec
execute0_lowered:
.L_overlay_start_1:
0x0: {  	(tag) =	ssettag $0x1  }
0x1: {  	s0 =	rddreg [dreg:$0x0]  }
0x2: {  	s1 =	rddreg [dreg:$0x1]  }
0x3: {  	s3 =	simm.s32 $0x0;
	s2 =	srdreg.scid;
	s17 =	stileid.u32  }
0x4: {  	s28 =	simm.s32 $0x13B80;
	s29 =	simm.s32 $0x13900;
	s6 =	smul.u32 $0x2710, s17  }
0x5: {  	s30 =	simm.s32 $0x13A80;
	s31 =	simm.s32 $0x17B80;
	s11 =	smul.u32 $0x270, s17  }
0x6: {  	[smem:$0x7FF] =	sst s3;
	s2 =	sand.u32 $0x1, s2;
	s14 =	smul.u32 $0x4E000, s17  }
0x7: {  	s4 =	sadd.s32 $0x6F000, s0;
	s5 =	sadd.s32 $0xBE00, s0;
	s21 =	smul.u32 $0x4E2, s17  }
0x8: {  	s9 =	sadd.s32 $0x1E00, s0;
	s0 =	sadd.s32 $0xBD200, s0;
	s8 =	smul.u32 $0x27100, s2  }
0x9: {  	s18 =	sadd.s32 $0x138000, s1;
	p0 =	sne.s32 s17, $0xF;
	s16 =	smul.u32 $0x2710, s2  }
0xa: {  	_ =	strace $0x80000053;
	s7 =	ssub.s32 $0x2, s2;
	s2 =	smul.u32 $0x138800, s2  }
0xb: {  	[dreg:$0x9] =	wrdreg s18;
	s10 =	sshrl.u32 s7, $0x1;
	s13 =	sadd.s32 $0x80, s6  }
0xc: {  	s15 =	sshrl.u32 s6, $0x3;
	s14 =	sshrl.u32 s14, $0x2;
	s7 =	ssub.s32 s7, s10  }
0xd: {  	s10 =	sadd.s32 s6, s8;
	s26 =	sadd.s32 s8, s13;
	s15 =	sadd.s32 s9, s15  }
0xe: {  	s13 =	sshrl.u32 s13, $0x3;
	s11 =	sadd.s32 s11, s16;
	s2 =	sshrl.u32 s2, $0x3  }
0xf: {  	s6 =	sadd.s32 $0x2700, s6;
	s12 =	sshrl.u32 s10, $0x3;
	[dreg:$0x4] =	wrdreg s15  }
0x10: {  	s15 =	sadd.s32 s14, s1;
	s11 =	sshll.u32 s11, $0x4;
	s2 =	sadd.s32 $0x27000, s2  }
0x11: {  	s8 =	sadd.s32 s8, s6;
	s6 =	sshrl.u32 s6, $0x3;
	s22 =	sadd.s32 $0x200, s10  }
0x12: {  	s23 =	smax.u32 s7, $0x1;
	s24 =	sadd.s32 $0x100, s10;
	s7 =	simm.s32 $0x1BB80  }
0x13: {  	s12 =	sadd.s32 s5, s12;
	[dreg:$0x7] =	wrdreg s15;
	s16 =	sadd.s32 s4, s11  }
0x14: {  	s19 =	sadd.s32 s4, s2;
	s8 =	sshrl.u32 s8, $0x3;
	[dreg:$0xf] =	wrdreg s23  }
0x15: {  	s6 =	sadd.s32 s9, s6;
	s20 =	sadd.s32 s0, s11;
	[dreg:$0x3] =	wrdreg s12  }
0x16: {  	s0 =	sadd.s32 s0, s2;
	s2 =	sshrl.u32 s22, $0x3;
	[dreg:$0x8] =	wrdreg s16  }
0x17: {  	s25 =	sshrl.u32 s24, $0x3;
	s23 =	simm.s32 $0x13880;
	[dreg:$0xa] =	wrdreg s19  }
0x18: {  	s24 =	simm.s32 $0x7;
	s11 =	simm.s32 $0x5;
	[dreg:$0xc] =	wrdreg s6  }
0x19: {  	s12 =	sshrl.u32 s26, $0x3;
	s8 =	sadd.s32 s5, s8;
	[dreg:$0xd] =	wrdreg s20  }
0x1a: {  	[dreg:$0xe] =	wrdreg s0;
	s19 =	sadd.s32 s21, s9;
	s20 =	sadd.s32 s2, s5  }
0x1b: {  	s26 =	sadd.s32 $0x180, s10;
	s22 =	sadd.s32 s25, s5;
	s25 =	simm.s32 $0x13A00  }
.Ltmp0:
0x1c: {  	s0 =	simm.s32 $0x1;
	s2 =	simm.s32 $0x13980;
	(pc) =	sbr.rel .LBB2_1-.Ltmp0, $4  }
0x1d: {  	s6 =	simm.s32 $0x13B00;
	s10 =	simm.s32 $0x3;
	[dreg:$0xb] =	wrdreg s8  }
0x1e: {  	s16 =	simm.s32 $0x0;
	s12 =	sadd.s32 s5, s12;
	[dreg:$0x10] =	wrdreg s26  }
0x1f: {  	s26 =	simm.s32 $0x80;
	[dreg:$0x5] =	wrdreg s12;
	s12 =	sadd.s32 s9, s13  }
0x20: {  	s8 =	simm.s32 $0x2;
	s9 =	simm.s32 $0x4;
	[dreg:$0x6] =	wrdreg s12  }
.LBB2_4:
0x21: {  	_ =	swait.ge [sflag:s10], $0x4000  }
0x22: {  	[sflag:s10] =	ssyncset.done $0x0  }
0x23: {  	[sflag:s10] =	ssyncadd.s32 $0xFFFFC000  }
0x24: {  	[spmem:s1] =	stream.indirect.scatter.add.f32 [tilespmem:s7], [sflag:$0x6], $0x80, s6, s26, $0xb8;
	[tilespmem:$0x1FC80] =	vst v63  }
0x25: {  	_ =	swait.ge [sflag:s11], $0x4000  }
0x26: {  	[sflag:s11] =	ssyncset.done $0x0  }
0x27: {  	s12 =	simm.s32 $0x6;
	[sflag:s11] =	ssyncadd.s32 $0xFFFFC000  }
0x28: {  	_ =	swait.ge [sflag:s12], $0x4000  }
0x29: {  	[sflag:s12] =	ssyncset.done $0x0  }
0x2a: {  	s13 =	simm.s32 $0x1FB80;
	s14 =	rddreg [dreg:$0xb];
	[sflag:s12] =	ssyncadd.s32 $0xFFFFC000  }
0x2b: {  	[tilespmem:s13], [sflag:$0x7] =	stream.linear.gather [hbm4b:s14+s3], $0x10, $0x38;
	[tilespmem:$0x1FC80] =	vst v63  }
0x2c: {  	_ =	swait.ge [sflag:s24], $0x10  }
0x2d: {  	[sflag:s24] =	ssyncset.done $0x0  }
0x2e: {  	s14 =	simm.s32 $0x1FC00;
	s15 =	rddreg [dreg:$0xc];
	[sflag:s24] =	ssyncadd.s32 $0xFFFFFFF0  }
0x2f: {  	[tilespmem:s14], [sflag:$0x7] =	stream.linear.gather [hbm4b:s15+s3], $0x10, $0x38;
	[tilespmem:$0x1FC80] =	vst v63  }
0x30: {  	_ =	swait.ge [sflag:s24], $0x10  }
0x31: {  	[sflag:s24] =	ssyncset.done $0x0  }
0x32: {  	s15 =	simm.s32 $0x10;
	[sflag:s24] =	ssyncadd.s32 $0xFFFFFFF0  }
0x33: {  	[tilespmem:s28], [sflag:$0x1] =	stream.indirect.gather [hbm4b:s4+s15], $0x80, s13, s15, $0xb8;
	[tilespmem:$0x1FC80] =	vst v63  }
0x34: {  	_ =	swait.ge [sflag:s0], $0x800  }
0x35: {  	[sflag:s0] =	ssyncset.done $0x0  }
0x36: {  	[sflag:s0] =	ssyncadd.s32 $0xFFFFF800  }
0x37: {  	[spmem:s1] =	stream.indirect.scatter.add.f32 [tilespmem:s28], [sflag:$0x7], $0x80, s14, s15, $0xb8;
	[tilespmem:$0x1FC80] =	vst v63  }
0x38: {  	_ =	swait.ge [sflag:s24], $0x800  }
0x39: {  	[sflag:s24] =	ssyncset.done $0x0  }
0x3a: {  	[sflag:s24] =	ssyncadd.s32 $0xFFFFF800  }
0x3b: {  	[bflag:$0x0] =	sbarrier.arrive $0xFFFF  }
0x3c: {  	s15 =	rddreg [dreg:$0xd]  }
0x3d: {  	[hbm:s15], [sflag:s17] =	dma.local [spmem:s18], $0x2700  }
0x3e: {  	_ =	swait.ge [sflag:s24], $0x2700  }
0x3f: {  	[sflag:s24] =	ssyncset.done $0x0  }
0x40: {  	s12 =	rddreg [dreg:$0xe];
	[sflag:s24] =	ssyncadd.s32 $0xFFFFD900  }
0x41: {  	[hbm:s12], [sflag:s17] =	dma.local @!p0 [spmem:s21], $0x100  }
0x42: {  	s12 =	simm.s32 @!p0 $0x7  }
0x43: {  	_ =	swait.ge @!p0 [sflag:s12], $0x100  }
0x44: {  	s16 =	sadd.s32 $0x1, s16;
	s21 =	rddreg [dreg:$0xf]  }
0x45: {  	p1 =	sne.s32 s16, s21  }
.Ltmp1:
0x46: {  	_ = 	snop;
	(pc) =	sbr.rel @!p1 .LBB2_5-.Ltmp1, $3  }
0x47: {  	_ =	sdelay $0x1  }
0x48: {  	[sflag:s12] =	ssyncset.done @!p0 $0x0  }
0x49: {  	[sflag:s12] =	ssyncadd.s32 @!p0 $0xFFFFFF00  }
.LBB2_1:
0x4a: {  	s12 =	rddreg [dreg:$0x3]  }
0x4b: {  	[tilespmem:s23], [sflag:$0x7] =	stream.linear.gather [hbm4b:s12+s3], $0x80, $0x38;
	[tilespmem:$0x1FC80] =	vst v63  }
0x4c: {  	_ =	swait.ge [sflag:s24], $0x80  }
0x4d: {  	[sflag:s24] =	ssyncset.done $0x0  }
0x4e: {  	s13 =	rddreg [dreg:$0x4];
	[sflag:s24] =	ssyncadd.s32 $0xFFFFFF80  }
0x4f: {  	[tilespmem:s25], [sflag:$0x7] =	stream.linear.gather [hbm4b:s13+s3], $0x80, $0x38;
	[tilespmem:$0x1FC80] =	vst v63  }
0x50: {  	_ =	swait.ge [sflag:s24], $0x80  }
0x51: {  	[sflag:s24] =	ssyncset.done $0x0  }
0x52: {  	[sflag:s24] =	ssyncadd.s32 $0xFFFFFF80  }
0x53: {  	[tilespmem:s28], [sflag:$0x1] =	stream.indirect.gather [hbm4b:s4+s26], $0x80, s23, s26, $0xb8;
	[tilespmem:$0x1FC80] =	vst v63  }
0x54: {  	s14 =	rddreg [dreg:$0x5]  }
0x55: {  	[tilespmem:s29], [sflag:$0x7] =	stream.linear.gather [hbm4b:s14+s3], $0x80, $0x38;
	[tilespmem:$0x1FC80] =	vst v63  }
0x56: {  	_ =	swait.ge [sflag:s24], $0x80  }
0x57: {  	[sflag:s24] =	ssyncset.done $0x0  }
0x58: {  	s17 =	stileid.u32;
	s15 =	rddreg [dreg:$0x6];
	[sflag:s24] =	ssyncadd.s32 $0xFFFFFF80  }
0x59: {  	[tilespmem:s30], [sflag:$0x7] =	stream.linear.gather [hbm4b:s15+s3], $0x80, $0x38;
	[tilespmem:$0x1FC80] =	vst v63  }
0x5a: {  	s13 =	sshll.u32 s17, $0x6;
	_ =	swait.ge [sflag:s24], $0x80  }
0x5b: {  	s17 =	sor.u32 $0x1C07, s13;
	[sflag:s24] =	ssyncset.done $0x0;
	s18 =	rddreg [dreg:$0x7]  }
0x5c: {  	s21 =	rddreg [dreg:$0x8];
	[sflag:s24] =	ssyncadd.s32 $0xFFFFFF80;
	s18 =	sshrl.u32 s18, $0x3  }
0x5d: {  	[tilespmem:s31], [sflag:$0x2] =	stream.indirect.gather [hbm4b:s4+s26], $0x80, s29, s26, $0xb8;
	[tilespmem:$0x1FC80] =	vst v63  }
0x5e: {  	[spmem:s18], [sflag:s17] =	dma.local [hbm:s21], $0x2700  }
0x5f: {  	_ =	swait.ge [sflag:s24], $0x2700  }
0x60: {  	s13 =	simm.s32 @!p0 $0x7;
	[sflag:s24] =	ssyncset.done $0x0;
	s12 =	rddreg [dreg:$0x9]  }
0x61: {  	[sflag:s24] =	ssyncadd.s32 $0xFFFFD900;
	s21 =	sshrl.u32 @!p0 s12, $0x3;
	s12 =	rddreg [dreg:$0xa]  }
0x62: {  	[spmem:s21], [sflag:s17] =	dma.local @!p0 [hbm:s12], $0x100  }
0x63: {  	_ =	swait.ge @!p0 [sflag:s13], $0x100  }
0x64: {  	[sflag:s13] =	ssyncset.done @!p0 $0x0  }
0x65: {  	[sflag:s13] =	ssyncadd.s32 @!p0 $0xFFFFFF00  }
0x66: {  	[bflag:$0x0] =	sbarrier.arrive $0xFFFF  }
0x67: {  	s14 =	simm.s32 $0x0;
	s13 =	rddreg [dreg:$0x10]  }
.LBB2_2:
0x68: {  	_ =	swait.ge [sflag:s0], $0x4000  }
0x69: {  	p1 =	seq.s32 s14, $0x0;
	[sflag:s0] =	ssyncset.done $0x0  }
0x6a: {  	s15 =	simm.s32 @!p1 $0x6;
	[sflag:s0] =	ssyncadd.s32 $0xFFFFC000  }
0x6b: {  	[spmem:s1] =	stream.indirect.scatter.add.f32 [tilespmem:s28], [sflag:$0x4], $0x80, s25, s26, $0xb8;
	[tilespmem:$0x1FC80] =	vst v63  }
0x6c: {  	_ =	swait.ge @!p1 [sflag:s15], $0x4000  }
0x6d: {  	[sflag:s15] =	ssyncset.done @!p1 $0x0  }
0x6e: {  	s12 =	sadd.s32 s14, s22;
	[sflag:s15] =	ssyncadd.s32 @!p1 $0xFFFFC000  }
0x6f: {  	[tilespmem:s2], [sflag:$0x7] =	stream.linear.gather [hbm4b:s12+s3], $0x80, $0x38;
	[tilespmem:$0x1FC80] =	vst v63  }
0x70: {  	_ =	swait.ge [sflag:s24], $0x80  }
0x71: {  	s15 =	sadd.s32 s14, s19;
	[sflag:s24] =	ssyncset.done $0x0  }
0x72: {  	s12 =	sadd.s32 $0x20, s15;
	[sflag:s24] =	ssyncadd.s32 $0xFFFFFF80  }
0x73: {  	[tilespmem:s6], [sflag:$0x7] =	stream.linear.gather [hbm4b:s12+s3], $0x80, $0x38;
	[tilespmem:$0x1FC80] =	vst v63  }
0x74: {  	_ =	swait.ge [sflag:s24], $0x80  }
0x75: {  	[sflag:s24] =	ssyncset.done $0x0  }
0x76: {  	[sflag:s24] =	ssyncadd.s32 $0xFFFFFF80  }
0x77: {  	[tilespmem:s7], [sflag:$0x3] =	stream.indirect.gather [hbm4b:s4+s26], $0x80, s2, s26, $0xb8;
	[tilespmem:$0x1FC80] =	vst v63  }
0x78: {  	_ =	swait.ge [sflag:s8], $0x4000  }
0x79: {  	p1 =	seq.s32 s14, $0x4B0;
	[sflag:s8] =	ssyncset.done $0x0  }
.Ltmp2:
0x7a: {  	[sflag:s8] =	ssyncadd.s32 $0xFFFFC000;
	(pc) =	sbr.rel @p1 .LBB2_4-.Ltmp2, $4  }
0x7b: {  	[spmem:s1] =	stream.indirect.scatter.add.f32 [tilespmem:s31], [sflag:$0x5], $0x80, s30, s26, $0xb8;
	[tilespmem:$0x1FC80] =	vst v63  }
0x7c: {  	_ =	swait.ge [sflag:s9], $0x4000  }
0x7d: {  	[sflag:s9] =	ssyncset.done $0x0  }
0x7e: {  	[sflag:s9] =	ssyncadd.s32 $0xFFFFC000  }
0x7f: {  	s12 =	sshrl.u32 s13, $0x3  }
0x80: {  	s12 =	sadd.s32 s5, s12  }
0x81: {  	[tilespmem:s23], [sflag:$0x7] =	stream.linear.gather [hbm4b:s12+s3], $0x80, $0x38;
	[tilespmem:$0x1FC80] =	vst v63  }
0x82: {  	_ =	swait.ge [sflag:s24], $0x80  }
0x83: {  	[sflag:s24] =	ssyncset.done $0x0  }
0x84: {  	s12 =	sadd.s32 $0x30, s15;
	[sflag:s24] =	ssyncadd.s32 $0xFFFFFF80  }
0x85: {  	[tilespmem:s25], [sflag:$0x7] =	stream.linear.gather [hbm4b:s12+s3], $0x80, $0x38;
	[tilespmem:$0x1FC80] =	vst v63  }
0x86: {  	_ =	swait.ge [sflag:s24], $0x80  }
0x87: {  	[sflag:s24] =	ssyncset.done $0x0  }
0x88: {  	[sflag:s24] =	ssyncadd.s32 $0xFFFFFF80  }
0x89: {  	[tilespmem:s28], [sflag:$0x1] =	stream.indirect.gather [hbm4b:s4+s26], $0x80, s23, s26, $0xb8;
	[tilespmem:$0x1FC80] =	vst v63  }
0x8a: {  	_ =	swait.ge [sflag:s10], $0x4000  }
0x8b: {  	[sflag:s10] =	ssyncset.done $0x0  }
0x8c: {  	[sflag:s10] =	ssyncadd.s32 $0xFFFFC000  }
0x8d: {  	[spmem:s1] =	stream.indirect.scatter.add.f32 [tilespmem:s7], [sflag:$0x6], $0x80, s6, s26, $0xb8;
	[tilespmem:$0x1FC80] =	vst v63  }
0x8e: {  	_ =	swait.ge [sflag:s11], $0x4000  }
0x8f: {  	[sflag:s11] =	ssyncset.done $0x0  }
0x90: {  	s12 =	sadd.s32 s14, s20;
	[sflag:s11] =	ssyncadd.s32 $0xFFFFC000  }
0x91: {  	[tilespmem:s29], [sflag:$0x7] =	stream.linear.gather [hbm4b:s12+s3], $0x80, $0x38;
	[tilespmem:$0x1FC80] =	vst v63  }
0x92: {  	_ =	swait.ge [sflag:s24], $0x80  }
0x93: {  	[sflag:s24] =	ssyncset.done $0x0  }
0x94: {  	s15 =	sadd.s32 $0x40, s15;
	[sflag:s24] =	ssyncadd.s32 $0xFFFFFF80  }
0x95: {  	[tilespmem:s30], [sflag:$0x7] =	stream.linear.gather [hbm4b:s15+s3], $0x80, $0x38;
	[tilespmem:$0x1FC80] =	vst v63  }
.Ltmp3:
0x96: {  	_ = 	snop;
	(pc) =	sbr.rel .LBB2_2-.Ltmp3, $4  }
0x97: {  	_ =	swait.ge [sflag:s24], $0x80  }
0x98: {  	[sflag:s24] =	ssyncset.done $0x0  }
0x99: {  	s13 =	sadd.s32 $0x180, s13;
	s14 =	sadd.s32 $0x30, s14;
	[sflag:s24] =	ssyncadd.s32 $0xFFFFFF80  }
0x9a: {  	[tilespmem:s31], [sflag:$0x2] =	stream.indirect.gather [hbm4b:s4+s26], $0x80, s29, s26, $0xb8;
	[tilespmem:$0x1FC80] =	vst v63  }
.LBB2_5:
0x9b: {  	_ =	sfence.sel $0x180000  }
0x9c: {  	[bflag:$0x0] =	sbarrier.arrive $0xFFFF  }
0x9d: {  	_ =	strace $0x90000053  }
0x9e: {  	s0 =	stileid.u32;
	[bflag:$0x2] =	sbarrier.arrive $0xFFFF  }
0x9f: {  	p0 =	sne.s32 s0, $0x0;
	s0 =	rddreg [dreg:$0x2]  }
0xa0: {  	s0 =	sadd.s32 @!p0 $0x100000, s0  }
0xa1: {  	[sflag:s0] =	ssyncadd.tile.s32 @!p0 $0x1;
	_ =	shalt  }
.Lfunc_end2:
_tile_overlayer_lowered:
.L_overlay_start_2:
0xa2: {  	(tag) =	ssettag $0x2  }
0xa3: {  	s0 =	rddreg [dreg:$0x0];
	s2 =	stileid.u32  }
0xa4: {  	s1 =	rddreg [dreg:$0x1];
	p0 =	sne.s32 s2, $0x0  }
0xa5: {  	s3 =	rddreg [dreg:$0x2];
	[bflag:$0x3] =	sbarrier.arrive $0xFFFF;
	s2 =	simm.s32 @!p0 $0x1C07  }
0xa6: {  	[timem:s3], [sflag:s2] =	dma.local @!p0 [hbm:s0], s1  }
0xa7: {  	s0 =	simm.s32 @!p0 $0x7  }
0xa8: {  	_ =	swait.ge @!p0 [sflag:s0], s1  }
0xa9: {  	s1 =	ssub.s32 @!p0 $0x0, s1;
	[sflag:s0] =	ssyncset.done @!p0 $0x0  }
0xaa: {  	[sflag:s0] =	ssyncadd.s32 @!p0 s1  }
0xab: {  	[bflag:$0x3] =	sbarrier.arrive $0xFFFF  }
0xac: {  	_ =	shalt  }

</sc_bundles>
